<compile_context>
chip_gen: v7x
topology: tpu7x:2x2x1
jax: 0.10.2.dev20260603
libtpu: 0.0.44.dev20260713+nightly
codegen_flags: <defaults>
</compile_context>

<pallas_src>
import functools

import jax
import jax.numpy as jnp
from jax import lax
from jax.experimental import pallas as pl
from jax.experimental.pallas import tpu as pltpu
from jax.experimental.pallas import tpu_sc as plsc

GS = 64
CELLS = GS * GS
L = 16
NT = 16
CS = CELLS // NT


def _shift_up(x):
    idx = jnp.minimum(lax.iota(jnp.int32, L) + 1, L - 1)
    dn = lax.GatherDimensionNumbers(
        offset_dims=(), collapsed_slice_dims=(0,), start_index_map=(0,))
    return lax.gather(x, idx[:, None], dn, (1,),
                      mode=lax.GatherScatterMode.PROMISE_IN_BOUNDS)


def _make_grid_kernel(nboxes: int):
    cnt_max = -(-nboxes // NT)
    cnt_max = -(-cnt_max // 8) * 8
    vpt = -(-cnt_max // L)
    padn = (NT - 1) * cnt_max + vpt * L

    mesh = plsc.VectorSubcoreMesh(
        core_axis_name="c", subcore_axis_name="s", num_cores=1)

    @functools.partial(
        pl.kernel,
        out_type=jax.ShapeDtypeStruct((6, CELLS), jnp.float32),
        mesh=mesh,
        compiler_params=pltpu.CompilerParams(needs_layout_passes=False),
        scratch_types=[
            pltpu.VMEM((vpt * L,), jnp.float32),
            pltpu.VMEM((vpt * L,), jnp.float32),
            pltpu.VMEM((CELLS,), jnp.int32),
            pltpu.VMEM_SHARED((NT, CELLS), jnp.int32),
            pltpu.VMEM((NT, CS), jnp.int32),
            pltpu.VMEM((CS,), jnp.int32),
            pltpu.VMEM((2, 128), jnp.int32),
            pltpu.VMEM((CS,), jnp.float32),
            pltpu.VMEM((CS,), jnp.float32),
            pltpu.VMEM((CS,), jnp.float32),
            pltpu.VMEM((CS,), jnp.float32),
            pltpu.VMEM((CS,), jnp.float32),
            pltpu.VMEM((6, CS), jnp.float32),
            pltpu.SemaphoreType.DMA,
        ],
    )
    def grid_kernel(xh, yh, wh, hh, clh, outh,
                    xv, yv, grid, shared, tmp, wv, idx2,
                    gx, gy, gw, gh, gc, outb, sem):
        sid = lax.axis_index("s")
        base = sid * cnt_max
        cnt = jnp.minimum(jnp.int32(cnt_max), jnp.int32(nboxes) - base)

        cpx = pltpu.async_copy(xh.at[pl.ds(base, vpt * L)], xv, sem)
        cpy = pltpu.async_copy(yh.at[pl.ds(base, vpt * L)], yv, sem)

        neg1 = jnp.full((L,), -1, jnp.int32)

        def init_body(i, carry):
            grid[pl.ds(i * L, L)] = neg1
            return carry

        lax.fori_loop(0, CELLS // L, init_body, 0)
        cpx.wait()
        cpy.wait()

        lane = lax.iota(jnp.int32, L)

        def box_body(v, carry):
            lx = xv[pl.ds(v * L, L)]
            ly = yv[pl.ds(v * L, L)]
            cx = (lx * 64.0).astype(jnp.int32)
            cy = (ly * 64.0).astype(jnp.int32)
            cell = cy * GS + cx
            local = v * L + lane
            valid = local < cnt
            cellk = jnp.where(valid, cell, CELLS + lane)
            key = cellk * L + lane
            skey, sloc = plsc.sort_key_val(key, local)
            scell = skey >> 4
            nxt = _shift_up(scell)
            keep = (scell != nxt) | (lane == L - 1)
            m = keep & (sloc < cnt)
            plsc.store_scatter(grid, [jnp.minimum(scell, CELLS - 1)],
                               sloc + base, mask=m)
            return carry

        lax.fori_loop(0, vpt, box_body, 0)

        pltpu.sync_copy(grid, shared.at[sid])
        plsc.subcore_barrier()
        cbase = sid * CS
        for g in range(NT):
            pltpu.sync_copy(shared.at[g, pl.ds(cbase, CS)], tmp.at[g])
        for j in range(CS // L):
            w = tmp[0, pl.ds(j * L, L)]
            for g in range(1, NT):
                w = jnp.maximum(w, tmp[g, pl.ds(j * L, L)])
            wv[pl.ds(j * L, L)] = w

        for c in range(2):
            for j in range(128 // L):
                wvec = wv[pl.ds(c * 128 + j * L, L)]
                idx2[c, pl.ds(j * L, L)] = jnp.maximum(wvec, 0)
        for c in range(2):
            dst = pl.ds(c * 128, 128)
            pltpu.async_copy(xh.at[idx2.at[c]], gx.at[dst], sem).wait()
            pltpu.async_copy(yh.at[idx2.at[c]], gy.at[dst], sem).wait()
            pltpu.async_copy(wh.at[idx2.at[c]], gw.at[dst], sem).wait()
            pltpu.async_copy(hh.at[idx2.at[c]], gh.at[dst], sem).wait()
            pltpu.async_copy(clh.at[idx2.at[c]], gc.at[dst], sem).wait()

        zero = jnp.zeros((L,), jnp.float32)
        one = jnp.ones((L,), jnp.float32)
        for j in range(CS // L):
            sl = pl.ds(j * L, L)
            has = wv[sl] >= 0
            px = gx[sl] * 64.0
            py = gy[sl] * 64.0
            fx = px - px.astype(jnp.int32).astype(jnp.float32)
            fy = py - py.astype(jnp.int32).astype(jnp.float32)
            outb[0, sl] = jnp.where(has, one, zero)
            outb[1, sl] = jnp.where(has, fx, zero)
            outb[2, sl] = jnp.where(has, fy, zero)
            outb[3, sl] = jnp.where(has, gw[sl] * 64.0, zero)
            outb[4, sl] = jnp.where(has, gh[sl] * 64.0, zero)
            outb[5, sl] = jnp.where(has, gc[sl], zero)
        for ch in range(6):
            pltpu.sync_copy(outb.at[ch], outh.at[ch, pl.ds(cbase, CS)])

    return grid_kernel, padn


def kernel(tX, tB):
    nboxes = tB.shape[0]
    gk, padn = _make_grid_kernel(nboxes)
    cols = tB.T
    colsp = jnp.pad(cols, ((0, 0), (0, padn - nboxes)))
    tY = gk(colsp[1], colsp[2], colsp[3], colsp[4], colsp[0])
    return (tX, tY.reshape(6, GS, GS))

# --- scband reference (transcript-rebuilt; emitter-appended) ---
"""Pipeline reference for scband-yolo-grid-86320252715080 (READ-ONLY COPY).

The authoritative reference and input builder live on the scoring server;
editing this copy changes nothing except your own understanding.
"""

import jax, jax.numpy as jnp
import numpy as np

S = 64


def setup_inputs(seed: int = 0) -> dict:
    key = jax.random.key(seed)
    k1, k2 = jax.random.split(key)
    tX = jax.random.normal(k1, (3, 512, 512), dtype=jnp.float32)
    tB = jax.random.uniform(k2, (20000, 5), dtype=jnp.float32)
    return {"tX": tX, "tB": tB}


def reference(tX, tB):
    D = tB.shape[0]
    vCls = tB[:, 0]
    mXYWH = tB[:, 1:] * S
    vX = mXYWH[:, 0]
    vY = mXYWH[:, 1]
    vW = mXYWH[:, 2]
    vH = mXYWH[:, 3]
    vCx = jnp.floor(vX).astype(jnp.int32)
    vCy = jnp.floor(vY).astype(jnp.int32)
    vX = vX - vCx
    vY = vY - vCy
    mProb = jnp.zeros((1, S, S), dtype=jnp.float32)
    mLabel = jnp.zeros((1, S, S), dtype=jnp.float32)
    mBBoxOut = jnp.zeros((4, S, S), dtype=jnp.float32)
    if D > 0:
        mProb = mProb.at[0, vCy, vCx].set(1.0)
        mLabel = mLabel.at[0, vCy, vCx].set(vCls)
        mBBoxOut = mBBoxOut.at[:, vCy, vCx].set(jnp.stack([vX, vY, vW, vH]))
    tY = jnp.concatenate([mProb, mBBoxOut, mLabel], axis=0)
    return (tX, tY)

if __name__ == "__main__":
    import jax
    _d = setup_inputs()
    print(jax.jit(kernel)(*tuple(_d.values())))

</pallas_src>

<mosaic_0001>
#map = affine_map<(d0, d1) -> (0)>
#map1 = affine_map<(d0, d1) -> (0, 0)>
module attributes {stable_mosaic.version = 14 : i64} {
  func.func @grid_kernel(%arg0: i32, %arg1: i32, %arg2: memref<20104xf32, #tpu.memory_space<hbm>>, %arg3: memref<20104xf32, #tpu.memory_space<hbm>>, %arg4: memref<20104xf32, #tpu.memory_space<hbm>>, %arg5: memref<20104xf32, #tpu.memory_space<hbm>>, %arg6: memref<20104xf32, #tpu.memory_space<hbm>>, %arg7: memref<6x4096xf32, #tpu.memory_space<hbm>>, %arg8: memref<1264xf32, #tpu.memory_space<vmem>>, %arg9: memref<1264xf32, #tpu.memory_space<vmem>>, %arg10: memref<4096xi32, #tpu.memory_space<vmem>>, %arg11: memref<16x4096xi32, #tpu.memory_space<vmem_shared>>, %arg12: memref<16x256xi32, #tpu.memory_space<vmem>>, %arg13: memref<256xi32, #tpu.memory_space<vmem>>, %arg14: memref<2x128xi32, #tpu.memory_space<vmem>>, %arg15: memref<256xf32, #tpu.memory_space<vmem>>, %arg16: memref<256xf32, #tpu.memory_space<vmem>>, %arg17: memref<256xf32, #tpu.memory_space<vmem>>, %arg18: memref<256xf32, #tpu.memory_space<vmem>>, %arg19: memref<256xf32, #tpu.memory_space<vmem>>, %arg20: memref<6x256xf32, #tpu.memory_space<vmem>>, %arg21: memref<!tpu.dma_semaphore, #tpu.memory_space<semaphore_mem>>) attributes {dimension_semantics = [#tpu.dimension_semantics<core_parallel>, #tpu.dimension_semantics<subcore_parallel>], iteration_bounds = array<i64: 1, 16>, scalar_prefetch = 0 : i64, scratch_operands = 14 : i64, tpu.core_type = #tpu.core_type<sc_vector_subcore>, window_params = [{transform_indices = #map}, {transform_indices = #map}, {transform_indices = #map}, {transform_indices = #map}, {transform_indices = #map}, {transform_indices = #map1}]} {
    %mul3A = arith.constant 1256 : i32
    %mul3A_0 = arith.muli %arg1, %mul3A : i32
    %sub3A = arith.constant 20000 : i32
    %sub3A_1 = arith.subi %sub3A, %mul3A_0 : i32
    %min3A = arith.constant 1256 : i32
    %min3A_2 = arith.minsi %min3A, %sub3A_1 : i32
    %dma_start3A = tpu.memref_slice %arg2[%mul3A_0] : memref<20104xf32, #tpu.memory_space<hbm>> -> memref<1264xf32, #tpu.memory_space<hbm>>
    %dma_start3A_3 = tpu.memref_slice %arg2[%mul3A_0] : memref<20104xf32, #tpu.memory_space<hbm>> -> memref<1264xf32, #tpu.memory_space<hbm>>
    tpu.enqueue_dma source(%dma_start3A_3 : memref<1264xf32, #tpu.memory_space<hbm>>) target(%arg8 : memref<1264xf32, #tpu.memory_space<vmem>>) target_semaphore(%arg21 : memref<!tpu.dma_semaphore, #tpu.memory_space<semaphore_mem>>)
    %dma_start3A_4 = tpu.memref_slice %arg3[%mul3A_0] : memref<20104xf32, #tpu.memory_space<hbm>> -> memref<1264xf32, #tpu.memory_space<hbm>>
    %dma_start3A_5 = tpu.memref_slice %arg3[%mul3A_0] : memref<20104xf32, #tpu.memory_space<hbm>> -> memref<1264xf32, #tpu.memory_space<hbm>>
    tpu.enqueue_dma source(%dma_start3A_5 : memref<1264xf32, #tpu.memory_space<hbm>>) target(%arg9 : memref<1264xf32, #tpu.memory_space<vmem>>) target_semaphore(%arg21 : memref<!tpu.dma_semaphore, #tpu.memory_space<semaphore_mem>>)
    %broadcast_in_dim3A = arith.constant -1 : i32
    %broadcast_in_dim3A_6 = vector.broadcast %broadcast_in_dim3A : i32 to vector<16xi32>
    %scan3A = arith.constant 0 : i32
    %scan3A_7 = arith.constant 0 : i32
    %scan3A_8 = arith.constant 256 : i32
    %scan3A_9 = arith.addi %scan3A_7, %scan3A_8 : i32
    %scan3A_10 = arith.constant 1 : i32
    scf.for %scan3A_2672 = %scan3A_7 to %scan3A_9 step %scan3A_10  : i32 {
      %mul3A_2673 = arith.constant 16 : i32
      %mul3A_2674 = arith.muli %scan3A_2672, %mul3A_2673 : i32
      %swap3A_2675 = arith.index_cast %mul3A_2674 : i32 to index
      %swap3A_2676 = tpu.vector_load %arg10[%swap3A_2675] {strides = array<i32>} : memref<4096xi32, #tpu.memory_space<vmem>>, vector<16xi32>,
      tpu.vector_store %arg10[%swap3A_2675], %broadcast_in_dim3A_6 {strides = array<i32>} : memref<4096xi32, #tpu.memory_space<vmem>>, vector<16xi32>,
    }
    %scan3A_11 = arith.constant 256 : i32
    %dma_wait3A = tpu.memref_slice %arg2[%mul3A_0] : memref<20104xf32, #tpu.memory_space<hbm>> -> memref<1264xf32, #tpu.memory_space<hbm>>
    %dma_wait3A_12 = tpu.memref_slice %arg2[%mul3A_0] : memref<20104xf32, #tpu.memory_space<hbm>> -> memref<1264xf32, #tpu.memory_space<hbm>>
    tpu.wait_dma2 semaphore(%arg21 : memref<!tpu.dma_semaphore, #tpu.memory_space<semaphore_mem>>) src(%dma_wait3A_12 : memref<1264xf32, #tpu.memory_space<hbm>>) dst(%arg8 : memref<1264xf32, #tpu.memory_space<vmem>>)
    %dma_wait3A_13 = tpu.memref_slice %arg3[%mul3A_0] : memref<20104xf32, #tpu.memory_space<hbm>> -> memref<1264xf32, #tpu.memory_space<hbm>>
    %dma_wait3A_14 = tpu.memref_slice %arg3[%mul3A_0] : memref<20104xf32, #tpu.memory_space<hbm>> -> memref<1264xf32, #tpu.memory_space<hbm>>
    tpu.wait_dma2 semaphore(%arg21 : memref<!tpu.dma_semaphore, #tpu.memory_space<semaphore_mem>>) src(%dma_wait3A_14 : memref<1264xf32, #tpu.memory_space<hbm>>) dst(%arg9 : memref<1264xf32, #tpu.memory_space<vmem>>)
    %iota3A = tpu.iota {dimensions = array<i32: 0>} : vector<16xi32>
    %scan3A_15 = arith.constant 0 : i32
    %scan3A_16 = arith.constant 0 : i32
    %scan3A_17 = arith.constant 79 : i32
    %scan3A_18 = arith.addi %scan3A_16, %scan3A_17 : i32
    %scan3A_19 = arith.constant 1 : i32
    scf.for %scan3A_2672 = %scan3A_16 to %scan3A_18 step %scan3A_19  : i32 {
      %mul3A_2673 = arith.constant 16 : i32
      %mul3A_2674 = arith.muli %scan3A_2672, %mul3A_2673 : i32
      %get3A_2675 = arith.index_cast %mul3A_2674 : i32 to index
      %get3A_2676 = tpu.vector_load %arg8[%get3A_2675] {strides = array<i32>} : memref<1264xf32, #tpu.memory_space<vmem>>, vector<16xf32>,
      %mul3A_2677 = arith.constant 16 : i32
      %mul3A_2678 = arith.muli %scan3A_2672, %mul3A_2677 : i32
      %get3A_2679 = arith.index_cast %mul3A_2678 : i32 to index
      %get3A_2680 = tpu.vector_load %arg9[%get3A_2679] {strides = array<i32>} : memref<1264xf32, #tpu.memory_space<vmem>>, vector<16xf32>,
      %mul3A_2681 = arith.constant 6.400000e+01 : f32
      %mul3A_2682 = vector.broadcast %mul3A_2681 : f32 to vector<16xf32>
      %mul3A_2683 = arith.mulf %get3A_2676, %mul3A_2682 : vector<16xf32>
      %convert_element_type3A_2684 = arith.fptosi %mul3A_2683 : vector<16xf32> to vector<16xi32>
      %mul3A_2685 = arith.constant 6.400000e+01 : f32
      %mul3A_2686 = vector.broadcast %mul3A_2685 : f32 to vector<16xf32>
      %mul3A_2687 = arith.mulf %get3A_2680, %mul3A_2686 : vector<16xf32>
      %convert_element_type3A_2688 = arith.fptosi %mul3A_2687 : vector<16xf32> to vector<16xi32>
      %mul3A_2689 = arith.constant 64 : i32
      %mul3A_2690 = vector.broadcast %mul3A_2689 : i32 to vector<16xi32>
      %mul3A_2691 = arith.muli %convert_element_type3A_2688, %mul3A_2690 : vector<16xi32>
      %add3A = arith.addi %mul3A_2691, %convert_element_type3A_2684 : vector<16xi32>
      %mul3A_2692 = arith.constant 16 : i32
      %mul3A_2693 = arith.muli %scan3A_2672, %mul3A_2692 : i32
      %add3A_2694 = vector.broadcast %mul3A_2693 : i32 to vector<16xi32>
      %add3A_2695 = arith.addi %add3A_2694, %iota3A : vector<16xi32>
      %lt3A = vector.broadcast %min3A_2 : i32 to vector<16xi32>
      %lt3A_2696 = arith.cmpi slt, %add3A_2695, %lt3A : vector<16xi32>
      %add3A_2697 = arith.constant 4096 : i32
      %add3A_2698 = vector.broadcast %add3A_2697 : i32 to vector<16xi32>
      %add3A_2699 = arith.addi %add3A_2698, %iota3A : vector<16xi32>
      %select_n3A_2700 = arith.select %lt3A_2696, %add3A, %add3A_2699 : vector<16xi1>, vector<16xi32>
      %mul3A_2701 = arith.constant 16 : i32
      %mul3A_2702 = vector.broadcast %mul3A_2701 : i32 to vector<16xi32>
      %mul3A_2703 = arith.muli %select_n3A_2700, %mul3A_2702 : vector<16xi32>
      %add3A_2704 = arith.addi %mul3A_2703, %iota3A : vector<16xi32>
      %masked_sort3A = arith.constant dense<true> : vector<16xi1>
      %masked_sort3A_2705 = arith.constant -2147483648 : i32
      %masked_sort3A_2706 = vector.broadcast %masked_sort3A_2705 : i32 to vector<16xi32>
      %masked_sort3A_2707 = arith.xori %add3A_2704, %masked_sort3A_2706 : vector<16xi32>
      %masked_sort3A_2708, %masked_sort3A_2709, %masked_sort3A_2710 = tpu.sort %masked_sort3A_2707, %add3A_2695 masked %masked_sort3A : (vector<16xi32>, vector<16xi32>, vector<16xi1>) -> (vector<16xi1>, vector<16xi32>, vector<16xi32>)
      %masked_sort3A_2711 = arith.xori %masked_sort3A_2709, %masked_sort3A_2706 : vector<16xi32>
      %shift_right_arithmetic3A = arith.constant 4 : i32
      %shift_right_arithmetic3A_2712 = vector.broadcast %shift_right_arithmetic3A : i32 to vector<16xi32>
      %shift_right_arithmetic3A_2713 = arith.shrsi %masked_sort3A_2711, %shift_right_arithmetic3A_2712 : vector<16xi32>
      %iota3A_2714 = tpu.iota {dimensions = array<i32: 0>} : vector<16xi32>
      %add3A_2715 = arith.constant 1 : i32
      %add3A_2716 = vector.broadcast %add3A_2715 : i32 to vector<16xi32>
      %add3A_2717 = arith.addi %iota3A_2714, %add3A_2716 : vector<16xi32>
      %min3A_2718 = arith.constant 15 : i32
      %min3A_2719 = vector.broadcast %min3A_2718 : i32 to vector<16xi32>
      %min3A_2720 = arith.minsi %add3A_2717, %min3A_2719 : vector<16xi32>
      %broadcast_in_dim3A_2721 = vector.shape_cast %min3A_2720 : vector<16xi32> to vector<16x1xi32>
      %gather3A = vector.shape_cast %broadcast_in_dim3A_2721 : vector<16x1xi32> to vector<16xi32>
      %gather3A_2722 = tpu.dynamic_gather %shift_right_arithmetic3A_2713[%gather3A] in [0] : vector<16xi32>, vector<16xi32> -> vector<16xi32>
      %ne3A = arith.cmpi ne, %shift_right_arithmetic3A_2713, %gather3A_2722 : vector<16xi32>
      %eq3A = arith.constant 15 : i32
      %eq3A_2723 = vector.broadcast %eq3A : i32 to vector<16xi32>
      %eq3A_2724 = arith.cmpi eq, %iota3A, %eq3A_2723 : vector<16xi32>
      %or3A = arith.ori %ne3A, %eq3A_2724 : vector<16xi1>
      %lt3A_2725 = vector.broadcast %min3A_2 : i32 to vector<16xi32>
      %lt3A_2726 = arith.cmpi slt, %masked_sort3A_2710, %lt3A_2725 : vector<16xi32>
      %and3A = arith.andi %or3A, %lt3A_2726 : vector<16xi1>
      %min3A_2727 = arith.constant 4095 : i32
      %min3A_2728 = vector.broadcast %min3A_2727 : i32 to vector<16xi32>
      %min3A_2729 = arith.minsi %shift_right_arithmetic3A_2713, %min3A_2728 : vector<16xi32>
      %add3A_2730 = vector.broadcast %mul3A_0 : i32 to vector<16xi32>
      %add3A_2731 = arith.addi %masked_sort3A_2710, %add3A_2730 : vector<16xi32>
      tpu.vector_store_idx %arg10[%min3A_2729], %add3A_2731 masked %and3A : memref<4096xi32, #tpu.memory_space<vmem>>[vector<16xi32>], vector<16xi32>, vector<16xi1>
    }
    %scan3A_20 = arith.constant 79 : i32
    "tpu.region"() ({
      %run_scoped3A_2672 = tpu.sem_alloc : memref<!tpu.dma_semaphore, #tpu.memory_space<semaphore_mem>>
      %dma_start3A_2673 = arith.constant 0 : i32
      %dma_start3A_2674 = tpu.memref_slice %arg11[%arg1, %dma_start3A_2673] : memref<16x4096xi32, #tpu.memory_space<vmem_shared>> -> memref<1x4096xi32, #tpu.memory_space<vmem_shared>>
      %dma_start3A_2675 = tpu.memref_squeeze %dma_start3A_2674 : memref<1x4096xi32, #tpu.memory_space<vmem_shared>> -> memref<4096xi32, #tpu.memory_space<vmem_shared>>
      %dma_start3A_2676 = arith.constant 0 : i32
      %dma_start3A_2677 = tpu.memref_slice %arg11[%arg1, %dma_start3A_2676] : memref<16x4096xi32, #tpu.memory_space<vmem_shared>> -> memref<1x4096xi32, #tpu.memory_space<vmem_shared>>
      %dma_start3A_2678 = tpu.memref_squeeze %dma_start3A_2677 : memref<1x4096xi32, #tpu.memory_space<vmem_shared>> -> memref<4096xi32, #tpu.memory_space<vmem_shared>>
      tpu.enqueue_dma source(%arg10 : memref<4096xi32, #tpu.memory_space<vmem>>) target(%dma_start3A_2678 : memref<4096xi32, #tpu.memory_space<vmem_shared>>) target_semaphore(%run_scoped3A_2672 : memref<!tpu.dma_semaphore, #tpu.memory_space<semaphore_mem>>)
      %dma_wait3A_2679 = arith.constant 0 : i32
      %dma_wait3A_2680 = tpu.memref_slice %arg11[%arg1, %dma_wait3A_2679] : memref<16x4096xi32, #tpu.memory_space<vmem_shared>> -> memref<1x4096xi32, #tpu.memory_space<vmem_shared>>
      %dma_wait3A_2681 = tpu.memref_squeeze %dma_wait3A_2680 : memref<1x4096xi32, #tpu.memory_space<vmem_shared>> -> memref<4096xi32, #tpu.memory_space<vmem_shared>>
      %dma_wait3A_2682 = arith.constant 0 : i32
      %dma_wait3A_2683 = tpu.memref_slice %arg11[%arg1, %dma_wait3A_2682] : memref<16x4096xi32, #tpu.memory_space<vmem_shared>> -> memref<1x4096xi32, #tpu.memory_space<vmem_shared>>
      %dma_wait3A_2684 = tpu.memref_squeeze %dma_wait3A_2683 : memref<1x4096xi32, #tpu.memory_space<vmem_shared>> -> memref<4096xi32, #tpu.memory_space<vmem_shared>>
      tpu.wait_dma2 semaphore(%run_scoped3A_2672 : memref<!tpu.dma_semaphore, #tpu.memory_space<semaphore_mem>>) src(%arg10 : memref<4096xi32, #tpu.memory_space<vmem>>) dst(%dma_wait3A_2684 : memref<4096xi32, #tpu.memory_space<vmem_shared>>)
      tpu.yield
    }) : () -> ()
    %barrier3A = arith.constant 0 : index
    tpu.barrier barrier_id(%barrier3A)
    %mul3A_21 = arith.constant 256 : i32
    %mul3A_22 = arith.muli %arg1, %mul3A_21 : i32
    %run_scoped3A = arith.constant 0 : i32
    %run_scoped3A_23 = arith.constant 0 : i32
    "tpu.region"() ({
      %run_scoped3A_2672 = tpu.sem_alloc : memref<!tpu.dma_semaphore, #tpu.memory_space<semaphore_mem>>
      %dma_start3A_2673 = arith.constant 0 : i32
      %dma_start3A_2674 = tpu.memref_slice %arg12[%run_scoped3A_23, %dma_start3A_2673] : memref<16x256xi32, #tpu.memory_space<vmem>> -> memref<1x256xi32, #tpu.memory_space<vmem>>
      %dma_start3A_2675 = tpu.memref_squeeze %dma_start3A_2674 : memref<1x256xi32, #tpu.memory_space<vmem>> -> memref<256xi32, #tpu.memory_space<vmem>>
      %dma_start3A_2676 = tpu.memref_slice %arg11[%run_scoped3A, %mul3A_22] : memref<16x4096xi32, #tpu.memory_space<vmem_shared>> -> memref<1x256xi32, #tpu.memory_space<vmem_shared>>
      %dma_start3A_2677 = tpu.memref_squeeze %dma_start3A_2676 : memref<1x256xi32, #tpu.memory_space<vmem_shared>> -> memref<256xi32, #tpu.memory_space<vmem_shared>>
      %dma_start3A_2678 = arith.constant 0 : i32
      %dma_start3A_2679 = tpu.memref_slice %arg12[%run_scoped3A_23, %dma_start3A_2678] : memref<16x256xi32, #tpu.memory_space<vmem>> -> memref<1x256xi32, #tpu.memory_space<vmem>>
      %dma_start3A_2680 = tpu.memref_squeeze %dma_start3A_2679 : memref<1x256xi32, #tpu.memory_space<vmem>> -> memref<256xi32, #tpu.memory_space<vmem>>
      %dma_start3A_2681 = tpu.memref_slice %arg11[%run_scoped3A, %mul3A_22] : memref<16x4096xi32, #tpu.memory_space<vmem_shared>> -> memref<1x256xi32, #tpu.memory_space<vmem_shared>>
      %dma_start3A_2682 = tpu.memref_squeeze %dma_start3A_2681 : memref<1x256xi32, #tpu.memory_space<vmem_shared>> -> memref<256xi32, #tpu.memory_space<vmem_shared>>
      tpu.enqueue_dma source(%dma_start3A_2682 : memref<256xi32, #tpu.memory_space<vmem_shared>>) target(%dma_start3A_2680 : memref<256xi32, #tpu.memory_space<vmem>>) target_semaphore(%run_scoped3A_2672 : memref<!tpu.dma_semaphore, #tpu.memory_space<semaphore_mem>>)
      %dma_wait3A_2683 = arith.constant 0 : i32
      %dma_wait3A_2684 = tpu.memref_slice %arg12[%run_scoped3A_23, %dma_wait3A_2683] : memref<16x256xi32, #tpu.memory_space<vmem>> -> memref<1x256xi32, #tpu.memory_space<vmem>>
      %dma_wait3A_2685 = tpu.memref_squeeze %dma_wait3A_2684 : memref<1x256xi32, #tpu.memory_space<vmem>> -> memref<256xi32, #tpu.memory_space<vmem>>
      %dma_wait3A_2686 = tpu.memref_slice %arg11[%run_scoped3A, %mul3A_22] : memref<16x4096xi32, #tpu.memory_space<vmem_shared>> -> memref<1x256xi32, #tpu.memory_space<vmem_shared>>
      %dma_wait3A_2687 = tpu.memref_squeeze %dma_wait3A_2686 : memref<1x256xi32, #tpu.memory_space<vmem_shared>> -> memref<256xi32, #tpu.memory_space<vmem_shared>>
      %dma_wait3A_2688 = arith.constant 0 : i32
      %dma_wait3A_2689 = tpu.memref_slice %arg12[%run_scoped3A_23, %dma_wait3A_2688] : memref<16x256xi32, #tpu.memory_space<vmem>> -> memref<1x256xi32, #tpu.memory_space<vmem>>
      %dma_wait3A_2690 = tpu.memref_squeeze %dma_wait3A_2689 : memref<1x256xi32, #tpu.memory_space<vmem>> -> memref<256xi32, #tpu.memory_space<vmem>>
      %dma_wait3A_2691 = tpu.memref_slice %arg11[%run_scoped3A, %mul3A_22] : memref<16x4096xi32, #tpu.memory_space<vmem_shared>> -> memref<1x256xi32, #tpu.memory_space<vmem_shared>>
      %dma_wait3A_2692 = tpu.memref_squeeze %dma_wait3A_2691 : memref<1x256xi32, #tpu.memory_space<vmem_shared>> -> memref<256xi32, #tpu.memory_space<vmem_shared>>
      tpu.wait_dma2 semaphore(%run_scoped3A_2672 : memref<!tpu.dma_semaphore, #tpu.memory_space<semaphore_mem>>) src(%dma_wait3A_2692 : memref<256xi32, #tpu.memory_space<vmem_shared>>) dst(%dma_wait3A_2690 : memref<256xi32, #tpu.memory_space<vmem>>)
      tpu.yield
    }) : () -> ()
    %run_scoped3A_24 = arith.constant 1 : i32
    %run_scoped3A_25 = arith.constant 1 : i32
    "tpu.region"() ({
      %run_scoped3A_2672 = tpu.sem_alloc : memref<!tpu.dma_semaphore, #tpu.memory_space<semaphore_mem>>
      %dma_start3A_2673 = arith.constant 0 : i32
      %dma_start3A_2674 = tpu.memref_slice %arg12[%run_scoped3A_25, %dma_start3A_2673] : memref<16x256xi32, #tpu.memory_space<vmem>> -> memref<1x256xi32, #tpu.memory_space<vmem>>
      %dma_start3A_2675 = tpu.memref_squeeze %dma_start3A_2674 : memref<1x256xi32, #tpu.memory_space<vmem>> -> memref<256xi32, #tpu.memory_space<vmem>>
      %dma_start3A_2676 = tpu.memref_slice %arg11[%run_scoped3A_24, %mul3A_22] : memref<16x4096xi32, #tpu.memory_space<vmem_shared>> -> memref<1x256xi32, #tpu.memory_space<vmem_shared>>
      %dma_start3A_2677 = tpu.memref_squeeze %dma_start3A_2676 : memref<1x256xi32, #tpu.memory_space<vmem_shared>> -> memref<256xi32, #tpu.memory_space<vmem_shared>>
      %dma_start3A_2678 = arith.constant 0 : i32
      %dma_start3A_2679 = tpu.memref_slice %arg12[%run_scoped3A_25, %dma_start3A_2678] : memref<16x256xi32, #tpu.memory_space<vmem>> -> memref<1x256xi32, #tpu.memory_space<vmem>>
      %dma_start3A_2680 = tpu.memref_squeeze %dma_start3A_2679 : memref<1x256xi32, #tpu.memory_space<vmem>> -> memref<256xi32, #tpu.memory_space<vmem>>
      %dma_start3A_2681 = tpu.memref_slice %arg11[%run_scoped3A_24, %mul3A_22] : memref<16x4096xi32, #tpu.memory_space<vmem_shared>> -> memref<1x256xi32, #tpu.memory_space<vmem_shared>>
      %dma_start3A_2682 = tpu.memref_squeeze %dma_start3A_2681 : memref<1x256xi32, #tpu.memory_space<vmem_shared>> -> memref<256xi32, #tpu.memory_space<vmem_shared>>
      tpu.enqueue_dma source(%dma_start3A_2682 : memref<256xi32, #tpu.memory_space<vmem_shared>>) target(%dma_start3A_2680 : memref<256xi32, #tpu.memory_space<vmem>>) target_semaphore(%run_scoped3A_2672 : memref<!tpu.dma_semaphore, #tpu.memory_space<semaphore_mem>>)
      %dma_wait3A_2683 = arith.constant 0 : i32
      %dma_wait3A_2684 = tpu.memref_slice %arg12[%run_scoped3A_25, %dma_wait3A_2683] : memref<16x256xi32, #tpu.memory_space<vmem>> -> memref<1x256xi32, #tpu.memory_space<vmem>>
      %dma_wait3A_2685 = tpu.memref_squeeze %dma_wait3A_2684 : memref<1x256xi32, #tpu.memory_space<vmem>> -> memref<256xi32, #tpu.memory_space<vmem>>
      %dma_wait3A_2686 = tpu.memref_slice %arg11[%run_scoped3A_24, %mul3A_22] : memref<16x4096xi32, #tpu.memory_space<vmem_shared>> -> memref<1x256xi32, #tpu.memory_space<vmem_shared>>
      %dma_wait3A_2687 = tpu.memref_squeeze %dma_wait3A_2686 : memref<1x256xi32, #tpu.memory_space<vmem_shared>> -> memref<256xi32, #tpu.memory_space<vmem_shared>>
      %dma_wait3A_2688 = arith.constant 0 : i32
      %dma_wait3A_2689 = tpu.memref_slice %arg12[%run_scoped3A_25, %dma_wait3A_2688] : memref<16x256xi32, #tpu.memory_space<vmem>> -> memref<1x256xi32, #tpu.memory_space<vmem>>
      %dma_wait3A_2690 = tpu.memref_squeeze %dma_wait3A_2689 : memref<1x256xi32, #tpu.memory_space<vmem>> -> memref<256xi32, #tpu.memory_space<vmem>>
      %dma_wait3A_2691 = tpu.memref_slice %arg11[%run_scoped3A_24, %mul3A_22] : memref<16x4096xi32, #tpu.memory_space<vmem_shared>> -> memref<1x256xi32, #tpu.memory_space<vmem_shared>>
      %dma_wait3A_2692 = tpu.memref_squeeze %dma_wait3A_2691 : memref<1x256xi32, #tpu.memory_space<vmem_shared>> -> memref<256xi32, #tpu.memory_space<vmem_shared>>
      tpu.wait_dma2 semaphore(%run_scoped3A_2672 : memref<!tpu.dma_semaphore, #tpu.memory_space<semaphore_mem>>) src(%dma_wait3A_2692 : memref<256xi32, #tpu.memory_space<vmem_shared>>) dst(%dma_wait3A_2690 : memref<256xi32, #tpu.memory_space<vmem>>)
      tpu.yield
    }) : () -> ()
    %run_scoped3A_26 = arith.constant 2 : i32
    %run_scoped3A_27 = arith.constant 2 : i32
    "tpu.region"() ({
      %run_scoped3A_2672 = tpu.sem_alloc : memref<!tpu.dma_semaphore, #tpu.memory_space<semaphore_mem>>
      %dma_start3A_2673 = arith.constant 0 : i32
      %dma_start3A_2674 = tpu.memref_slice %arg12[%run_scoped3A_27, %dma_start3A_2673] : memref<16x256xi32, #tpu.memory_space<vmem>> -> memref<1x256xi32, #tpu.memory_space<vmem>>
      %dma_start3A_2675 = tpu.memref_squeeze %dma_start3A_2674 : memref<1x256xi32, #tpu.memory_space<vmem>> -> memref<256xi32, #tpu.memory_space<vmem>>
      %dma_start3A_2676 = tpu.memref_slice %arg11[%run_scoped3A_26, %mul3A_22] : memref<16x4096xi32, #tpu.memory_space<vmem_shared>> -> memref<1x256xi32, #tpu.memory_space<vmem_shared>>
      %dma_start3A_2677 = tpu.memref_squeeze %dma_start3A_2676 : memref<1x256xi32, #tpu.memory_space<vmem_shared>> -> memref<256xi32, #tpu.memory_space<vmem_shared>>
      %dma_start3A_2678 = arith.constant 0 : i32
      %dma_start3A_2679 = tpu.memref_slice %arg12[%run_scoped3A_27, %dma_start3A_2678] : memref<16x256xi32, #tpu.memory_space<vmem>> -> memref<1x256xi32, #tpu.memory_space<vmem>>
      %dma_start3A_2680 = tpu.memref_squeeze %dma_start3A_2679 : memref<1x256xi32, #tpu.memory_space<vmem>> -> memref<256xi32, #tpu.memory_space<vmem>>
      %dma_start3A_2681 = tpu.memref_slice %arg11[%run_scoped3A_26, %mul3A_22] : memref<16x4096xi32, #tpu.memory_space<vmem_shared>> -> memref<1x256xi32, #tpu.memory_space<vmem_shared>>
      %dma_start3A_2682 = tpu.memref_squeeze %dma_start3A_2681 : memref<1x256xi32, #tpu.memory_space<vmem_shared>> -> memref<256xi32, #tpu.memory_space<vmem_shared>>
      tpu.enqueue_dma source(%dma_start3A_2682 : memref<256xi32, #tpu.memory_space<vmem_shared>>) target(%dma_start3A_2680 : memref<256xi32, #tpu.memory_space<vmem>>) target_semaphore(%run_scoped3A_2672 : memref<!tpu.dma_semaphore, #tpu.memory_space<semaphore_mem>>)
      %dma_wait3A_2683 = arith.constant 0 : i32
      %dma_wait3A_2684 = tpu.memref_slice %arg12[%run_scoped3A_27, %dma_wait3A_2683] : memref<16x256xi32, #tpu.memory_space<vmem>> -> memref<1x256xi32, #tpu.memory_space<vmem>>
      %dma_wait3A_2685 = tpu.memref_squeeze %dma_wait3A_2684 : memref<1x256xi32, #tpu.memory_space<vmem>> -> memref<256xi32, #tpu.memory_space<vmem>>
      %dma_wait3A_2686 = tpu.memref_slice %arg11[%run_scoped3A_26, %mul3A_22] : memref<16x4096xi32, #tpu.memory_space<vmem_shared>> -> memref<1x256xi32, #tpu.memory_space<vmem_shared>>
      %dma_wait3A_2687 = tpu.memref_squeeze %dma_wait3A_2686 : memref<1x256xi32, #tpu.memory_space<vmem_shared>> -> memref<256xi32, #tpu.memory_space<vmem_shared>>
      %dma_wait3A_2688 = arith.constant 0 : i32
      %dma_wait3A_2689 = tpu.memref_slice %arg12[%run_scoped3A_27, %dma_wait3A_2688] : memref<16x256xi32, #tpu.memory_space<vmem>> -> memref<1x256xi32, #tpu.memory_space<vmem>>
      %dma_wait3A_2690 = tpu.memref_squeeze %dma_wait3A_2689 : memref<1x256xi32, #tpu.memory_space<vmem>> -> memref<256xi32, #tpu.memory_space<vmem>>
      %dma_wait3A_2691 = tpu.memref_slice %arg11[%run_scoped3A_26, %mul3A_22] : memref<16x4096xi32, #tpu.memory_space<vmem_shared>> -> memref<1x256xi32, #tpu.memory_space<vmem_shared>>
      %dma_wait3A_2692 = tpu.memref_squeeze %dma_wait3A_2691 : memref<1x256xi32, #tpu.memory_space<vmem_shared>> -> memref<256xi32, #tpu.memory_space<vmem_shared>>
      tpu.wait_dma2 semaphore(%run_scoped3A_2672 : memref<!tpu.dma_semaphore, #tpu.memory_space<semaphore_mem>>) src(%dma_wait3A_2692 : memref<256xi32, #tpu.memory_space<vmem_shared>>) dst(%dma_wait3A_2690 : memref<256xi32, #tpu.memory_space<vmem>>)
      tpu.yield
    }) : () -> ()
    %run_scoped3A_28 = arith.constant 3 : i32
    %run_scoped3A_29 = arith.constant 3 : i32
    "tpu.region"() ({
      %run_scoped3A_2672 = tpu.sem_alloc : memref<!tpu.dma_semaphore, #tpu.memory_space<semaphore_mem>>
      %dma_start3A_2673 = arith.constant 0 : i32
      %dma_start3A_2674 = tpu.memref_slice %arg12[%run_scoped3A_29, %dma_start3A_2673] : memref<16x256xi32, #tpu.memory_space<vmem>> -> memref<1x256xi32, #tpu.memory_space<vmem>>
      %dma_start3A_2675 = tpu.memref_squeeze %dma_start3A_2674 : memref<1x256xi32, #tpu.memory_space<vmem>> -> memref<256xi32, #tpu.memory_space<vmem>>
      %dma_start3A_2676 = tpu.memref_slice %arg11[%run_scoped3A_28, %mul3A_22] : memref<16x4096xi32, #tpu.memory_space<vmem_shared>> -> memref<1x256xi32, #tpu.memory_space<vmem_shared>>
      %dma_start3A_2677 = tpu.memref_squeeze %dma_start3A_2676 : memref<1x256xi32, #tpu.memory_space<vmem_shared>> -> memref<256xi32, #tpu.memory_space<vmem_shared>>
      %dma_start3A_2678 = arith.constant 0 : i32
      %dma_start3A_2679 = tpu.memref_slice %arg12[%run_scoped3A_29, %dma_start3A_2678] : memref<16x256xi32, #tpu.memory_space<vmem>> -> memref<1x256xi32, #tpu.memory_space<vmem>>
      %dma_start3A_2680 = tpu.memref_squeeze %dma_start3A_2679 : memref<1x256xi32, #tpu.memory_space<vmem>> -> memref<256xi32, #tpu.memory_space<vmem>>
      %dma_start3A_2681 = tpu.memref_slice %arg11[%run_scoped3A_28, %mul3A_22] : memref<16x4096xi32, #tpu.memory_space<vmem_shared>> -> memref<1x256xi32, #tpu.memory_space<vmem_shared>>
      %dma_start3A_2682 = tpu.memref_squeeze %dma_start3A_2681 : memref<1x256xi32, #tpu.memory_space<vmem_shared>> -> memref<256xi32, #tpu.memory_space<vmem_shared>>
      tpu.enqueue_dma source(%dma_start3A_2682 : memref<256xi32, #tpu.memory_space<vmem_shared>>) target(%dma_start3A_2680 : memref<256xi32, #tpu.memory_space<vmem>>) target_semaphore(%run_scoped3A_2672 : memref<!tpu.dma_semaphore, #tpu.memory_space<semaphore_mem>>)
      %dma_wait3A_2683 = arith.constant 0 : i32
      %dma_wait3A_2684 = tpu.memref_slice %arg12[%run_scoped3A_29, %dma_wait3A_2683] : memref<16x256xi32, #tpu.memory_space<vmem>> -> memref<1x256xi32, #tpu.memory_space<vmem>>
      %dma_wait3A_2685 = tpu.memref_squeeze %dma_wait3A_2684 : memref<1x256xi32, #tpu.memory_space<vmem>> -> memref<256xi32, #tpu.memory_space<vmem>>
      %dma_wait3A_2686 = tpu.memref_slice %arg11[%run_scoped3A_28, %mul3A_22] : memref<16x4096xi32, #tpu.memory_space<vmem_shared>> -> memref<1x256xi32, #tpu.memory_space<vmem_shared>>
      %dma_wait3A_2687 = tpu.memref_squeeze %dma_wait3A_2686 : memref<1x256xi32, #tpu.memory_space<vmem_shared>> -> memref<256xi32, #tpu.memory_space<vmem_shared>>
      %dma_wait3A_2688 = arith.constant 0 : i32
      %dma_wait3A_2689 = tpu.memref_slice %arg12[%run_scoped3A_29, %dma_wait3A_2688] : memref<16x256xi32, #tpu.memory_space<vmem>> -> memref<1x256xi32, #tpu.memory_space<vmem>>
      %dma_wait3A_2690 = tpu.memref_squeeze %dma_wait3A_2689 : memref<1x256xi32, #tpu.memory_space<vmem>> -> memref<256xi32, #tpu.memory_space<vmem>>
      %dma_wait3A_2691 = tpu.memref_slice %arg11[%run_scoped3A_28, %mul3A_22] : memref<16x4096xi32, #tpu.memory_space<vmem_shared>> -> memref<1x256xi32, #tpu.memory_space<vmem_shared>>
      %dma_wait3A_2692 = tpu.memref_squeeze %dma_wait3A_2691 : memref<1x256xi32, #tpu.memory_space<vmem_shared>> -> memref<256xi32, #tpu.memory_space<vmem_shared>>
      tpu.wait_dma2 semaphore(%run_scoped3A_2672 : memref<!tpu.dma_semaphore, #tpu.memory_space<semaphore_mem>>) src(%dma_wait3A_2692 : memref<256xi32, #tpu.memory_space<vmem_shared>>) dst(%dma_wait3A_2690 : memref<256xi32, #tpu.memory_space<vmem>>)
      tpu.yield
    }) : () -> ()
    %run_scoped3A_30 = arith.constant 4 : i32
    %run_scoped3A_31 = arith.constant 4 : i32
    "tpu.region"() ({
      %run_scoped3A_2672 = tpu.sem_alloc : memref<!tpu.dma_semaphore, #tpu.memory_space<semaphore_mem>>
      %dma_start3A_2673 = arith.constant 0 : i32
      %dma_start3A_2674 = tpu.memref_slice %arg12[%run_scoped3A_31, %dma_start3A_2673] : memref<16x256xi32, #tpu.memory_space<vmem>> -> memref<1x256xi32, #tpu.memory_space<vmem>>
      %dma_start3A_2675 = tpu.memref_squeeze %dma_start3A_2674 : memref<1x256xi32, #tpu.memory_space<vmem>> -> memref<256xi32, #tpu.memory_space<vmem>>
      %dma_start3A_2676 = tpu.memref_slice %arg11[%run_scoped3A_30, %mul3A_22] : memref<16x4096xi32, #tpu.memory_space<vmem_shared>> -> memref<1x256xi32, #tpu.memory_space<vmem_shared>>
      %dma_start3A_2677 = tpu.memref_squeeze %dma_start3A_2676 : memref<1x256xi32, #tpu.memory_space<vmem_shared>> -> memref<256xi32, #tpu.memory_space<vmem_shared>>
      %dma_start3A_2678 = arith.constant 0 : i32
      %dma_start3A_2679 = tpu.memref_slice %arg12[%run_scoped3A_31, %dma_start3A_2678] : memref<16x256xi32, #tpu.memory_space<vmem>> -> memref<1x256xi32, #tpu.memory_space<vmem>>
      %dma_start3A_2680 = tpu.memref_squeeze %dma_start3A_2679 : memref<1x256xi32, #tpu.memory_space<vmem>> -> memref<256xi32, #tpu.memory_space<vmem>>
      %dma_start3A_2681 = tpu.memref_slice %arg11[%run_scoped3A_30, %mul3A_22] : memref<16x4096xi32, #tpu.memory_space<vmem_shared>> -> memref<1x256xi32, #tpu.memory_space<vmem_shared>>
      %dma_start3A_2682 = tpu.memref_squeeze %dma_start3A_2681 : memref<1x256xi32, #tpu.memory_space<vmem_shared>> -> memref<256xi32, #tpu.memory_space<vmem_shared>>
      tpu.enqueue_dma source(%dma_start3A_2682 : memref<256xi32, #tpu.memory_space<vmem_shared>>) target(%dma_start3A_2680 : memref<256xi32, #tpu.memory_space<vmem>>) target_semaphore(%run_scoped3A_2672 : memref<!tpu.dma_semaphore, #tpu.memory_space<semaphore_mem>>)
      %dma_wait3A_2683 = arith.constant 0 : i32
      %dma_wait3A_2684 = tpu.memref_slice %arg12[%run_scoped3A_31, %dma_wait3A_2683] : memref<16x256xi32, #tpu.memory_space<vmem>> -> memref<1x256xi32, #tpu.memory_space<vmem>>
      %dma_wait3A_2685 = tpu.memref_squeeze %dma_wait3A_2684 : memref<1x256xi32, #tpu.memory_space<vmem>> -> memref<256xi32, #tpu.memory_space<vmem>>
      %dma_wait3A_2686 = tpu.memref_slice %arg11[%run_scoped3A_30, %mul3A_22] : memref<16x4096xi32, #tpu.memory_space<vmem_shared>> -> memref<1x256xi32, #tpu.memory_space<vmem_shared>>
      %dma_wait3A_2687 = tpu.memref_squeeze %dma_wait3A_2686 : memref<1x256xi32, #tpu.memory_space<vmem_shared>> -> memref<256xi32, #tpu.memory_space<vmem_shared>>
      %dma_wait3A_2688 = arith.constant 0 : i32
      %dma_wait3A_2689 = tpu.memref_slice %arg12[%run_scoped3A_31, %dma_wait3A_2688] : memref<16x256xi32, #tpu.memory_space<vmem>> -> memref<1x256xi32, #tpu.memory_space<vmem>>
      %dma_wait3A_2690 = tpu.memref_squeeze %dma_wait3A_2689 : memref<1x256xi32, #tpu.memory_space<vmem>> -> memref<256xi32, #tpu.memory_space<vmem>>
      %dma_wait3A_2691 = tpu.memref_slice %arg11[%run_scoped3A_30, %mul3A_22] : memref<16x4096xi32, #tpu.memory_space<vmem_shared>> -> memref<1x256xi32, #tpu.memory_space<vmem_shared>>
      %dma_wait3A_2692 = tpu.memref_squeeze %dma_wait3A_2691 : memref<1x256xi32, #tpu.memory_space<vmem_shared>> -> memref<256xi32, #tpu.memory_space<vmem_shared>>
      tpu.wait_dma2 semaphore(%run_scoped3A_2672 : memref<!tpu.dma_semaphore, #tpu.memory_space<semaphore_mem>>) src(%dma_wait3A_2692 : memref<256xi32, #tpu.memory_space<vmem_shared>>) dst(%dma_wait3A_2690 : memref<256xi32, #tpu.memory_space<vmem>>)
      tpu.yield
    }) : () -> ()
    %run_scoped3A_32 = arith.constant 5 : i32
    %run_scoped3A_33 = arith.constant 5 : i32
    "tpu.region"() ({
      %run_scoped3A_2672 = tpu.sem_alloc : memref<!tpu.dma_semaphore, #tpu.memory_space<semaphore_mem>>
      %dma_start3A_2673 = arith.constant 0 : i32
      %dma_start3A_2674 = tpu.memref_slice %arg12[%run_scoped3A_33, %dma_start3A_2673] : memref<16x256xi32, #tpu.memory_space<vmem>> -> memref<1x256xi32, #tpu.memory_space<vmem>>
      %dma_start3A_2675 = tpu.memref_squeeze %dma_start3A_2674 : memref<1x256xi32, #tpu.memory_space<vmem>> -> memref<256xi32, #tpu.memory_space<vmem>>
      %dma_start3A_2676 = tpu.memref_slice %arg11[%run_scoped3A_32, %mul3A_22] : memref<16x4096xi32, #tpu.memory_space<vmem_shared>> -> memref<1x256xi32, #tpu.memory_space<vmem_shared>>
      %dma_start3A_2677 = tpu.memref_squeeze %dma_start3A_2676 : memref<1x256xi32, #tpu.memory_space<vmem_shared>> -> memref<256xi32, #tpu.memory_space<vmem_shared>>
      %dma_start3A_2678 = arith.constant 0 : i32
      %dma_start3A_2679 = tpu.memref_slice %arg12[%run_scoped3A_33, %dma_start3A_2678] : memref<16x256xi32, #tpu.memory_space<vmem>> -> memref<1x256xi32, #tpu.memory_space<vmem>>
      %dma_start3A_2680 = tpu.memref_squeeze %dma_start3A_2679 : memref<1x256xi32, #tpu.memory_space<vmem>> -> memref<256xi32, #tpu.memory_space<vmem>>
      %dma_start3A_2681 = tpu.memref_slice %arg11[%run_scoped3A_32, %mul3A_22] : memref<16x4096xi32, #tpu.memory_space<vmem_shared>> -> memref<1x256xi32, #tpu.memory_space<vmem_shared>>
      %dma_start3A_2682 = tpu.memref_squeeze %dma_start3A_2681 : memref<1x256xi32, #tpu.memory_space<vmem_shared>> -> memref<256xi32, #tpu.memory_space<vmem_shared>>
      tpu.enqueue_dma source(%dma_start3A_2682 : memref<256xi32, #tpu.memory_space<vmem_shared>>) target(%dma_start3A_2680 : memref<256xi32, #tpu.memory_space<vmem>>) target_semaphore(%run_scoped3A_2672 : memref<!tpu.dma_semaphore, #tpu.memory_space<semaphore_mem>>)
      %dma_wait3A_2683 = arith.constant 0 : i32
      %dma_wait3A_2684 = tpu.memref_slice %arg12[%run_scoped3A_33, %dma_wait3A_2683] : memref<16x256xi32, #tpu.memory_space<vmem>> -> memref<1x256xi32, #tpu.memory_space<vmem>>
      %dma_wait3A_2685 = tpu.memref_squeeze %dma_wait3A_2684 : memref<1x256xi32, #tpu.memory_space<vmem>> -> memref<256xi32, #tpu.memory_space<vmem>>
      %dma_wait3A_2686 = tpu.memref_slice %arg11[%run_scoped3A_32, %mul3A_22] : memref<16x4096xi32, #tpu.memory_space<vmem_shared>> -> memref<1x256xi32, #tpu.memory_space<vmem_shared>>
      %dma_wait3A_2687 = tpu.memref_squeeze %dma_wait3A_2686 : memref<1x256xi32, #tpu.memory_space<vmem_shared>> -> memref<256xi32, #tpu.memory_space<vmem_shared>>
      %dma_wait3A_2688 = arith.constant 0 : i32
      %dma_wait3A_2689 = tpu.memref_slice %arg12[%run_scoped3A_33, %dma_wait3A_2688] : memref<16x256xi32, #tpu.memory_space<vmem>> -> memref<1x256xi32, #tpu.memory_space<vmem>>
      %dma_wait3A_2690 = tpu.memref_squeeze %dma_wait3A_2689 : memref<1x256xi32, #tpu.memory_space<vmem>> -> memref<256xi32, #tpu.memory_space<vmem>>
      %dma_wait3A_2691 = tpu.memref_slice %arg11[%run_scoped3A_32, %mul3A_22] : memref<16x4096xi32, #tpu.memory_space<vmem_shared>> -> memref<1x256xi32, #tpu.memory_space<vmem_shared>>
      %dma_wait3A_2692 = tpu.memref_squeeze %dma_wait3A_2691 : memref<1x256xi32, #tpu.memory_space<vmem_shared>> -> memref<256xi32, #tpu.memory_space<vmem_shared>>
      tpu.wait_dma2 semaphore(%run_scoped3A_2672 : memref<!tpu.dma_semaphore, #tpu.memory_space<semaphore_mem>>) src(%dma_wait3A_2692 : memref<256xi32, #tpu.memory_space<vmem_shared>>) dst(%dma_wait3A_2690 : memref<256xi32, #tpu.memory_space<vmem>>)
      tpu.yield
    }) : () -> ()
    %run_scoped3A_34 = arith.constant 6 : i32
    %run_scoped3A_35 = arith.constant 6 : i32
    "tpu.region"() ({
      %run_scoped3A_2672 = tpu.sem_alloc : memref<!tpu.dma_semaphore, #tpu.memory_space<semaphore_mem>>
      %dma_start3A_2673 = arith.constant 0 : i32
      %dma_start3A_2674 = tpu.memref_slice %arg12[%run_scoped3A_35, %dma_start3A_2673] : memref<16x256xi32, #tpu.memory_space<vmem>> -> memref<1x256xi32, #tpu.memory_space<vmem>>
      %dma_start3A_2675 = tpu.memref_squeeze %dma_start3A_2674 : memref<1x256xi32, #tpu.memory_space<vmem>> -> memref<256xi32, #tpu.memory_space<vmem>>
      %dma_start3A_2676 = tpu.memref_slice %arg11[%run_scoped3A_34, %mul3A_22] : memref<16x4096xi32, #tpu.memory_space<vmem_shared>> -> memref<1x256xi32, #tpu.memory_space<vmem_shared>>
      %dma_start3A_2677 = tpu.memref_squeeze %dma_start3A_2676 : memref<1x256xi32, #tpu.memory_space<vmem_shared>> -> memref<256xi32, #tpu.memory_space<vmem_shared>>
      %dma_start3A_2678 = arith.constant 0 : i32
      %dma_start3A_2679 = tpu.memref_slice %arg12[%run_scoped3A_35, %dma_start3A_2678] : memref<16x256xi32, #tpu.memory_space<vmem>> -> memref<1x256xi32, #tpu.memory_space<vmem>>
      %dma_start3A_2680 = tpu.memref_squeeze %dma_start3A_2679 : memref<1x256xi32, #tpu.memory_space<vmem>> -> memref<256xi32, #tpu.memory_space<vmem>>
      %dma_start3A_2681 = tpu.memref_slice %arg11[%run_scoped3A_34, %mul3A_22] : memref<16x4096xi32, #tpu.memory_space<vmem_shared>> -> memref<1x256xi32, #tpu.memory_space<vmem_shared>>
      %dma_start3A_2682 = tpu.memref_squeeze %dma_start3A_2681 : memref<1x256xi32, #tpu.memory_space<vmem_shared>> -> memref<256xi32, #tpu.memory_space<vmem_shared>>
      tpu.enqueue_dma source(%dma_start3A_2682 : memref<256xi32, #tpu.memory_space<vmem_shared>>) target(%dma_start3A_2680 : memref<256xi32, #tpu.memory_space<vmem>>) target_semaphore(%run_scoped3A_2672 : memref<!tpu.dma_semaphore, #tpu.memory_space<semaphore_mem>>)
      %dma_wait3A_2683 = arith.constant 0 : i32
      %dma_wait3A_2684 = tpu.memref_slice %arg12[%run_scoped3A_35, %dma_wait3A_2683] : memref<16x256xi32, #tpu.memory_space<vmem>> -> memref<1x256xi32, #tpu.memory_space<vmem>>
      %dma_wait3A_2685 = tpu.memref_squeeze %dma_wait3A_2684 : memref<1x256xi32, #tpu.memory_space<vmem>> -> memref<256xi32, #tpu.memory_space<vmem>>
      %dma_wait3A_2686 = tpu.memref_slice %arg11[%run_scoped3A_34, %mul3A_22] : memref<16x4096xi32, #tpu.memory_space<vmem_shared>> -> memref<1x256xi32, #tpu.memory_space<vmem_shared>>
      %dma_wait3A_2687 = tpu.memref_squeeze %dma_wait3A_2686 : memref<1x256xi32, #tpu.memory_space<vmem_shared>> -> memref<256xi32, #tpu.memory_space<vmem_shared>>
      %dma_wait3A_2688 = arith.constant 0 : i32
      %dma_wait3A_2689 = tpu.memref_slice %arg12[%run_scoped3A_35, %dma_wait3A_2688] : memref<16x256xi32, #tpu.memory_space<vmem>> -> memref<1x256xi32, #tpu.memory_space<vmem>>
      %dma_wait3A_2690 = tpu.memref_squeeze %dma_wait3A_2689 : memref<1x256xi32, #tpu.memory_space<vmem>> -> memref<256xi32, #tpu.memory_space<vmem>>
      %dma_wait3A_2691 = tpu.memref_slice %arg11[%run_scoped3A_34, %mul3A_22] : memref<16x4096xi32, #tpu.memory_space<vmem_shared>> -> memref<1x256xi32, #tpu.memory_space<vmem_shared>>
      %dma_wait3A_2692 = tpu.memref_squeeze %dma_wait3A_2691 : memref<1x256xi32, #tpu.memory_space<vmem_shared>> -> memref<256xi32, #tpu.memory_space<vmem_shared>>
      tpu.wait_dma2 semaphore(%run_scoped3A_2672 : memref<!tpu.dma_semaphore, #tpu.memory_space<semaphore_mem>>) src(%dma_wait3A_2692 : memref<256xi32, #tpu.memory_space<vmem_shared>>) dst(%dma_wait3A_2690 : memref<256xi32, #tpu.memory_space<vmem>>)
      tpu.yield
    }) : () -> ()
    %run_scoped3A_36 = arith.constant 7 : i32
    %run_scoped3A_37 = arith.constant 7 : i32
    "tpu.region"() ({
      %run_scoped3A_2672 = tpu.sem_alloc : memref<!tpu.dma_semaphore, #tpu.memory_space<semaphore_mem>>
      %dma_start3A_2673 = arith.constant 0 : i32
      %dma_start3A_2674 = tpu.memref_slice %arg12[%run_scoped3A_37, %dma_start3A_2673] : memref<16x256xi32, #tpu.memory_space<vmem>> -> memref<1x256xi32, #tpu.memory_space<vmem>>
      %dma_start3A_2675 = tpu.memref_squeeze %dma_start3A_2674 : memref<1x256xi32, #tpu.memory_space<vmem>> -> memref<256xi32, #tpu.memory_space<vmem>>
      %dma_start3A_2676 = tpu.memref_slice %arg11[%run_scoped3A_36, %mul3A_22] : memref<16x4096xi32, #tpu.memory_space<vmem_shared>> -> memref<1x256xi32, #tpu.memory_space<vmem_shared>>
      %dma_start3A_2677 = tpu.memref_squeeze %dma_start3A_2676 : memref<1x256xi32, #tpu.memory_space<vmem_shared>> -> memref<256xi32, #tpu.memory_space<vmem_shared>>
      %dma_start3A_2678 = arith.constant 0 : i32
      %dma_start3A_2679 = tpu.memref_slice %arg12[%run_scoped3A_37, %dma_start3A_2678] : memref<16x256xi32, #tpu.memory_space<vmem>> -> memref<1x256xi32, #tpu.memory_space<vmem>>
      %dma_start3A_2680 = tpu.memref_squeeze %dma_start3A_2679 : memref<1x256xi32, #tpu.memory_space<vmem>> -> memref<256xi32, #tpu.memory_space<vmem>>
      %dma_start3A_2681 = tpu.memref_slice %arg11[%run_scoped3A_36, %mul3A_22] : memref<16x4096xi32, #tpu.memory_space<vmem_shared>> -> memref<1x256xi32, #tpu.memory_space<vmem_shared>>
      %dma_start3A_2682 = tpu.memref_squeeze %dma_start3A_2681 : memref<1x256xi32, #tpu.memory_space<vmem_shared>> -> memref<256xi32, #tpu.memory_space<vmem_shared>>
      tpu.enqueue_dma source(%dma_start3A_2682 : memref<256xi32, #tpu.memory_space<vmem_shared>>) target(%dma_start3A_2680 : memref<256xi32, #tpu.memory_space<vmem>>) target_semaphore(%run_scoped3A_2672 : memref<!tpu.dma_semaphore, #tpu.memory_space<semaphore_mem>>)
      %dma_wait3A_2683 = arith.constant 0 : i32
      %dma_wait3A_2684 = tpu.memref_slice %arg12[%run_scoped3A_37, %dma_wait3A_2683] : memref<16x256xi32, #tpu.memory_space<vmem>> -> memref<1x256xi32, #tpu.memory_space<vmem>>
      %dma_wait3A_2685 = tpu.memref_squeeze %dma_wait3A_2684 : memref<1x256xi32, #tpu.memory_space<vmem>> -> memref<256xi32, #tpu.memory_space<vmem>>
      %dma_wait3A_2686 = tpu.memref_slice %arg11[%run_scoped3A_36, %mul3A_22] : memref<16x4096xi32, #tpu.memory_space<vmem_shared>> -> memref<1x256xi32, #tpu.memory_space<vmem_shared>>
      %dma_wait3A_2687 = tpu.memref_squeeze %dma_wait3A_2686 : memref<1x256xi32, #tpu.memory_space<vmem_shared>> -> memref<256xi32, #tpu.memory_space<vmem_shared>>
      %dma_wait3A_2688 = arith.constant 0 : i32
      %dma_wait3A_2689 = tpu.memref_slice %arg12[%run_scoped3A_37, %dma_wait3A_2688] : memref<16x256xi32, #tpu.memory_space<vmem>> -> memref<1x256xi32, #tpu.memory_space<vmem>>
      %dma_wait3A_2690 = tpu.memref_squeeze %dma_wait3A_2689 : memref<1x256xi32, #tpu.memory_space<vmem>> -> memref<256xi32, #tpu.memory_space<vmem>>
      %dma_wait3A_2691 = tpu.memref_slice %arg11[%run_scoped3A_36, %mul3A_22] : memref<16x4096xi32, #tpu.memory_space<vmem_shared>> -> memref<1x256xi32, #tpu.memory_space<vmem_shared>>
      %dma_wait3A_2692 = tpu.memref_squeeze %dma_wait3A_2691 : memref<1x256xi32, #tpu.memory_space<vmem_shared>> -> memref<256xi32, #tpu.memory_space<vmem_shared>>
      tpu.wait_dma2 semaphore(%run_scoped3A_2672 : memref<!tpu.dma_semaphore, #tpu.memory_space<semaphore_mem>>) src(%dma_wait3A_2692 : memref<256xi32, #tpu.memory_space<vmem_shared>>) dst(%dma_wait3A_2690 : memref<256xi32, #tpu.memory_space<vmem>>)
      tpu.yield
    }) : () -> ()
    %run_scoped3A_38 = arith.constant 8 : i32
    %run_scoped3A_39 = arith.constant 8 : i32
    "tpu.region"() ({
      %run_scoped3A_2672 = tpu.sem_alloc : memref<!tpu.dma_semaphore, #tpu.memory_space<semaphore_mem>>
      %dma_start3A_2673 = arith.constant 0 : i32
      %dma_start3A_2674 = tpu.memref_slice %arg12[%run_scoped3A_39, %dma_start3A_2673] : memref<16x256xi32, #tpu.memory_space<vmem>> -> memref<1x256xi32, #tpu.memory_space<vmem>>
      %dma_start3A_2675 = tpu.memref_squeeze %dma_start3A_2674 : memref<1x256xi32, #tpu.memory_space<vmem>> -> memref<256xi32, #tpu.memory_space<vmem>>
      %dma_start3A_2676 = tpu.memref_slice %arg11[%run_scoped3A_38, %mul3A_22] : memref<16x4096xi32, #tpu.memory_space<vmem_shared>> -> memref<1x256xi32, #tpu.memory_space<vmem_shared>>
      %dma_start3A_2677 = tpu.memref_squeeze %dma_start3A_2676 : memref<1x256xi32, #tpu.memory_space<vmem_shared>> -> memref<256xi32, #tpu.memory_space<vmem_shared>>
      %dma_start3A_2678 = arith.constant 0 : i32
      %dma_start3A_2679 = tpu.memref_slice %arg12[%run_scoped3A_39, %dma_start3A_2678] : memref<16x256xi32, #tpu.memory_space<vmem>> -> memref<1x256xi32, #tpu.memory_space<vmem>>
      %dma_start3A_2680 = tpu.memref_squeeze %dma_start3A_2679 : memref<1x256xi32, #tpu.memory_space<vmem>> -> memref<256xi32, #tpu.memory_space<vmem>>
      %dma_start3A_2681 = tpu.memref_slice %arg11[%run_scoped3A_38, %mul3A_22] : memref<16x4096xi32, #tpu.memory_space<vmem_shared>> -> memref<1x256xi32, #tpu.memory_space<vmem_shared>>
      %dma_start3A_2682 = tpu.memref_squeeze %dma_start3A_2681 : memref<1x256xi32, #tpu.memory_space<vmem_shared>> -> memref<256xi32, #tpu.memory_space<vmem_shared>>
      tpu.enqueue_dma source(%dma_start3A_2682 : memref<256xi32, #tpu.memory_space<vmem_shared>>) target(%dma_start3A_2680 : memref<256xi32, #tpu.memory_space<vmem>>) target_semaphore(%run_scoped3A_2672 : memref<!tpu.dma_semaphore, #tpu.memory_space<semaphore_mem>>)
      %dma_wait3A_2683 = arith.constant 0 : i32
      %dma_wait3A_2684 = tpu.memref_slice %arg12[%run_scoped3A_39, %dma_wait3A_2683] : memref<16x256xi32, #tpu.memory_space<vmem>> -> memref<1x256xi32, #tpu.memory_space<vmem>>
      %dma_wait3A_2685 = tpu.memref_squeeze %dma_wait3A_2684 : memref<1x256xi32, #tpu.memory_space<vmem>> -> memref<256xi32, #tpu.memory_space<vmem>>
      %dma_wait3A_2686 = tpu.memref_slice %arg11[%run_scoped3A_38, %mul3A_22] : memref<16x4096xi32, #tpu.memory_space<vmem_shared>> -> memref<1x256xi32, #tpu.memory_space<vmem_shared>>
      %dma_wait3A_2687 = tpu.memref_squeeze %dma_wait3A_2686 : memref<1x256xi32, #tpu.memory_space<vmem_shared>> -> memref<256xi32, #tpu.memory_space<vmem_shared>>
      %dma_wait3A_2688 = arith.constant 0 : i32
      %dma_wait3A_2689 = tpu.memref_slice %arg12[%run_scoped3A_39, %dma_wait3A_2688] : memref<16x256xi32, #tpu.memory_space<vmem>> -> memref<1x256xi32, #tpu.memory_space<vmem>>
      %dma_wait3A_2690 = tpu.memref_squeeze %dma_wait3A_2689 : memref<1x256xi32, #tpu.memory_space<vmem>> -> memref<256xi32, #tpu.memory_space<vmem>>
      %dma_wait3A_2691 = tpu.memref_slice %arg11[%run_scoped3A_38, %mul3A_22] : memref<16x4096xi32, #tpu.memory_space<vmem_shared>> -> memref<1x256xi32, #tpu.memory_space<vmem_shared>>
      %dma_wait3A_2692 = tpu.memref_squeeze %dma_wait3A_2691 : memref<1x256xi32, #tpu.memory_space<vmem_shared>> -> memref<256xi32, #tpu.memory_space<vmem_shared>>
      tpu.wait_dma2 semaphore(%run_scoped3A_2672 : memref<!tpu.dma_semaphore, #tpu.memory_space<semaphore_mem>>) src(%dma_wait3A_2692 : memref<256xi32, #tpu.memory_space<vmem_shared>>) dst(%dma_wait3A_2690 : memref<256xi32, #tpu.memory_space<vmem>>)
      tpu.yield
    }) : () -> ()
    %run_scoped3A_40 = arith.constant 9 : i32
    %run_scoped3A_41 = arith.constant 9 : i32
    "tpu.region"() ({
      %run_scoped3A_2672 = tpu.sem_alloc : memref<!tpu.dma_semaphore, #tpu.memory_space<semaphore_mem>>
      %dma_start3A_2673 = arith.constant 0 : i32
      %dma_start3A_2674 = tpu.memref_slice %arg12[%run_scoped3A_41, %dma_start3A_2673] : memref<16x256xi32, #tpu.memory_space<vmem>> -> memref<1x256xi32, #tpu.memory_space<vmem>>
      %dma_start3A_2675 = tpu.memref_squeeze %dma_start3A_2674 : memref<1x256xi32, #tpu.memory_space<vmem>> -> memref<256xi32, #tpu.memory_space<vmem>>
      %dma_start3A_2676 = tpu.memref_slice %arg11[%run_scoped3A_40, %mul3A_22] : memref<16x4096xi32, #tpu.memory_space<vmem_shared>> -> memref<1x256xi32, #tpu.memory_space<vmem_shared>>
      %dma_start3A_2677 = tpu.memref_squeeze %dma_start3A_2676 : memref<1x256xi32, #tpu.memory_space<vmem_shared>> -> memref<256xi32, #tpu.memory_space<vmem_shared>>
      %dma_start3A_2678 = arith.constant 0 : i32
      %dma_start3A_2679 = tpu.memref_slice %arg12[%run_scoped3A_41, %dma_start3A_2678] : memref<16x256xi32, #tpu.memory_space<vmem>> -> memref<1x256xi32, #tpu.memory_space<vmem>>
      %dma_start3A_2680 = tpu.memref_squeeze %dma_start3A_2679 : memref<1x256xi32, #tpu.memory_space<vmem>> -> memref<256xi32, #tpu.memory_space<vmem>>
      %dma_start3A_2681 = tpu.memref_slice %arg11[%run_scoped3A_40, %mul3A_22] : memref<16x4096xi32, #tpu.memory_space<vmem_shared>> -> memref<1x256xi32, #tpu.memory_space<vmem_shared>>
      %dma_start3A_2682 = tpu.memref_squeeze %dma_start3A_2681 : memref<1x256xi32, #tpu.memory_space<vmem_shared>> -> memref<256xi32, #tpu.memory_space<vmem_shared>>
      tpu.enqueue_dma source(%dma_start3A_2682 : memref<256xi32, #tpu.memory_space<vmem_shared>>) target(%dma_start3A_2680 : memref<256xi32, #tpu.memory_space<vmem>>) target_semaphore(%run_scoped3A_2672 : memref<!tpu.dma_semaphore, #tpu.memory_space<semaphore_mem>>)
      %dma_wait3A_2683 = arith.constant 0 : i32
      %dma_wait3A_2684 = tpu.memref_slice %arg12[%run_scoped3A_41, %dma_wait3A_2683] : memref<16x256xi32, #tpu.memory_space<vmem>> -> memref<1x256xi32, #tpu.memory_space<vmem>>
      %dma_wait3A_2685 = tpu.memref_squeeze %dma_wait3A_2684 : memref<1x256xi32, #tpu.memory_space<vmem>> -> memref<256xi32, #tpu.memory_space<vmem>>
      %dma_wait3A_2686 = tpu.memref_slice %arg11[%run_scoped3A_40, %mul3A_22] : memref<16x4096xi32, #tpu.memory_space<vmem_shared>> -> memref<1x256xi32, #tpu.memory_space<vmem_shared>>
      %dma_wait3A_2687 = tpu.memref_squeeze %dma_wait3A_2686 : memref<1x256xi32, #tpu.memory_space<vmem_shared>> -> memref<256xi32, #tpu.memory_space<vmem_shared>>
      %dma_wait3A_2688 = arith.constant 0 : i32
      %dma_wait3A_2689 = tpu.memref_slice %arg12[%run_scoped3A_41, %dma_wait3A_2688] : memref<16x256xi32, #tpu.memory_space<vmem>> -> memref<1x256xi32, #tpu.memory_space<vmem>>
      %dma_wait3A_2690 = tpu.memref_squeeze %dma_wait3A_2689 : memref<1x256xi32, #tpu.memory_space<vmem>> -> memref<256xi32, #tpu.memory_space<vmem>>
      %dma_wait3A_2691 = tpu.memref_slice %arg11[%run_scoped3A_40, %mul3A_22] : memref<16x4096xi32, #tpu.memory_space<vmem_shared>> -> memref<1x256xi32, #tpu.memory_space<vmem_shared>>
      %dma_wait3A_2692 = tpu.memref_squeeze %dma_wait3A_2691 : memref<1x256xi32, #tpu.memory_space<vmem_shared>> -> memref<256xi32, #tpu.memory_space<vmem_shared>>
      tpu.wait_dma2 semaphore(%run_scoped3A_2672 : memref<!tpu.dma_semaphore, #tpu.memory_space<semaphore_mem>>) src(%dma_wait3A_2692 : memref<256xi32, #tpu.memory_space<vmem_shared>>) dst(%dma_wait3A_2690 : memref<256xi32, #tpu.memory_space<vmem>>)
      tpu.yield
    }) : () -> ()
    %run_scoped3A_42 = arith.constant 10 : i32
    %run_scoped3A_43 = arith.constant 10 : i32
    "tpu.region"() ({
      %run_scoped3A_2672 = tpu.sem_alloc : memref<!tpu.dma_semaphore, #tpu.memory_space<semaphore_mem>>
      %dma_start3A_2673 = arith.constant 0 : i32
      %dma_start3A_2674 = tpu.memref_slice %arg12[%run_scoped3A_43, %dma_start3A_2673] : memref<16x256xi32, #tpu.memory_space<vmem>> -> memref<1x256xi32, #tpu.memory_space<vmem>>
      %dma_start3A_2675 = tpu.memref_squeeze %dma_start3A_2674 : memref<1x256xi32, #tpu.memory_space<vmem>> -> memref<256xi32, #tpu.memory_space<vmem>>
      %dma_start3A_2676 = tpu.memref_slice %arg11[%run_scoped3A_42, %mul3A_22] : memref<16x4096xi32, #tpu.memory_space<vmem_shared>> -> memref<1x256xi32, #tpu.memory_space<vmem_shared>>
      %dma_start3A_2677 = tpu.memref_squeeze %dma_start3A_2676 : memref<1x256xi32, #tpu.memory_space<vmem_shared>> -> memref<256xi32, #tpu.memory_space<vmem_shared>>
      %dma_start3A_2678 = arith.constant 0 : i32
      %dma_start3A_2679 = tpu.memref_slice %arg12[%run_scoped3A_43, %dma_start3A_2678] : memref<16x256xi32, #tpu.memory_space<vmem>> -> memref<1x256xi32, #tpu.memory_space<vmem>>
      %dma_start3A_2680 = tpu.memref_squeeze %dma_start3A_2679 : memref<1x256xi32, #tpu.memory_space<vmem>> -> memref<256xi32, #tpu.memory_space<vmem>>
      %dma_start3A_2681 = tpu.memref_slice %arg11[%run_scoped3A_42, %mul3A_22] : memref<16x4096xi32, #tpu.memory_space<vmem_shared>> -> memref<1x256xi32, #tpu.memory_space<vmem_shared>>
      %dma_start3A_2682 = tpu.memref_squeeze %dma_start3A_2681 : memref<1x256xi32, #tpu.memory_space<vmem_shared>> -> memref<256xi32, #tpu.memory_space<vmem_shared>>
      tpu.enqueue_dma source(%dma_start3A_2682 : memref<256xi32, #tpu.memory_space<vmem_shared>>) target(%dma_start3A_2680 : memref<256xi32, #tpu.memory_space<vmem>>) target_semaphore(%run_scoped3A_2672 : memref<!tpu.dma_semaphore, #tpu.memory_space<semaphore_mem>>)
      %dma_wait3A_2683 = arith.constant 0 : i32
      %dma_wait3A_2684 = tpu.memref_slice %arg12[%run_scoped3A_43, %dma_wait3A_2683] : memref<16x256xi32, #tpu.memory_space<vmem>> -> memref<1x256xi32, #tpu.memory_space<vmem>>
      %dma_wait3A_2685 = tpu.memref_squeeze %dma_wait3A_2684 : memref<1x256xi32, #tpu.memory_space<vmem>> -> memref<256xi32, #tpu.memory_space<vmem>>
      %dma_wait3A_2686 = tpu.memref_slice %arg11[%run_scoped3A_42, %mul3A_22] : memref<16x4096xi32, #tpu.memory_space<vmem_shared>> -> memref<1x256xi32, #tpu.memory_space<vmem_shared>>
      %dma_wait3A_2687 = tpu.memref_squeeze %dma_wait3A_2686 : memref<1x256xi32, #tpu.memory_space<vmem_shared>> -> memref<256xi32, #tpu.memory_space<vmem_shared>>
      %dma_wait3A_2688 = arith.constant 0 : i32
      %dma_wait3A_2689 = tpu.memref_slice %arg12[%run_scoped3A_43, %dma_wait3A_2688] : memref<16x256xi32, #tpu.memory_space<vmem>> -> memref<1x256xi32, #tpu.memory_space<vmem>>
      %dma_wait3A_2690 = tpu.memref_squeeze %dma_wait3A_2689 : memref<1x256xi32, #tpu.memory_space<vmem>> -> memref<256xi32, #tpu.memory_space<vmem>>
      %dma_wait3A_2691 = tpu.memref_slice %arg11[%run_scoped3A_42, %mul3A_22] : memref<16x4096xi32, #tpu.memory_space<vmem_shared>> -> memref<1x256xi32, #tpu.memory_space<vmem_shared>>
      %dma_wait3A_2692 = tpu.memref_squeeze %dma_wait3A_2691 : memref<1x256xi32, #tpu.memory_space<vmem_shared>> -> memref<256xi32, #tpu.memory_space<vmem_shared>>
      tpu.wait_dma2 semaphore(%run_scoped3A_2672 : memref<!tpu.dma_semaphore, #tpu.memory_space<semaphore_mem>>) src(%dma_wait3A_2692 : memref<256xi32, #tpu.memory_space<vmem_shared>>) dst(%dma_wait3A_2690 : memref<256xi32, #tpu.memory_space<vmem>>)
      tpu.yield
    }) : () -> ()
    %run_scoped3A_44 = arith.constant 11 : i32
    %run_scoped3A_45 = arith.constant 11 : i32
    "tpu.region"() ({
      %run_scoped3A_2672 = tpu.sem_alloc : memref<!tpu.dma_semaphore, #tpu.memory_space<semaphore_mem>>
      %dma_start3A_2673 = arith.constant 0 : i32
      %dma_start3A_2674 = tpu.memref_slice %arg12[%run_scoped3A_45, %dma_start3A_2673] : memref<16x256xi32, #tpu.memory_space<vmem>> -> memref<1x256xi32, #tpu.memory_space<vmem>>
      %dma_start3A_2675 = tpu.memref_squeeze %dma_start3A_2674 : memref<1x256xi32, #tpu.memory_space<vmem>> -> memref<256xi32, #tpu.memory_space<vmem>>
      %dma_start3A_2676 = tpu.memref_slice %arg11[%run_scoped3A_44, %mul3A_22] : memref<16x4096xi32, #tpu.memory_space<vmem_shared>> -> memref<1x256xi32, #tpu.memory_space<vmem_shared>>
      %dma_start3A_2677 = tpu.memref_squeeze %dma_start3A_2676 : memref<1x256xi32, #tpu.memory_space<vmem_shared>> -> memref<256xi32, #tpu.memory_space<vmem_shared>>
      %dma_start3A_2678 = arith.constant 0 : i32
      %dma_start3A_2679 = tpu.memref_slice %arg12[%run_scoped3A_45, %dma_start3A_2678] : memref<16x256xi32, #tpu.memory_space<vmem>> -> memref<1x256xi32, #tpu.memory_space<vmem>>
      %dma_start3A_2680 = tpu.memref_squeeze %dma_start3A_2679 : memref<1x256xi32, #tpu.memory_space<vmem>> -> memref<256xi32, #tpu.memory_space<vmem>>
      %dma_start3A_2681 = tpu.memref_slice %arg11[%run_scoped3A_44, %mul3A_22] : memref<16x4096xi32, #tpu.memory_space<vmem_shared>> -> memref<1x256xi32, #tpu.memory_space<vmem_shared>>
      %dma_start3A_2682 = tpu.memref_squeeze %dma_start3A_2681 : memref<1x256xi32, #tpu.memory_space<vmem_shared>> -> memref<256xi32, #tpu.memory_space<vmem_shared>>
      tpu.enqueue_dma source(%dma_start3A_2682 : memref<256xi32, #tpu.memory_space<vmem_shared>>) target(%dma_start3A_2680 : memref<256xi32, #tpu.memory_space<vmem>>) target_semaphore(%run_scoped3A_2672 : memref<!tpu.dma_semaphore, #tpu.memory_space<semaphore_mem>>)
      %dma_wait3A_2683 = arith.constant 0 : i32
      %dma_wait3A_2684 = tpu.memref_slice %arg12[%run_scoped3A_45, %dma_wait3A_2683] : memref<16x256xi32, #tpu.memory_space<vmem>> -> memref<1x256xi32, #tpu.memory_space<vmem>>
      %dma_wait3A_2685 = tpu.memref_squeeze %dma_wait3A_2684 : memref<1x256xi32, #tpu.memory_space<vmem>> -> memref<256xi32, #tpu.memory_space<vmem>>
      %dma_wait3A_2686 = tpu.memref_slice %arg11[%run_scoped3A_44, %mul3A_22] : memref<16x4096xi32, #tpu.memory_space<vmem_shared>> -> memref<1x256xi32, #tpu.memory_space<vmem_shared>>
      %dma_wait3A_2687 = tpu.memref_squeeze %dma_wait3A_2686 : memref<1x256xi32, #tpu.memory_space<vmem_shared>> -> memref<256xi32, #tpu.memory_space<vmem_shared>>
      %dma_wait3A_2688 = arith.constant 0 : i32
      %dma_wait3A_2689 = tpu.memref_slice %arg12[%run_scoped3A_45, %dma_wait3A_2688] : memref<16x256xi32, #tpu.memory_space<vmem>> -> memref<1x256xi32, #tpu.memory_space<vmem>>
      %dma_wait3A_2690 = tpu.memref_squeeze %dma_wait3A_2689 : memref<1x256xi32, #tpu.memory_space<vmem>> -> memref<256xi32, #tpu.memory_space<vmem>>
      %dma_wait3A_2691 = tpu.memref_slice %arg11[%run_scoped3A_44, %mul3A_22] : memref<16x4096xi32, #tpu.memory_space<vmem_shared>> -> memref<1x256xi32, #tpu.memory_space<vmem_shared>>
      %dma_wait3A_2692 = tpu.memref_squeeze %dma_wait3A_2691 : memref<1x256xi32, #tpu.memory_space<vmem_shared>> -> memref<256xi32, #tpu.memory_space<vmem_shared>>
      tpu.wait_dma2 semaphore(%run_scoped3A_2672 : memref<!tpu.dma_semaphore, #tpu.memory_space<semaphore_mem>>) src(%dma_wait3A_2692 : memref<256xi32, #tpu.memory_space<vmem_shared>>) dst(%dma_wait3A_2690 : memref<256xi32, #tpu.memory_space<vmem>>)
      tpu.yield
    }) : () -> ()
    %run_scoped3A_46 = arith.constant 12 : i32
    %run_scoped3A_47 = arith.constant 12 : i32
    "tpu.region"() ({
      %run_scoped3A_2672 = tpu.sem_alloc : memref<!tpu.dma_semaphore, #tpu.memory_space<semaphore_mem>>
      %dma_start3A_2673 = arith.constant 0 : i32
      %dma_start3A_2674 = tpu.memref_slice %arg12[%run_scoped3A_47, %dma_start3A_2673] : memref<16x256xi32, #tpu.memory_space<vmem>> -> memref<1x256xi32, #tpu.memory_space<vmem>>
      %dma_start3A_2675 = tpu.memref_squeeze %dma_start3A_2674 : memref<1x256xi32, #tpu.memory_space<vmem>> -> memref<256xi32, #tpu.memory_space<vmem>>
      %dma_start3A_2676 = tpu.memref_slice %arg11[%run_scoped3A_46, %mul3A_22] : memref<16x4096xi32, #tpu.memory_space<vmem_shared>> -> memref<1x256xi32, #tpu.memory_space<vmem_shared>>
      %dma_start3A_2677 = tpu.memref_squeeze %dma_start3A_2676 : memref<1x256xi32, #tpu.memory_space<vmem_shared>> -> memref<256xi32, #tpu.memory_space<vmem_shared>>
      %dma_start3A_2678 = arith.constant 0 : i32
      %dma_start3A_2679 = tpu.memref_slice %arg12[%run_scoped3A_47, %dma_start3A_2678] : memref<16x256xi32, #tpu.memory_space<vmem>> -> memref<1x256xi32, #tpu.memory_space<vmem>>
      %dma_start3A_2680 = tpu.memref_squeeze %dma_start3A_2679 : memref<1x256xi32, #tpu.memory_space<vmem>> -> memref<256xi32, #tpu.memory_space<vmem>>
      %dma_start3A_2681 = tpu.memref_slice %arg11[%run_scoped3A_46, %mul3A_22] : memref<16x4096xi32, #tpu.memory_space<vmem_shared>> -> memref<1x256xi32, #tpu.memory_space<vmem_shared>>
      %dma_start3A_2682 = tpu.memref_squeeze %dma_start3A_2681 : memref<1x256xi32, #tpu.memory_space<vmem_shared>> -> memref<256xi32, #tpu.memory_space<vmem_shared>>
      tpu.enqueue_dma source(%dma_start3A_2682 : memref<256xi32, #tpu.memory_space<vmem_shared>>) target(%dma_start3A_2680 : memref<256xi32, #tpu.memory_space<vmem>>) target_semaphore(%run_scoped3A_2672 : memref<!tpu.dma_semaphore, #tpu.memory_space<semaphore_mem>>)
      %dma_wait3A_2683 = arith.constant 0 : i32
      %dma_wait3A_2684 = tpu.memref_slice %arg12[%run_scoped3A_47, %dma_wait3A_2683] : memref<16x256xi32, #tpu.memory_space<vmem>> -> memref<1x256xi32, #tpu.memory_space<vmem>>
      %dma_wait3A_2685 = tpu.memref_squeeze %dma_wait3A_2684 : memref<1x256xi32, #tpu.memory_space<vmem>> -> memref<256xi32, #tpu.memory_space<vmem>>
      %dma_wait3A_2686 = tpu.memref_slice %arg11[%run_scoped3A_46, %mul3A_22] : memref<16x4096xi32, #tpu.memory_space<vmem_shared>> -> memref<1x256xi32, #tpu.memory_space<vmem_shared>>
      %dma_wait3A_2687 = tpu.memref_squeeze %dma_wait3A_2686 : memref<1x256xi32, #tpu.memory_space<vmem_shared>> -> memref<256xi32, #tpu.memory_space<vmem_shared>>
      %dma_wait3A_2688 = arith.constant 0 : i32
      %dma_wait3A_2689 = tpu.memref_slice %arg12[%run_scoped3A_47, %dma_wait3A_2688] : memref<16x256xi32, #tpu.memory_space<vmem>> -> memref<1x256xi32, #tpu.memory_space<vmem>>
      %dma_wait3A_2690 = tpu.memref_squeeze %dma_wait3A_2689 : memref<1x256xi32, #tpu.memory_space<vmem>> -> memref<256xi32, #tpu.memory_space<vmem>>
      %dma_wait3A_2691 = tpu.memref_slice %arg11[%run_scoped3A_46, %mul3A_22] : memref<16x4096xi32, #tpu.memory_space<vmem_shared>> -> memref<1x256xi32, #tpu.memory_space<vmem_shared>>
      %dma_wait3A_2692 = tpu.memref_squeeze %dma_wait3A_2691 : memref<1x256xi32, #tpu.memory_space<vmem_shared>> -> memref<256xi32, #tpu.memory_space<vmem_shared>>
      tpu.wait_dma2 semaphore(%run_scoped3A_2672 : memref<!tpu.dma_semaphore, #tpu.memory_space<semaphore_mem>>) src(%dma_wait3A_2692 : memref<256xi32, #tpu.memory_space<vmem_shared>>) dst(%dma_wait3A_2690 : memref<256xi32, #tpu.memory_space<vmem>>)
      tpu.yield
    }) : () -> ()
    %run_scoped3A_48 = arith.constant 13 : i32
    %run_scoped3A_49 = arith.constant 13 : i32
    "tpu.region"() ({
      %run_scoped3A_2672 = tpu.sem_alloc : memref<!tpu.dma_semaphore, #tpu.memory_space<semaphore_mem>>
      %dma_start3A_2673 = arith.constant 0 : i32
      %dma_start3A_2674 = tpu.memref_slice %arg12[%run_scoped3A_49, %dma_start3A_2673] : memref<16x256xi32, #tpu.memory_space<vmem>> -> memref<1x256xi32, #tpu.memory_space<vmem>>
      %dma_start3A_2675 = tpu.memref_squeeze %dma_start3A_2674 : memref<1x256xi32, #tpu.memory_space<vmem>> -> memref<256xi32, #tpu.memory_space<vmem>>
      %dma_start3A_2676 = tpu.memref_slice %arg11[%run_scoped3A_48, %mul3A_22] : memref<16x4096xi32, #tpu.memory_space<vmem_shared>> -> memref<1x256xi32, #tpu.memory_space<vmem_shared>>
      %dma_start3A_2677 = tpu.memref_squeeze %dma_start3A_2676 : memref<1x256xi32, #tpu.memory_space<vmem_shared>> -> memref<256xi32, #tpu.memory_space<vmem_shared>>
      %dma_start3A_2678 = arith.constant 0 : i32
      %dma_start3A_2679 = tpu.memref_slice %arg12[%run_scoped3A_49, %dma_start3A_2678] : memref<16x256xi32, #tpu.memory_space<vmem>> -> memref<1x256xi32, #tpu.memory_space<vmem>>
      %dma_start3A_2680 = tpu.memref_squeeze %dma_start3A_2679 : memref<1x256xi32, #tpu.memory_space<vmem>> -> memref<256xi32, #tpu.memory_space<vmem>>
      %dma_start3A_2681 = tpu.memref_slice %arg11[%run_scoped3A_48, %mul3A_22] : memref<16x4096xi32, #tpu.memory_space<vmem_shared>> -> memref<1x256xi32, #tpu.memory_space<vmem_shared>>
      %dma_start3A_2682 = tpu.memref_squeeze %dma_start3A_2681 : memref<1x256xi32, #tpu.memory_space<vmem_shared>> -> memref<256xi32, #tpu.memory_space<vmem_shared>>
      tpu.enqueue_dma source(%dma_start3A_2682 : memref<256xi32, #tpu.memory_space<vmem_shared>>) target(%dma_start3A_2680 : memref<256xi32, #tpu.memory_space<vmem>>) target_semaphore(%run_scoped3A_2672 : memref<!tpu.dma_semaphore, #tpu.memory_space<semaphore_mem>>)
      %dma_wait3A_2683 = arith.constant 0 : i32
      %dma_wait3A_2684 = tpu.memref_slice %arg12[%run_scoped3A_49, %dma_wait3A_2683] : memref<16x256xi32, #tpu.memory_space<vmem>> -> memref<1x256xi32, #tpu.memory_space<vmem>>
      %dma_wait3A_2685 = tpu.memref_squeeze %dma_wait3A_2684 : memref<1x256xi32, #tpu.memory_space<vmem>> -> memref<256xi32, #tpu.memory_space<vmem>>
      %dma_wait3A_2686 = tpu.memref_slice %arg11[%run_scoped3A_48, %mul3A_22] : memref<16x4096xi32, #tpu.memory_space<vmem_shared>> -> memref<1x256xi32, #tpu.memory_space<vmem_shared>>
      %dma_wait3A_2687 = tpu.memref_squeeze %dma_wait3A_2686 : memref<1x256xi32, #tpu.memory_space<vmem_shared>> -> memref<256xi32, #tpu.memory_space<vmem_shared>>
      %dma_wait3A_2688 = arith.constant 0 : i32
      %dma_wait3A_2689 = tpu.memref_slice %arg12[%run_scoped3A_49, %dma_wait3A_2688] : memref<16x256xi32, #tpu.memory_space<vmem>> -> memref<1x256xi32, #tpu.memory_space<vmem>>
      %dma_wait3A_2690 = tpu.memref_squeeze %dma_wait3A_2689 : memref<1x256xi32, #tpu.memory_space<vmem>> -> memref<256xi32, #tpu.memory_space<vmem>>
      %dma_wait3A_2691 = tpu.memref_slice %arg11[%run_scoped3A_48, %mul3A_22] : memref<16x4096xi32, #tpu.memory_space<vmem_shared>> -> memref<1x256xi32, #tpu.memory_space<vmem_shared>>
      %dma_wait3A_2692 = tpu.memref_squeeze %dma_wait3A_2691 : memref<1x256xi32, #tpu.memory_space<vmem_shared>> -> memref<256xi32, #tpu.memory_space<vmem_shared>>
      tpu.wait_dma2 semaphore(%run_scoped3A_2672 : memref<!tpu.dma_semaphore, #tpu.memory_space<semaphore_mem>>) src(%dma_wait3A_2692 : memref<256xi32, #tpu.memory_space<vmem_shared>>) dst(%dma_wait3A_2690 : memref<256xi32, #tpu.memory_space<vmem>>)
      tpu.yield
    }) : () -> ()
    %run_scoped3A_50 = arith.constant 14 : i32
    %run_scoped3A_51 = arith.constant 14 : i32
    "tpu.region"() ({
      %run_scoped3A_2672 = tpu.sem_alloc : memref<!tpu.dma_semaphore, #tpu.memory_space<semaphore_mem>>
      %dma_start3A_2673 = arith.constant 0 : i32
      %dma_start3A_2674 = tpu.memref_slice %arg12[%run_scoped3A_51, %dma_start3A_2673] : memref<16x256xi32, #tpu.memory_space<vmem>> -> memref<1x256xi32, #tpu.memory_space<vmem>>
      %dma_start3A_2675 = tpu.memref_squeeze %dma_start3A_2674 : memref<1x256xi32, #tpu.memory_space<vmem>> -> memref<256xi32, #tpu.memory_space<vmem>>
      %dma_start3A_2676 = tpu.memref_slice %arg11[%run_scoped3A_50, %mul3A_22] : memref<16x4096xi32, #tpu.memory_space<vmem_shared>> -> memref<1x256xi32, #tpu.memory_space<vmem_shared>>
      %dma_start3A_2677 = tpu.memref_squeeze %dma_start3A_2676 : memref<1x256xi32, #tpu.memory_space<vmem_shared>> -> memref<256xi32, #tpu.memory_space<vmem_shared>>
      %dma_start3A_2678 = arith.constant 0 : i32
      %dma_start3A_2679 = tpu.memref_slice %arg12[%run_scoped3A_51, %dma_start3A_2678] : memref<16x256xi32, #tpu.memory_space<vmem>> -> memref<1x256xi32, #tpu.memory_space<vmem>>
      %dma_start3A_2680 = tpu.memref_squeeze %dma_start3A_2679 : memref<1x256xi32, #tpu.memory_space<vmem>> -> memref<256xi32, #tpu.memory_space<vmem>>
      %dma_start3A_2681 = tpu.memref_slice %arg11[%run_scoped3A_50, %mul3A_22] : memref<16x4096xi32, #tpu.memory_space<vmem_shared>> -> memref<1x256xi32, #tpu.memory_space<vmem_shared>>
      %dma_start3A_2682 = tpu.memref_squeeze %dma_start3A_2681 : memref<1x256xi32, #tpu.memory_space<vmem_shared>> -> memref<256xi32, #tpu.memory_space<vmem_shared>>
      tpu.enqueue_dma source(%dma_start3A_2682 : memref<256xi32, #tpu.memory_space<vmem_shared>>) target(%dma_start3A_2680 : memref<256xi32, #tpu.memory_space<vmem>>) target_semaphore(%run_scoped3A_2672 : memref<!tpu.dma_semaphore, #tpu.memory_space<semaphore_mem>>)
      %dma_wait3A_2683 = arith.constant 0 : i32
      %dma_wait3A_2684 = tpu.memref_slice %arg12[%run_scoped3A_51, %dma_wait3A_2683] : memref<16x256xi32, #tpu.memory_space<vmem>> -> memref<1x256xi32, #tpu.memory_space<vmem>>
      %dma_wait3A_2685 = tpu.memref_squeeze %dma_wait3A_2684 : memref<1x256xi32, #tpu.memory_space<vmem>> -> memref<256xi32, #tpu.memory_space<vmem>>
      %dma_wait3A_2686 = tpu.memref_slice %arg11[%run_scoped3A_50, %mul3A_22] : memref<16x4096xi32, #tpu.memory_space<vmem_shared>> -> memref<1x256xi32, #tpu.memory_space<vmem_shared>>
      %dma_wait3A_2687 = tpu.memref_squeeze %dma_wait3A_2686 : memref<1x256xi32, #tpu.memory_space<vmem_shared>> -> memref<256xi32, #tpu.memory_space<vmem_shared>>
      %dma_wait3A_2688 = arith.constant 0 : i32
      %dma_wait3A_2689 = tpu.memref_slice %arg12[%run_scoped3A_51, %dma_wait3A_2688] : memref<16x256xi32, #tpu.memory_space<vmem>> -> memref<1x256xi32, #tpu.memory_space<vmem>>
      %dma_wait3A_2690 = tpu.memref_squeeze %dma_wait3A_2689 : memref<1x256xi32, #tpu.memory_space<vmem>> -> memref<256xi32, #tpu.memory_space<vmem>>
      %dma_wait3A_2691 = tpu.memref_slice %arg11[%run_scoped3A_50, %mul3A_22] : memref<16x4096xi32, #tpu.memory_space<vmem_shared>> -> memref<1x256xi32, #tpu.memory_space<vmem_shared>>
      %dma_wait3A_2692 = tpu.memref_squeeze %dma_wait3A_2691 : memref<1x256xi32, #tpu.memory_space<vmem_shared>> -> memref<256xi32, #tpu.memory_space<vmem_shared>>
      tpu.wait_dma2 semaphore(%run_scoped3A_2672 : memref<!tpu.dma_semaphore, #tpu.memory_space<semaphore_mem>>) src(%dma_wait3A_2692 : memref<256xi32, #tpu.memory_space<vmem_shared>>) dst(%dma_wait3A_2690 : memref<256xi32, #tpu.memory_space<vmem>>)
      tpu.yield
    }) : () -> ()
    %run_scoped3A_52 = arith.constant 15 : i32
    %run_scoped3A_53 = arith.constant 15 : i32
    "tpu.region"() ({
      %run_scoped3A_2672 = tpu.sem_alloc : memref<!tpu.dma_semaphore, #tpu.memory_space<semaphore_mem>>
      %dma_start3A_2673 = arith.constant 0 : i32
      %dma_start3A_2674 = tpu.memref_slice %arg12[%run_scoped3A_53, %dma_start3A_2673] : memref<16x256xi32, #tpu.memory_space<vmem>> -> memref<1x256xi32, #tpu.memory_space<vmem>>
      %dma_start3A_2675 = tpu.memref_squeeze %dma_start3A_2674 : memref<1x256xi32, #tpu.memory_space<vmem>> -> memref<256xi32, #tpu.memory_space<vmem>>
      %dma_start3A_2676 = tpu.memref_slice %arg11[%run_scoped3A_52, %mul3A_22] : memref<16x4096xi32, #tpu.memory_space<vmem_shared>> -> memref<1x256xi32, #tpu.memory_space<vmem_shared>>
      %dma_start3A_2677 = tpu.memref_squeeze %dma_start3A_2676 : memref<1x256xi32, #tpu.memory_space<vmem_shared>> -> memref<256xi32, #tpu.memory_space<vmem_shared>>
      %dma_start3A_2678 = arith.constant 0 : i32
      %dma_start3A_2679 = tpu.memref_slice %arg12[%run_scoped3A_53, %dma_start3A_2678] : memref<16x256xi32, #tpu.memory_space<vmem>> -> memref<1x256xi32, #tpu.memory_space<vmem>>
      %dma_start3A_2680 = tpu.memref_squeeze %dma_start3A_2679 : memref<1x256xi32, #tpu.memory_space<vmem>> -> memref<256xi32, #tpu.memory_space<vmem>>
      %dma_start3A_2681 = tpu.memref_slice %arg11[%run_scoped3A_52, %mul3A_22] : memref<16x4096xi32, #tpu.memory_space<vmem_shared>> -> memref<1x256xi32, #tpu.memory_space<vmem_shared>>
      %dma_start3A_2682 = tpu.memref_squeeze %dma_start3A_2681 : memref<1x256xi32, #tpu.memory_space<vmem_shared>> -> memref<256xi32, #tpu.memory_space<vmem_shared>>
      tpu.enqueue_dma source(%dma_start3A_2682 : memref<256xi32, #tpu.memory_space<vmem_shared>>) target(%dma_start3A_2680 : memref<256xi32, #tpu.memory_space<vmem>>) target_semaphore(%run_scoped3A_2672 : memref<!tpu.dma_semaphore, #tpu.memory_space<semaphore_mem>>)
      %dma_wait3A_2683 = arith.constant 0 : i32
      %dma_wait3A_2684 = tpu.memref_slice %arg12[%run_scoped3A_53, %dma_wait3A_2683] : memref<16x256xi32, #tpu.memory_space<vmem>> -> memref<1x256xi32, #tpu.memory_space<vmem>>
      %dma_wait3A_2685 = tpu.memref_squeeze %dma_wait3A_2684 : memref<1x256xi32, #tpu.memory_space<vmem>> -> memref<256xi32, #tpu.memory_space<vmem>>
      %dma_wait3A_2686 = tpu.memref_slice %arg11[%run_scoped3A_52, %mul3A_22] : memref<16x4096xi32, #tpu.memory_space<vmem_shared>> -> memref<1x256xi32, #tpu.memory_space<vmem_shared>>
      %dma_wait3A_2687 = tpu.memref_squeeze %dma_wait3A_2686 : memref<1x256xi32, #tpu.memory_space<vmem_shared>> -> memref<256xi32, #tpu.memory_space<vmem_shared>>
      %dma_wait3A_2688 = arith.constant 0 : i32
      %dma_wait3A_2689 = tpu.memref_slice %arg12[%run_scoped3A_53, %dma_wait3A_2688] : memref<16x256xi32, #tpu.memory_space<vmem>> -> memref<1x256xi32, #tpu.memory_space<vmem>>
      %dma_wait3A_2690 = tpu.memref_squeeze %dma_wait3A_2689 : memref<1x256xi32, #tpu.memory_space<vmem>> -> memref<256xi32, #tpu.memory_space<vmem>>
      %dma_wait3A_2691 = tpu.memref_slice %arg11[%run_scoped3A_52, %mul3A_22] : memref<16x4096xi32, #tpu.memory_space<vmem_shared>> -> memref<1x256xi32, #tpu.memory_space<vmem_shared>>
      %dma_wait3A_2692 = tpu.memref_squeeze %dma_wait3A_2691 : memref<1x256xi32, #tpu.memory_space<vmem_shared>> -> memref<256xi32, #tpu.memory_space<vmem_shared>>
      tpu.wait_dma2 semaphore(%run_scoped3A_2672 : memref<!tpu.dma_semaphore, #tpu.memory_space<semaphore_mem>>) src(%dma_wait3A_2692 : memref<256xi32, #tpu.memory_space<vmem_shared>>) dst(%dma_wait3A_2690 : memref<256xi32, #tpu.memory_space<vmem>>)
      tpu.yield
    }) : () -> ()
    %get3A = arith.constant 0 : i32
    %get3A_54 = arith.index_cast %get3A : i32 to index
    %get3A_55 = arith.constant 0 : index
    %get3A_56 = tpu.vector_load %arg12[%get3A_54, %get3A_55] {strides = array<i32>} : memref<16x256xi32, #tpu.memory_space<vmem>>, vector<16xi32>,
    %get3A_57 = arith.constant 1 : i32
    %get3A_58 = arith.index_cast %get3A_57 : i32 to index
    %get3A_59 = arith.constant 0 : index
    %get3A_60 = tpu.vector_load %arg12[%get3A_58, %get3A_59] {strides = array<i32>} : memref<16x256xi32, #tpu.memory_space<vmem>>, vector<16xi32>,
    %max3A = arith.maxsi %get3A_56, %get3A_60 : vector<16xi32>
    %get3A_61 = arith.constant 2 : i32
    %get3A_62 = arith.index_cast %get3A_61 : i32 to index
    %get3A_63 = arith.constant 0 : index
    %get3A_64 = tpu.vector_load %arg12[%get3A_62, %get3A_63] {strides = array<i32>} : memref<16x256xi32, #tpu.memory_space<vmem>>, vector<16xi32>,
    %max3A_65 = arith.maxsi %max3A, %get3A_64 : vector<16xi32>
    %get3A_66 = arith.constant 3 : i32
    %get3A_67 = arith.index_cast %get3A_66 : i32 to index
    %get3A_68 = arith.constant 0 : index
    %get3A_69 = tpu.vector_load %arg12[%get3A_67, %get3A_68] {strides = array<i32>} : memref<16x256xi32, #tpu.memory_space<vmem>>, vector<16xi32>,
    %max3A_70 = arith.maxsi %max3A_65, %get3A_69 : vector<16xi32>
    %get3A_71 = arith.constant 4 : i32
    %get3A_72 = arith.index_cast %get3A_71 : i32 to index
    %get3A_73 = arith.constant 0 : index
    %get3A_74 = tpu.vector_load %arg12[%get3A_72, %get3A_73] {strides = array<i32>} : memref<16x256xi32, #tpu.memory_space<vmem>>, vector<16xi32>,
    %max3A_75 = arith.maxsi %max3A_70, %get3A_74 : vector<16xi32>
    %get3A_76 = arith.constant 5 : i32
    %get3A_77 = arith.index_cast %get3A_76 : i32 to index
    %get3A_78 = arith.constant 0 : index
    %get3A_79 = tpu.vector_load %arg12[%get3A_77, %get3A_78] {strides = array<i32>} : memref<16x256xi32, #tpu.memory_space<vmem>>, vector<16xi32>,
    %max3A_80 = arith.maxsi %max3A_75, %get3A_79 : vector<16xi32>
    %get3A_81 = arith.constant 6 : i32
    %get3A_82 = arith.index_cast %get3A_81 : i32 to index
    %get3A_83 = arith.constant 0 : index
    %get3A_84 = tpu.vector_load %arg12[%get3A_82, %get3A_83] {strides = array<i32>} : memref<16x256xi32, #tpu.memory_space<vmem>>, vector<16xi32>,
    %max3A_85 = arith.maxsi %max3A_80, %get3A_84 : vector<16xi32>
    %get3A_86 = arith.constant 7 : i32
    %get3A_87 = arith.index_cast %get3A_86 : i32 to index
    %get3A_88 = arith.constant 0 : index
    %get3A_89 = tpu.vector_load %arg12[%get3A_87, %get3A_88] {strides = array<i32>} : memref<16x256xi32, #tpu.memory_space<vmem>>, vector<16xi32>,
    %max3A_90 = arith.maxsi %max3A_85, %get3A_89 : vector<16xi32>
    %get3A_91 = arith.constant 8 : i32
    %get3A_92 = arith.index_cast %get3A_91 : i32 to index
    %get3A_93 = arith.constant 0 : index
    %get3A_94 = tpu.vector_load %arg12[%get3A_92, %get3A_93] {strides = array<i32>} : memref<16x256xi32, #tpu.memory_space<vmem>>, vector<16xi32>,
    %max3A_95 = arith.maxsi %max3A_90, %get3A_94 : vector<16xi32>
    %get3A_96 = arith.constant 9 : i32
    %get3A_97 = arith.index_cast %get3A_96 : i32 to index
    %get3A_98 = arith.constant 0 : index
    %get3A_99 = tpu.vector_load %arg12[%get3A_97, %get3A_98] {strides = array<i32>} : memref<16x256xi32, #tpu.memory_space<vmem>>, vector<16xi32>,
    %max3A_100 = arith.maxsi %max3A_95, %get3A_99 : vector<16xi32>
    %get3A_101 = arith.constant 10 : i32
    %get3A_102 = arith.index_cast %get3A_101 : i32 to index
    %get3A_103 = arith.constant 0 : index
    %get3A_104 = tpu.vector_load %arg12[%get3A_102, %get3A_103] {strides = array<i32>} : memref<16x256xi32, #tpu.memory_space<vmem>>, vector<16xi32>,
    %max3A_105 = arith.maxsi %max3A_100, %get3A_104 : vector<16xi32>
    %get3A_106 = arith.constant 11 : i32
    %get3A_107 = arith.index_cast %get3A_106 : i32 to index
    %get3A_108 = arith.constant 0 : index
    %get3A_109 = tpu.vector_load %arg12[%get3A_107, %get3A_108] {strides = array<i32>} : memref<16x256xi32, #tpu.memory_space<vmem>>, vector<16xi32>,
    %max3A_110 = arith.maxsi %max3A_105, %get3A_109 : vector<16xi32>
    %get3A_111 = arith.constant 12 : i32
    %get3A_112 = arith.index_cast %get3A_111 : i32 to index
    %get3A_113 = arith.constant 0 : index
    %get3A_114 = tpu.vector_load %arg12[%get3A_112, %get3A_113] {strides = array<i32>} : memref<16x256xi32, #tpu.memory_space<vmem>>, vector<16xi32>,
    %max3A_115 = arith.maxsi %max3A_110, %get3A_114 : vector<16xi32>
    %get3A_116 = arith.constant 13 : i32
    %get3A_117 = arith.index_cast %get3A_116 : i32 to index
    %get3A_118 = arith.constant 0 : index
    %get3A_119 = tpu.vector_load %arg12[%get3A_117, %get3A_118] {strides = array<i32>} : memref<16x256xi32, #tpu.memory_space<vmem>>, vector<16xi32>,
    %max3A_120 = arith.maxsi %max3A_115, %get3A_119 : vector<16xi32>
    %get3A_121 = arith.constant 14 : i32
    %get3A_122 = arith.index_cast %get3A_121 : i32 to index
    %get3A_123 = arith.constant 0 : index
    %get3A_124 = tpu.vector_load %arg12[%get3A_122, %get3A_123] {strides = array<i32>} : memref<16x256xi32, #tpu.memory_space<vmem>>, vector<16xi32>,
    %max3A_125 = arith.maxsi %max3A_120, %get3A_124 : vector<16xi32>
    %get3A_126 = arith.constant 15 : i32
    %get3A_127 = arith.index_cast %get3A_126 : i32 to index
    %get3A_128 = arith.constant 0 : index
    %get3A_129 = tpu.vector_load %arg12[%get3A_127, %get3A_128] {strides = array<i32>} : memref<16x256xi32, #tpu.memory_space<vmem>>, vector<16xi32>,
    %max3A_130 = arith.maxsi %max3A_125, %get3A_129 : vector<16xi32>
    %swap3A = arith.constant 0 : index
    %swap3A_131 = tpu.vector_load %arg13[%swap3A] {strides = array<i32>} : memref<256xi32, #tpu.memory_space<vmem>>, vector<16xi32>,
    tpu.vector_store %arg13[%swap3A], %max3A_130 {strides = array<i32>} : memref<256xi32, #tpu.memory_space<vmem>>, vector<16xi32>,
    %get3A_132 = arith.constant 0 : i32
    %get3A_133 = arith.index_cast %get3A_132 : i32 to index
    %get3A_134 = arith.constant 16 : index
    %get3A_135 = tpu.vector_load %arg12[%get3A_133, %get3A_134] {strides = array<i32>} : memref<16x256xi32, #tpu.memory_space<vmem>>, vector<16xi32>,
    %get3A_136 = arith.constant 1 : i32
    %get3A_137 = arith.index_cast %get3A_136 : i32 to index
    %get3A_138 = arith.constant 16 : index
    %get3A_139 = tpu.vector_load %arg12[%get3A_137, %get3A_138] {strides = array<i32>} : memref<16x256xi32, #tpu.memory_space<vmem>>, vector<16xi32>,
    %max3A_140 = arith.maxsi %get3A_135, %get3A_139 : vector<16xi32>
    %get3A_141 = arith.constant 2 : i32
    %get3A_142 = arith.index_cast %get3A_141 : i32 to index
    %get3A_143 = arith.constant 16 : index
    %get3A_144 = tpu.vector_load %arg12[%get3A_142, %get3A_143] {strides = array<i32>} : memref<16x256xi32, #tpu.memory_space<vmem>>, vector<16xi32>,
    %max3A_145 = arith.maxsi %max3A_140, %get3A_144 : vector<16xi32>
    %get3A_146 = arith.constant 3 : i32
    %get3A_147 = arith.index_cast %get3A_146 : i32 to index
    %get3A_148 = arith.constant 16 : index
    %get3A_149 = tpu.vector_load %arg12[%get3A_147, %get3A_148] {strides = array<i32>} : memref<16x256xi32, #tpu.memory_space<vmem>>, vector<16xi32>,
    %max3A_150 = arith.maxsi %max3A_145, %get3A_149 : vector<16xi32>
    %get3A_151 = arith.constant 4 : i32
    %get3A_152 = arith.index_cast %get3A_151 : i32 to index
    %get3A_153 = arith.constant 16 : index
    %get3A_154 = tpu.vector_load %arg12[%get3A_152, %get3A_153] {strides = array<i32>} : memref<16x256xi32, #tpu.memory_space<vmem>>, vector<16xi32>,
    %max3A_155 = arith.maxsi %max3A_150, %get3A_154 : vector<16xi32>
    %get3A_156 = arith.constant 5 : i32
    %get3A_157 = arith.index_cast %get3A_156 : i32 to index
    %get3A_158 = arith.constant 16 : index
    %get3A_159 = tpu.vector_load %arg12[%get3A_157, %get3A_158] {strides = array<i32>} : memref<16x256xi32, #tpu.memory_space<vmem>>, vector<16xi32>,
    %max3A_160 = arith.maxsi %max3A_155, %get3A_159 : vector<16xi32>
    %get3A_161 = arith.constant 6 : i32
    %get3A_162 = arith.index_cast %get3A_161 : i32 to index
    %get3A_163 = arith.constant 16 : index
    %get3A_164 = tpu.vector_load %arg12[%get3A_162, %get3A_163] {strides = array<i32>} : memref<16x256xi32, #tpu.memory_space<vmem>>, vector<16xi32>,
    %max3A_165 = arith.maxsi %max3A_160, %get3A_164 : vector<16xi32>
    %get3A_166 = arith.constant 7 : i32
    %get3A_167 = arith.index_cast %get3A_166 : i32 to index
    %get3A_168 = arith.constant 16 : index
    %get3A_169 = tpu.vector_load %arg12[%get3A_167, %get3A_168] {strides = array<i32>} : memref<16x256xi32, #tpu.memory_space<vmem>>, vector<16xi32>,
    %max3A_170 = arith.maxsi %max3A_165, %get3A_169 : vector<16xi32>
    %get3A_171 = arith.constant 8 : i32
    %get3A_172 = arith.index_cast %get3A_171 : i32 to index
    %get3A_173 = arith.constant 16 : index
    %get3A_174 = tpu.vector_load %arg12[%get3A_172, %get3A_173] {strides = array<i32>} : memref<16x256xi32, #tpu.memory_space<vmem>>, vector<16xi32>,
    %max3A_175 = arith.maxsi %max3A_170, %get3A_174 : vector<16xi32>
    %get3A_176 = arith.constant 9 : i32
    %get3A_177 = arith.index_cast %get3A_176 : i32 to index
    %get3A_178 = arith.constant 16 : index
    %get3A_179 = tpu.vector_load %arg12[%get3A_177, %get3A_178] {strides = array<i32>} : memref<16x256xi32, #tpu.memory_space<vmem>>, vector<16xi32>,
    %max3A_180 = arith.maxsi %max3A_175, %get3A_179 : vector<16xi32>
    %get3A_181 = arith.constant 10 : i32
    %get3A_182 = arith.index_cast %get3A_181 : i32 to index
    %get3A_183 = arith.constant 16 : index
    %get3A_184 = tpu.vector_load %arg12[%get3A_182, %get3A_183] {strides = array<i32>} : memref<16x256xi32, #tpu.memory_space<vmem>>, vector<16xi32>,
    %max3A_185 = arith.maxsi %max3A_180, %get3A_184 : vector<16xi32>
    %get3A_186 = arith.constant 11 : i32
    %get3A_187 = arith.index_cast %get3A_186 : i32 to index
    %get3A_188 = arith.constant 16 : index
    %get3A_189 = tpu.vector_load %arg12[%get3A_187, %get3A_188] {strides = array<i32>} : memref<16x256xi32, #tpu.memory_space<vmem>>, vector<16xi32>,
    %max3A_190 = arith.maxsi %max3A_185, %get3A_189 : vector<16xi32>
    %get3A_191 = arith.constant 12 : i32
    %get3A_192 = arith.index_cast %get3A_191 : i32 to index
    %get3A_193 = arith.constant 16 : index
    %get3A_194 = tpu.vector_load %arg12[%get3A_192, %get3A_193] {strides = array<i32>} : memref<16x256xi32, #tpu.memory_space<vmem>>, vector<16xi32>,
    %max3A_195 = arith.maxsi %max3A_190, %get3A_194 : vector<16xi32>
    %get3A_196 = arith.constant 13 : i32
    %get3A_197 = arith.index_cast %get3A_196 : i32 to index
    %get3A_198 = arith.constant 16 : index
    %get3A_199 = tpu.vector_load %arg12[%get3A_197, %get3A_198] {strides = array<i32>} : memref<16x256xi32, #tpu.memory_space<vmem>>, vector<16xi32>,
    %max3A_200 = arith.maxsi %max3A_195, %get3A_199 : vector<16xi32>
    %get3A_201 = arith.constant 14 : i32
    %get3A_202 = arith.index_cast %get3A_201 : i32 to index
    %get3A_203 = arith.constant 16 : index
    %get3A_204 = tpu.vector_load %arg12[%get3A_202, %get3A_203] {strides = array<i32>} : memref<16x256xi32, #tpu.memory_space<vmem>>, vector<16xi32>,
    %max3A_205 = arith.maxsi %max3A_200, %get3A_204 : vector<16xi32>
    %get3A_206 = arith.constant 15 : i32
    %get3A_207 = arith.index_cast %get3A_206 : i32 to index
    %get3A_208 = arith.constant 16 : index
    %get3A_209 = tpu.vector_load %arg12[%get3A_207, %get3A_208] {strides = array<i32>} : memref<16x256xi32, #tpu.memory_space<vmem>>, vector<16xi32>,
    %max3A_210 = arith.maxsi %max3A_205, %get3A_209 : vector<16xi32>
    %swap3A_211 = arith.constant 16 : index
    %swap3A_212 = tpu.vector_load %arg13[%swap3A_211] {strides = array<i32>} : memref<256xi32, #tpu.memory_space<vmem>>, vector<16xi32>,
    tpu.vector_store %arg13[%swap3A_211], %max3A_210 {strides = array<i32>} : memref<256xi32, #tpu.memory_space<vmem>>, vector<16xi32>,
    %get3A_213 = arith.constant 0 : i32
    %get3A_214 = arith.index_cast %get3A_213 : i32 to index
    %get3A_215 = arith.constant 32 : index
    %get3A_216 = tpu.vector_load %arg12[%get3A_214, %get3A_215] {strides = array<i32>} : memref<16x256xi32, #tpu.memory_space<vmem>>, vector<16xi32>,
    %get3A_217 = arith.constant 1 : i32
    %get3A_218 = arith.index_cast %get3A_217 : i32 to index
    %get3A_219 = arith.constant 32 : index
    %get3A_220 = tpu.vector_load %arg12[%get3A_218, %get3A_219] {strides = array<i32>} : memref<16x256xi32, #tpu.memory_space<vmem>>, vector<16xi32>,
    %max3A_221 = arith.maxsi %get3A_216, %get3A_220 : vector<16xi32>
    %get3A_222 = arith.constant 2 : i32
    %get3A_223 = arith.index_cast %get3A_222 : i32 to index
    %get3A_224 = arith.constant 32 : index
    %get3A_225 = tpu.vector_load %arg12[%get3A_223, %get3A_224] {strides = array<i32>} : memref<16x256xi32, #tpu.memory_space<vmem>>, vector<16xi32>,
    %max3A_226 = arith.maxsi %max3A_221, %get3A_225 : vector<16xi32>
    %get3A_227 = arith.constant 3 : i32
    %get3A_228 = arith.index_cast %get3A_227 : i32 to index
    %get3A_229 = arith.constant 32 : index
    %get3A_230 = tpu.vector_load %arg12[%get3A_228, %get3A_229] {strides = array<i32>} : memref<16x256xi32, #tpu.memory_space<vmem>>, vector<16xi32>,
    %max3A_231 = arith.maxsi %max3A_226, %get3A_230 : vector<16xi32>
    %get3A_232 = arith.constant 4 : i32
    %get3A_233 = arith.index_cast %get3A_232 : i32 to index
    %get3A_234 = arith.constant 32 : index
    %get3A_235 = tpu.vector_load %arg12[%get3A_233, %get3A_234] {strides = array<i32>} : memref<16x256xi32, #tpu.memory_space<vmem>>, vector<16xi32>,
    %max3A_236 = arith.maxsi %max3A_231, %get3A_235 : vector<16xi32>
    %get3A_237 = arith.constant 5 : i32
    %get3A_238 = arith.index_cast %get3A_237 : i32 to index
    %get3A_239 = arith.constant 32 : index
    %get3A_240 = tpu.vector_load %arg12[%get3A_238, %get3A_239] {strides = array<i32>} : memref<16x256xi32, #tpu.memory_space<vmem>>, vector<16xi32>,
    %max3A_241 = arith.maxsi %max3A_236, %get3A_240 : vector<16xi32>
    %get3A_242 = arith.constant 6 : i32
    %get3A_243 = arith.index_cast %get3A_242 : i32 to index
    %get3A_244 = arith.constant 32 : index
    %get3A_245 = tpu.vector_load %arg12[%get3A_243, %get3A_244] {strides = array<i32>} : memref<16x256xi32, #tpu.memory_space<vmem>>, vector<16xi32>,
    %max3A_246 = arith.maxsi %max3A_241, %get3A_245 : vector<16xi32>
    %get3A_247 = arith.constant 7 : i32
    %get3A_248 = arith.index_cast %get3A_247 : i32 to index
    %get3A_249 = arith.constant 32 : index
    %get3A_250 = tpu.vector_load %arg12[%get3A_248, %get3A_249] {strides = array<i32>} : memref<16x256xi32, #tpu.memory_space<vmem>>, vector<16xi32>,
    %max3A_251 = arith.maxsi %max3A_246, %get3A_250 : vector<16xi32>
    %get3A_252 = arith.constant 8 : i32
    %get3A_253 = arith.index_cast %get3A_252 : i32 to index
    %get3A_254 = arith.constant 32 : index
    %get3A_255 = tpu.vector_load %arg12[%get3A_253, %get3A_254] {strides = array<i32>} : memref<16x256xi32, #tpu.memory_space<vmem>>, vector<16xi32>,
    %max3A_256 = arith.maxsi %max3A_251, %get3A_255 : vector<16xi32>
    %get3A_257 = arith.constant 9 : i32
    %get3A_258 = arith.index_cast %get3A_257 : i32 to index
    %get3A_259 = arith.constant 32 : index
    %get3A_260 = tpu.vector_load %arg12[%get3A_258, %get3A_259] {strides = array<i32>} : memref<16x256xi32, #tpu.memory_space<vmem>>, vector<16xi32>,
    %max3A_261 = arith.maxsi %max3A_256, %get3A_260 : vector<16xi32>
    %get3A_262 = arith.constant 10 : i32
    %get3A_263 = arith.index_cast %get3A_262 : i32 to index
    %get3A_264 = arith.constant 32 : index
    %get3A_265 = tpu.vector_load %arg12[%get3A_263, %get3A_264] {strides = array<i32>} : memref<16x256xi32, #tpu.memory_space<vmem>>, vector<16xi32>,
    %max3A_266 = arith.maxsi %max3A_261, %get3A_265 : vector<16xi32>
    %get3A_267 = arith.constant 11 : i32
    %get3A_268 = arith.index_cast %get3A_267 : i32 to index
    %get3A_269 = arith.constant 32 : index
    %get3A_270 = tpu.vector_load %arg12[%get3A_268, %get3A_269] {strides = array<i32>} : memref<16x256xi32, #tpu.memory_space<vmem>>, vector<16xi32>,
    %max3A_271 = arith.maxsi %max3A_266, %get3A_270 : vector<16xi32>
    %get3A_272 = arith.constant 12 : i32
    %get3A_273 = arith.index_cast %get3A_272 : i32 to index
    %get3A_274 = arith.constant 32 : index
    %get3A_275 = tpu.vector_load %arg12[%get3A_273, %get3A_274] {strides = array<i32>} : memref<16x256xi32, #tpu.memory_space<vmem>>, vector<16xi32>,
    %max3A_276 = arith.maxsi %max3A_271, %get3A_275 : vector<16xi32>
    %get3A_277 = arith.constant 13 : i32
    %get3A_278 = arith.index_cast %get3A_277 : i32 to index
    %get3A_279 = arith.constant 32 : index
    %get3A_280 = tpu.vector_load %arg12[%get3A_278, %get3A_279] {strides = array<i32>} : memref<16x256xi32, #tpu.memory_space<vmem>>, vector<16xi32>,
    %max3A_281 = arith.maxsi %max3A_276, %get3A_280 : vector<16xi32>
    %get3A_282 = arith.constant 14 : i32
    %get3A_283 = arith.index_cast %get3A_282 : i32 to index
    %get3A_284 = arith.constant 32 : index
    %get3A_285 = tpu.vector_load %arg12[%get3A_283, %get3A_284] {strides = array<i32>} : memref<16x256xi32, #tpu.memory_space<vmem>>, vector<16xi32>,
    %max3A_286 = arith.maxsi %max3A_281, %get3A_285 : vector<16xi32>
    %get3A_287 = arith.constant 15 : i32
    %get3A_288 = arith.index_cast %get3A_287 : i32 to index
    %get3A_289 = arith.constant 32 : index
    %get3A_290 = tpu.vector_load %arg12[%get3A_288, %get3A_289] {strides = array<i32>} : memref<16x256xi32, #tpu.memory_space<vmem>>, vector<16xi32>,
    %max3A_291 = arith.maxsi %max3A_286, %get3A_290 : vector<16xi32>
    %swap3A_292 = arith.constant 32 : index
    %swap3A_293 = tpu.vector_load %arg13[%swap3A_292] {strides = array<i32>} : memref<256xi32, #tpu.memory_space<vmem>>, vector<16xi32>,
    tpu.vector_store %arg13[%swap3A_292], %max3A_291 {strides = array<i32>} : memref<256xi32, #tpu.memory_space<vmem>>, vector<16xi32>,
    %get3A_294 = arith.constant 0 : i32
    %get3A_295 = arith.index_cast %get3A_294 : i32 to index
    %get3A_296 = arith.constant 48 : index
    %get3A_297 = tpu.vector_load %arg12[%get3A_295, %get3A_296] {strides = array<i32>} : memref<16x256xi32, #tpu.memory_space<vmem>>, vector<16xi32>,
    %get3A_298 = arith.constant 1 : i32
    %get3A_299 = arith.index_cast %get3A_298 : i32 to index
    %get3A_300 = arith.constant 48 : index
    %get3A_301 = tpu.vector_load %arg12[%get3A_299, %get3A_300] {strides = array<i32>} : memref<16x256xi32, #tpu.memory_space<vmem>>, vector<16xi32>,
    %max3A_302 = arith.maxsi %get3A_297, %get3A_301 : vector<16xi32>
    %get3A_303 = arith.constant 2 : i32
    %get3A_304 = arith.index_cast %get3A_303 : i32 to index
    %get3A_305 = arith.constant 48 : index
    %get3A_306 = tpu.vector_load %arg12[%get3A_304, %get3A_305] {strides = array<i32>} : memref<16x256xi32, #tpu.memory_space<vmem>>, vector<16xi32>,
    %max3A_307 = arith.maxsi %max3A_302, %get3A_306 : vector<16xi32>
    %get3A_308 = arith.constant 3 : i32
    %get3A_309 = arith.index_cast %get3A_308 : i32 to index
    %get3A_310 = arith.constant 48 : index
    %get3A_311 = tpu.vector_load %arg12[%get3A_309, %get3A_310] {strides = array<i32>} : memref<16x256xi32, #tpu.memory_space<vmem>>, vector<16xi32>,
    %max3A_312 = arith.maxsi %max3A_307, %get3A_311 : vector<16xi32>
    %get3A_313 = arith.constant 4 : i32
    %get3A_314 = arith.index_cast %get3A_313 : i32 to index
    %get3A_315 = arith.constant 48 : index
    %get3A_316 = tpu.vector_load %arg12[%get3A_314, %get3A_315] {strides = array<i32>} : memref<16x256xi32, #tpu.memory_space<vmem>>, vector<16xi32>,
    %max3A_317 = arith.maxsi %max3A_312, %get3A_316 : vector<16xi32>
    %get3A_318 = arith.constant 5 : i32
    %get3A_319 = arith.index_cast %get3A_318 : i32 to index
    %get3A_320 = arith.constant 48 : index
    %get3A_321 = tpu.vector_load %arg12[%get3A_319, %get3A_320] {strides = array<i32>} : memref<16x256xi32, #tpu.memory_space<vmem>>, vector<16xi32>,
    %max3A_322 = arith.maxsi %max3A_317, %get3A_321 : vector<16xi32>
    %get3A_323 = arith.constant 6 : i32
    %get3A_324 = arith.index_cast %get3A_323 : i32 to index
    %get3A_325 = arith.constant 48 : index
    %get3A_326 = tpu.vector_load %arg12[%get3A_324, %get3A_325] {strides = array<i32>} : memref<16x256xi32, #tpu.memory_space<vmem>>, vector<16xi32>,
    %max3A_327 = arith.maxsi %max3A_322, %get3A_326 : vector<16xi32>
    %get3A_328 = arith.constant 7 : i32
    %get3A_329 = arith.index_cast %get3A_328 : i32 to index
    %get3A_330 = arith.constant 48 : index
    %get3A_331 = tpu.vector_load %arg12[%get3A_329, %get3A_330] {strides = array<i32>} : memref<16x256xi32, #tpu.memory_space<vmem>>, vector<16xi32>,
    %max3A_332 = arith.maxsi %max3A_327, %get3A_331 : vector<16xi32>
    %get3A_333 = arith.constant 8 : i32
    %get3A_334 = arith.index_cast %get3A_333 : i32 to index
    %get3A_335 = arith.constant 48 : index
    %get3A_336 = tpu.vector_load %arg12[%get3A_334, %get3A_335] {strides = array<i32>} : memref<16x256xi32, #tpu.memory_space<vmem>>, vector<16xi32>,
    %max3A_337 = arith.maxsi %max3A_332, %get3A_336 : vector<16xi32>
    %get3A_338 = arith.constant 9 : i32
    %get3A_339 = arith.index_cast %get3A_338 : i32 to index
    %get3A_340 = arith.constant 48 : index
    %get3A_341 = tpu.vector_load %arg12[%get3A_339, %get3A_340] {strides = array<i32>} : memref<16x256xi32, #tpu.memory_space<vmem>>, vector<16xi32>,
    %max3A_342 = arith.maxsi %max3A_337, %get3A_341 : vector<16xi32>
    %get3A_343 = arith.constant 10 : i32
    %get3A_344 = arith.index_cast %get3A_343 : i32 to index
    %get3A_345 = arith.constant 48 : index
    %get3A_346 = tpu.vector_load %arg12[%get3A_344, %get3A_345] {strides = array<i32>} : memref<16x256xi32, #tpu.memory_space<vmem>>, vector<16xi32>,
    %max3A_347 = arith.maxsi %max3A_342, %get3A_346 : vector<16xi32>
    %get3A_348 = arith.constant 11 : i32
    %get3A_349 = arith.index_cast %get3A_348 : i32 to index
    %get3A_350 = arith.constant 48 : index
    %get3A_351 = tpu.vector_load %arg12[%get3A_349, %get3A_350] {strides = array<i32>} : memref<16x256xi32, #tpu.memory_space<vmem>>, vector<16xi32>,
    %max3A_352 = arith.maxsi %max3A_347, %get3A_351 : vector<16xi32>
    %get3A_353 = arith.constant 12 : i32
    %get3A_354 = arith.index_cast %get3A_353 : i32 to index
    %get3A_355 = arith.constant 48 : index
    %get3A_356 = tpu.vector_load %arg12[%get3A_354, %get3A_355] {strides = array<i32>} : memref<16x256xi32, #tpu.memory_space<vmem>>, vector<16xi32>,
    %max3A_357 = arith.maxsi %max3A_352, %get3A_356 : vector<16xi32>
    %get3A_358 = arith.constant 13 : i32
    %get3A_359 = arith.index_cast %get3A_358 : i32 to index
    %get3A_360 = arith.constant 48 : index
    %get3A_361 = tpu.vector_load %arg12[%get3A_359, %get3A_360] {strides = array<i32>} : memref<16x256xi32, #tpu.memory_space<vmem>>, vector<16xi32>,
    %max3A_362 = arith.maxsi %max3A_357, %get3A_361 : vector<16xi32>
    %get3A_363 = arith.constant 14 : i32
    %get3A_364 = arith.index_cast %get3A_363 : i32 to index
    %get3A_365 = arith.constant 48 : index
    %get3A_366 = tpu.vector_load %arg12[%get3A_364, %get3A_365] {strides = array<i32>} : memref<16x256xi32, #tpu.memory_space<vmem>>, vector<16xi32>,
    %max3A_367 = arith.maxsi %max3A_362, %get3A_366 : vector<16xi32>
    %get3A_368 = arith.constant 15 : i32
    %get3A_369 = arith.index_cast %get3A_368 : i32 to index
    %get3A_370 = arith.constant 48 : index
    %get3A_371 = tpu.vector_load %arg12[%get3A_369, %get3A_370] {strides = array<i32>} : memref<16x256xi32, #tpu.memory_space<vmem>>, vector<16xi32>,
    %max3A_372 = arith.maxsi %max3A_367, %get3A_371 : vector<16xi32>
    %swap3A_373 = arith.constant 48 : index
    %swap3A_374 = tpu.vector_load %arg13[%swap3A_373] {strides = array<i32>} : memref<256xi32, #tpu.memory_space<vmem>>, vector<16xi32>,
    tpu.vector_store %arg13[%swap3A_373], %max3A_372 {strides = array<i32>} : memref<256xi32, #tpu.memory_space<vmem>>, vector<16xi32>,
    %get3A_375 = arith.constant 0 : i32
    %get3A_376 = arith.index_cast %get3A_375 : i32 to index
    %get3A_377 = arith.constant 64 : index
    %get3A_378 = tpu.vector_load %arg12[%get3A_376, %get3A_377] {strides = array<i32>} : memref<16x256xi32, #tpu.memory_space<vmem>>, vector<16xi32>,
    %get3A_379 = arith.constant 1 : i32
    %get3A_380 = arith.index_cast %get3A_379 : i32 to index
    %get3A_381 = arith.constant 64 : index
    %get3A_382 = tpu.vector_load %arg12[%get3A_380, %get3A_381] {strides = array<i32>} : memref<16x256xi32, #tpu.memory_space<vmem>>, vector<16xi32>,
    %max3A_383 = arith.maxsi %get3A_378, %get3A_382 : vector<16xi32>
    %get3A_384 = arith.constant 2 : i32
    %get3A_385 = arith.index_cast %get3A_384 : i32 to index
    %get3A_386 = arith.constant 64 : index
    %get3A_387 = tpu.vector_load %arg12[%get3A_385, %get3A_386] {strides = array<i32>} : memref<16x256xi32, #tpu.memory_space<vmem>>, vector<16xi32>,
    %max3A_388 = arith.maxsi %max3A_383, %get3A_387 : vector<16xi32>
    %get3A_389 = arith.constant 3 : i32
    %get3A_390 = arith.index_cast %get3A_389 : i32 to index
    %get3A_391 = arith.constant 64 : index
    %get3A_392 = tpu.vector_load %arg12[%get3A_390, %get3A_391] {strides = array<i32>} : memref<16x256xi32, #tpu.memory_space<vmem>>, vector<16xi32>,
    %max3A_393 = arith.maxsi %max3A_388, %get3A_392 : vector<16xi32>
    %get3A_394 = arith.constant 4 : i32
    %get3A_395 = arith.index_cast %get3A_394 : i32 to index
    %get3A_396 = arith.constant 64 : index
    %get3A_397 = tpu.vector_load %arg12[%get3A_395, %get3A_396] {strides = array<i32>} : memref<16x256xi32, #tpu.memory_space<vmem>>, vector<16xi32>,
    %max3A_398 = arith.maxsi %max3A_393, %get3A_397 : vector<16xi32>
    %get3A_399 = arith.constant 5 : i32
    %get3A_400 = arith.index_cast %get3A_399 : i32 to index
    %get3A_401 = arith.constant 64 : index
    %get3A_402 = tpu.vector_load %arg12[%get3A_400, %get3A_401] {strides = array<i32>} : memref<16x256xi32, #tpu.memory_space<vmem>>, vector<16xi32>,
    %max3A_403 = arith.maxsi %max3A_398, %get3A_402 : vector<16xi32>
    %get3A_404 = arith.constant 6 : i32
    %get3A_405 = arith.index_cast %get3A_404 : i32 to index
    %get3A_406 = arith.constant 64 : index
    %get3A_407 = tpu.vector_load %arg12[%get3A_405, %get3A_406] {strides = array<i32>} : memref<16x256xi32, #tpu.memory_space<vmem>>, vector<16xi32>,
    %max3A_408 = arith.maxsi %max3A_403, %get3A_407 : vector<16xi32>
    %get3A_409 = arith.constant 7 : i32
    %get3A_410 = arith.index_cast %get3A_409 : i32 to index
    %get3A_411 = arith.constant 64 : index
    %get3A_412 = tpu.vector_load %arg12[%get3A_410, %get3A_411] {strides = array<i32>} : memref<16x256xi32, #tpu.memory_space<vmem>>, vector<16xi32>,
    %max3A_413 = arith.maxsi %max3A_408, %get3A_412 : vector<16xi32>
    %get3A_414 = arith.constant 8 : i32
    %get3A_415 = arith.index_cast %get3A_414 : i32 to index
    %get3A_416 = arith.constant 64 : index
    %get3A_417 = tpu.vector_load %arg12[%get3A_415, %get3A_416] {strides = array<i32>} : memref<16x256xi32, #tpu.memory_space<vmem>>, vector<16xi32>,
    %max3A_418 = arith.maxsi %max3A_413, %get3A_417 : vector<16xi32>
    %get3A_419 = arith.constant 9 : i32
    %get3A_420 = arith.index_cast %get3A_419 : i32 to index
    %get3A_421 = arith.constant 64 : index
    %get3A_422 = tpu.vector_load %arg12[%get3A_420, %get3A_421] {strides = array<i32>} : memref<16x256xi32, #tpu.memory_space<vmem>>, vector<16xi32>,
    %max3A_423 = arith.maxsi %max3A_418, %get3A_422 : vector<16xi32>
    %get3A_424 = arith.constant 10 : i32
    %get3A_425 = arith.index_cast %get3A_424 : i32 to index
    %get3A_426 = arith.constant 64 : index
    %get3A_427 = tpu.vector_load %arg12[%get3A_425, %get3A_426] {strides = array<i32>} : memref<16x256xi32, #tpu.memory_space<vmem>>, vector<16xi32>,
    %max3A_428 = arith.maxsi %max3A_423, %get3A_427 : vector<16xi32>
    %get3A_429 = arith.constant 11 : i32
    %get3A_430 = arith.index_cast %get3A_429 : i32 to index
    %get3A_431 = arith.constant 64 : index
    %get3A_432 = tpu.vector_load %arg12[%get3A_430, %get3A_431] {strides = array<i32>} : memref<16x256xi32, #tpu.memory_space<vmem>>, vector<16xi32>,
    %max3A_433 = arith.maxsi %max3A_428, %get3A_432 : vector<16xi32>
    %get3A_434 = arith.constant 12 : i32
    %get3A_435 = arith.index_cast %get3A_434 : i32 to index
    %get3A_436 = arith.constant 64 : index
    %get3A_437 = tpu.vector_load %arg12[%get3A_435, %get3A_436] {strides = array<i32>} : memref<16x256xi32, #tpu.memory_space<vmem>>, vector<16xi32>,
    %max3A_438 = arith.maxsi %max3A_433, %get3A_437 : vector<16xi32>
    %get3A_439 = arith.constant 13 : i32
    %get3A_440 = arith.index_cast %get3A_439 : i32 to index
    %get3A_441 = arith.constant 64 : index
    %get3A_442 = tpu.vector_load %arg12[%get3A_440, %get3A_441] {strides = array<i32>} : memref<16x256xi32, #tpu.memory_space<vmem>>, vector<16xi32>,
    %max3A_443 = arith.maxsi %max3A_438, %get3A_442 : vector<16xi32>
    %get3A_444 = arith.constant 14 : i32
    %get3A_445 = arith.index_cast %get3A_444 : i32 to index
    %get3A_446 = arith.constant 64 : index
    %get3A_447 = tpu.vector_load %arg12[%get3A_445, %get3A_446] {strides = array<i32>} : memref<16x256xi32, #tpu.memory_space<vmem>>, vector<16xi32>,
    %max3A_448 = arith.maxsi %max3A_443, %get3A_447 : vector<16xi32>
    %get3A_449 = arith.constant 15 : i32
    %get3A_450 = arith.index_cast %get3A_449 : i32 to index
    %get3A_451 = arith.constant 64 : index
    %get3A_452 = tpu.vector_load %arg12[%get3A_450, %get3A_451] {strides = array<i32>} : memref<16x256xi32, #tpu.memory_space<vmem>>, vector<16xi32>,
    %max3A_453 = arith.maxsi %max3A_448, %get3A_452 : vector<16xi32>
    %swap3A_454 = arith.constant 64 : index
    %swap3A_455 = tpu.vector_load %arg13[%swap3A_454] {strides = array<i32>} : memref<256xi32, #tpu.memory_space<vmem>>, vector<16xi32>,
    tpu.vector_store %arg13[%swap3A_454], %max3A_453 {strides = array<i32>} : memref<256xi32, #tpu.memory_space<vmem>>, vector<16xi32>,
    %get3A_456 = arith.constant 0 : i32
    %get3A_457 = arith.index_cast %get3A_456 : i32 to index
    %get3A_458 = arith.constant 80 : index
    %get3A_459 = tpu.vector_load %arg12[%get3A_457, %get3A_458] {strides = array<i32>} : memref<16x256xi32, #tpu.memory_space<vmem>>, vector<16xi32>,
    %get3A_460 = arith.constant 1 : i32
    %get3A_461 = arith.index_cast %get3A_460 : i32 to index
    %get3A_462 = arith.constant 80 : index
    %get3A_463 = tpu.vector_load %arg12[%get3A_461, %get3A_462] {strides = array<i32>} : memref<16x256xi32, #tpu.memory_space<vmem>>, vector<16xi32>,
    %max3A_464 = arith.maxsi %get3A_459, %get3A_463 : vector<16xi32>
    %get3A_465 = arith.constant 2 : i32
    %get3A_466 = arith.index_cast %get3A_465 : i32 to index
    %get3A_467 = arith.constant 80 : index
    %get3A_468 = tpu.vector_load %arg12[%get3A_466, %get3A_467] {strides = array<i32>} : memref<16x256xi32, #tpu.memory_space<vmem>>, vector<16xi32>,
    %max3A_469 = arith.maxsi %max3A_464, %get3A_468 : vector<16xi32>
    %get3A_470 = arith.constant 3 : i32
    %get3A_471 = arith.index_cast %get3A_470 : i32 to index
    %get3A_472 = arith.constant 80 : index
    %get3A_473 = tpu.vector_load %arg12[%get3A_471, %get3A_472] {strides = array<i32>} : memref<16x256xi32, #tpu.memory_space<vmem>>, vector<16xi32>,
    %max3A_474 = arith.maxsi %max3A_469, %get3A_473 : vector<16xi32>
    %get3A_475 = arith.constant 4 : i32
    %get3A_476 = arith.index_cast %get3A_475 : i32 to index
    %get3A_477 = arith.constant 80 : index
    %get3A_478 = tpu.vector_load %arg12[%get3A_476, %get3A_477] {strides = array<i32>} : memref<16x256xi32, #tpu.memory_space<vmem>>, vector<16xi32>,
    %max3A_479 = arith.maxsi %max3A_474, %get3A_478 : vector<16xi32>
    %get3A_480 = arith.constant 5 : i32
    %get3A_481 = arith.index_cast %get3A_480 : i32 to index
    %get3A_482 = arith.constant 80 : index
    %get3A_483 = tpu.vector_load %arg12[%get3A_481, %get3A_482] {strides = array<i32>} : memref<16x256xi32, #tpu.memory_space<vmem>>, vector<16xi32>,
    %max3A_484 = arith.maxsi %max3A_479, %get3A_483 : vector<16xi32>
    %get3A_485 = arith.constant 6 : i32
    %get3A_486 = arith.index_cast %get3A_485 : i32 to index
    %get3A_487 = arith.constant 80 : index
    %get3A_488 = tpu.vector_load %arg12[%get3A_486, %get3A_487] {strides = array<i32>} : memref<16x256xi32, #tpu.memory_space<vmem>>, vector<16xi32>,
    %max3A_489 = arith.maxsi %max3A_484, %get3A_488 : vector<16xi32>
    %get3A_490 = arith.constant 7 : i32
    %get3A_491 = arith.index_cast %get3A_490 : i32 to index
    %get3A_492 = arith.constant 80 : index
    %get3A_493 = tpu.vector_load %arg12[%get3A_491, %get3A_492] {strides = array<i32>} : memref<16x256xi32, #tpu.memory_space<vmem>>, vector<16xi32>,
    %max3A_494 = arith.maxsi %max3A_489, %get3A_493 : vector<16xi32>
    %get3A_495 = arith.constant 8 : i32
    %get3A_496 = arith.index_cast %get3A_495 : i32 to index
    %get3A_497 = arith.constant 80 : index
    %get3A_498 = tpu.vector_load %arg12[%get3A_496, %get3A_497] {strides = array<i32>} : memref<16x256xi32, #tpu.memory_space<vmem>>, vector<16xi32>,
    %max3A_499 = arith.maxsi %max3A_494, %get3A_498 : vector<16xi32>
    %get3A_500 = arith.constant 9 : i32
    %get3A_501 = arith.index_cast %get3A_500 : i32 to index
    %get3A_502 = arith.constant 80 : index
    %get3A_503 = tpu.vector_load %arg12[%get3A_501, %get3A_502] {strides = array<i32>} : memref<16x256xi32, #tpu.memory_space<vmem>>, vector<16xi32>,
    %max3A_504 = arith.maxsi %max3A_499, %get3A_503 : vector<16xi32>
    %get3A_505 = arith.constant 10 : i32
    %get3A_506 = arith.index_cast %get3A_505 : i32 to index
    %get3A_507 = arith.constant 80 : index
    %get3A_508 = tpu.vector_load %arg12[%get3A_506, %get3A_507] {strides = array<i32>} : memref<16x256xi32, #tpu.memory_space<vmem>>, vector<16xi32>,
    %max3A_509 = arith.maxsi %max3A_504, %get3A_508 : vector<16xi32>
    %get3A_510 = arith.constant 11 : i32
    %get3A_511 = arith.index_cast %get3A_510 : i32 to index
    %get3A_512 = arith.constant 80 : index
    %get3A_513 = tpu.vector_load %arg12[%get3A_511, %get3A_512] {strides = array<i32>} : memref<16x256xi32, #tpu.memory_space<vmem>>, vector<16xi32>,
    %max3A_514 = arith.maxsi %max3A_509, %get3A_513 : vector<16xi32>
    %get3A_515 = arith.constant 12 : i32
    %get3A_516 = arith.index_cast %get3A_515 : i32 to index
    %get3A_517 = arith.constant 80 : index
    %get3A_518 = tpu.vector_load %arg12[%get3A_516, %get3A_517] {strides = array<i32>} : memref<16x256xi32, #tpu.memory_space<vmem>>, vector<16xi32>,
    %max3A_519 = arith.maxsi %max3A_514, %get3A_518 : vector<16xi32>
    %get3A_520 = arith.constant 13 : i32
    %get3A_521 = arith.index_cast %get3A_520 : i32 to index
    %get3A_522 = arith.constant 80 : index
    %get3A_523 = tpu.vector_load %arg12[%get3A_521, %get3A_522] {strides = array<i32>} : memref<16x256xi32, #tpu.memory_space<vmem>>, vector<16xi32>,
    %max3A_524 = arith.maxsi %max3A_519, %get3A_523 : vector<16xi32>
    %get3A_525 = arith.constant 14 : i32
    %get3A_526 = arith.index_cast %get3A_525 : i32 to index
    %get3A_527 = arith.constant 80 : index
    %get3A_528 = tpu.vector_load %arg12[%get3A_526, %get3A_527] {strides = array<i32>} : memref<16x256xi32, #tpu.memory_space<vmem>>, vector<16xi32>,
    %max3A_529 = arith.maxsi %max3A_524, %get3A_528 : vector<16xi32>
    %get3A_530 = arith.constant 15 : i32
    %get3A_531 = arith.index_cast %get3A_530 : i32 to index
    %get3A_532 = arith.constant 80 : index
    %get3A_533 = tpu.vector_load %arg12[%get3A_531, %get3A_532] {strides = array<i32>} : memref<16x256xi32, #tpu.memory_space<vmem>>, vector<16xi32>,
    %max3A_534 = arith.maxsi %max3A_529, %get3A_533 : vector<16xi32>
    %swap3A_535 = arith.constant 80 : index
    %swap3A_536 = tpu.vector_load %arg13[%swap3A_535] {strides = array<i32>} : memref<256xi32, #tpu.memory_space<vmem>>, vector<16xi32>,
    tpu.vector_store %arg13[%swap3A_535], %max3A_534 {strides = array<i32>} : memref<256xi32, #tpu.memory_space<vmem>>, vector<16xi32>,
    %get3A_537 = arith.constant 0 : i32
    %get3A_538 = arith.index_cast %get3A_537 : i32 to index
    %get3A_539 = arith.constant 96 : index
    %get3A_540 = tpu.vector_load %arg12[%get3A_538, %get3A_539] {strides = array<i32>} : memref<16x256xi32, #tpu.memory_space<vmem>>, vector<16xi32>,
    %get3A_541 = arith.constant 1 : i32
    %get3A_542 = arith.index_cast %get3A_541 : i32 to index
    %get3A_543 = arith.constant 96 : index
    %get3A_544 = tpu.vector_load %arg12[%get3A_542, %get3A_543] {strides = array<i32>} : memref<16x256xi32, #tpu.memory_space<vmem>>, vector<16xi32>,
    %max3A_545 = arith.maxsi %get3A_540, %get3A_544 : vector<16xi32>
    %get3A_546 = arith.constant 2 : i32
    %get3A_547 = arith.index_cast %get3A_546 : i32 to index
    %get3A_548 = arith.constant 96 : index
    %get3A_549 = tpu.vector_load %arg12[%get3A_547, %get3A_548] {strides = array<i32>} : memref<16x256xi32, #tpu.memory_space<vmem>>, vector<16xi32>,
    %max3A_550 = arith.maxsi %max3A_545, %get3A_549 : vector<16xi32>
    %get3A_551 = arith.constant 3 : i32
    %get3A_552 = arith.index_cast %get3A_551 : i32 to index
    %get3A_553 = arith.constant 96 : index
    %get3A_554 = tpu.vector_load %arg12[%get3A_552, %get3A_553] {strides = array<i32>} : memref<16x256xi32, #tpu.memory_space<vmem>>, vector<16xi32>,
    %max3A_555 = arith.maxsi %max3A_550, %get3A_554 : vector<16xi32>
    %get3A_556 = arith.constant 4 : i32
    %get3A_557 = arith.index_cast %get3A_556 : i32 to index
    %get3A_558 = arith.constant 96 : index
    %get3A_559 = tpu.vector_load %arg12[%get3A_557, %get3A_558] {strides = array<i32>} : memref<16x256xi32, #tpu.memory_space<vmem>>, vector<16xi32>,
    %max3A_560 = arith.maxsi %max3A_555, %get3A_559 : vector<16xi32>
    %get3A_561 = arith.constant 5 : i32
    %get3A_562 = arith.index_cast %get3A_561 : i32 to index
    %get3A_563 = arith.constant 96 : index
    %get3A_564 = tpu.vector_load %arg12[%get3A_562, %get3A_563] {strides = array<i32>} : memref<16x256xi32, #tpu.memory_space<vmem>>, vector<16xi32>,
    %max3A_565 = arith.maxsi %max3A_560, %get3A_564 : vector<16xi32>
    %get3A_566 = arith.constant 6 : i32
    %get3A_567 = arith.index_cast %get3A_566 : i32 to index
    %get3A_568 = arith.constant 96 : index
    %get3A_569 = tpu.vector_load %arg12[%get3A_567, %get3A_568] {strides = array<i32>} : memref<16x256xi32, #tpu.memory_space<vmem>>, vector<16xi32>,
    %max3A_570 = arith.maxsi %max3A_565, %get3A_569 : vector<16xi32>
    %get3A_571 = arith.constant 7 : i32
    %get3A_572 = arith.index_cast %get3A_571 : i32 to index
    %get3A_573 = arith.constant 96 : index
    %get3A_574 = tpu.vector_load %arg12[%get3A_572, %get3A_573] {strides = array<i32>} : memref<16x256xi32, #tpu.memory_space<vmem>>, vector<16xi32>,
    %max3A_575 = arith.maxsi %max3A_570, %get3A_574 : vector<16xi32>
    %get3A_576 = arith.constant 8 : i32
    %get3A_577 = arith.index_cast %get3A_576 : i32 to index
    %get3A_578 = arith.constant 96 : index
    %get3A_579 = tpu.vector_load %arg12[%get3A_577, %get3A_578] {strides = array<i32>} : memref<16x256xi32, #tpu.memory_space<vmem>>, vector<16xi32>,
    %max3A_580 = arith.maxsi %max3A_575, %get3A_579 : vector<16xi32>
    %get3A_581 = arith.constant 9 : i32
    %get3A_582 = arith.index_cast %get3A_581 : i32 to index
    %get3A_583 = arith.constant 96 : index
    %get3A_584 = tpu.vector_load %arg12[%get3A_582, %get3A_583] {strides = array<i32>} : memref<16x256xi32, #tpu.memory_space<vmem>>, vector<16xi32>,
    %max3A_585 = arith.maxsi %max3A_580, %get3A_584 : vector<16xi32>
    %get3A_586 = arith.constant 10 : i32
    %get3A_587 = arith.index_cast %get3A_586 : i32 to index
    %get3A_588 = arith.constant 96 : index
    %get3A_589 = tpu.vector_load %arg12[%get3A_587, %get3A_588] {strides = array<i32>} : memref<16x256xi32, #tpu.memory_space<vmem>>, vector<16xi32>,
    %max3A_590 = arith.maxsi %max3A_585, %get3A_589 : vector<16xi32>
    %get3A_591 = arith.constant 11 : i32
    %get3A_592 = arith.index_cast %get3A_591 : i32 to index
    %get3A_593 = arith.constant 96 : index
    %get3A_594 = tpu.vector_load %arg12[%get3A_592, %get3A_593] {strides = array<i32>} : memref<16x256xi32, #tpu.memory_space<vmem>>, vector<16xi32>,
    %max3A_595 = arith.maxsi %max3A_590, %get3A_594 : vector<16xi32>
    %get3A_596 = arith.constant 12 : i32
    %get3A_597 = arith.index_cast %get3A_596 : i32 to index
    %get3A_598 = arith.constant 96 : index
    %get3A_599 = tpu.vector_load %arg12[%get3A_597, %get3A_598] {strides = array<i32>} : memref<16x256xi32, #tpu.memory_space<vmem>>, vector<16xi32>,
    %max3A_600 = arith.maxsi %max3A_595, %get3A_599 : vector<16xi32>
    %get3A_601 = arith.constant 13 : i32
    %get3A_602 = arith.index_cast %get3A_601 : i32 to index
    %get3A_603 = arith.constant 96 : index
    %get3A_604 = tpu.vector_load %arg12[%get3A_602, %get3A_603] {strides = array<i32>} : memref<16x256xi32, #tpu.memory_space<vmem>>, vector<16xi32>,
    %max3A_605 = arith.maxsi %max3A_600, %get3A_604 : vector<16xi32>
    %get3A_606 = arith.constant 14 : i32
    %get3A_607 = arith.index_cast %get3A_606 : i32 to index
    %get3A_608 = arith.constant 96 : index
    %get3A_609 = tpu.vector_load %arg12[%get3A_607, %get3A_608] {strides = array<i32>} : memref<16x256xi32, #tpu.memory_space<vmem>>, vector<16xi32>,
    %max3A_610 = arith.maxsi %max3A_605, %get3A_609 : vector<16xi32>
    %get3A_611 = arith.constant 15 : i32
    %get3A_612 = arith.index_cast %get3A_611 : i32 to index
    %get3A_613 = arith.constant 96 : index
    %get3A_614 = tpu.vector_load %arg12[%get3A_612, %get3A_613] {strides = array<i32>} : memref<16x256xi32, #tpu.memory_space<vmem>>, vector<16xi32>,
    %max3A_615 = arith.maxsi %max3A_610, %get3A_614 : vector<16xi32>
    %swap3A_616 = arith.constant 96 : index
    %swap3A_617 = tpu.vector_load %arg13[%swap3A_616] {strides = array<i32>} : memref<256xi32, #tpu.memory_space<vmem>>, vector<16xi32>,
    tpu.vector_store %arg13[%swap3A_616], %max3A_615 {strides = array<i32>} : memref<256xi32, #tpu.memory_space<vmem>>, vector<16xi32>,
    %get3A_618 = arith.constant 0 : i32
    %get3A_619 = arith.index_cast %get3A_618 : i32 to index
    %get3A_620 = arith.constant 112 : index
    %get3A_621 = tpu.vector_load %arg12[%get3A_619, %get3A_620] {strides = array<i32>} : memref<16x256xi32, #tpu.memory_space<vmem>>, vector<16xi32>,
    %get3A_622 = arith.constant 1 : i32
    %get3A_623 = arith.index_cast %get3A_622 : i32 to index
    %get3A_624 = arith.constant 112 : index
    %get3A_625 = tpu.vector_load %arg12[%get3A_623, %get3A_624] {strides = array<i32>} : memref<16x256xi32, #tpu.memory_space<vmem>>, vector<16xi32>,
    %max3A_626 = arith.maxsi %get3A_621, %get3A_625 : vector<16xi32>
    %get3A_627 = arith.constant 2 : i32
    %get3A_628 = arith.index_cast %get3A_627 : i32 to index
    %get3A_629 = arith.constant 112 : index
    %get3A_630 = tpu.vector_load %arg12[%get3A_628, %get3A_629] {strides = array<i32>} : memref<16x256xi32, #tpu.memory_space<vmem>>, vector<16xi32>,
    %max3A_631 = arith.maxsi %max3A_626, %get3A_630 : vector<16xi32>
    %get3A_632 = arith.constant 3 : i32
    %get3A_633 = arith.index_cast %get3A_632 : i32 to index
    %get3A_634 = arith.constant 112 : index
    %get3A_635 = tpu.vector_load %arg12[%get3A_633, %get3A_634] {strides = array<i32>} : memref<16x256xi32, #tpu.memory_space<vmem>>, vector<16xi32>,
    %max3A_636 = arith.maxsi %max3A_631, %get3A_635 : vector<16xi32>
    %get3A_637 = arith.constant 4 : i32
    %get3A_638 = arith.index_cast %get3A_637 : i32 to index
    %get3A_639 = arith.constant 112 : index
    %get3A_640 = tpu.vector_load %arg12[%get3A_638, %get3A_639] {strides = array<i32>} : memref<16x256xi32, #tpu.memory_space<vmem>>, vector<16xi32>,
    %max3A_641 = arith.maxsi %max3A_636, %get3A_640 : vector<16xi32>
    %get3A_642 = arith.constant 5 : i32
    %get3A_643 = arith.index_cast %get3A_642 : i32 to index
    %get3A_644 = arith.constant 112 : index
    %get3A_645 = tpu.vector_load %arg12[%get3A_643, %get3A_644] {strides = array<i32>} : memref<16x256xi32, #tpu.memory_space<vmem>>, vector<16xi32>,
    %max3A_646 = arith.maxsi %max3A_641, %get3A_645 : vector<16xi32>
    %get3A_647 = arith.constant 6 : i32
    %get3A_648 = arith.index_cast %get3A_647 : i32 to index
    %get3A_649 = arith.constant 112 : index
    %get3A_650 = tpu.vector_load %arg12[%get3A_648, %get3A_649] {strides = array<i32>} : memref<16x256xi32, #tpu.memory_space<vmem>>, vector<16xi32>,
    %max3A_651 = arith.maxsi %max3A_646, %get3A_650 : vector<16xi32>
    %get3A_652 = arith.constant 7 : i32
    %get3A_653 = arith.index_cast %get3A_652 : i32 to index
    %get3A_654 = arith.constant 112 : index
    %get3A_655 = tpu.vector_load %arg12[%get3A_653, %get3A_654] {strides = array<i32>} : memref<16x256xi32, #tpu.memory_space<vmem>>, vector<16xi32>,
    %max3A_656 = arith.maxsi %max3A_651, %get3A_655 : vector<16xi32>
    %get3A_657 = arith.constant 8 : i32
    %get3A_658 = arith.index_cast %get3A_657 : i32 to index
    %get3A_659 = arith.constant 112 : index
    %get3A_660 = tpu.vector_load %arg12[%get3A_658, %get3A_659] {strides = array<i32>} : memref<16x256xi32, #tpu.memory_space<vmem>>, vector<16xi32>,
    %max3A_661 = arith.maxsi %max3A_656, %get3A_660 : vector<16xi32>
    %get3A_662 = arith.constant 9 : i32
    %get3A_663 = arith.index_cast %get3A_662 : i32 to index
    %get3A_664 = arith.constant 112 : index
    %get3A_665 = tpu.vector_load %arg12[%get3A_663, %get3A_664] {strides = array<i32>} : memref<16x256xi32, #tpu.memory_space<vmem>>, vector<16xi32>,
    %max3A_666 = arith.maxsi %max3A_661, %get3A_665 : vector<16xi32>
    %get3A_667 = arith.constant 10 : i32
    %get3A_668 = arith.index_cast %get3A_667 : i32 to index
    %get3A_669 = arith.constant 112 : index
    %get3A_670 = tpu.vector_load %arg12[%get3A_668, %get3A_669] {strides = array<i32>} : memref<16x256xi32, #tpu.memory_space<vmem>>, vector<16xi32>,
    %max3A_671 = arith.maxsi %max3A_666, %get3A_670 : vector<16xi32>
    %get3A_672 = arith.constant 11 : i32
    %get3A_673 = arith.index_cast %get3A_672 : i32 to index
    %get3A_674 = arith.constant 112 : index
    %get3A_675 = tpu.vector_load %arg12[%get3A_673, %get3A_674] {strides = array<i32>} : memref<16x256xi32, #tpu.memory_space<vmem>>, vector<16xi32>,
    %max3A_676 = arith.maxsi %max3A_671, %get3A_675 : vector<16xi32>
    %get3A_677 = arith.constant 12 : i32
    %get3A_678 = arith.index_cast %get3A_677 : i32 to index
    %get3A_679 = arith.constant 112 : index
    %get3A_680 = tpu.vector_load %arg12[%get3A_678, %get3A_679] {strides = array<i32>} : memref<16x256xi32, #tpu.memory_space<vmem>>, vector<16xi32>,
    %max3A_681 = arith.maxsi %max3A_676, %get3A_680 : vector<16xi32>
    %get3A_682 = arith.constant 13 : i32
    %get3A_683 = arith.index_cast %get3A_682 : i32 to index
    %get3A_684 = arith.constant 112 : index
    %get3A_685 = tpu.vector_load %arg12[%get3A_683, %get3A_684] {strides = array<i32>} : memref<16x256xi32, #tpu.memory_space<vmem>>, vector<16xi32>,
    %max3A_686 = arith.maxsi %max3A_681, %get3A_685 : vector<16xi32>
    %get3A_687 = arith.constant 14 : i32
    %get3A_688 = arith.index_cast %get3A_687 : i32 to index
    %get3A_689 = arith.constant 112 : index
    %get3A_690 = tpu.vector_load %arg12[%get3A_688, %get3A_689] {strides = array<i32>} : memref<16x256xi32, #tpu.memory_space<vmem>>, vector<16xi32>,
    %max3A_691 = arith.maxsi %max3A_686, %get3A_690 : vector<16xi32>
    %get3A_692 = arith.constant 15 : i32
    %get3A_693 = arith.index_cast %get3A_692 : i32 to index
    %get3A_694 = arith.constant 112 : index
    %get3A_695 = tpu.vector_load %arg12[%get3A_693, %get3A_694] {strides = array<i32>} : memref<16x256xi32, #tpu.memory_space<vmem>>, vector<16xi32>,
    %max3A_696 = arith.maxsi %max3A_691, %get3A_695 : vector<16xi32>
    %swap3A_697 = arith.constant 112 : index
    %swap3A_698 = tpu.vector_load %arg13[%swap3A_697] {strides = array<i32>} : memref<256xi32, #tpu.memory_space<vmem>>, vector<16xi32>,
    tpu.vector_store %arg13[%swap3A_697], %max3A_696 {strides = array<i32>} : memref<256xi32, #tpu.memory_space<vmem>>, vector<16xi32>,
    %get3A_699 = arith.constant 0 : i32
    %get3A_700 = arith.index_cast %get3A_699 : i32 to index
    %get3A_701 = arith.constant 128 : index
    %get3A_702 = tpu.vector_load %arg12[%get3A_700, %get3A_701] {strides = array<i32>} : memref<16x256xi32, #tpu.memory_space<vmem>>, vector<16xi32>,
    %get3A_703 = arith.constant 1 : i32
    %get3A_704 = arith.index_cast %get3A_703 : i32 to index
    %get3A_705 = arith.constant 128 : index
    %get3A_706 = tpu.vector_load %arg12[%get3A_704, %get3A_705] {strides = array<i32>} : memref<16x256xi32, #tpu.memory_space<vmem>>, vector<16xi32>,
    %max3A_707 = arith.maxsi %get3A_702, %get3A_706 : vector<16xi32>
    %get3A_708 = arith.constant 2 : i32
    %get3A_709 = arith.index_cast %get3A_708 : i32 to index
    %get3A_710 = arith.constant 128 : index
    %get3A_711 = tpu.vector_load %arg12[%get3A_709, %get3A_710] {strides = array<i32>} : memref<16x256xi32, #tpu.memory_space<vmem>>, vector<16xi32>,
    %max3A_712 = arith.maxsi %max3A_707, %get3A_711 : vector<16xi32>
    %get3A_713 = arith.constant 3 : i32
    %get3A_714 = arith.index_cast %get3A_713 : i32 to index
    %get3A_715 = arith.constant 128 : index
    %get3A_716 = tpu.vector_load %arg12[%get3A_714, %get3A_715] {strides = array<i32>} : memref<16x256xi32, #tpu.memory_space<vmem>>, vector<16xi32>,
    %max3A_717 = arith.maxsi %max3A_712, %get3A_716 : vector<16xi32>
    %get3A_718 = arith.constant 4 : i32
    %get3A_719 = arith.index_cast %get3A_718 : i32 to index
    %get3A_720 = arith.constant 128 : index
    %get3A_721 = tpu.vector_load %arg12[%get3A_719, %get3A_720] {strides = array<i32>} : memref<16x256xi32, #tpu.memory_space<vmem>>, vector<16xi32>,
    %max3A_722 = arith.maxsi %max3A_717, %get3A_721 : vector<16xi32>
    %get3A_723 = arith.constant 5 : i32
    %get3A_724 = arith.index_cast %get3A_723 : i32 to index
    %get3A_725 = arith.constant 128 : index
    %get3A_726 = tpu.vector_load %arg12[%get3A_724, %get3A_725] {strides = array<i32>} : memref<16x256xi32, #tpu.memory_space<vmem>>, vector<16xi32>,
    %max3A_727 = arith.maxsi %max3A_722, %get3A_726 : vector<16xi32>
    %get3A_728 = arith.constant 6 : i32
    %get3A_729 = arith.index_cast %get3A_728 : i32 to index
    %get3A_730 = arith.constant 128 : index
    %get3A_731 = tpu.vector_load %arg12[%get3A_729, %get3A_730] {strides = array<i32>} : memref<16x256xi32, #tpu.memory_space<vmem>>, vector<16xi32>,
    %max3A_732 = arith.maxsi %max3A_727, %get3A_731 : vector<16xi32>
    %get3A_733 = arith.constant 7 : i32
    %get3A_734 = arith.index_cast %get3A_733 : i32 to index
    %get3A_735 = arith.constant 128 : index
    %get3A_736 = tpu.vector_load %arg12[%get3A_734, %get3A_735] {strides = array<i32>} : memref<16x256xi32, #tpu.memory_space<vmem>>, vector<16xi32>,
    %max3A_737 = arith.maxsi %max3A_732, %get3A_736 : vector<16xi32>
    %get3A_738 = arith.constant 8 : i32
    %get3A_739 = arith.index_cast %get3A_738 : i32 to index
    %get3A_740 = arith.constant 128 : index
    %get3A_741 = tpu.vector_load %arg12[%get3A_739, %get3A_740] {strides = array<i32>} : memref<16x256xi32, #tpu.memory_space<vmem>>, vector<16xi32>,
    %max3A_742 = arith.maxsi %max3A_737, %get3A_741 : vector<16xi32>
    %get3A_743 = arith.constant 9 : i32
    %get3A_744 = arith.index_cast %get3A_743 : i32 to index
    %get3A_745 = arith.constant 128 : index
    %get3A_746 = tpu.vector_load %arg12[%get3A_744, %get3A_745] {strides = array<i32>} : memref<16x256xi32, #tpu.memory_space<vmem>>, vector<16xi32>,
    %max3A_747 = arith.maxsi %max3A_742, %get3A_746 : vector<16xi32>
    %get3A_748 = arith.constant 10 : i32
    %get3A_749 = arith.index_cast %get3A_748 : i32 to index
    %get3A_750 = arith.constant 128 : index
    %get3A_751 = tpu.vector_load %arg12[%get3A_749, %get3A_750] {strides = array<i32>} : memref<16x256xi32, #tpu.memory_space<vmem>>, vector<16xi32>,
    %max3A_752 = arith.maxsi %max3A_747, %get3A_751 : vector<16xi32>
    %get3A_753 = arith.constant 11 : i32
    %get3A_754 = arith.index_cast %get3A_753 : i32 to index
    %get3A_755 = arith.constant 128 : index
    %get3A_756 = tpu.vector_load %arg12[%get3A_754, %get3A_755] {strides = array<i32>} : memref<16x256xi32, #tpu.memory_space<vmem>>, vector<16xi32>,
    %max3A_757 = arith.maxsi %max3A_752, %get3A_756 : vector<16xi32>
    %get3A_758 = arith.constant 12 : i32
    %get3A_759 = arith.index_cast %get3A_758 : i32 to index
    %get3A_760 = arith.constant 128 : index
    %get3A_761 = tpu.vector_load %arg12[%get3A_759, %get3A_760] {strides = array<i32>} : memref<16x256xi32, #tpu.memory_space<vmem>>, vector<16xi32>,
    %max3A_762 = arith.maxsi %max3A_757, %get3A_761 : vector<16xi32>
    %get3A_763 = arith.constant 13 : i32
    %get3A_764 = arith.index_cast %get3A_763 : i32 to index
    %get3A_765 = arith.constant 128 : index
    %get3A_766 = tpu.vector_load %arg12[%get3A_764, %get3A_765] {strides = array<i32>} : memref<16x256xi32, #tpu.memory_space<vmem>>, vector<16xi32>,
    %max3A_767 = arith.maxsi %max3A_762, %get3A_766 : vector<16xi32>
    %get3A_768 = arith.constant 14 : i32
    %get3A_769 = arith.index_cast %get3A_768 : i32 to index
    %get3A_770 = arith.constant 128 : index
    %get3A_771 = tpu.vector_load %arg12[%get3A_769, %get3A_770] {strides = array<i32>} : memref<16x256xi32, #tpu.memory_space<vmem>>, vector<16xi32>,
    %max3A_772 = arith.maxsi %max3A_767, %get3A_771 : vector<16xi32>
    %get3A_773 = arith.constant 15 : i32
    %get3A_774 = arith.index_cast %get3A_773 : i32 to index
    %get3A_775 = arith.constant 128 : index
    %get3A_776 = tpu.vector_load %arg12[%get3A_774, %get3A_775] {strides = array<i32>} : memref<16x256xi32, #tpu.memory_space<vmem>>, vector<16xi32>,
    %max3A_777 = arith.maxsi %max3A_772, %get3A_776 : vector<16xi32>
    %swap3A_778 = arith.constant 128 : index
    %swap3A_779 = tpu.vector_load %arg13[%swap3A_778] {strides = array<i32>} : memref<256xi32, #tpu.memory_space<vmem>>, vector<16xi32>,
    tpu.vector_store %arg13[%swap3A_778], %max3A_777 {strides = array<i32>} : memref<256xi32, #tpu.memory_space<vmem>>, vector<16xi32>,
    %get3A_780 = arith.constant 0 : i32
    %get3A_781 = arith.index_cast %get3A_780 : i32 to index
    %get3A_782 = arith.constant 144 : index
    %get3A_783 = tpu.vector_load %arg12[%get3A_781, %get3A_782] {strides = array<i32>} : memref<16x256xi32, #tpu.memory_space<vmem>>, vector<16xi32>,
    %get3A_784 = arith.constant 1 : i32
    %get3A_785 = arith.index_cast %get3A_784 : i32 to index
    %get3A_786 = arith.constant 144 : index
    %get3A_787 = tpu.vector_load %arg12[%get3A_785, %get3A_786] {strides = array<i32>} : memref<16x256xi32, #tpu.memory_space<vmem>>, vector<16xi32>,
    %max3A_788 = arith.maxsi %get3A_783, %get3A_787 : vector<16xi32>
    %get3A_789 = arith.constant 2 : i32
    %get3A_790 = arith.index_cast %get3A_789 : i32 to index
    %get3A_791 = arith.constant 144 : index
    %get3A_792 = tpu.vector_load %arg12[%get3A_790, %get3A_791] {strides = array<i32>} : memref<16x256xi32, #tpu.memory_space<vmem>>, vector<16xi32>,
    %max3A_793 = arith.maxsi %max3A_788, %get3A_792 : vector<16xi32>
    %get3A_794 = arith.constant 3 : i32
    %get3A_795 = arith.index_cast %get3A_794 : i32 to index
    %get3A_796 = arith.constant 144 : index
    %get3A_797 = tpu.vector_load %arg12[%get3A_795, %get3A_796] {strides = array<i32>} : memref<16x256xi32, #tpu.memory_space<vmem>>, vector<16xi32>,
    %max3A_798 = arith.maxsi %max3A_793, %get3A_797 : vector<16xi32>
    %get3A_799 = arith.constant 4 : i32
    %get3A_800 = arith.index_cast %get3A_799 : i32 to index
    %get3A_801 = arith.constant 144 : index
    %get3A_802 = tpu.vector_load %arg12[%get3A_800, %get3A_801] {strides = array<i32>} : memref<16x256xi32, #tpu.memory_space<vmem>>, vector<16xi32>,
    %max3A_803 = arith.maxsi %max3A_798, %get3A_802 : vector<16xi32>
    %get3A_804 = arith.constant 5 : i32
    %get3A_805 = arith.index_cast %get3A_804 : i32 to index
    %get3A_806 = arith.constant 144 : index
    %get3A_807 = tpu.vector_load %arg12[%get3A_805, %get3A_806] {strides = array<i32>} : memref<16x256xi32, #tpu.memory_space<vmem>>, vector<16xi32>,
    %max3A_808 = arith.maxsi %max3A_803, %get3A_807 : vector<16xi32>
    %get3A_809 = arith.constant 6 : i32
    %get3A_810 = arith.index_cast %get3A_809 : i32 to index
    %get3A_811 = arith.constant 144 : index
    %get3A_812 = tpu.vector_load %arg12[%get3A_810, %get3A_811] {strides = array<i32>} : memref<16x256xi32, #tpu.memory_space<vmem>>, vector<16xi32>,
    %max3A_813 = arith.maxsi %max3A_808, %get3A_812 : vector<16xi32>
    %get3A_814 = arith.constant 7 : i32
    %get3A_815 = arith.index_cast %get3A_814 : i32 to index
    %get3A_816 = arith.constant 144 : index
    %get3A_817 = tpu.vector_load %arg12[%get3A_815, %get3A_816] {strides = array<i32>} : memref<16x256xi32, #tpu.memory_space<vmem>>, vector<16xi32>,
    %max3A_818 = arith.maxsi %max3A_813, %get3A_817 : vector<16xi32>
    %get3A_819 = arith.constant 8 : i32
    %get3A_820 = arith.index_cast %get3A_819 : i32 to index
    %get3A_821 = arith.constant 144 : index
    %get3A_822 = tpu.vector_load %arg12[%get3A_820, %get3A_821] {strides = array<i32>} : memref<16x256xi32, #tpu.memory_space<vmem>>, vector<16xi32>,
    %max3A_823 = arith.maxsi %max3A_818, %get3A_822 : vector<16xi32>
    %get3A_824 = arith.constant 9 : i32
    %get3A_825 = arith.index_cast %get3A_824 : i32 to index
    %get3A_826 = arith.constant 144 : index
    %get3A_827 = tpu.vector_load %arg12[%get3A_825, %get3A_826] {strides = array<i32>} : memref<16x256xi32, #tpu.memory_space<vmem>>, vector<16xi32>,
    %max3A_828 = arith.maxsi %max3A_823, %get3A_827 : vector<16xi32>
    %get3A_829 = arith.constant 10 : i32
    %get3A_830 = arith.index_cast %get3A_829 : i32 to index
    %get3A_831 = arith.constant 144 : index
    %get3A_832 = tpu.vector_load %arg12[%get3A_830, %get3A_831] {strides = array<i32>} : memref<16x256xi32, #tpu.memory_space<vmem>>, vector<16xi32>,
    %max3A_833 = arith.maxsi %max3A_828, %get3A_832 : vector<16xi32>
    %get3A_834 = arith.constant 11 : i32
    %get3A_835 = arith.index_cast %get3A_834 : i32 to index
    %get3A_836 = arith.constant 144 : index
    %get3A_837 = tpu.vector_load %arg12[%get3A_835, %get3A_836] {strides = array<i32>} : memref<16x256xi32, #tpu.memory_space<vmem>>, vector<16xi32>,
    %max3A_838 = arith.maxsi %max3A_833, %get3A_837 : vector<16xi32>
    %get3A_839 = arith.constant 12 : i32
    %get3A_840 = arith.index_cast %get3A_839 : i32 to index
    %get3A_841 = arith.constant 144 : index
    %get3A_842 = tpu.vector_load %arg12[%get3A_840, %get3A_841] {strides = array<i32>} : memref<16x256xi32, #tpu.memory_space<vmem>>, vector<16xi32>,
    %max3A_843 = arith.maxsi %max3A_838, %get3A_842 : vector<16xi32>
    %get3A_844 = arith.constant 13 : i32
    %get3A_845 = arith.index_cast %get3A_844 : i32 to index
    %get3A_846 = arith.constant 144 : index
    %get3A_847 = tpu.vector_load %arg12[%get3A_845, %get3A_846] {strides = array<i32>} : memref<16x256xi32, #tpu.memory_space<vmem>>, vector<16xi32>,
    %max3A_848 = arith.maxsi %max3A_843, %get3A_847 : vector<16xi32>
    %get3A_849 = arith.constant 14 : i32
    %get3A_850 = arith.index_cast %get3A_849 : i32 to index
    %get3A_851 = arith.constant 144 : index
    %get3A_852 = tpu.vector_load %arg12[%get3A_850, %get3A_851] {strides = array<i32>} : memref<16x256xi32, #tpu.memory_space<vmem>>, vector<16xi32>,
    %max3A_853 = arith.maxsi %max3A_848, %get3A_852 : vector<16xi32>
    %get3A_854 = arith.constant 15 : i32
    %get3A_855 = arith.index_cast %get3A_854 : i32 to index
    %get3A_856 = arith.constant 144 : index
    %get3A_857 = tpu.vector_load %arg12[%get3A_855, %get3A_856] {strides = array<i32>} : memref<16x256xi32, #tpu.memory_space<vmem>>, vector<16xi32>,
    %max3A_858 = arith.maxsi %max3A_853, %get3A_857 : vector<16xi32>
    %swap3A_859 = arith.constant 144 : index
    %swap3A_860 = tpu.vector_load %arg13[%swap3A_859] {strides = array<i32>} : memref<256xi32, #tpu.memory_space<vmem>>, vector<16xi32>,
    tpu.vector_store %arg13[%swap3A_859], %max3A_858 {strides = array<i32>} : memref<256xi32, #tpu.memory_space<vmem>>, vector<16xi32>,
    %get3A_861 = arith.constant 0 : i32
    %get3A_862 = arith.index_cast %get3A_861 : i32 to index
    %get3A_863 = arith.constant 160 : index
    %get3A_864 = tpu.vector_load %arg12[%get3A_862, %get3A_863] {strides = array<i32>} : memref<16x256xi32, #tpu.memory_space<vmem>>, vector<16xi32>,
    %get3A_865 = arith.constant 1 : i32
    %get3A_866 = arith.index_cast %get3A_865 : i32 to index
    %get3A_867 = arith.constant 160 : index
    %get3A_868 = tpu.vector_load %arg12[%get3A_866, %get3A_867] {strides = array<i32>} : memref<16x256xi32, #tpu.memory_space<vmem>>, vector<16xi32>,
    %max3A_869 = arith.maxsi %get3A_864, %get3A_868 : vector<16xi32>
    %get3A_870 = arith.constant 2 : i32
    %get3A_871 = arith.index_cast %get3A_870 : i32 to index
    %get3A_872 = arith.constant 160 : index
    %get3A_873 = tpu.vector_load %arg12[%get3A_871, %get3A_872] {strides = array<i32>} : memref<16x256xi32, #tpu.memory_space<vmem>>, vector<16xi32>,
    %max3A_874 = arith.maxsi %max3A_869, %get3A_873 : vector<16xi32>
    %get3A_875 = arith.constant 3 : i32
    %get3A_876 = arith.index_cast %get3A_875 : i32 to index
    %get3A_877 = arith.constant 160 : index
    %get3A_878 = tpu.vector_load %arg12[%get3A_876, %get3A_877] {strides = array<i32>} : memref<16x256xi32, #tpu.memory_space<vmem>>, vector<16xi32>,
    %max3A_879 = arith.maxsi %max3A_874, %get3A_878 : vector<16xi32>
    %get3A_880 = arith.constant 4 : i32
    %get3A_881 = arith.index_cast %get3A_880 : i32 to index
    %get3A_882 = arith.constant 160 : index
    %get3A_883 = tpu.vector_load %arg12[%get3A_881, %get3A_882] {strides = array<i32>} : memref<16x256xi32, #tpu.memory_space<vmem>>, vector<16xi32>,
    %max3A_884 = arith.maxsi %max3A_879, %get3A_883 : vector<16xi32>
    %get3A_885 = arith.constant 5 : i32
    %get3A_886 = arith.index_cast %get3A_885 : i32 to index
    %get3A_887 = arith.constant 160 : index
    %get3A_888 = tpu.vector_load %arg12[%get3A_886, %get3A_887] {strides = array<i32>} : memref<16x256xi32, #tpu.memory_space<vmem>>, vector<16xi32>,
    %max3A_889 = arith.maxsi %max3A_884, %get3A_888 : vector<16xi32>
    %get3A_890 = arith.constant 6 : i32
    %get3A_891 = arith.index_cast %get3A_890 : i32 to index
    %get3A_892 = arith.constant 160 : index
    %get3A_893 = tpu.vector_load %arg12[%get3A_891, %get3A_892] {strides = array<i32>} : memref<16x256xi32, #tpu.memory_space<vmem>>, vector<16xi32>,
    %max3A_894 = arith.maxsi %max3A_889, %get3A_893 : vector<16xi32>
    %get3A_895 = arith.constant 7 : i32
    %get3A_896 = arith.index_cast %get3A_895 : i32 to index
    %get3A_897 = arith.constant 160 : index
    %get3A_898 = tpu.vector_load %arg12[%get3A_896, %get3A_897] {strides = array<i32>} : memref<16x256xi32, #tpu.memory_space<vmem>>, vector<16xi32>,
    %max3A_899 = arith.maxsi %max3A_894, %get3A_898 : vector<16xi32>
    %get3A_900 = arith.constant 8 : i32
    %get3A_901 = arith.index_cast %get3A_900 : i32 to index
    %get3A_902 = arith.constant 160 : index
    %get3A_903 = tpu.vector_load %arg12[%get3A_901, %get3A_902] {strides = array<i32>} : memref<16x256xi32, #tpu.memory_space<vmem>>, vector<16xi32>,
    %max3A_904 = arith.maxsi %max3A_899, %get3A_903 : vector<16xi32>
    %get3A_905 = arith.constant 9 : i32
    %get3A_906 = arith.index_cast %get3A_905 : i32 to index
    %get3A_907 = arith.constant 160 : index
    %get3A_908 = tpu.vector_load %arg12[%get3A_906, %get3A_907] {strides = array<i32>} : memref<16x256xi32, #tpu.memory_space<vmem>>, vector<16xi32>,
    %max3A_909 = arith.maxsi %max3A_904, %get3A_908 : vector<16xi32>
    %get3A_910 = arith.constant 10 : i32
    %get3A_911 = arith.index_cast %get3A_910 : i32 to index
    %get3A_912 = arith.constant 160 : index
    %get3A_913 = tpu.vector_load %arg12[%get3A_911, %get3A_912] {strides = array<i32>} : memref<16x256xi32, #tpu.memory_space<vmem>>, vector<16xi32>,
    %max3A_914 = arith.maxsi %max3A_909, %get3A_913 : vector<16xi32>
    %get3A_915 = arith.constant 11 : i32
    %get3A_916 = arith.index_cast %get3A_915 : i32 to index
    %get3A_917 = arith.constant 160 : index
    %get3A_918 = tpu.vector_load %arg12[%get3A_916, %get3A_917] {strides = array<i32>} : memref<16x256xi32, #tpu.memory_space<vmem>>, vector<16xi32>,
    %max3A_919 = arith.maxsi %max3A_914, %get3A_918 : vector<16xi32>
    %get3A_920 = arith.constant 12 : i32
    %get3A_921 = arith.index_cast %get3A_920 : i32 to index
    %get3A_922 = arith.constant 160 : index
    %get3A_923 = tpu.vector_load %arg12[%get3A_921, %get3A_922] {strides = array<i32>} : memref<16x256xi32, #tpu.memory_space<vmem>>, vector<16xi32>,
    %max3A_924 = arith.maxsi %max3A_919, %get3A_923 : vector<16xi32>
    %get3A_925 = arith.constant 13 : i32
    %get3A_926 = arith.index_cast %get3A_925 : i32 to index
    %get3A_927 = arith.constant 160 : index
    %get3A_928 = tpu.vector_load %arg12[%get3A_926, %get3A_927] {strides = array<i32>} : memref<16x256xi32, #tpu.memory_space<vmem>>, vector<16xi32>,
    %max3A_929 = arith.maxsi %max3A_924, %get3A_928 : vector<16xi32>
    %get3A_930 = arith.constant 14 : i32
    %get3A_931 = arith.index_cast %get3A_930 : i32 to index
    %get3A_932 = arith.constant 160 : index
    %get3A_933 = tpu.vector_load %arg12[%get3A_931, %get3A_932] {strides = array<i32>} : memref<16x256xi32, #tpu.memory_space<vmem>>, vector<16xi32>,
    %max3A_934 = arith.maxsi %max3A_929, %get3A_933 : vector<16xi32>
    %get3A_935 = arith.constant 15 : i32
    %get3A_936 = arith.index_cast %get3A_935 : i32 to index
    %get3A_937 = arith.constant 160 : index
    %get3A_938 = tpu.vector_load %arg12[%get3A_936, %get3A_937] {strides = array<i32>} : memref<16x256xi32, #tpu.memory_space<vmem>>, vector<16xi32>,
    %max3A_939 = arith.maxsi %max3A_934, %get3A_938 : vector<16xi32>
    %swap3A_940 = arith.constant 160 : index
    %swap3A_941 = tpu.vector_load %arg13[%swap3A_940] {strides = array<i32>} : memref<256xi32, #tpu.memory_space<vmem>>, vector<16xi32>,
    tpu.vector_store %arg13[%swap3A_940], %max3A_939 {strides = array<i32>} : memref<256xi32, #tpu.memory_space<vmem>>, vector<16xi32>,
    %get3A_942 = arith.constant 0 : i32
    %get3A_943 = arith.index_cast %get3A_942 : i32 to index
    %get3A_944 = arith.constant 176 : index
    %get3A_945 = tpu.vector_load %arg12[%get3A_943, %get3A_944] {strides = array<i32>} : memref<16x256xi32, #tpu.memory_space<vmem>>, vector<16xi32>,
    %get3A_946 = arith.constant 1 : i32
    %get3A_947 = arith.index_cast %get3A_946 : i32 to index
    %get3A_948 = arith.constant 176 : index
    %get3A_949 = tpu.vector_load %arg12[%get3A_947, %get3A_948] {strides = array<i32>} : memref<16x256xi32, #tpu.memory_space<vmem>>, vector<16xi32>,
    %max3A_950 = arith.maxsi %get3A_945, %get3A_949 : vector<16xi32>
    %get3A_951 = arith.constant 2 : i32
    %get3A_952 = arith.index_cast %get3A_951 : i32 to index
    %get3A_953 = arith.constant 176 : index
    %get3A_954 = tpu.vector_load %arg12[%get3A_952, %get3A_953] {strides = array<i32>} : memref<16x256xi32, #tpu.memory_space<vmem>>, vector<16xi32>,
    %max3A_955 = arith.maxsi %max3A_950, %get3A_954 : vector<16xi32>
    %get3A_956 = arith.constant 3 : i32
    %get3A_957 = arith.index_cast %get3A_956 : i32 to index
    %get3A_958 = arith.constant 176 : index
    %get3A_959 = tpu.vector_load %arg12[%get3A_957, %get3A_958] {strides = array<i32>} : memref<16x256xi32, #tpu.memory_space<vmem>>, vector<16xi32>,
    %max3A_960 = arith.maxsi %max3A_955, %get3A_959 : vector<16xi32>
    %get3A_961 = arith.constant 4 : i32
    %get3A_962 = arith.index_cast %get3A_961 : i32 to index
    %get3A_963 = arith.constant 176 : index
    %get3A_964 = tpu.vector_load %arg12[%get3A_962, %get3A_963] {strides = array<i32>} : memref<16x256xi32, #tpu.memory_space<vmem>>, vector<16xi32>,
    %max3A_965 = arith.maxsi %max3A_960, %get3A_964 : vector<16xi32>
    %get3A_966 = arith.constant 5 : i32
    %get3A_967 = arith.index_cast %get3A_966 : i32 to index
    %get3A_968 = arith.constant 176 : index
    %get3A_969 = tpu.vector_load %arg12[%get3A_967, %get3A_968] {strides = array<i32>} : memref<16x256xi32, #tpu.memory_space<vmem>>, vector<16xi32>,
    %max3A_970 = arith.maxsi %max3A_965, %get3A_969 : vector<16xi32>
    %get3A_971 = arith.constant 6 : i32
    %get3A_972 = arith.index_cast %get3A_971 : i32 to index
    %get3A_973 = arith.constant 176 : index
    %get3A_974 = tpu.vector_load %arg12[%get3A_972, %get3A_973] {strides = array<i32>} : memref<16x256xi32, #tpu.memory_space<vmem>>, vector<16xi32>,
    %max3A_975 = arith.maxsi %max3A_970, %get3A_974 : vector<16xi32>
    %get3A_976 = arith.constant 7 : i32
    %get3A_977 = arith.index_cast %get3A_976 : i32 to index
    %get3A_978 = arith.constant 176 : index
    %get3A_979 = tpu.vector_load %arg12[%get3A_977, %get3A_978] {strides = array<i32>} : memref<16x256xi32, #tpu.memory_space<vmem>>, vector<16xi32>,
    %max3A_980 = arith.maxsi %max3A_975, %get3A_979 : vector<16xi32>
    %get3A_981 = arith.constant 8 : i32
    %get3A_982 = arith.index_cast %get3A_981 : i32 to index
    %get3A_983 = arith.constant 176 : index
    %get3A_984 = tpu.vector_load %arg12[%get3A_982, %get3A_983] {strides = array<i32>} : memref<16x256xi32, #tpu.memory_space<vmem>>, vector<16xi32>,
    %max3A_985 = arith.maxsi %max3A_980, %get3A_984 : vector<16xi32>
    %get3A_986 = arith.constant 9 : i32
    %get3A_987 = arith.index_cast %get3A_986 : i32 to index
    %get3A_988 = arith.constant 176 : index
    %get3A_989 = tpu.vector_load %arg12[%get3A_987, %get3A_988] {strides = array<i32>} : memref<16x256xi32, #tpu.memory_space<vmem>>, vector<16xi32>,
    %max3A_990 = arith.maxsi %max3A_985, %get3A_989 : vector<16xi32>
    %get3A_991 = arith.constant 10 : i32
    %get3A_992 = arith.index_cast %get3A_991 : i32 to index
    %get3A_993 = arith.constant 176 : index
    %get3A_994 = tpu.vector_load %arg12[%get3A_992, %get3A_993] {strides = array<i32>} : memref<16x256xi32, #tpu.memory_space<vmem>>, vector<16xi32>,
    %max3A_995 = arith.maxsi %max3A_990, %get3A_994 : vector<16xi32>
    %get3A_996 = arith.constant 11 : i32
    %get3A_997 = arith.index_cast %get3A_996 : i32 to index
    %get3A_998 = arith.constant 176 : index
    %get3A_999 = tpu.vector_load %arg12[%get3A_997, %get3A_998] {strides = array<i32>} : memref<16x256xi32, #tpu.memory_space<vmem>>, vector<16xi32>,
    %max3A_1000 = arith.maxsi %max3A_995, %get3A_999 : vector<16xi32>
    %get3A_1001 = arith.constant 12 : i32
    %get3A_1002 = arith.index_cast %get3A_1001 : i32 to index
    %get3A_1003 = arith.constant 176 : index
    %get3A_1004 = tpu.vector_load %arg12[%get3A_1002, %get3A_1003] {strides = array<i32>} : memref<16x256xi32, #tpu.memory_space<vmem>>, vector<16xi32>,
    %max3A_1005 = arith.maxsi %max3A_1000, %get3A_1004 : vector<16xi32>
    %get3A_1006 = arith.constant 13 : i32
    %get3A_1007 = arith.index_cast %get3A_1006 : i32 to index
    %get3A_1008 = arith.constant 176 : index
    %get3A_1009 = tpu.vector_load %arg12[%get3A_1007, %get3A_1008] {strides = array<i32>} : memref<16x256xi32, #tpu.memory_space<vmem>>, vector<16xi32>,
    %max3A_1010 = arith.maxsi %max3A_1005, %get3A_1009 : vector<16xi32>
    %get3A_1011 = arith.constant 14 : i32
    %get3A_1012 = arith.index_cast %get3A_1011 : i32 to index
    %get3A_1013 = arith.constant 176 : index
    %get3A_1014 = tpu.vector_load %arg12[%get3A_1012, %get3A_1013] {strides = array<i32>} : memref<16x256xi32, #tpu.memory_space<vmem>>, vector<16xi32>,
    %max3A_1015 = arith.maxsi %max3A_1010, %get3A_1014 : vector<16xi32>
    %get3A_1016 = arith.constant 15 : i32
    %get3A_1017 = arith.index_cast %get3A_1016 : i32 to index
    %get3A_1018 = arith.constant 176 : index
    %get3A_1019 = tpu.vector_load %arg12[%get3A_1017, %get3A_1018] {strides = array<i32>} : memref<16x256xi32, #tpu.memory_space<vmem>>, vector<16xi32>,
    %max3A_1020 = arith.maxsi %max3A_1015, %get3A_1019 : vector<16xi32>
    %swap3A_1021 = arith.constant 176 : index
    %swap3A_1022 = tpu.vector_load %arg13[%swap3A_1021] {strides = array<i32>} : memref<256xi32, #tpu.memory_space<vmem>>, vector<16xi32>,
    tpu.vector_store %arg13[%swap3A_1021], %max3A_1020 {strides = array<i32>} : memref<256xi32, #tpu.memory_space<vmem>>, vector<16xi32>,
    %get3A_1023 = arith.constant 0 : i32
    %get3A_1024 = arith.index_cast %get3A_1023 : i32 to index
    %get3A_1025 = arith.constant 192 : index
    %get3A_1026 = tpu.vector_load %arg12[%get3A_1024, %get3A_1025] {strides = array<i32>} : memref<16x256xi32, #tpu.memory_space<vmem>>, vector<16xi32>,
    %get3A_1027 = arith.constant 1 : i32
    %get3A_1028 = arith.index_cast %get3A_1027 : i32 to index
    %get3A_1029 = arith.constant 192 : index
    %get3A_1030 = tpu.vector_load %arg12[%get3A_1028, %get3A_1029] {strides = array<i32>} : memref<16x256xi32, #tpu.memory_space<vmem>>, vector<16xi32>,
    %max3A_1031 = arith.maxsi %get3A_1026, %get3A_1030 : vector<16xi32>
    %get3A_1032 = arith.constant 2 : i32
    %get3A_1033 = arith.index_cast %get3A_1032 : i32 to index
    %get3A_1034 = arith.constant 192 : index
    %get3A_1035 = tpu.vector_load %arg12[%get3A_1033, %get3A_1034] {strides = array<i32>} : memref<16x256xi32, #tpu.memory_space<vmem>>, vector<16xi32>,
    %max3A_1036 = arith.maxsi %max3A_1031, %get3A_1035 : vector<16xi32>
    %get3A_1037 = arith.constant 3 : i32
    %get3A_1038 = arith.index_cast %get3A_1037 : i32 to index
    %get3A_1039 = arith.constant 192 : index
    %get3A_1040 = tpu.vector_load %arg12[%get3A_1038, %get3A_1039] {strides = array<i32>} : memref<16x256xi32, #tpu.memory_space<vmem>>, vector<16xi32>,
    %max3A_1041 = arith.maxsi %max3A_1036, %get3A_1040 : vector<16xi32>
    %get3A_1042 = arith.constant 4 : i32
    %get3A_1043 = arith.index_cast %get3A_1042 : i32 to index
    %get3A_1044 = arith.constant 192 : index
    %get3A_1045 = tpu.vector_load %arg12[%get3A_1043, %get3A_1044] {strides = array<i32>} : memref<16x256xi32, #tpu.memory_space<vmem>>, vector<16xi32>,
    %max3A_1046 = arith.maxsi %max3A_1041, %get3A_1045 : vector<16xi32>
    %get3A_1047 = arith.constant 5 : i32
    %get3A_1048 = arith.index_cast %get3A_1047 : i32 to index
    %get3A_1049 = arith.constant 192 : index
    %get3A_1050 = tpu.vector_load %arg12[%get3A_1048, %get3A_1049] {strides = array<i32>} : memref<16x256xi32, #tpu.memory_space<vmem>>, vector<16xi32>,
    %max3A_1051 = arith.maxsi %max3A_1046, %get3A_1050 : vector<16xi32>
    %get3A_1052 = arith.constant 6 : i32
    %get3A_1053 = arith.index_cast %get3A_1052 : i32 to index
    %get3A_1054 = arith.constant 192 : index
    %get3A_1055 = tpu.vector_load %arg12[%get3A_1053, %get3A_1054] {strides = array<i32>} : memref<16x256xi32, #tpu.memory_space<vmem>>, vector<16xi32>,
    %max3A_1056 = arith.maxsi %max3A_1051, %get3A_1055 : vector<16xi32>
    %get3A_1057 = arith.constant 7 : i32
    %get3A_1058 = arith.index_cast %get3A_1057 : i32 to index
    %get3A_1059 = arith.constant 192 : index
    %get3A_1060 = tpu.vector_load %arg12[%get3A_1058, %get3A_1059] {strides = array<i32>} : memref<16x256xi32, #tpu.memory_space<vmem>>, vector<16xi32>,
    %max3A_1061 = arith.maxsi %max3A_1056, %get3A_1060 : vector<16xi32>
    %get3A_1062 = arith.constant 8 : i32
    %get3A_1063 = arith.index_cast %get3A_1062 : i32 to index
    %get3A_1064 = arith.constant 192 : index
    %get3A_1065 = tpu.vector_load %arg12[%get3A_1063, %get3A_1064] {strides = array<i32>} : memref<16x256xi32, #tpu.memory_space<vmem>>, vector<16xi32>,
    %max3A_1066 = arith.maxsi %max3A_1061, %get3A_1065 : vector<16xi32>
    %get3A_1067 = arith.constant 9 : i32
    %get3A_1068 = arith.index_cast %get3A_1067 : i32 to index
    %get3A_1069 = arith.constant 192 : index
    %get3A_1070 = tpu.vector_load %arg12[%get3A_1068, %get3A_1069] {strides = array<i32>} : memref<16x256xi32, #tpu.memory_space<vmem>>, vector<16xi32>,
    %max3A_1071 = arith.maxsi %max3A_1066, %get3A_1070 : vector<16xi32>
    %get3A_1072 = arith.constant 10 : i32
    %get3A_1073 = arith.index_cast %get3A_1072 : i32 to index
    %get3A_1074 = arith.constant 192 : index
    %get3A_1075 = tpu.vector_load %arg12[%get3A_1073, %get3A_1074] {strides = array<i32>} : memref<16x256xi32, #tpu.memory_space<vmem>>, vector<16xi32>,
    %max3A_1076 = arith.maxsi %max3A_1071, %get3A_1075 : vector<16xi32>
    %get3A_1077 = arith.constant 11 : i32
    %get3A_1078 = arith.index_cast %get3A_1077 : i32 to index
    %get3A_1079 = arith.constant 192 : index
    %get3A_1080 = tpu.vector_load %arg12[%get3A_1078, %get3A_1079] {strides = array<i32>} : memref<16x256xi32, #tpu.memory_space<vmem>>, vector<16xi32>,
    %max3A_1081 = arith.maxsi %max3A_1076, %get3A_1080 : vector<16xi32>
    %get3A_1082 = arith.constant 12 : i32
    %get3A_1083 = arith.index_cast %get3A_1082 : i32 to index
    %get3A_1084 = arith.constant 192 : index
    %get3A_1085 = tpu.vector_load %arg12[%get3A_1083, %get3A_1084] {strides = array<i32>} : memref<16x256xi32, #tpu.memory_space<vmem>>, vector<16xi32>,
    %max3A_1086 = arith.maxsi %max3A_1081, %get3A_1085 : vector<16xi32>
    %get3A_1087 = arith.constant 13 : i32
    %get3A_1088 = arith.index_cast %get3A_1087 : i32 to index
    %get3A_1089 = arith.constant 192 : index
    %get3A_1090 = tpu.vector_load %arg12[%get3A_1088, %get3A_1089] {strides = array<i32>} : memref<16x256xi32, #tpu.memory_space<vmem>>, vector<16xi32>,
    %max3A_1091 = arith.maxsi %max3A_1086, %get3A_1090 : vector<16xi32>
    %get3A_1092 = arith.constant 14 : i32
    %get3A_1093 = arith.index_cast %get3A_1092 : i32 to index
    %get3A_1094 = arith.constant 192 : index
    %get3A_1095 = tpu.vector_load %arg12[%get3A_1093, %get3A_1094] {strides = array<i32>} : memref<16x256xi32, #tpu.memory_space<vmem>>, vector<16xi32>,
    %max3A_1096 = arith.maxsi %max3A_1091, %get3A_1095 : vector<16xi32>
    %get3A_1097 = arith.constant 15 : i32
    %get3A_1098 = arith.index_cast %get3A_1097 : i32 to index
    %get3A_1099 = arith.constant 192 : index
    %get3A_1100 = tpu.vector_load %arg12[%get3A_1098, %get3A_1099] {strides = array<i32>} : memref<16x256xi32, #tpu.memory_space<vmem>>, vector<16xi32>,
    %max3A_1101 = arith.maxsi %max3A_1096, %get3A_1100 : vector<16xi32>
    %swap3A_1102 = arith.constant 192 : index
    %swap3A_1103 = tpu.vector_load %arg13[%swap3A_1102] {strides = array<i32>} : memref<256xi32, #tpu.memory_space<vmem>>, vector<16xi32>,
    tpu.vector_store %arg13[%swap3A_1102], %max3A_1101 {strides = array<i32>} : memref<256xi32, #tpu.memory_space<vmem>>, vector<16xi32>,
    %get3A_1104 = arith.constant 0 : i32
    %get3A_1105 = arith.index_cast %get3A_1104 : i32 to index
    %get3A_1106 = arith.constant 208 : index
    %get3A_1107 = tpu.vector_load %arg12[%get3A_1105, %get3A_1106] {strides = array<i32>} : memref<16x256xi32, #tpu.memory_space<vmem>>, vector<16xi32>,
    %get3A_1108 = arith.constant 1 : i32
    %get3A_1109 = arith.index_cast %get3A_1108 : i32 to index
    %get3A_1110 = arith.constant 208 : index
    %get3A_1111 = tpu.vector_load %arg12[%get3A_1109, %get3A_1110] {strides = array<i32>} : memref<16x256xi32, #tpu.memory_space<vmem>>, vector<16xi32>,
    %max3A_1112 = arith.maxsi %get3A_1107, %get3A_1111 : vector<16xi32>
    %get3A_1113 = arith.constant 2 : i32
    %get3A_1114 = arith.index_cast %get3A_1113 : i32 to index
    %get3A_1115 = arith.constant 208 : index
    %get3A_1116 = tpu.vector_load %arg12[%get3A_1114, %get3A_1115] {strides = array<i32>} : memref<16x256xi32, #tpu.memory_space<vmem>>, vector<16xi32>,
    %max3A_1117 = arith.maxsi %max3A_1112, %get3A_1116 : vector<16xi32>
    %get3A_1118 = arith.constant 3 : i32
    %get3A_1119 = arith.index_cast %get3A_1118 : i32 to index
    %get3A_1120 = arith.constant 208 : index
    %get3A_1121 = tpu.vector_load %arg12[%get3A_1119, %get3A_1120] {strides = array<i32>} : memref<16x256xi32, #tpu.memory_space<vmem>>, vector<16xi32>,
    %max3A_1122 = arith.maxsi %max3A_1117, %get3A_1121 : vector<16xi32>
    %get3A_1123 = arith.constant 4 : i32
    %get3A_1124 = arith.index_cast %get3A_1123 : i32 to index
    %get3A_1125 = arith.constant 208 : index
    %get3A_1126 = tpu.vector_load %arg12[%get3A_1124, %get3A_1125] {strides = array<i32>} : memref<16x256xi32, #tpu.memory_space<vmem>>, vector<16xi32>,
    %max3A_1127 = arith.maxsi %max3A_1122, %get3A_1126 : vector<16xi32>
    %get3A_1128 = arith.constant 5 : i32
    %get3A_1129 = arith.index_cast %get3A_1128 : i32 to index
    %get3A_1130 = arith.constant 208 : index
    %get3A_1131 = tpu.vector_load %arg12[%get3A_1129, %get3A_1130] {strides = array<i32>} : memref<16x256xi32, #tpu.memory_space<vmem>>, vector<16xi32>,
    %max3A_1132 = arith.maxsi %max3A_1127, %get3A_1131 : vector<16xi32>
    %get3A_1133 = arith.constant 6 : i32
    %get3A_1134 = arith.index_cast %get3A_1133 : i32 to index
    %get3A_1135 = arith.constant 208 : index
    %get3A_1136 = tpu.vector_load %arg12[%get3A_1134, %get3A_1135] {strides = array<i32>} : memref<16x256xi32, #tpu.memory_space<vmem>>, vector<16xi32>,
    %max3A_1137 = arith.maxsi %max3A_1132, %get3A_1136 : vector<16xi32>
    %get3A_1138 = arith.constant 7 : i32
    %get3A_1139 = arith.index_cast %get3A_1138 : i32 to index
    %get3A_1140 = arith.constant 208 : index
    %get3A_1141 = tpu.vector_load %arg12[%get3A_1139, %get3A_1140] {strides = array<i32>} : memref<16x256xi32, #tpu.memory_space<vmem>>, vector<16xi32>,
    %max3A_1142 = arith.maxsi %max3A_1137, %get3A_1141 : vector<16xi32>
    %get3A_1143 = arith.constant 8 : i32
    %get3A_1144 = arith.index_cast %get3A_1143 : i32 to index
    %get3A_1145 = arith.constant 208 : index
    %get3A_1146 = tpu.vector_load %arg12[%get3A_1144, %get3A_1145] {strides = array<i32>} : memref<16x256xi32, #tpu.memory_space<vmem>>, vector<16xi32>,
    %max3A_1147 = arith.maxsi %max3A_1142, %get3A_1146 : vector<16xi32>
    %get3A_1148 = arith.constant 9 : i32
    %get3A_1149 = arith.index_cast %get3A_1148 : i32 to index
    %get3A_1150 = arith.constant 208 : index
    %get3A_1151 = tpu.vector_load %arg12[%get3A_1149, %get3A_1150] {strides = array<i32>} : memref<16x256xi32, #tpu.memory_space<vmem>>, vector<16xi32>,
    %max3A_1152 = arith.maxsi %max3A_1147, %get3A_1151 : vector<16xi32>
    %get3A_1153 = arith.constant 10 : i32
    %get3A_1154 = arith.index_cast %get3A_1153 : i32 to index
    %get3A_1155 = arith.constant 208 : index
    %get3A_1156 = tpu.vector_load %arg12[%get3A_1154, %get3A_1155] {strides = array<i32>} : memref<16x256xi32, #tpu.memory_space<vmem>>, vector<16xi32>,
    %max3A_1157 = arith.maxsi %max3A_1152, %get3A_1156 : vector<16xi32>
    %get3A_1158 = arith.constant 11 : i32
    %get3A_1159 = arith.index_cast %get3A_1158 : i32 to index
    %get3A_1160 = arith.constant 208 : index
    %get3A_1161 = tpu.vector_load %arg12[%get3A_1159, %get3A_1160] {strides = array<i32>} : memref<16x256xi32, #tpu.memory_space<vmem>>, vector<16xi32>,
    %max3A_1162 = arith.maxsi %max3A_1157, %get3A_1161 : vector<16xi32>
    %get3A_1163 = arith.constant 12 : i32
    %get3A_1164 = arith.index_cast %get3A_1163 : i32 to index
    %get3A_1165 = arith.constant 208 : index
    %get3A_1166 = tpu.vector_load %arg12[%get3A_1164, %get3A_1165] {strides = array<i32>} : memref<16x256xi32, #tpu.memory_space<vmem>>, vector<16xi32>,
    %max3A_1167 = arith.maxsi %max3A_1162, %get3A_1166 : vector<16xi32>
    %get3A_1168 = arith.constant 13 : i32
    %get3A_1169 = arith.index_cast %get3A_1168 : i32 to index
    %get3A_1170 = arith.constant 208 : index
    %get3A_1171 = tpu.vector_load %arg12[%get3A_1169, %get3A_1170] {strides = array<i32>} : memref<16x256xi32, #tpu.memory_space<vmem>>, vector<16xi32>,
    %max3A_1172 = arith.maxsi %max3A_1167, %get3A_1171 : vector<16xi32>
    %get3A_1173 = arith.constant 14 : i32
    %get3A_1174 = arith.index_cast %get3A_1173 : i32 to index
    %get3A_1175 = arith.constant 208 : index
    %get3A_1176 = tpu.vector_load %arg12[%get3A_1174, %get3A_1175] {strides = array<i32>} : memref<16x256xi32, #tpu.memory_space<vmem>>, vector<16xi32>,
    %max3A_1177 = arith.maxsi %max3A_1172, %get3A_1176 : vector<16xi32>
    %get3A_1178 = arith.constant 15 : i32
    %get3A_1179 = arith.index_cast %get3A_1178 : i32 to index
    %get3A_1180 = arith.constant 208 : index
    %get3A_1181 = tpu.vector_load %arg12[%get3A_1179, %get3A_1180] {strides = array<i32>} : memref<16x256xi32, #tpu.memory_space<vmem>>, vector<16xi32>,
    %max3A_1182 = arith.maxsi %max3A_1177, %get3A_1181 : vector<16xi32>
    %swap3A_1183 = arith.constant 208 : index
    %swap3A_1184 = tpu.vector_load %arg13[%swap3A_1183] {strides = array<i32>} : memref<256xi32, #tpu.memory_space<vmem>>, vector<16xi32>,
    tpu.vector_store %arg13[%swap3A_1183], %max3A_1182 {strides = array<i32>} : memref<256xi32, #tpu.memory_space<vmem>>, vector<16xi32>,
    %get3A_1185 = arith.constant 0 : i32
    %get3A_1186 = arith.index_cast %get3A_1185 : i32 to index
    %get3A_1187 = arith.constant 224 : index
    %get3A_1188 = tpu.vector_load %arg12[%get3A_1186, %get3A_1187] {strides = array<i32>} : memref<16x256xi32, #tpu.memory_space<vmem>>, vector<16xi32>,
    %get3A_1189 = arith.constant 1 : i32
    %get3A_1190 = arith.index_cast %get3A_1189 : i32 to index
    %get3A_1191 = arith.constant 224 : index
    %get3A_1192 = tpu.vector_load %arg12[%get3A_1190, %get3A_1191] {strides = array<i32>} : memref<16x256xi32, #tpu.memory_space<vmem>>, vector<16xi32>,
    %max3A_1193 = arith.maxsi %get3A_1188, %get3A_1192 : vector<16xi32>
    %get3A_1194 = arith.constant 2 : i32
    %get3A_1195 = arith.index_cast %get3A_1194 : i32 to index
    %get3A_1196 = arith.constant 224 : index
    %get3A_1197 = tpu.vector_load %arg12[%get3A_1195, %get3A_1196] {strides = array<i32>} : memref<16x256xi32, #tpu.memory_space<vmem>>, vector<16xi32>,
    %max3A_1198 = arith.maxsi %max3A_1193, %get3A_1197 : vector<16xi32>
    %get3A_1199 = arith.constant 3 : i32
    %get3A_1200 = arith.index_cast %get3A_1199 : i32 to index
    %get3A_1201 = arith.constant 224 : index
    %get3A_1202 = tpu.vector_load %arg12[%get3A_1200, %get3A_1201] {strides = array<i32>} : memref<16x256xi32, #tpu.memory_space<vmem>>, vector<16xi32>,
    %max3A_1203 = arith.maxsi %max3A_1198, %get3A_1202 : vector<16xi32>
    %get3A_1204 = arith.constant 4 : i32
    %get3A_1205 = arith.index_cast %get3A_1204 : i32 to index
    %get3A_1206 = arith.constant 224 : index
    %get3A_1207 = tpu.vector_load %arg12[%get3A_1205, %get3A_1206] {strides = array<i32>} : memref<16x256xi32, #tpu.memory_space<vmem>>, vector<16xi32>,
    %max3A_1208 = arith.maxsi %max3A_1203, %get3A_1207 : vector<16xi32>
    %get3A_1209 = arith.constant 5 : i32
    %get3A_1210 = arith.index_cast %get3A_1209 : i32 to index
    %get3A_1211 = arith.constant 224 : index
    %get3A_1212 = tpu.vector_load %arg12[%get3A_1210, %get3A_1211] {strides = array<i32>} : memref<16x256xi32, #tpu.memory_space<vmem>>, vector<16xi32>,
    %max3A_1213 = arith.maxsi %max3A_1208, %get3A_1212 : vector<16xi32>
    %get3A_1214 = arith.constant 6 : i32
    %get3A_1215 = arith.index_cast %get3A_1214 : i32 to index
    %get3A_1216 = arith.constant 224 : index
    %get3A_1217 = tpu.vector_load %arg12[%get3A_1215, %get3A_1216] {strides = array<i32>} : memref<16x256xi32, #tpu.memory_space<vmem>>, vector<16xi32>,
    %max3A_1218 = arith.maxsi %max3A_1213, %get3A_1217 : vector<16xi32>
    %get3A_1219 = arith.constant 7 : i32
    %get3A_1220 = arith.index_cast %get3A_1219 : i32 to index
    %get3A_1221 = arith.constant 224 : index
    %get3A_1222 = tpu.vector_load %arg12[%get3A_1220, %get3A_1221] {strides = array<i32>} : memref<16x256xi32, #tpu.memory_space<vmem>>, vector<16xi32>,
    %max3A_1223 = arith.maxsi %max3A_1218, %get3A_1222 : vector<16xi32>
    %get3A_1224 = arith.constant 8 : i32
    %get3A_1225 = arith.index_cast %get3A_1224 : i32 to index
    %get3A_1226 = arith.constant 224 : index
    %get3A_1227 = tpu.vector_load %arg12[%get3A_1225, %get3A_1226] {strides = array<i32>} : memref<16x256xi32, #tpu.memory_space<vmem>>, vector<16xi32>,
    %max3A_1228 = arith.maxsi %max3A_1223, %get3A_1227 : vector<16xi32>
    %get3A_1229 = arith.constant 9 : i32
    %get3A_1230 = arith.index_cast %get3A_1229 : i32 to index
    %get3A_1231 = arith.constant 224 : index
    %get3A_1232 = tpu.vector_load %arg12[%get3A_1230, %get3A_1231] {strides = array<i32>} : memref<16x256xi32, #tpu.memory_space<vmem>>, vector<16xi32>,
    %max3A_1233 = arith.maxsi %max3A_1228, %get3A_1232 : vector<16xi32>
    %get3A_1234 = arith.constant 10 : i32
    %get3A_1235 = arith.index_cast %get3A_1234 : i32 to index
    %get3A_1236 = arith.constant 224 : index
    %get3A_1237 = tpu.vector_load %arg12[%get3A_1235, %get3A_1236] {strides = array<i32>} : memref<16x256xi32, #tpu.memory_space<vmem>>, vector<16xi32>,
    %max3A_1238 = arith.maxsi %max3A_1233, %get3A_1237 : vector<16xi32>
    %get3A_1239 = arith.constant 11 : i32
    %get3A_1240 = arith.index_cast %get3A_1239 : i32 to index
    %get3A_1241 = arith.constant 224 : index
    %get3A_1242 = tpu.vector_load %arg12[%get3A_1240, %get3A_1241] {strides = array<i32>} : memref<16x256xi32, #tpu.memory_space<vmem>>, vector<16xi32>,
    %max3A_1243 = arith.maxsi %max3A_1238, %get3A_1242 : vector<16xi32>
    %get3A_1244 = arith.constant 12 : i32
    %get3A_1245 = arith.index_cast %get3A_1244 : i32 to index
    %get3A_1246 = arith.constant 224 : index
    %get3A_1247 = tpu.vector_load %arg12[%get3A_1245, %get3A_1246] {strides = array<i32>} : memref<16x256xi32, #tpu.memory_space<vmem>>, vector<16xi32>,
    %max3A_1248 = arith.maxsi %max3A_1243, %get3A_1247 : vector<16xi32>
    %get3A_1249 = arith.constant 13 : i32
    %get3A_1250 = arith.index_cast %get3A_1249 : i32 to index
    %get3A_1251 = arith.constant 224 : index
    %get3A_1252 = tpu.vector_load %arg12[%get3A_1250, %get3A_1251] {strides = array<i32>} : memref<16x256xi32, #tpu.memory_space<vmem>>, vector<16xi32>,
    %max3A_1253 = arith.maxsi %max3A_1248, %get3A_1252 : vector<16xi32>
    %get3A_1254 = arith.constant 14 : i32
    %get3A_1255 = arith.index_cast %get3A_1254 : i32 to index
    %get3A_1256 = arith.constant 224 : index
    %get3A_1257 = tpu.vector_load %arg12[%get3A_1255, %get3A_1256] {strides = array<i32>} : memref<16x256xi32, #tpu.memory_space<vmem>>, vector<16xi32>,
    %max3A_1258 = arith.maxsi %max3A_1253, %get3A_1257 : vector<16xi32>
    %get3A_1259 = arith.constant 15 : i32
    %get3A_1260 = arith.index_cast %get3A_1259 : i32 to index
    %get3A_1261 = arith.constant 224 : index
    %get3A_1262 = tpu.vector_load %arg12[%get3A_1260, %get3A_1261] {strides = array<i32>} : memref<16x256xi32, #tpu.memory_space<vmem>>, vector<16xi32>,
    %max3A_1263 = arith.maxsi %max3A_1258, %get3A_1262 : vector<16xi32>
    %swap3A_1264 = arith.constant 224 : index
    %swap3A_1265 = tpu.vector_load %arg13[%swap3A_1264] {strides = array<i32>} : memref<256xi32, #tpu.memory_space<vmem>>, vector<16xi32>,
    tpu.vector_store %arg13[%swap3A_1264], %max3A_1263 {strides = array<i32>} : memref<256xi32, #tpu.memory_space<vmem>>, vector<16xi32>,
    %get3A_1266 = arith.constant 0 : i32
    %get3A_1267 = arith.index_cast %get3A_1266 : i32 to index
    %get3A_1268 = arith.constant 240 : index
    %get3A_1269 = tpu.vector_load %arg12[%get3A_1267, %get3A_1268] {strides = array<i32>} : memref<16x256xi32, #tpu.memory_space<vmem>>, vector<16xi32>,
    %get3A_1270 = arith.constant 1 : i32
    %get3A_1271 = arith.index_cast %get3A_1270 : i32 to index
    %get3A_1272 = arith.constant 240 : index
    %get3A_1273 = tpu.vector_load %arg12[%get3A_1271, %get3A_1272] {strides = array<i32>} : memref<16x256xi32, #tpu.memory_space<vmem>>, vector<16xi32>,
    %max3A_1274 = arith.maxsi %get3A_1269, %get3A_1273 : vector<16xi32>
    %get3A_1275 = arith.constant 2 : i32
    %get3A_1276 = arith.index_cast %get3A_1275 : i32 to index
    %get3A_1277 = arith.constant 240 : index
    %get3A_1278 = tpu.vector_load %arg12[%get3A_1276, %get3A_1277] {strides = array<i32>} : memref<16x256xi32, #tpu.memory_space<vmem>>, vector<16xi32>,
    %max3A_1279 = arith.maxsi %max3A_1274, %get3A_1278 : vector<16xi32>
    %get3A_1280 = arith.constant 3 : i32
    %get3A_1281 = arith.index_cast %get3A_1280 : i32 to index
    %get3A_1282 = arith.constant 240 : index
    %get3A_1283 = tpu.vector_load %arg12[%get3A_1281, %get3A_1282] {strides = array<i32>} : memref<16x256xi32, #tpu.memory_space<vmem>>, vector<16xi32>,
    %max3A_1284 = arith.maxsi %max3A_1279, %get3A_1283 : vector<16xi32>
    %get3A_1285 = arith.constant 4 : i32
    %get3A_1286 = arith.index_cast %get3A_1285 : i32 to index
    %get3A_1287 = arith.constant 240 : index
    %get3A_1288 = tpu.vector_load %arg12[%get3A_1286, %get3A_1287] {strides = array<i32>} : memref<16x256xi32, #tpu.memory_space<vmem>>, vector<16xi32>,
    %max3A_1289 = arith.maxsi %max3A_1284, %get3A_1288 : vector<16xi32>
    %get3A_1290 = arith.constant 5 : i32
    %get3A_1291 = arith.index_cast %get3A_1290 : i32 to index
    %get3A_1292 = arith.constant 240 : index
    %get3A_1293 = tpu.vector_load %arg12[%get3A_1291, %get3A_1292] {strides = array<i32>} : memref<16x256xi32, #tpu.memory_space<vmem>>, vector<16xi32>,
    %max3A_1294 = arith.maxsi %max3A_1289, %get3A_1293 : vector<16xi32>
    %get3A_1295 = arith.constant 6 : i32
    %get3A_1296 = arith.index_cast %get3A_1295 : i32 to index
    %get3A_1297 = arith.constant 240 : index
    %get3A_1298 = tpu.vector_load %arg12[%get3A_1296, %get3A_1297] {strides = array<i32>} : memref<16x256xi32, #tpu.memory_space<vmem>>, vector<16xi32>,
    %max3A_1299 = arith.maxsi %max3A_1294, %get3A_1298 : vector<16xi32>
    %get3A_1300 = arith.constant 7 : i32
    %get3A_1301 = arith.index_cast %get3A_1300 : i32 to index
    %get3A_1302 = arith.constant 240 : index
    %get3A_1303 = tpu.vector_load %arg12[%get3A_1301, %get3A_1302] {strides = array<i32>} : memref<16x256xi32, #tpu.memory_space<vmem>>, vector<16xi32>,
    %max3A_1304 = arith.maxsi %max3A_1299, %get3A_1303 : vector<16xi32>
    %get3A_1305 = arith.constant 8 : i32
    %get3A_1306 = arith.index_cast %get3A_1305 : i32 to index
    %get3A_1307 = arith.constant 240 : index
    %get3A_1308 = tpu.vector_load %arg12[%get3A_1306, %get3A_1307] {strides = array<i32>} : memref<16x256xi32, #tpu.memory_space<vmem>>, vector<16xi32>,
    %max3A_1309 = arith.maxsi %max3A_1304, %get3A_1308 : vector<16xi32>
    %get3A_1310 = arith.constant 9 : i32
    %get3A_1311 = arith.index_cast %get3A_1310 : i32 to index
    %get3A_1312 = arith.constant 240 : index
    %get3A_1313 = tpu.vector_load %arg12[%get3A_1311, %get3A_1312] {strides = array<i32>} : memref<16x256xi32, #tpu.memory_space<vmem>>, vector<16xi32>,
    %max3A_1314 = arith.maxsi %max3A_1309, %get3A_1313 : vector<16xi32>
    %get3A_1315 = arith.constant 10 : i32
    %get3A_1316 = arith.index_cast %get3A_1315 : i32 to index
    %get3A_1317 = arith.constant 240 : index
    %get3A_1318 = tpu.vector_load %arg12[%get3A_1316, %get3A_1317] {strides = array<i32>} : memref<16x256xi32, #tpu.memory_space<vmem>>, vector<16xi32>,
    %max3A_1319 = arith.maxsi %max3A_1314, %get3A_1318 : vector<16xi32>
    %get3A_1320 = arith.constant 11 : i32
    %get3A_1321 = arith.index_cast %get3A_1320 : i32 to index
    %get3A_1322 = arith.constant 240 : index
    %get3A_1323 = tpu.vector_load %arg12[%get3A_1321, %get3A_1322] {strides = array<i32>} : memref<16x256xi32, #tpu.memory_space<vmem>>, vector<16xi32>,
    %max3A_1324 = arith.maxsi %max3A_1319, %get3A_1323 : vector<16xi32>
    %get3A_1325 = arith.constant 12 : i32
    %get3A_1326 = arith.index_cast %get3A_1325 : i32 to index
    %get3A_1327 = arith.constant 240 : index
    %get3A_1328 = tpu.vector_load %arg12[%get3A_1326, %get3A_1327] {strides = array<i32>} : memref<16x256xi32, #tpu.memory_space<vmem>>, vector<16xi32>,
    %max3A_1329 = arith.maxsi %max3A_1324, %get3A_1328 : vector<16xi32>
    %get3A_1330 = arith.constant 13 : i32
    %get3A_1331 = arith.index_cast %get3A_1330 : i32 to index
    %get3A_1332 = arith.constant 240 : index
    %get3A_1333 = tpu.vector_load %arg12[%get3A_1331, %get3A_1332] {strides = array<i32>} : memref<16x256xi32, #tpu.memory_space<vmem>>, vector<16xi32>,
    %max3A_1334 = arith.maxsi %max3A_1329, %get3A_1333 : vector<16xi32>
    %get3A_1335 = arith.constant 14 : i32
    %get3A_1336 = arith.index_cast %get3A_1335 : i32 to index
    %get3A_1337 = arith.constant 240 : index
    %get3A_1338 = tpu.vector_load %arg12[%get3A_1336, %get3A_1337] {strides = array<i32>} : memref<16x256xi32, #tpu.memory_space<vmem>>, vector<16xi32>,
    %max3A_1339 = arith.maxsi %max3A_1334, %get3A_1338 : vector<16xi32>
    %get3A_1340 = arith.constant 15 : i32
    %get3A_1341 = arith.index_cast %get3A_1340 : i32 to index
    %get3A_1342 = arith.constant 240 : index
    %get3A_1343 = tpu.vector_load %arg12[%get3A_1341, %get3A_1342] {strides = array<i32>} : memref<16x256xi32, #tpu.memory_space<vmem>>, vector<16xi32>,
    %max3A_1344 = arith.maxsi %max3A_1339, %get3A_1343 : vector<16xi32>
    %swap3A_1345 = arith.constant 240 : index
    %swap3A_1346 = tpu.vector_load %arg13[%swap3A_1345] {strides = array<i32>} : memref<256xi32, #tpu.memory_space<vmem>>, vector<16xi32>,
    tpu.vector_store %arg13[%swap3A_1345], %max3A_1344 {strides = array<i32>} : memref<256xi32, #tpu.memory_space<vmem>>, vector<16xi32>,
    %get3A_1347 = arith.constant 0 : index
    %get3A_1348 = tpu.vector_load %arg13[%get3A_1347] {strides = array<i32>} : memref<256xi32, #tpu.memory_space<vmem>>, vector<16xi32>,
    %max3A_1349 = arith.constant 0 : i32
    %max3A_1350 = vector.broadcast %max3A_1349 : i32 to vector<16xi32>
    %max3A_1351 = arith.maxsi %get3A_1348, %max3A_1350 : vector<16xi32>
    %swap3A_1352 = arith.constant 0 : i32
    %swap3A_1353 = arith.index_cast %swap3A_1352 : i32 to index
    %swap3A_1354 = arith.constant 0 : index
    %swap3A_1355 = tpu.vector_load %arg14[%swap3A_1353, %swap3A_1354] {strides = array<i32>} : memref<2x128xi32, #tpu.memory_space<vmem>>, vector<16xi32>,
    tpu.vector_store %arg14[%swap3A_1353, %swap3A_1354], %max3A_1351 {strides = array<i32>} : memref<2x128xi32, #tpu.memory_space<vmem>>, vector<16xi32>,
    %get3A_1356 = arith.constant 16 : index
    %get3A_1357 = tpu.vector_load %arg13[%get3A_1356] {strides = array<i32>} : memref<256xi32, #tpu.memory_space<vmem>>, vector<16xi32>,
    %max3A_1358 = arith.constant 0 : i32
    %max3A_1359 = vector.broadcast %max3A_1358 : i32 to vector<16xi32>
    %max3A_1360 = arith.maxsi %get3A_1357, %max3A_1359 : vector<16xi32>
    %swap3A_1361 = arith.constant 0 : i32
    %swap3A_1362 = arith.index_cast %swap3A_1361 : i32 to index
    %swap3A_1363 = arith.constant 16 : index
    %swap3A_1364 = tpu.vector_load %arg14[%swap3A_1362, %swap3A_1363] {strides = array<i32>} : memref<2x128xi32, #tpu.memory_space<vmem>>, vector<16xi32>,
    tpu.vector_store %arg14[%swap3A_1362, %swap3A_1363], %max3A_1360 {strides = array<i32>} : memref<2x128xi32, #tpu.memory_space<vmem>>, vector<16xi32>,
    %get3A_1365 = arith.constant 32 : index
    %get3A_1366 = tpu.vector_load %arg13[%get3A_1365] {strides = array<i32>} : memref<256xi32, #tpu.memory_space<vmem>>, vector<16xi32>,
    %max3A_1367 = arith.constant 0 : i32
    %max3A_1368 = vector.broadcast %max3A_1367 : i32 to vector<16xi32>
    %max3A_1369 = arith.maxsi %get3A_1366, %max3A_1368 : vector<16xi32>
    %swap3A_1370 = arith.constant 0 : i32
    %swap3A_1371 = arith.index_cast %swap3A_1370 : i32 to index
    %swap3A_1372 = arith.constant 32 : index
    %swap3A_1373 = tpu.vector_load %arg14[%swap3A_1371, %swap3A_1372] {strides = array<i32>} : memref<2x128xi32, #tpu.memory_space<vmem>>, vector<16xi32>,
    tpu.vector_store %arg14[%swap3A_1371, %swap3A_1372], %max3A_1369 {strides = array<i32>} : memref<2x128xi32, #tpu.memory_space<vmem>>, vector<16xi32>,
    %get3A_1374 = arith.constant 48 : index
    %get3A_1375 = tpu.vector_load %arg13[%get3A_1374] {strides = array<i32>} : memref<256xi32, #tpu.memory_space<vmem>>, vector<16xi32>,
    %max3A_1376 = arith.constant 0 : i32
    %max3A_1377 = vector.broadcast %max3A_1376 : i32 to vector<16xi32>
    %max3A_1378 = arith.maxsi %get3A_1375, %max3A_1377 : vector<16xi32>
    %swap3A_1379 = arith.constant 0 : i32
    %swap3A_1380 = arith.index_cast %swap3A_1379 : i32 to index
    %swap3A_1381 = arith.constant 48 : index
    %swap3A_1382 = tpu.vector_load %arg14[%swap3A_1380, %swap3A_1381] {strides = array<i32>} : memref<2x128xi32, #tpu.memory_space<vmem>>, vector<16xi32>,
    tpu.vector_store %arg14[%swap3A_1380, %swap3A_1381], %max3A_1378 {strides = array<i32>} : memref<2x128xi32, #tpu.memory_space<vmem>>, vector<16xi32>,
    %get3A_1383 = arith.constant 64 : index
    %get3A_1384 = tpu.vector_load %arg13[%get3A_1383] {strides = array<i32>} : memref<256xi32, #tpu.memory_space<vmem>>, vector<16xi32>,
    %max3A_1385 = arith.constant 0 : i32
    %max3A_1386 = vector.broadcast %max3A_1385 : i32 to vector<16xi32>
    %max3A_1387 = arith.maxsi %get3A_1384, %max3A_1386 : vector<16xi32>
    %swap3A_1388 = arith.constant 0 : i32
    %swap3A_1389 = arith.index_cast %swap3A_1388 : i32 to index
    %swap3A_1390 = arith.constant 64 : index
    %swap3A_1391 = tpu.vector_load %arg14[%swap3A_1389, %swap3A_1390] {strides = array<i32>} : memref<2x128xi32, #tpu.memory_space<vmem>>, vector<16xi32>,
    tpu.vector_store %arg14[%swap3A_1389, %swap3A_1390], %max3A_1387 {strides = array<i32>} : memref<2x128xi32, #tpu.memory_space<vmem>>, vector<16xi32>,
    %get3A_1392 = arith.constant 80 : index
    %get3A_1393 = tpu.vector_load %arg13[%get3A_1392] {strides = array<i32>} : memref<256xi32, #tpu.memory_space<vmem>>, vector<16xi32>,
    %max3A_1394 = arith.constant 0 : i32
    %max3A_1395 = vector.broadcast %max3A_1394 : i32 to vector<16xi32>
    %max3A_1396 = arith.maxsi %get3A_1393, %max3A_1395 : vector<16xi32>
    %swap3A_1397 = arith.constant 0 : i32
    %swap3A_1398 = arith.index_cast %swap3A_1397 : i32 to index
    %swap3A_1399 = arith.constant 80 : index
    %swap3A_1400 = tpu.vector_load %arg14[%swap3A_1398, %swap3A_1399] {strides = array<i32>} : memref<2x128xi32, #tpu.memory_space<vmem>>, vector<16xi32>,
    tpu.vector_store %arg14[%swap3A_1398, %swap3A_1399], %max3A_1396 {strides = array<i32>} : memref<2x128xi32, #tpu.memory_space<vmem>>, vector<16xi32>,
    %get3A_1401 = arith.constant 96 : index
    %get3A_1402 = tpu.vector_load %arg13[%get3A_1401] {strides = array<i32>} : memref<256xi32, #tpu.memory_space<vmem>>, vector<16xi32>,
    %max3A_1403 = arith.constant 0 : i32
    %max3A_1404 = vector.broadcast %max3A_1403 : i32 to vector<16xi32>
    %max3A_1405 = arith.maxsi %get3A_1402, %max3A_1404 : vector<16xi32>
    %swap3A_1406 = arith.constant 0 : i32
    %swap3A_1407 = arith.index_cast %swap3A_1406 : i32 to index
    %swap3A_1408 = arith.constant 96 : index
    %swap3A_1409 = tpu.vector_load %arg14[%swap3A_1407, %swap3A_1408] {strides = array<i32>} : memref<2x128xi32, #tpu.memory_space<vmem>>, vector<16xi32>,
    tpu.vector_store %arg14[%swap3A_1407, %swap3A_1408], %max3A_1405 {strides = array<i32>} : memref<2x128xi32, #tpu.memory_space<vmem>>, vector<16xi32>,
    %get3A_1410 = arith.constant 112 : index
    %get3A_1411 = tpu.vector_load %arg13[%get3A_1410] {strides = array<i32>} : memref<256xi32, #tpu.memory_space<vmem>>, vector<16xi32>,
    %max3A_1412 = arith.constant 0 : i32
    %max3A_1413 = vector.broadcast %max3A_1412 : i32 to vector<16xi32>
    %max3A_1414 = arith.maxsi %get3A_1411, %max3A_1413 : vector<16xi32>
    %swap3A_1415 = arith.constant 0 : i32
    %swap3A_1416 = arith.index_cast %swap3A_1415 : i32 to index
    %swap3A_1417 = arith.constant 112 : index
    %swap3A_1418 = tpu.vector_load %arg14[%swap3A_1416, %swap3A_1417] {strides = array<i32>} : memref<2x128xi32, #tpu.memory_space<vmem>>, vector<16xi32>,
    tpu.vector_store %arg14[%swap3A_1416, %swap3A_1417], %max3A_1414 {strides = array<i32>} : memref<2x128xi32, #tpu.memory_space<vmem>>, vector<16xi32>,
    %get3A_1419 = arith.constant 128 : index
    %get3A_1420 = tpu.vector_load %arg13[%get3A_1419] {strides = array<i32>} : memref<256xi32, #tpu.memory_space<vmem>>, vector<16xi32>,
    %max3A_1421 = arith.constant 0 : i32
    %max3A_1422 = vector.broadcast %max3A_1421 : i32 to vector<16xi32>
    %max3A_1423 = arith.maxsi %get3A_1420, %max3A_1422 : vector<16xi32>
    %swap3A_1424 = arith.constant 1 : i32
    %swap3A_1425 = arith.index_cast %swap3A_1424 : i32 to index
    %swap3A_1426 = arith.constant 0 : index
    %swap3A_1427 = tpu.vector_load %arg14[%swap3A_1425, %swap3A_1426] {strides = array<i32>} : memref<2x128xi32, #tpu.memory_space<vmem>>, vector<16xi32>,
    tpu.vector_store %arg14[%swap3A_1425, %swap3A_1426], %max3A_1423 {strides = array<i32>} : memref<2x128xi32, #tpu.memory_space<vmem>>, vector<16xi32>,
    %get3A_1428 = arith.constant 144 : index
    %get3A_1429 = tpu.vector_load %arg13[%get3A_1428] {strides = array<i32>} : memref<256xi32, #tpu.memory_space<vmem>>, vector<16xi32>,
    %max3A_1430 = arith.constant 0 : i32
    %max3A_1431 = vector.broadcast %max3A_1430 : i32 to vector<16xi32>
    %max3A_1432 = arith.maxsi %get3A_1429, %max3A_1431 : vector<16xi32>
    %swap3A_1433 = arith.constant 1 : i32
    %swap3A_1434 = arith.index_cast %swap3A_1433 : i32 to index
    %swap3A_1435 = arith.constant 16 : index
    %swap3A_1436 = tpu.vector_load %arg14[%swap3A_1434, %swap3A_1435] {strides = array<i32>} : memref<2x128xi32, #tpu.memory_space<vmem>>, vector<16xi32>,
    tpu.vector_store %arg14[%swap3A_1434, %swap3A_1435], %max3A_1432 {strides = array<i32>} : memref<2x128xi32, #tpu.memory_space<vmem>>, vector<16xi32>,
    %get3A_1437 = arith.constant 160 : index
    %get3A_1438 = tpu.vector_load %arg13[%get3A_1437] {strides = array<i32>} : memref<256xi32, #tpu.memory_space<vmem>>, vector<16xi32>,
    %max3A_1439 = arith.constant 0 : i32
    %max3A_1440 = vector.broadcast %max3A_1439 : i32 to vector<16xi32>
    %max3A_1441 = arith.maxsi %get3A_1438, %max3A_1440 : vector<16xi32>
    %swap3A_1442 = arith.constant 1 : i32
    %swap3A_1443 = arith.index_cast %swap3A_1442 : i32 to index
    %swap3A_1444 = arith.constant 32 : index
    %swap3A_1445 = tpu.vector_load %arg14[%swap3A_1443, %swap3A_1444] {strides = array<i32>} : memref<2x128xi32, #tpu.memory_space<vmem>>, vector<16xi32>,
    tpu.vector_store %arg14[%swap3A_1443, %swap3A_1444], %max3A_1441 {strides = array<i32>} : memref<2x128xi32, #tpu.memory_space<vmem>>, vector<16xi32>,
    %get3A_1446 = arith.constant 176 : index
    %get3A_1447 = tpu.vector_load %arg13[%get3A_1446] {strides = array<i32>} : memref<256xi32, #tpu.memory_space<vmem>>, vector<16xi32>,
    %max3A_1448 = arith.constant 0 : i32
    %max3A_1449 = vector.broadcast %max3A_1448 : i32 to vector<16xi32>
    %max3A_1450 = arith.maxsi %get3A_1447, %max3A_1449 : vector<16xi32>
    %swap3A_1451 = arith.constant 1 : i32
    %swap3A_1452 = arith.index_cast %swap3A_1451 : i32 to index
    %swap3A_1453 = arith.constant 48 : index
    %swap3A_1454 = tpu.vector_load %arg14[%swap3A_1452, %swap3A_1453] {strides = array<i32>} : memref<2x128xi32, #tpu.memory_space<vmem>>, vector<16xi32>,
    tpu.vector_store %arg14[%swap3A_1452, %swap3A_1453], %max3A_1450 {strides = array<i32>} : memref<2x128xi32, #tpu.memory_space<vmem>>, vector<16xi32>,
    %get3A_1455 = arith.constant 192 : index
    %get3A_1456 = tpu.vector_load %arg13[%get3A_1455] {strides = array<i32>} : memref<256xi32, #tpu.memory_space<vmem>>, vector<16xi32>,
    %max3A_1457 = arith.constant 0 : i32
    %max3A_1458 = vector.broadcast %max3A_1457 : i32 to vector<16xi32>
    %max3A_1459 = arith.maxsi %get3A_1456, %max3A_1458 : vector<16xi32>
    %swap3A_1460 = arith.constant 1 : i32
    %swap3A_1461 = arith.index_cast %swap3A_1460 : i32 to index
    %swap3A_1462 = arith.constant 64 : index
    %swap3A_1463 = tpu.vector_load %arg14[%swap3A_1461, %swap3A_1462] {strides = array<i32>} : memref<2x128xi32, #tpu.memory_space<vmem>>, vector<16xi32>,
    tpu.vector_store %arg14[%swap3A_1461, %swap3A_1462], %max3A_1459 {strides = array<i32>} : memref<2x128xi32, #tpu.memory_space<vmem>>, vector<16xi32>,
    %get3A_1464 = arith.constant 208 : index
    %get3A_1465 = tpu.vector_load %arg13[%get3A_1464] {strides = array<i32>} : memref<256xi32, #tpu.memory_space<vmem>>, vector<16xi32>,
    %max3A_1466 = arith.constant 0 : i32
    %max3A_1467 = vector.broadcast %max3A_1466 : i32 to vector<16xi32>
    %max3A_1468 = arith.maxsi %get3A_1465, %max3A_1467 : vector<16xi32>
    %swap3A_1469 = arith.constant 1 : i32
    %swap3A_1470 = arith.index_cast %swap3A_1469 : i32 to index
    %swap3A_1471 = arith.constant 80 : index
    %swap3A_1472 = tpu.vector_load %arg14[%swap3A_1470, %swap3A_1471] {strides = array<i32>} : memref<2x128xi32, #tpu.memory_space<vmem>>, vector<16xi32>,
    tpu.vector_store %arg14[%swap3A_1470, %swap3A_1471], %max3A_1468 {strides = array<i32>} : memref<2x128xi32, #tpu.memory_space<vmem>>, vector<16xi32>,
    %get3A_1473 = arith.constant 224 : index
    %get3A_1474 = tpu.vector_load %arg13[%get3A_1473] {strides = array<i32>} : memref<256xi32, #tpu.memory_space<vmem>>, vector<16xi32>,
    %max3A_1475 = arith.constant 0 : i32
    %max3A_1476 = vector.broadcast %max3A_1475 : i32 to vector<16xi32>
    %max3A_1477 = arith.maxsi %get3A_1474, %max3A_1476 : vector<16xi32>
    %swap3A_1478 = arith.constant 1 : i32
    %swap3A_1479 = arith.index_cast %swap3A_1478 : i32 to index
    %swap3A_1480 = arith.constant 96 : index
    %swap3A_1481 = tpu.vector_load %arg14[%swap3A_1479, %swap3A_1480] {strides = array<i32>} : memref<2x128xi32, #tpu.memory_space<vmem>>, vector<16xi32>,
    tpu.vector_store %arg14[%swap3A_1479, %swap3A_1480], %max3A_1477 {strides = array<i32>} : memref<2x128xi32, #tpu.memory_space<vmem>>, vector<16xi32>,
    %get3A_1482 = arith.constant 240 : index
    %get3A_1483 = tpu.vector_load %arg13[%get3A_1482] {strides = array<i32>} : memref<256xi32, #tpu.memory_space<vmem>>, vector<16xi32>,
    %max3A_1484 = arith.constant 0 : i32
    %max3A_1485 = vector.broadcast %max3A_1484 : i32 to vector<16xi32>
    %max3A_1486 = arith.maxsi %get3A_1483, %max3A_1485 : vector<16xi32>
    %swap3A_1487 = arith.constant 1 : i32
    %swap3A_1488 = arith.index_cast %swap3A_1487 : i32 to index
    %swap3A_1489 = arith.constant 112 : index
    %swap3A_1490 = tpu.vector_load %arg14[%swap3A_1488, %swap3A_1489] {strides = array<i32>} : memref<2x128xi32, #tpu.memory_space<vmem>>, vector<16xi32>,
    tpu.vector_store %arg14[%swap3A_1488, %swap3A_1489], %max3A_1486 {strides = array<i32>} : memref<2x128xi32, #tpu.memory_space<vmem>>, vector<16xi32>,
    %dma_start3A_1491 = arith.constant 0 : i32
    %dma_start3A_1492 = arith.constant 0 : i32
    %dma_start3A_1493 = tpu.memref_slice %arg15[%dma_start3A_1492] : memref<256xf32, #tpu.memory_space<vmem>> -> memref<128xf32, #tpu.memory_space<vmem>>
    %dma_start3A_1494 = arith.constant 0 : i32
    %dma_start3A_1495 = tpu.memref_slice %arg14[%dma_start3A_1491, %dma_start3A_1494] : memref<2x128xi32, #tpu.memory_space<vmem>> -> memref<1x128xi32, #tpu.memory_space<vmem>>
    %dma_start3A_1496 = tpu.memref_squeeze %dma_start3A_1495 : memref<1x128xi32, #tpu.memory_space<vmem>> -> memref<128xi32, #tpu.memory_space<vmem>>
    %dma_start3A_1497 = arith.constant 0 : i32
    %dma_start3A_1498 = tpu.memref_slice %arg2[%dma_start3A_1497] : memref<20104xf32, #tpu.memory_space<hbm>> -> memref<20104xf32, #tpu.memory_space<hbm>>
    tpu.enqueue_indirect_dma source(%dma_start3A_1498 : memref<20104xf32, #tpu.memory_space<hbm>>) target(%dma_start3A_1493 : memref<128xf32, #tpu.memory_space<vmem>>) offsets(%dma_start3A_1496 : memref<128xi32, #tpu.memory_space<vmem>>) semaphore(%arg21 : memref<!tpu.dma_semaphore, #tpu.memory_space<semaphore_mem>>)
    %dma_wait3A_1499 = arith.constant 0 : i32
    %dma_wait3A_1500 = arith.constant 0 : i32
    %dma_wait3A_1501 = tpu.memref_slice %arg15[%dma_wait3A_1500] : memref<256xf32, #tpu.memory_space<vmem>> -> memref<128xf32, #tpu.memory_space<vmem>>
    %dma_wait3A_1502 = arith.constant 0 : i32
    %dma_wait3A_1503 = tpu.memref_slice %arg14[%dma_wait3A_1499, %dma_wait3A_1502] : memref<2x128xi32, #tpu.memory_space<vmem>> -> memref<1x128xi32, #tpu.memory_space<vmem>>
    %dma_wait3A_1504 = tpu.memref_squeeze %dma_wait3A_1503 : memref<1x128xi32, #tpu.memory_space<vmem>> -> memref<128xi32, #tpu.memory_space<vmem>>
    %dma_wait3A_1505 = arith.constant 0 : i32
    %dma_wait3A_1506 = tpu.memref_slice %arg2[%dma_wait3A_1505] : memref<20104xf32, #tpu.memory_space<hbm>> -> memref<20104xf32, #tpu.memory_space<hbm>>
    tpu.wait_indirect_dma semaphore(%arg21 : memref<!tpu.dma_semaphore, #tpu.memory_space<semaphore_mem>>) src(%dma_wait3A_1506 : memref<20104xf32, #tpu.memory_space<hbm>>) dst(%dma_wait3A_1501 : memref<128xf32, #tpu.memory_space<vmem>>)
    %dma_start3A_1507 = arith.constant 0 : i32
    %dma_start3A_1508 = arith.constant 0 : i32
    %dma_start3A_1509 = tpu.memref_slice %arg16[%dma_start3A_1508] : memref<256xf32, #tpu.memory_space<vmem>> -> memref<128xf32, #tpu.memory_space<vmem>>
    %dma_start3A_1510 = arith.constant 0 : i32
    %dma_start3A_1511 = tpu.memref_slice %arg14[%dma_start3A_1507, %dma_start3A_1510] : memref<2x128xi32, #tpu.memory_space<vmem>> -> memref<1x128xi32, #tpu.memory_space<vmem>>
    %dma_start3A_1512 = tpu.memref_squeeze %dma_start3A_1511 : memref<1x128xi32, #tpu.memory_space<vmem>> -> memref<128xi32, #tpu.memory_space<vmem>>
    %dma_start3A_1513 = arith.constant 0 : i32
    %dma_start3A_1514 = tpu.memref_slice %arg3[%dma_start3A_1513] : memref<20104xf32, #tpu.memory_space<hbm>> -> memref<20104xf32, #tpu.memory_space<hbm>>
    tpu.enqueue_indirect_dma source(%dma_start3A_1514 : memref<20104xf32, #tpu.memory_space<hbm>>) target(%dma_start3A_1509 : memref<128xf32, #tpu.memory_space<vmem>>) offsets(%dma_start3A_1512 : memref<128xi32, #tpu.memory_space<vmem>>) semaphore(%arg21 : memref<!tpu.dma_semaphore, #tpu.memory_space<semaphore_mem>>)
    %dma_wait3A_1515 = arith.constant 0 : i32
    %dma_wait3A_1516 = arith.constant 0 : i32
    %dma_wait3A_1517 = tpu.memref_slice %arg16[%dma_wait3A_1516] : memref<256xf32, #tpu.memory_space<vmem>> -> memref<128xf32, #tpu.memory_space<vmem>>
    %dma_wait3A_1518 = arith.constant 0 : i32
    %dma_wait3A_1519 = tpu.memref_slice %arg14[%dma_wait3A_1515, %dma_wait3A_1518] : memref<2x128xi32, #tpu.memory_space<vmem>> -> memref<1x128xi32, #tpu.memory_space<vmem>>
    %dma_wait3A_1520 = tpu.memref_squeeze %dma_wait3A_1519 : memref<1x128xi32, #tpu.memory_space<vmem>> -> memref<128xi32, #tpu.memory_space<vmem>>
    %dma_wait3A_1521 = arith.constant 0 : i32
    %dma_wait3A_1522 = tpu.memref_slice %arg3[%dma_wait3A_1521] : memref<20104xf32, #tpu.memory_space<hbm>> -> memref<20104xf32, #tpu.memory_space<hbm>>
    tpu.wait_indirect_dma semaphore(%arg21 : memref<!tpu.dma_semaphore, #tpu.memory_space<semaphore_mem>>) src(%dma_wait3A_1522 : memref<20104xf32, #tpu.memory_space<hbm>>) dst(%dma_wait3A_1517 : memref<128xf32, #tpu.memory_space<vmem>>)
    %dma_start3A_1523 = arith.constant 0 : i32
    %dma_start3A_1524 = arith.constant 0 : i32
    %dma_start3A_1525 = tpu.memref_slice %arg17[%dma_start3A_1524] : memref<256xf32, #tpu.memory_space<vmem>> -> memref<128xf32, #tpu.memory_space<vmem>>
    %dma_start3A_1526 = arith.constant 0 : i32
    %dma_start3A_1527 = tpu.memref_slice %arg14[%dma_start3A_1523, %dma_start3A_1526] : memref<2x128xi32, #tpu.memory_space<vmem>> -> memref<1x128xi32, #tpu.memory_space<vmem>>
    %dma_start3A_1528 = tpu.memref_squeeze %dma_start3A_1527 : memref<1x128xi32, #tpu.memory_space<vmem>> -> memref<128xi32, #tpu.memory_space<vmem>>
    %dma_start3A_1529 = arith.constant 0 : i32
    %dma_start3A_1530 = tpu.memref_slice %arg4[%dma_start3A_1529] : memref<20104xf32, #tpu.memory_space<hbm>> -> memref<20104xf32, #tpu.memory_space<hbm>>
    tpu.enqueue_indirect_dma source(%dma_start3A_1530 : memref<20104xf32, #tpu.memory_space<hbm>>) target(%dma_start3A_1525 : memref<128xf32, #tpu.memory_space<vmem>>) offsets(%dma_start3A_1528 : memref<128xi32, #tpu.memory_space<vmem>>) semaphore(%arg21 : memref<!tpu.dma_semaphore, #tpu.memory_space<semaphore_mem>>)
    %dma_wait3A_1531 = arith.constant 0 : i32
    %dma_wait3A_1532 = arith.constant 0 : i32
    %dma_wait3A_1533 = tpu.memref_slice %arg17[%dma_wait3A_1532] : memref<256xf32, #tpu.memory_space<vmem>> -> memref<128xf32, #tpu.memory_space<vmem>>
    %dma_wait3A_1534 = arith.constant 0 : i32
    %dma_wait3A_1535 = tpu.memref_slice %arg14[%dma_wait3A_1531, %dma_wait3A_1534] : memref<2x128xi32, #tpu.memory_space<vmem>> -> memref<1x128xi32, #tpu.memory_space<vmem>>
    %dma_wait3A_1536 = tpu.memref_squeeze %dma_wait3A_1535 : memref<1x128xi32, #tpu.memory_space<vmem>> -> memref<128xi32, #tpu.memory_space<vmem>>
    %dma_wait3A_1537 = arith.constant 0 : i32
    %dma_wait3A_1538 = tpu.memref_slice %arg4[%dma_wait3A_1537] : memref<20104xf32, #tpu.memory_space<hbm>> -> memref<20104xf32, #tpu.memory_space<hbm>>
    tpu.wait_indirect_dma semaphore(%arg21 : memref<!tpu.dma_semaphore, #tpu.memory_space<semaphore_mem>>) src(%dma_wait3A_1538 : memref<20104xf32, #tpu.memory_space<hbm>>) dst(%dma_wait3A_1533 : memref<128xf32, #tpu.memory_space<vmem>>)
    %dma_start3A_1539 = arith.constant 0 : i32
    %dma_start3A_1540 = arith.constant 0 : i32
    %dma_start3A_1541 = tpu.memref_slice %arg18[%dma_start3A_1540] : memref<256xf32, #tpu.memory_space<vmem>> -> memref<128xf32, #tpu.memory_space<vmem>>
    %dma_start3A_1542 = arith.constant 0 : i32
    %dma_start3A_1543 = tpu.memref_slice %arg14[%dma_start3A_1539, %dma_start3A_1542] : memref<2x128xi32, #tpu.memory_space<vmem>> -> memref<1x128xi32, #tpu.memory_space<vmem>>
    %dma_start3A_1544 = tpu.memref_squeeze %dma_start3A_1543 : memref<1x128xi32, #tpu.memory_space<vmem>> -> memref<128xi32, #tpu.memory_space<vmem>>
    %dma_start3A_1545 = arith.constant 0 : i32
    %dma_start3A_1546 = tpu.memref_slice %arg5[%dma_start3A_1545] : memref<20104xf32, #tpu.memory_space<hbm>> -> memref<20104xf32, #tpu.memory_space<hbm>>
    tpu.enqueue_indirect_dma source(%dma_start3A_1546 : memref<20104xf32, #tpu.memory_space<hbm>>) target(%dma_start3A_1541 : memref<128xf32, #tpu.memory_space<vmem>>) offsets(%dma_start3A_1544 : memref<128xi32, #tpu.memory_space<vmem>>) semaphore(%arg21 : memref<!tpu.dma_semaphore, #tpu.memory_space<semaphore_mem>>)
    %dma_wait3A_1547 = arith.constant 0 : i32
    %dma_wait3A_1548 = arith.constant 0 : i32
    %dma_wait3A_1549 = tpu.memref_slice %arg18[%dma_wait3A_1548] : memref<256xf32, #tpu.memory_space<vmem>> -> memref<128xf32, #tpu.memory_space<vmem>>
    %dma_wait3A_1550 = arith.constant 0 : i32
    %dma_wait3A_1551 = tpu.memref_slice %arg14[%dma_wait3A_1547, %dma_wait3A_1550] : memref<2x128xi32, #tpu.memory_space<vmem>> -> memref<1x128xi32, #tpu.memory_space<vmem>>
    %dma_wait3A_1552 = tpu.memref_squeeze %dma_wait3A_1551 : memref<1x128xi32, #tpu.memory_space<vmem>> -> memref<128xi32, #tpu.memory_space<vmem>>
    %dma_wait3A_1553 = arith.constant 0 : i32
    %dma_wait3A_1554 = tpu.memref_slice %arg5[%dma_wait3A_1553] : memref<20104xf32, #tpu.memory_space<hbm>> -> memref<20104xf32, #tpu.memory_space<hbm>>
    tpu.wait_indirect_dma semaphore(%arg21 : memref<!tpu.dma_semaphore, #tpu.memory_space<semaphore_mem>>) src(%dma_wait3A_1554 : memref<20104xf32, #tpu.memory_space<hbm>>) dst(%dma_wait3A_1549 : memref<128xf32, #tpu.memory_space<vmem>>)
    %dma_start3A_1555 = arith.constant 0 : i32
    %dma_start3A_1556 = arith.constant 0 : i32
    %dma_start3A_1557 = tpu.memref_slice %arg19[%dma_start3A_1556] : memref<256xf32, #tpu.memory_space<vmem>> -> memref<128xf32, #tpu.memory_space<vmem>>
    %dma_start3A_1558 = arith.constant 0 : i32
    %dma_start3A_1559 = tpu.memref_slice %arg14[%dma_start3A_1555, %dma_start3A_1558] : memref<2x128xi32, #tpu.memory_space<vmem>> -> memref<1x128xi32, #tpu.memory_space<vmem>>
    %dma_start3A_1560 = tpu.memref_squeeze %dma_start3A_1559 : memref<1x128xi32, #tpu.memory_space<vmem>> -> memref<128xi32, #tpu.memory_space<vmem>>
    %dma_start3A_1561 = arith.constant 0 : i32
    %dma_start3A_1562 = tpu.memref_slice %arg6[%dma_start3A_1561] : memref<20104xf32, #tpu.memory_space<hbm>> -> memref<20104xf32, #tpu.memory_space<hbm>>
    tpu.enqueue_indirect_dma source(%dma_start3A_1562 : memref<20104xf32, #tpu.memory_space<hbm>>) target(%dma_start3A_1557 : memref<128xf32, #tpu.memory_space<vmem>>) offsets(%dma_start3A_1560 : memref<128xi32, #tpu.memory_space<vmem>>) semaphore(%arg21 : memref<!tpu.dma_semaphore, #tpu.memory_space<semaphore_mem>>)
    %dma_wait3A_1563 = arith.constant 0 : i32
    %dma_wait3A_1564 = arith.constant 0 : i32
    %dma_wait3A_1565 = tpu.memref_slice %arg19[%dma_wait3A_1564] : memref<256xf32, #tpu.memory_space<vmem>> -> memref<128xf32, #tpu.memory_space<vmem>>
    %dma_wait3A_1566 = arith.constant 0 : i32
    %dma_wait3A_1567 = tpu.memref_slice %arg14[%dma_wait3A_1563, %dma_wait3A_1566] : memref<2x128xi32, #tpu.memory_space<vmem>> -> memref<1x128xi32, #tpu.memory_space<vmem>>
    %dma_wait3A_1568 = tpu.memref_squeeze %dma_wait3A_1567 : memref<1x128xi32, #tpu.memory_space<vmem>> -> memref<128xi32, #tpu.memory_space<vmem>>
    %dma_wait3A_1569 = arith.constant 0 : i32
    %dma_wait3A_1570 = tpu.memref_slice %arg6[%dma_wait3A_1569] : memref<20104xf32, #tpu.memory_space<hbm>> -> memref<20104xf32, #tpu.memory_space<hbm>>
    tpu.wait_indirect_dma semaphore(%arg21 : memref<!tpu.dma_semaphore, #tpu.memory_space<semaphore_mem>>) src(%dma_wait3A_1570 : memref<20104xf32, #tpu.memory_space<hbm>>) dst(%dma_wait3A_1565 : memref<128xf32, #tpu.memory_space<vmem>>)
    %dma_start3A_1571 = arith.constant 1 : i32
    %dma_start3A_1572 = arith.constant 128 : i32
    %dma_start3A_1573 = tpu.memref_slice %arg15[%dma_start3A_1572] : memref<256xf32, #tpu.memory_space<vmem>> -> memref<128xf32, #tpu.memory_space<vmem>>
    %dma_start3A_1574 = arith.constant 0 : i32
    %dma_start3A_1575 = tpu.memref_slice %arg14[%dma_start3A_1571, %dma_start3A_1574] : memref<2x128xi32, #tpu.memory_space<vmem>> -> memref<1x128xi32, #tpu.memory_space<vmem>>
    %dma_start3A_1576 = tpu.memref_squeeze %dma_start3A_1575 : memref<1x128xi32, #tpu.memory_space<vmem>> -> memref<128xi32, #tpu.memory_space<vmem>>
    %dma_start3A_1577 = arith.constant 0 : i32
    %dma_start3A_1578 = tpu.memref_slice %arg2[%dma_start3A_1577] : memref<20104xf32, #tpu.memory_space<hbm>> -> memref<20104xf32, #tpu.memory_space<hbm>>
    tpu.enqueue_indirect_dma source(%dma_start3A_1578 : memref<20104xf32, #tpu.memory_space<hbm>>) target(%dma_start3A_1573 : memref<128xf32, #tpu.memory_space<vmem>>) offsets(%dma_start3A_1576 : memref<128xi32, #tpu.memory_space<vmem>>) semaphore(%arg21 : memref<!tpu.dma_semaphore, #tpu.memory_space<semaphore_mem>>)
    %dma_wait3A_1579 = arith.constant 1 : i32
    %dma_wait3A_1580 = arith.constant 128 : i32
    %dma_wait3A_1581 = tpu.memref_slice %arg15[%dma_wait3A_1580] : memref<256xf32, #tpu.memory_space<vmem>> -> memref<128xf32, #tpu.memory_space<vmem>>
    %dma_wait3A_1582 = arith.constant 0 : i32
    %dma_wait3A_1583 = tpu.memref_slice %arg14[%dma_wait3A_1579, %dma_wait3A_1582] : memref<2x128xi32, #tpu.memory_space<vmem>> -> memref<1x128xi32, #tpu.memory_space<vmem>>
    %dma_wait3A_1584 = tpu.memref_squeeze %dma_wait3A_1583 : memref<1x128xi32, #tpu.memory_space<vmem>> -> memref<128xi32, #tpu.memory_space<vmem>>
    %dma_wait3A_1585 = arith.constant 0 : i32
    %dma_wait3A_1586 = tpu.memref_slice %arg2[%dma_wait3A_1585] : memref<20104xf32, #tpu.memory_space<hbm>> -> memref<20104xf32, #tpu.memory_space<hbm>>
    tpu.wait_indirect_dma semaphore(%arg21 : memref<!tpu.dma_semaphore, #tpu.memory_space<semaphore_mem>>) src(%dma_wait3A_1586 : memref<20104xf32, #tpu.memory_space<hbm>>) dst(%dma_wait3A_1581 : memref<128xf32, #tpu.memory_space<vmem>>)
    %dma_start3A_1587 = arith.constant 1 : i32
    %dma_start3A_1588 = arith.constant 128 : i32
    %dma_start3A_1589 = tpu.memref_slice %arg16[%dma_start3A_1588] : memref<256xf32, #tpu.memory_space<vmem>> -> memref<128xf32, #tpu.memory_space<vmem>>
    %dma_start3A_1590 = arith.constant 0 : i32
    %dma_start3A_1591 = tpu.memref_slice %arg14[%dma_start3A_1587, %dma_start3A_1590] : memref<2x128xi32, #tpu.memory_space<vmem>> -> memref<1x128xi32, #tpu.memory_space<vmem>>
    %dma_start3A_1592 = tpu.memref_squeeze %dma_start3A_1591 : memref<1x128xi32, #tpu.memory_space<vmem>> -> memref<128xi32, #tpu.memory_space<vmem>>
    %dma_start3A_1593 = arith.constant 0 : i32
    %dma_start3A_1594 = tpu.memref_slice %arg3[%dma_start3A_1593] : memref<20104xf32, #tpu.memory_space<hbm>> -> memref<20104xf32, #tpu.memory_space<hbm>>
    tpu.enqueue_indirect_dma source(%dma_start3A_1594 : memref<20104xf32, #tpu.memory_space<hbm>>) target(%dma_start3A_1589 : memref<128xf32, #tpu.memory_space<vmem>>) offsets(%dma_start3A_1592 : memref<128xi32, #tpu.memory_space<vmem>>) semaphore(%arg21 : memref<!tpu.dma_semaphore, #tpu.memory_space<semaphore_mem>>)
    %dma_wait3A_1595 = arith.constant 1 : i32
    %dma_wait3A_1596 = arith.constant 128 : i32
    %dma_wait3A_1597 = tpu.memref_slice %arg16[%dma_wait3A_1596] : memref<256xf32, #tpu.memory_space<vmem>> -> memref<128xf32, #tpu.memory_space<vmem>>
    %dma_wait3A_1598 = arith.constant 0 : i32
    %dma_wait3A_1599 = tpu.memref_slice %arg14[%dma_wait3A_1595, %dma_wait3A_1598] : memref<2x128xi32, #tpu.memory_space<vmem>> -> memref<1x128xi32, #tpu.memory_space<vmem>>
    %dma_wait3A_1600 = tpu.memref_squeeze %dma_wait3A_1599 : memref<1x128xi32, #tpu.memory_space<vmem>> -> memref<128xi32, #tpu.memory_space<vmem>>
    %dma_wait3A_1601 = arith.constant 0 : i32
    %dma_wait3A_1602 = tpu.memref_slice %arg3[%dma_wait3A_1601] : memref<20104xf32, #tpu.memory_space<hbm>> -> memref<20104xf32, #tpu.memory_space<hbm>>
    tpu.wait_indirect_dma semaphore(%arg21 : memref<!tpu.dma_semaphore, #tpu.memory_space<semaphore_mem>>) src(%dma_wait3A_1602 : memref<20104xf32, #tpu.memory_space<hbm>>) dst(%dma_wait3A_1597 : memref<128xf32, #tpu.memory_space<vmem>>)
    %dma_start3A_1603 = arith.constant 1 : i32
    %dma_start3A_1604 = arith.constant 128 : i32
    %dma_start3A_1605 = tpu.memref_slice %arg17[%dma_start3A_1604] : memref<256xf32, #tpu.memory_space<vmem>> -> memref<128xf32, #tpu.memory_space<vmem>>
    %dma_start3A_1606 = arith.constant 0 : i32
    %dma_start3A_1607 = tpu.memref_slice %arg14[%dma_start3A_1603, %dma_start3A_1606] : memref<2x128xi32, #tpu.memory_space<vmem>> -> memref<1x128xi32, #tpu.memory_space<vmem>>
    %dma_start3A_1608 = tpu.memref_squeeze %dma_start3A_1607 : memref<1x128xi32, #tpu.memory_space<vmem>> -> memref<128xi32, #tpu.memory_space<vmem>>
    %dma_start3A_1609 = arith.constant 0 : i32
    %dma_start3A_1610 = tpu.memref_slice %arg4[%dma_start3A_1609] : memref<20104xf32, #tpu.memory_space<hbm>> -> memref<20104xf32, #tpu.memory_space<hbm>>
    tpu.enqueue_indirect_dma source(%dma_start3A_1610 : memref<20104xf32, #tpu.memory_space<hbm>>) target(%dma_start3A_1605 : memref<128xf32, #tpu.memory_space<vmem>>) offsets(%dma_start3A_1608 : memref<128xi32, #tpu.memory_space<vmem>>) semaphore(%arg21 : memref<!tpu.dma_semaphore, #tpu.memory_space<semaphore_mem>>)
    %dma_wait3A_1611 = arith.constant 1 : i32
    %dma_wait3A_1612 = arith.constant 128 : i32
    %dma_wait3A_1613 = tpu.memref_slice %arg17[%dma_wait3A_1612] : memref<256xf32, #tpu.memory_space<vmem>> -> memref<128xf32, #tpu.memory_space<vmem>>
    %dma_wait3A_1614 = arith.constant 0 : i32
    %dma_wait3A_1615 = tpu.memref_slice %arg14[%dma_wait3A_1611, %dma_wait3A_1614] : memref<2x128xi32, #tpu.memory_space<vmem>> -> memref<1x128xi32, #tpu.memory_space<vmem>>
    %dma_wait3A_1616 = tpu.memref_squeeze %dma_wait3A_1615 : memref<1x128xi32, #tpu.memory_space<vmem>> -> memref<128xi32, #tpu.memory_space<vmem>>
    %dma_wait3A_1617 = arith.constant 0 : i32
    %dma_wait3A_1618 = tpu.memref_slice %arg4[%dma_wait3A_1617] : memref<20104xf32, #tpu.memory_space<hbm>> -> memref<20104xf32, #tpu.memory_space<hbm>>
    tpu.wait_indirect_dma semaphore(%arg21 : memref<!tpu.dma_semaphore, #tpu.memory_space<semaphore_mem>>) src(%dma_wait3A_1618 : memref<20104xf32, #tpu.memory_space<hbm>>) dst(%dma_wait3A_1613 : memref<128xf32, #tpu.memory_space<vmem>>)
    %dma_start3A_1619 = arith.constant 1 : i32
    %dma_start3A_1620 = arith.constant 128 : i32
    %dma_start3A_1621 = tpu.memref_slice %arg18[%dma_start3A_1620] : memref<256xf32, #tpu.memory_space<vmem>> -> memref<128xf32, #tpu.memory_space<vmem>>
    %dma_start3A_1622 = arith.constant 0 : i32
    %dma_start3A_1623 = tpu.memref_slice %arg14[%dma_start3A_1619, %dma_start3A_1622] : memref<2x128xi32, #tpu.memory_space<vmem>> -> memref<1x128xi32, #tpu.memory_space<vmem>>
    %dma_start3A_1624 = tpu.memref_squeeze %dma_start3A_1623 : memref<1x128xi32, #tpu.memory_space<vmem>> -> memref<128xi32, #tpu.memory_space<vmem>>
    %dma_start3A_1625 = arith.constant 0 : i32
    %dma_start3A_1626 = tpu.memref_slice %arg5[%dma_start3A_1625] : memref<20104xf32, #tpu.memory_space<hbm>> -> memref<20104xf32, #tpu.memory_space<hbm>>
    tpu.enqueue_indirect_dma source(%dma_start3A_1626 : memref<20104xf32, #tpu.memory_space<hbm>>) target(%dma_start3A_1621 : memref<128xf32, #tpu.memory_space<vmem>>) offsets(%dma_start3A_1624 : memref<128xi32, #tpu.memory_space<vmem>>) semaphore(%arg21 : memref<!tpu.dma_semaphore, #tpu.memory_space<semaphore_mem>>)
    %dma_wait3A_1627 = arith.constant 1 : i32
    %dma_wait3A_1628 = arith.constant 128 : i32
    %dma_wait3A_1629 = tpu.memref_slice %arg18[%dma_wait3A_1628] : memref<256xf32, #tpu.memory_space<vmem>> -> memref<128xf32, #tpu.memory_space<vmem>>
    %dma_wait3A_1630 = arith.constant 0 : i32
    %dma_wait3A_1631 = tpu.memref_slice %arg14[%dma_wait3A_1627, %dma_wait3A_1630] : memref<2x128xi32, #tpu.memory_space<vmem>> -> memref<1x128xi32, #tpu.memory_space<vmem>>
    %dma_wait3A_1632 = tpu.memref_squeeze %dma_wait3A_1631 : memref<1x128xi32, #tpu.memory_space<vmem>> -> memref<128xi32, #tpu.memory_space<vmem>>
    %dma_wait3A_1633 = arith.constant 0 : i32
    %dma_wait3A_1634 = tpu.memref_slice %arg5[%dma_wait3A_1633] : memref<20104xf32, #tpu.memory_space<hbm>> -> memref<20104xf32, #tpu.memory_space<hbm>>
    tpu.wait_indirect_dma semaphore(%arg21 : memref<!tpu.dma_semaphore, #tpu.memory_space<semaphore_mem>>) src(%dma_wait3A_1634 : memref<20104xf32, #tpu.memory_space<hbm>>) dst(%dma_wait3A_1629 : memref<128xf32, #tpu.memory_space<vmem>>)
    %dma_start3A_1635 = arith.constant 1 : i32
    %dma_start3A_1636 = arith.constant 128 : i32
    %dma_start3A_1637 = tpu.memref_slice %arg19[%dma_start3A_1636] : memref<256xf32, #tpu.memory_space<vmem>> -> memref<128xf32, #tpu.memory_space<vmem>>
    %dma_start3A_1638 = arith.constant 0 : i32
    %dma_start3A_1639 = tpu.memref_slice %arg14[%dma_start3A_1635, %dma_start3A_1638] : memref<2x128xi32, #tpu.memory_space<vmem>> -> memref<1x128xi32, #tpu.memory_space<vmem>>
    %dma_start3A_1640 = tpu.memref_squeeze %dma_start3A_1639 : memref<1x128xi32, #tpu.memory_space<vmem>> -> memref<128xi32, #tpu.memory_space<vmem>>
    %dma_start3A_1641 = arith.constant 0 : i32
    %dma_start3A_1642 = tpu.memref_slice %arg6[%dma_start3A_1641] : memref<20104xf32, #tpu.memory_space<hbm>> -> memref<20104xf32, #tpu.memory_space<hbm>>
    tpu.enqueue_indirect_dma source(%dma_start3A_1642 : memref<20104xf32, #tpu.memory_space<hbm>>) target(%dma_start3A_1637 : memref<128xf32, #tpu.memory_space<vmem>>) offsets(%dma_start3A_1640 : memref<128xi32, #tpu.memory_space<vmem>>) semaphore(%arg21 : memref<!tpu.dma_semaphore, #tpu.memory_space<semaphore_mem>>)
    %dma_wait3A_1643 = arith.constant 1 : i32
    %dma_wait3A_1644 = arith.constant 128 : i32
    %dma_wait3A_1645 = tpu.memref_slice %arg19[%dma_wait3A_1644] : memref<256xf32, #tpu.memory_space<vmem>> -> memref<128xf32, #tpu.memory_space<vmem>>
    %dma_wait3A_1646 = arith.constant 0 : i32
    %dma_wait3A_1647 = tpu.memref_slice %arg14[%dma_wait3A_1643, %dma_wait3A_1646] : memref<2x128xi32, #tpu.memory_space<vmem>> -> memref<1x128xi32, #tpu.memory_space<vmem>>
    %dma_wait3A_1648 = tpu.memref_squeeze %dma_wait3A_1647 : memref<1x128xi32, #tpu.memory_space<vmem>> -> memref<128xi32, #tpu.memory_space<vmem>>
    %dma_wait3A_1649 = arith.constant 0 : i32
    %dma_wait3A_1650 = tpu.memref_slice %arg6[%dma_wait3A_1649] : memref<20104xf32, #tpu.memory_space<hbm>> -> memref<20104xf32, #tpu.memory_space<hbm>>
    tpu.wait_indirect_dma semaphore(%arg21 : memref<!tpu.dma_semaphore, #tpu.memory_space<semaphore_mem>>) src(%dma_wait3A_1650 : memref<20104xf32, #tpu.memory_space<hbm>>) dst(%dma_wait3A_1645 : memref<128xf32, #tpu.memory_space<vmem>>)
    %broadcast_in_dim3A_1651 = arith.constant 0.000000e+00 : f32
    %broadcast_in_dim3A_1652 = vector.broadcast %broadcast_in_dim3A_1651 : f32 to vector<16xf32>
    %broadcast_in_dim3A_1653 = arith.constant 1.000000e+00 : f32
    %broadcast_in_dim3A_1654 = vector.broadcast %broadcast_in_dim3A_1653 : f32 to vector<16xf32>
    %get3A_1655 = arith.constant 0 : index
    %get3A_1656 = tpu.vector_load %arg13[%get3A_1655] {strides = array<i32>} : memref<256xi32, #tpu.memory_space<vmem>>, vector<16xi32>,
    %ge3A = arith.constant 0 : i32
    %ge3A_1657 = vector.broadcast %ge3A : i32 to vector<16xi32>
    %ge3A_1658 = arith.cmpi sge, %get3A_1656, %ge3A_1657 : vector<16xi32>
    %get3A_1659 = arith.constant 0 : index
    %get3A_1660 = tpu.vector_load %arg15[%get3A_1659] {strides = array<i32>} : memref<256xf32, #tpu.memory_space<vmem>>, vector<16xf32>,
    %mul3A_1661 = arith.constant 6.400000e+01 : f32
    %mul3A_1662 = vector.broadcast %mul3A_1661 : f32 to vector<16xf32>
    %mul3A_1663 = arith.mulf %get3A_1660, %mul3A_1662 : vector<16xf32>
    %get3A_1664 = arith.constant 0 : index
    %get3A_1665 = tpu.vector_load %arg16[%get3A_1664] {strides = array<i32>} : memref<256xf32, #tpu.memory_space<vmem>>, vector<16xf32>,
    %mul3A_1666 = arith.constant 6.400000e+01 : f32
    %mul3A_1667 = vector.broadcast %mul3A_1666 : f32 to vector<16xf32>
    %mul3A_1668 = arith.mulf %get3A_1665, %mul3A_1667 : vector<16xf32>
    %convert_element_type3A = arith.fptosi %mul3A_1663 : vector<16xf32> to vector<16xi32>
    %convert_element_type3A_1669 = arith.sitofp %convert_element_type3A : vector<16xi32> to vector<16xf32>
    %sub3A_1670 = arith.subf %mul3A_1663, %convert_element_type3A_1669 : vector<16xf32>
    %convert_element_type3A_1671 = arith.fptosi %mul3A_1668 : vector<16xf32> to vector<16xi32>
    %convert_element_type3A_1672 = arith.sitofp %convert_element_type3A_1671 : vector<16xi32> to vector<16xf32>
    %sub3A_1673 = arith.subf %mul3A_1668, %convert_element_type3A_1672 : vector<16xf32>
    %select_n3A = arith.select %ge3A_1658, %broadcast_in_dim3A_1654, %broadcast_in_dim3A_1652 : vector<16xi1>, vector<16xf32>
    %swap3A_1674 = arith.constant 0 : i32
    %swap3A_1675 = arith.index_cast %swap3A_1674 : i32 to index
    %swap3A_1676 = arith.constant 0 : index
    %swap3A_1677 = tpu.vector_load %arg20[%swap3A_1675, %swap3A_1676] {strides = array<i32>} : memref<6x256xf32, #tpu.memory_space<vmem>>, vector<16xf32>,
    tpu.vector_store %arg20[%swap3A_1675, %swap3A_1676], %select_n3A {strides = array<i32>} : memref<6x256xf32, #tpu.memory_space<vmem>>, vector<16xf32>,
    %select_n3A_1678 = arith.select %ge3A_1658, %sub3A_1670, %broadcast_in_dim3A_1652 : vector<16xi1>, vector<16xf32>
    %swap3A_1679 = arith.constant 1 : i32
    %swap3A_1680 = arith.index_cast %swap3A_1679 : i32 to index
    %swap3A_1681 = arith.constant 0 : index
    %swap3A_1682 = tpu.vector_load %arg20[%swap3A_1680, %swap3A_1681] {strides = array<i32>} : memref<6x256xf32, #tpu.memory_space<vmem>>, vector<16xf32>,
    tpu.vector_store %arg20[%swap3A_1680, %swap3A_1681], %select_n3A_1678 {strides = array<i32>} : memref<6x256xf32, #tpu.memory_space<vmem>>, vector<16xf32>,
    %select_n3A_1683 = arith.select %ge3A_1658, %sub3A_1673, %broadcast_in_dim3A_1652 : vector<16xi1>, vector<16xf32>
    %swap3A_1684 = arith.constant 2 : i32
    %swap3A_1685 = arith.index_cast %swap3A_1684 : i32 to index
    %swap3A_1686 = arith.constant 0 : index
    %swap3A_1687 = tpu.vector_load %arg20[%swap3A_1685, %swap3A_1686] {strides = array<i32>} : memref<6x256xf32, #tpu.memory_space<vmem>>, vector<16xf32>,
    tpu.vector_store %arg20[%swap3A_1685, %swap3A_1686], %select_n3A_1683 {strides = array<i32>} : memref<6x256xf32, #tpu.memory_space<vmem>>, vector<16xf32>,
    %get3A_1688 = arith.constant 0 : index
    %get3A_1689 = tpu.vector_load %arg17[%get3A_1688] {strides = array<i32>} : memref<256xf32, #tpu.memory_space<vmem>>, vector<16xf32>,
    %mul3A_1690 = arith.constant 6.400000e+01 : f32
    %mul3A_1691 = vector.broadcast %mul3A_1690 : f32 to vector<16xf32>
    %mul3A_1692 = arith.mulf %get3A_1689, %mul3A_1691 : vector<16xf32>
    %select_n3A_1693 = arith.select %ge3A_1658, %mul3A_1692, %broadcast_in_dim3A_1652 : vector<16xi1>, vector<16xf32>
    %swap3A_1694 = arith.constant 3 : i32
    %swap3A_1695 = arith.index_cast %swap3A_1694 : i32 to index
    %swap3A_1696 = arith.constant 0 : index
    %swap3A_1697 = tpu.vector_load %arg20[%swap3A_1695, %swap3A_1696] {strides = array<i32>} : memref<6x256xf32, #tpu.memory_space<vmem>>, vector<16xf32>,
    tpu.vector_store %arg20[%swap3A_1695, %swap3A_1696], %select_n3A_1693 {strides = array<i32>} : memref<6x256xf32, #tpu.memory_space<vmem>>, vector<16xf32>,
    %get3A_1698 = arith.constant 0 : index
    %get3A_1699 = tpu.vector_load %arg18[%get3A_1698] {strides = array<i32>} : memref<256xf32, #tpu.memory_space<vmem>>, vector<16xf32>,
    %mul3A_1700 = arith.constant 6.400000e+01 : f32
    %mul3A_1701 = vector.broadcast %mul3A_1700 : f32 to vector<16xf32>
    %mul3A_1702 = arith.mulf %get3A_1699, %mul3A_1701 : vector<16xf32>
    %select_n3A_1703 = arith.select %ge3A_1658, %mul3A_1702, %broadcast_in_dim3A_1652 : vector<16xi1>, vector<16xf32>
    %swap3A_1704 = arith.constant 4 : i32
    %swap3A_1705 = arith.index_cast %swap3A_1704 : i32 to index
    %swap3A_1706 = arith.constant 0 : index
    %swap3A_1707 = tpu.vector_load %arg20[%swap3A_1705, %swap3A_1706] {strides = array<i32>} : memref<6x256xf32, #tpu.memory_space<vmem>>, vector<16xf32>,
    tpu.vector_store %arg20[%swap3A_1705, %swap3A_1706], %select_n3A_1703 {strides = array<i32>} : memref<6x256xf32, #tpu.memory_space<vmem>>, vector<16xf32>,
    %get3A_1708 = arith.constant 0 : index
    %get3A_1709 = tpu.vector_load %arg19[%get3A_1708] {strides = array<i32>} : memref<256xf32, #tpu.memory_space<vmem>>, vector<16xf32>,
    %select_n3A_1710 = arith.select %ge3A_1658, %get3A_1709, %broadcast_in_dim3A_1652 : vector<16xi1>, vector<16xf32>
    %swap3A_1711 = arith.constant 5 : i32
    %swap3A_1712 = arith.index_cast %swap3A_1711 : i32 to index
    %swap3A_1713 = arith.constant 0 : index
    %swap3A_1714 = tpu.vector_load %arg20[%swap3A_1712, %swap3A_1713] {strides = array<i32>} : memref<6x256xf32, #tpu.memory_space<vmem>>, vector<16xf32>,
    tpu.vector_store %arg20[%swap3A_1712, %swap3A_1713], %select_n3A_1710 {strides = array<i32>} : memref<6x256xf32, #tpu.memory_space<vmem>>, vector<16xf32>,
    %get3A_1715 = arith.constant 16 : index
    %get3A_1716 = tpu.vector_load %arg13[%get3A_1715] {strides = array<i32>} : memref<256xi32, #tpu.memory_space<vmem>>, vector<16xi32>,
    %ge3A_1717 = arith.constant 0 : i32
    %ge3A_1718 = vector.broadcast %ge3A_1717 : i32 to vector<16xi32>
    %ge3A_1719 = arith.cmpi sge, %get3A_1716, %ge3A_1718 : vector<16xi32>
    %get3A_1720 = arith.constant 16 : index
    %get3A_1721 = tpu.vector_load %arg15[%get3A_1720] {strides = array<i32>} : memref<256xf32, #tpu.memory_space<vmem>>, vector<16xf32>,
    %mul3A_1722 = arith.constant 6.400000e+01 : f32
    %mul3A_1723 = vector.broadcast %mul3A_1722 : f32 to vector<16xf32>
    %mul3A_1724 = arith.mulf %get3A_1721, %mul3A_1723 : vector<16xf32>
    %get3A_1725 = arith.constant 16 : index
    %get3A_1726 = tpu.vector_load %arg16[%get3A_1725] {strides = array<i32>} : memref<256xf32, #tpu.memory_space<vmem>>, vector<16xf32>,
    %mul3A_1727 = arith.constant 6.400000e+01 : f32
    %mul3A_1728 = vector.broadcast %mul3A_1727 : f32 to vector<16xf32>
    %mul3A_1729 = arith.mulf %get3A_1726, %mul3A_1728 : vector<16xf32>
    %convert_element_type3A_1730 = arith.fptosi %mul3A_1724 : vector<16xf32> to vector<16xi32>
    %convert_element_type3A_1731 = arith.sitofp %convert_element_type3A_1730 : vector<16xi32> to vector<16xf32>
    %sub3A_1732 = arith.subf %mul3A_1724, %convert_element_type3A_1731 : vector<16xf32>
    %convert_element_type3A_1733 = arith.fptosi %mul3A_1729 : vector<16xf32> to vector<16xi32>
    %convert_element_type3A_1734 = arith.sitofp %convert_element_type3A_1733 : vector<16xi32> to vector<16xf32>
    %sub3A_1735 = arith.subf %mul3A_1729, %convert_element_type3A_1734 : vector<16xf32>
    %select_n3A_1736 = arith.select %ge3A_1719, %broadcast_in_dim3A_1654, %broadcast_in_dim3A_1652 : vector<16xi1>, vector<16xf32>
    %swap3A_1737 = arith.constant 0 : i32
    %swap3A_1738 = arith.index_cast %swap3A_1737 : i32 to index
    %swap3A_1739 = arith.constant 16 : index
    %swap3A_1740 = tpu.vector_load %arg20[%swap3A_1738, %swap3A_1739] {strides = array<i32>} : memref<6x256xf32, #tpu.memory_space<vmem>>, vector<16xf32>,
    tpu.vector_store %arg20[%swap3A_1738, %swap3A_1739], %select_n3A_1736 {strides = array<i32>} : memref<6x256xf32, #tpu.memory_space<vmem>>, vector<16xf32>,
    %select_n3A_1741 = arith.select %ge3A_1719, %sub3A_1732, %broadcast_in_dim3A_1652 : vector<16xi1>, vector<16xf32>
    %swap3A_1742 = arith.constant 1 : i32
    %swap3A_1743 = arith.index_cast %swap3A_1742 : i32 to index
    %swap3A_1744 = arith.constant 16 : index
    %swap3A_1745 = tpu.vector_load %arg20[%swap3A_1743, %swap3A_1744] {strides = array<i32>} : memref<6x256xf32, #tpu.memory_space<vmem>>, vector<16xf32>,
    tpu.vector_store %arg20[%swap3A_1743, %swap3A_1744], %select_n3A_1741 {strides = array<i32>} : memref<6x256xf32, #tpu.memory_space<vmem>>, vector<16xf32>,
    %select_n3A_1746 = arith.select %ge3A_1719, %sub3A_1735, %broadcast_in_dim3A_1652 : vector<16xi1>, vector<16xf32>
    %swap3A_1747 = arith.constant 2 : i32
    %swap3A_1748 = arith.index_cast %swap3A_1747 : i32 to index
    %swap3A_1749 = arith.constant 16 : index
    %swap3A_1750 = tpu.vector_load %arg20[%swap3A_1748, %swap3A_1749] {strides = array<i32>} : memref<6x256xf32, #tpu.memory_space<vmem>>, vector<16xf32>,
    tpu.vector_store %arg20[%swap3A_1748, %swap3A_1749], %select_n3A_1746 {strides = array<i32>} : memref<6x256xf32, #tpu.memory_space<vmem>>, vector<16xf32>,
    %get3A_1751 = arith.constant 16 : index
    %get3A_1752 = tpu.vector_load %arg17[%get3A_1751] {strides = array<i32>} : memref<256xf32, #tpu.memory_space<vmem>>, vector<16xf32>,
    %mul3A_1753 = arith.constant 6.400000e+01 : f32
    %mul3A_1754 = vector.broadcast %mul3A_1753 : f32 to vector<16xf32>
    %mul3A_1755 = arith.mulf %get3A_1752, %mul3A_1754 : vector<16xf32>
    %select_n3A_1756 = arith.select %ge3A_1719, %mul3A_1755, %broadcast_in_dim3A_1652 : vector<16xi1>, vector<16xf32>
    %swap3A_1757 = arith.constant 3 : i32
    %swap3A_1758 = arith.index_cast %swap3A_1757 : i32 to index
    %swap3A_1759 = arith.constant 16 : index
    %swap3A_1760 = tpu.vector_load %arg20[%swap3A_1758, %swap3A_1759] {strides = array<i32>} : memref<6x256xf32, #tpu.memory_space<vmem>>, vector<16xf32>,
    tpu.vector_store %arg20[%swap3A_1758, %swap3A_1759], %select_n3A_1756 {strides = array<i32>} : memref<6x256xf32, #tpu.memory_space<vmem>>, vector<16xf32>,
    %get3A_1761 = arith.constant 16 : index
    %get3A_1762 = tpu.vector_load %arg18[%get3A_1761] {strides = array<i32>} : memref<256xf32, #tpu.memory_space<vmem>>, vector<16xf32>,
    %mul3A_1763 = arith.constant 6.400000e+01 : f32
    %mul3A_1764 = vector.broadcast %mul3A_1763 : f32 to vector<16xf32>
    %mul3A_1765 = arith.mulf %get3A_1762, %mul3A_1764 : vector<16xf32>
    %select_n3A_1766 = arith.select %ge3A_1719, %mul3A_1765, %broadcast_in_dim3A_1652 : vector<16xi1>, vector<16xf32>
    %swap3A_1767 = arith.constant 4 : i32
    %swap3A_1768 = arith.index_cast %swap3A_1767 : i32 to index
    %swap3A_1769 = arith.constant 16 : index
    %swap3A_1770 = tpu.vector_load %arg20[%swap3A_1768, %swap3A_1769] {strides = array<i32>} : memref<6x256xf32, #tpu.memory_space<vmem>>, vector<16xf32>,
    tpu.vector_store %arg20[%swap3A_1768, %swap3A_1769], %select_n3A_1766 {strides = array<i32>} : memref<6x256xf32, #tpu.memory_space<vmem>>, vector<16xf32>,
    %get3A_1771 = arith.constant 16 : index
    %get3A_1772 = tpu.vector_load %arg19[%get3A_1771] {strides = array<i32>} : memref<256xf32, #tpu.memory_space<vmem>>, vector<16xf32>,
    %select_n3A_1773 = arith.select %ge3A_1719, %get3A_1772, %broadcast_in_dim3A_1652 : vector<16xi1>, vector<16xf32>
    %swap3A_1774 = arith.constant 5 : i32
    %swap3A_1775 = arith.index_cast %swap3A_1774 : i32 to index
    %swap3A_1776 = arith.constant 16 : index
    %swap3A_1777 = tpu.vector_load %arg20[%swap3A_1775, %swap3A_1776] {strides = array<i32>} : memref<6x256xf32, #tpu.memory_space<vmem>>, vector<16xf32>,
    tpu.vector_store %arg20[%swap3A_1775, %swap3A_1776], %select_n3A_1773 {strides = array<i32>} : memref<6x256xf32, #tpu.memory_space<vmem>>, vector<16xf32>,
    %get3A_1778 = arith.constant 32 : index
    %get3A_1779 = tpu.vector_load %arg13[%get3A_1778] {strides = array<i32>} : memref<256xi32, #tpu.memory_space<vmem>>, vector<16xi32>,
    %ge3A_1780 = arith.constant 0 : i32
    %ge3A_1781 = vector.broadcast %ge3A_1780 : i32 to vector<16xi32>
    %ge3A_1782 = arith.cmpi sge, %get3A_1779, %ge3A_1781 : vector<16xi32>
    %get3A_1783 = arith.constant 32 : index
    %get3A_1784 = tpu.vector_load %arg15[%get3A_1783] {strides = array<i32>} : memref<256xf32, #tpu.memory_space<vmem>>, vector<16xf32>,
    %mul3A_1785 = arith.constant 6.400000e+01 : f32
    %mul3A_1786 = vector.broadcast %mul3A_1785 : f32 to vector<16xf32>
    %mul3A_1787 = arith.mulf %get3A_1784, %mul3A_1786 : vector<16xf32>
    %get3A_1788 = arith.constant 32 : index
    %get3A_1789 = tpu.vector_load %arg16[%get3A_1788] {strides = array<i32>} : memref<256xf32, #tpu.memory_space<vmem>>, vector<16xf32>,
    %mul3A_1790 = arith.constant 6.400000e+01 : f32
    %mul3A_1791 = vector.broadcast %mul3A_1790 : f32 to vector<16xf32>
    %mul3A_1792 = arith.mulf %get3A_1789, %mul3A_1791 : vector<16xf32>
    %convert_element_type3A_1793 = arith.fptosi %mul3A_1787 : vector<16xf32> to vector<16xi32>
    %convert_element_type3A_1794 = arith.sitofp %convert_element_type3A_1793 : vector<16xi32> to vector<16xf32>
    %sub3A_1795 = arith.subf %mul3A_1787, %convert_element_type3A_1794 : vector<16xf32>
    %convert_element_type3A_1796 = arith.fptosi %mul3A_1792 : vector<16xf32> to vector<16xi32>
    %convert_element_type3A_1797 = arith.sitofp %convert_element_type3A_1796 : vector<16xi32> to vector<16xf32>
    %sub3A_1798 = arith.subf %mul3A_1792, %convert_element_type3A_1797 : vector<16xf32>
    %select_n3A_1799 = arith.select %ge3A_1782, %broadcast_in_dim3A_1654, %broadcast_in_dim3A_1652 : vector<16xi1>, vector<16xf32>
    %swap3A_1800 = arith.constant 0 : i32
    %swap3A_1801 = arith.index_cast %swap3A_1800 : i32 to index
    %swap3A_1802 = arith.constant 32 : index
    %swap3A_1803 = tpu.vector_load %arg20[%swap3A_1801, %swap3A_1802] {strides = array<i32>} : memref<6x256xf32, #tpu.memory_space<vmem>>, vector<16xf32>,
    tpu.vector_store %arg20[%swap3A_1801, %swap3A_1802], %select_n3A_1799 {strides = array<i32>} : memref<6x256xf32, #tpu.memory_space<vmem>>, vector<16xf32>,
    %select_n3A_1804 = arith.select %ge3A_1782, %sub3A_1795, %broadcast_in_dim3A_1652 : vector<16xi1>, vector<16xf32>
    %swap3A_1805 = arith.constant 1 : i32
    %swap3A_1806 = arith.index_cast %swap3A_1805 : i32 to index
    %swap3A_1807 = arith.constant 32 : index
    %swap3A_1808 = tpu.vector_load %arg20[%swap3A_1806, %swap3A_1807] {strides = array<i32>} : memref<6x256xf32, #tpu.memory_space<vmem>>, vector<16xf32>,
    tpu.vector_store %arg20[%swap3A_1806, %swap3A_1807], %select_n3A_1804 {strides = array<i32>} : memref<6x256xf32, #tpu.memory_space<vmem>>, vector<16xf32>,
    %select_n3A_1809 = arith.select %ge3A_1782, %sub3A_1798, %broadcast_in_dim3A_1652 : vector<16xi1>, vector<16xf32>
    %swap3A_1810 = arith.constant 2 : i32
    %swap3A_1811 = arith.index_cast %swap3A_1810 : i32 to index
    %swap3A_1812 = arith.constant 32 : index
    %swap3A_1813 = tpu.vector_load %arg20[%swap3A_1811, %swap3A_1812] {strides = array<i32>} : memref<6x256xf32, #tpu.memory_space<vmem>>, vector<16xf32>,
    tpu.vector_store %arg20[%swap3A_1811, %swap3A_1812], %select_n3A_1809 {strides = array<i32>} : memref<6x256xf32, #tpu.memory_space<vmem>>, vector<16xf32>,
    %get3A_1814 = arith.constant 32 : index
    %get3A_1815 = tpu.vector_load %arg17[%get3A_1814] {strides = array<i32>} : memref<256xf32, #tpu.memory_space<vmem>>, vector<16xf32>,
    %mul3A_1816 = arith.constant 6.400000e+01 : f32
    %mul3A_1817 = vector.broadcast %mul3A_1816 : f32 to vector<16xf32>
    %mul3A_1818 = arith.mulf %get3A_1815, %mul3A_1817 : vector<16xf32>
    %select_n3A_1819 = arith.select %ge3A_1782, %mul3A_1818, %broadcast_in_dim3A_1652 : vector<16xi1>, vector<16xf32>
    %swap3A_1820 = arith.constant 3 : i32
    %swap3A_1821 = arith.index_cast %swap3A_1820 : i32 to index
    %swap3A_1822 = arith.constant 32 : index
    %swap3A_1823 = tpu.vector_load %arg20[%swap3A_1821, %swap3A_1822] {strides = array<i32>} : memref<6x256xf32, #tpu.memory_space<vmem>>, vector<16xf32>,
    tpu.vector_store %arg20[%swap3A_1821, %swap3A_1822], %select_n3A_1819 {strides = array<i32>} : memref<6x256xf32, #tpu.memory_space<vmem>>, vector<16xf32>,
    %get3A_1824 = arith.constant 32 : index
    %get3A_1825 = tpu.vector_load %arg18[%get3A_1824] {strides = array<i32>} : memref<256xf32, #tpu.memory_space<vmem>>, vector<16xf32>,
    %mul3A_1826 = arith.constant 6.400000e+01 : f32
    %mul3A_1827 = vector.broadcast %mul3A_1826 : f32 to vector<16xf32>
    %mul3A_1828 = arith.mulf %get3A_1825, %mul3A_1827 : vector<16xf32>
    %select_n3A_1829 = arith.select %ge3A_1782, %mul3A_1828, %broadcast_in_dim3A_1652 : vector<16xi1>, vector<16xf32>
    %swap3A_1830 = arith.constant 4 : i32
    %swap3A_1831 = arith.index_cast %swap3A_1830 : i32 to index
    %swap3A_1832 = arith.constant 32 : index
    %swap3A_1833 = tpu.vector_load %arg20[%swap3A_1831, %swap3A_1832] {strides = array<i32>} : memref<6x256xf32, #tpu.memory_space<vmem>>, vector<16xf32>,
    tpu.vector_store %arg20[%swap3A_1831, %swap3A_1832], %select_n3A_1829 {strides = array<i32>} : memref<6x256xf32, #tpu.memory_space<vmem>>, vector<16xf32>,
    %get3A_1834 = arith.constant 32 : index
    %get3A_1835 = tpu.vector_load %arg19[%get3A_1834] {strides = array<i32>} : memref<256xf32, #tpu.memory_space<vmem>>, vector<16xf32>,
    %select_n3A_1836 = arith.select %ge3A_1782, %get3A_1835, %broadcast_in_dim3A_1652 : vector<16xi1>, vector<16xf32>
    %swap3A_1837 = arith.constant 5 : i32
    %swap3A_1838 = arith.index_cast %swap3A_1837 : i32 to index
    %swap3A_1839 = arith.constant 32 : index
    %swap3A_1840 = tpu.vector_load %arg20[%swap3A_1838, %swap3A_1839] {strides = array<i32>} : memref<6x256xf32, #tpu.memory_space<vmem>>, vector<16xf32>,
    tpu.vector_store %arg20[%swap3A_1838, %swap3A_1839], %select_n3A_1836 {strides = array<i32>} : memref<6x256xf32, #tpu.memory_space<vmem>>, vector<16xf32>,
    %get3A_1841 = arith.constant 48 : index
    %get3A_1842 = tpu.vector_load %arg13[%get3A_1841] {strides = array<i32>} : memref<256xi32, #tpu.memory_space<vmem>>, vector<16xi32>,
    %ge3A_1843 = arith.constant 0 : i32
    %ge3A_1844 = vector.broadcast %ge3A_1843 : i32 to vector<16xi32>
    %ge3A_1845 = arith.cmpi sge, %get3A_1842, %ge3A_1844 : vector<16xi32>
    %get3A_1846 = arith.constant 48 : index
    %get3A_1847 = tpu.vector_load %arg15[%get3A_1846] {strides = array<i32>} : memref<256xf32, #tpu.memory_space<vmem>>, vector<16xf32>,
    %mul3A_1848 = arith.constant 6.400000e+01 : f32
    %mul3A_1849 = vector.broadcast %mul3A_1848 : f32 to vector<16xf32>
    %mul3A_1850 = arith.mulf %get3A_1847, %mul3A_1849 : vector<16xf32>
    %get3A_1851 = arith.constant 48 : index
    %get3A_1852 = tpu.vector_load %arg16[%get3A_1851] {strides = array<i32>} : memref<256xf32, #tpu.memory_space<vmem>>, vector<16xf32>,
    %mul3A_1853 = arith.constant 6.400000e+01 : f32
    %mul3A_1854 = vector.broadcast %mul3A_1853 : f32 to vector<16xf32>
    %mul3A_1855 = arith.mulf %get3A_1852, %mul3A_1854 : vector<16xf32>
    %convert_element_type3A_1856 = arith.fptosi %mul3A_1850 : vector<16xf32> to vector<16xi32>
    %convert_element_type3A_1857 = arith.sitofp %convert_element_type3A_1856 : vector<16xi32> to vector<16xf32>
    %sub3A_1858 = arith.subf %mul3A_1850, %convert_element_type3A_1857 : vector<16xf32>
    %convert_element_type3A_1859 = arith.fptosi %mul3A_1855 : vector<16xf32> to vector<16xi32>
    %convert_element_type3A_1860 = arith.sitofp %convert_element_type3A_1859 : vector<16xi32> to vector<16xf32>
    %sub3A_1861 = arith.subf %mul3A_1855, %convert_element_type3A_1860 : vector<16xf32>
    %select_n3A_1862 = arith.select %ge3A_1845, %broadcast_in_dim3A_1654, %broadcast_in_dim3A_1652 : vector<16xi1>, vector<16xf32>
    %swap3A_1863 = arith.constant 0 : i32
    %swap3A_1864 = arith.index_cast %swap3A_1863 : i32 to index
    %swap3A_1865 = arith.constant 48 : index
    %swap3A_1866 = tpu.vector_load %arg20[%swap3A_1864, %swap3A_1865] {strides = array<i32>} : memref<6x256xf32, #tpu.memory_space<vmem>>, vector<16xf32>,
    tpu.vector_store %arg20[%swap3A_1864, %swap3A_1865], %select_n3A_1862 {strides = array<i32>} : memref<6x256xf32, #tpu.memory_space<vmem>>, vector<16xf32>,
    %select_n3A_1867 = arith.select %ge3A_1845, %sub3A_1858, %broadcast_in_dim3A_1652 : vector<16xi1>, vector<16xf32>
    %swap3A_1868 = arith.constant 1 : i32
    %swap3A_1869 = arith.index_cast %swap3A_1868 : i32 to index
    %swap3A_1870 = arith.constant 48 : index
    %swap3A_1871 = tpu.vector_load %arg20[%swap3A_1869, %swap3A_1870] {strides = array<i32>} : memref<6x256xf32, #tpu.memory_space<vmem>>, vector<16xf32>,
    tpu.vector_store %arg20[%swap3A_1869, %swap3A_1870], %select_n3A_1867 {strides = array<i32>} : memref<6x256xf32, #tpu.memory_space<vmem>>, vector<16xf32>,
    %select_n3A_1872 = arith.select %ge3A_1845, %sub3A_1861, %broadcast_in_dim3A_1652 : vector<16xi1>, vector<16xf32>
    %swap3A_1873 = arith.constant 2 : i32
    %swap3A_1874 = arith.index_cast %swap3A_1873 : i32 to index
    %swap3A_1875 = arith.constant 48 : index
    %swap3A_1876 = tpu.vector_load %arg20[%swap3A_1874, %swap3A_1875] {strides = array<i32>} : memref<6x256xf32, #tpu.memory_space<vmem>>, vector<16xf32>,
    tpu.vector_store %arg20[%swap3A_1874, %swap3A_1875], %select_n3A_1872 {strides = array<i32>} : memref<6x256xf32, #tpu.memory_space<vmem>>, vector<16xf32>,
    %get3A_1877 = arith.constant 48 : index
    %get3A_1878 = tpu.vector_load %arg17[%get3A_1877] {strides = array<i32>} : memref<256xf32, #tpu.memory_space<vmem>>, vector<16xf32>,
    %mul3A_1879 = arith.constant 6.400000e+01 : f32
    %mul3A_1880 = vector.broadcast %mul3A_1879 : f32 to vector<16xf32>
    %mul3A_1881 = arith.mulf %get3A_1878, %mul3A_1880 : vector<16xf32>
    %select_n3A_1882 = arith.select %ge3A_1845, %mul3A_1881, %broadcast_in_dim3A_1652 : vector<16xi1>, vector<16xf32>
    %swap3A_1883 = arith.constant 3 : i32
    %swap3A_1884 = arith.index_cast %swap3A_1883 : i32 to index
    %swap3A_1885 = arith.constant 48 : index
    %swap3A_1886 = tpu.vector_load %arg20[%swap3A_1884, %swap3A_1885] {strides = array<i32>} : memref<6x256xf32, #tpu.memory_space<vmem>>, vector<16xf32>,
    tpu.vector_store %arg20[%swap3A_1884, %swap3A_1885], %select_n3A_1882 {strides = array<i32>} : memref<6x256xf32, #tpu.memory_space<vmem>>, vector<16xf32>,
    %get3A_1887 = arith.constant 48 : index
    %get3A_1888 = tpu.vector_load %arg18[%get3A_1887] {strides = array<i32>} : memref<256xf32, #tpu.memory_space<vmem>>, vector<16xf32>,
    %mul3A_1889 = arith.constant 6.400000e+01 : f32
    %mul3A_1890 = vector.broadcast %mul3A_1889 : f32 to vector<16xf32>
    %mul3A_1891 = arith.mulf %get3A_1888, %mul3A_1890 : vector<16xf32>
    %select_n3A_1892 = arith.select %ge3A_1845, %mul3A_1891, %broadcast_in_dim3A_1652 : vector<16xi1>, vector<16xf32>
    %swap3A_1893 = arith.constant 4 : i32
    %swap3A_1894 = arith.index_cast %swap3A_1893 : i32 to index
    %swap3A_1895 = arith.constant 48 : index
    %swap3A_1896 = tpu.vector_load %arg20[%swap3A_1894, %swap3A_1895] {strides = array<i32>} : memref<6x256xf32, #tpu.memory_space<vmem>>, vector<16xf32>,
    tpu.vector_store %arg20[%swap3A_1894, %swap3A_1895], %select_n3A_1892 {strides = array<i32>} : memref<6x256xf32, #tpu.memory_space<vmem>>, vector<16xf32>,
    %get3A_1897 = arith.constant 48 : index
    %get3A_1898 = tpu.vector_load %arg19[%get3A_1897] {strides = array<i32>} : memref<256xf32, #tpu.memory_space<vmem>>, vector<16xf32>,
    %select_n3A_1899 = arith.select %ge3A_1845, %get3A_1898, %broadcast_in_dim3A_1652 : vector<16xi1>, vector<16xf32>
    %swap3A_1900 = arith.constant 5 : i32
    %swap3A_1901 = arith.index_cast %swap3A_1900 : i32 to index
    %swap3A_1902 = arith.constant 48 : index
    %swap3A_1903 = tpu.vector_load %arg20[%swap3A_1901, %swap3A_1902] {strides = array<i32>} : memref<6x256xf32, #tpu.memory_space<vmem>>, vector<16xf32>,
    tpu.vector_store %arg20[%swap3A_1901, %swap3A_1902], %select_n3A_1899 {strides = array<i32>} : memref<6x256xf32, #tpu.memory_space<vmem>>, vector<16xf32>,
    %get3A_1904 = arith.constant 64 : index
    %get3A_1905 = tpu.vector_load %arg13[%get3A_1904] {strides = array<i32>} : memref<256xi32, #tpu.memory_space<vmem>>, vector<16xi32>,
    %ge3A_1906 = arith.constant 0 : i32
    %ge3A_1907 = vector.broadcast %ge3A_1906 : i32 to vector<16xi32>
    %ge3A_1908 = arith.cmpi sge, %get3A_1905, %ge3A_1907 : vector<16xi32>
    %get3A_1909 = arith.constant 64 : index
    %get3A_1910 = tpu.vector_load %arg15[%get3A_1909] {strides = array<i32>} : memref<256xf32, #tpu.memory_space<vmem>>, vector<16xf32>,
    %mul3A_1911 = arith.constant 6.400000e+01 : f32
    %mul3A_1912 = vector.broadcast %mul3A_1911 : f32 to vector<16xf32>
    %mul3A_1913 = arith.mulf %get3A_1910, %mul3A_1912 : vector<16xf32>
    %get3A_1914 = arith.constant 64 : index
    %get3A_1915 = tpu.vector_load %arg16[%get3A_1914] {strides = array<i32>} : memref<256xf32, #tpu.memory_space<vmem>>, vector<16xf32>,
    %mul3A_1916 = arith.constant 6.400000e+01 : f32
    %mul3A_1917 = vector.broadcast %mul3A_1916 : f32 to vector<16xf32>
    %mul3A_1918 = arith.mulf %get3A_1915, %mul3A_1917 : vector<16xf32>
    %convert_element_type3A_1919 = arith.fptosi %mul3A_1913 : vector<16xf32> to vector<16xi32>
    %convert_element_type3A_1920 = arith.sitofp %convert_element_type3A_1919 : vector<16xi32> to vector<16xf32>
    %sub3A_1921 = arith.subf %mul3A_1913, %convert_element_type3A_1920 : vector<16xf32>
    %convert_element_type3A_1922 = arith.fptosi %mul3A_1918 : vector<16xf32> to vector<16xi32>
    %convert_element_type3A_1923 = arith.sitofp %convert_element_type3A_1922 : vector<16xi32> to vector<16xf32>
    %sub3A_1924 = arith.subf %mul3A_1918, %convert_element_type3A_1923 : vector<16xf32>
    %select_n3A_1925 = arith.select %ge3A_1908, %broadcast_in_dim3A_1654, %broadcast_in_dim3A_1652 : vector<16xi1>, vector<16xf32>
    %swap3A_1926 = arith.constant 0 : i32
    %swap3A_1927 = arith.index_cast %swap3A_1926 : i32 to index
    %swap3A_1928 = arith.constant 64 : index
    %swap3A_1929 = tpu.vector_load %arg20[%swap3A_1927, %swap3A_1928] {strides = array<i32>} : memref<6x256xf32, #tpu.memory_space<vmem>>, vector<16xf32>,
    tpu.vector_store %arg20[%swap3A_1927, %swap3A_1928], %select_n3A_1925 {strides = array<i32>} : memref<6x256xf32, #tpu.memory_space<vmem>>, vector<16xf32>,
    %select_n3A_1930 = arith.select %ge3A_1908, %sub3A_1921, %broadcast_in_dim3A_1652 : vector<16xi1>, vector<16xf32>
    %swap3A_1931 = arith.constant 1 : i32
    %swap3A_1932 = arith.index_cast %swap3A_1931 : i32 to index
    %swap3A_1933 = arith.constant 64 : index
    %swap3A_1934 = tpu.vector_load %arg20[%swap3A_1932, %swap3A_1933] {strides = array<i32>} : memref<6x256xf32, #tpu.memory_space<vmem>>, vector<16xf32>,
    tpu.vector_store %arg20[%swap3A_1932, %swap3A_1933], %select_n3A_1930 {strides = array<i32>} : memref<6x256xf32, #tpu.memory_space<vmem>>, vector<16xf32>,
    %select_n3A_1935 = arith.select %ge3A_1908, %sub3A_1924, %broadcast_in_dim3A_1652 : vector<16xi1>, vector<16xf32>
    %swap3A_1936 = arith.constant 2 : i32
    %swap3A_1937 = arith.index_cast %swap3A_1936 : i32 to index
    %swap3A_1938 = arith.constant 64 : index
    %swap3A_1939 = tpu.vector_load %arg20[%swap3A_1937, %swap3A_1938] {strides = array<i32>} : memref<6x256xf32, #tpu.memory_space<vmem>>, vector<16xf32>,
    tpu.vector_store %arg20[%swap3A_1937, %swap3A_1938], %select_n3A_1935 {strides = array<i32>} : memref<6x256xf32, #tpu.memory_space<vmem>>, vector<16xf32>,
    %get3A_1940 = arith.constant 64 : index
    %get3A_1941 = tpu.vector_load %arg17[%get3A_1940] {strides = array<i32>} : memref<256xf32, #tpu.memory_space<vmem>>, vector<16xf32>,
    %mul3A_1942 = arith.constant 6.400000e+01 : f32
    %mul3A_1943 = vector.broadcast %mul3A_1942 : f32 to vector<16xf32>
    %mul3A_1944 = arith.mulf %get3A_1941, %mul3A_1943 : vector<16xf32>
    %select_n3A_1945 = arith.select %ge3A_1908, %mul3A_1944, %broadcast_in_dim3A_1652 : vector<16xi1>, vector<16xf32>
    %swap3A_1946 = arith.constant 3 : i32
    %swap3A_1947 = arith.index_cast %swap3A_1946 : i32 to index
    %swap3A_1948 = arith.constant 64 : index
    %swap3A_1949 = tpu.vector_load %arg20[%swap3A_1947, %swap3A_1948] {strides = array<i32>} : memref<6x256xf32, #tpu.memory_space<vmem>>, vector<16xf32>,
    tpu.vector_store %arg20[%swap3A_1947, %swap3A_1948], %select_n3A_1945 {strides = array<i32>} : memref<6x256xf32, #tpu.memory_space<vmem>>, vector<16xf32>,
    %get3A_1950 = arith.constant 64 : index
    %get3A_1951 = tpu.vector_load %arg18[%get3A_1950] {strides = array<i32>} : memref<256xf32, #tpu.memory_space<vmem>>, vector<16xf32>,
    %mul3A_1952 = arith.constant 6.400000e+01 : f32
    %mul3A_1953 = vector.broadcast %mul3A_1952 : f32 to vector<16xf32>
    %mul3A_1954 = arith.mulf %get3A_1951, %mul3A_1953 : vector<16xf32>
    %select_n3A_1955 = arith.select %ge3A_1908, %mul3A_1954, %broadcast_in_dim3A_1652 : vector<16xi1>, vector<16xf32>
    %swap3A_1956 = arith.constant 4 : i32
    %swap3A_1957 = arith.index_cast %swap3A_1956 : i32 to index
    %swap3A_1958 = arith.constant 64 : index
    %swap3A_1959 = tpu.vector_load %arg20[%swap3A_1957, %swap3A_1958] {strides = array<i32>} : memref<6x256xf32, #tpu.memory_space<vmem>>, vector<16xf32>,
    tpu.vector_store %arg20[%swap3A_1957, %swap3A_1958], %select_n3A_1955 {strides = array<i32>} : memref<6x256xf32, #tpu.memory_space<vmem>>, vector<16xf32>,
    %get3A_1960 = arith.constant 64 : index
    %get3A_1961 = tpu.vector_load %arg19[%get3A_1960] {strides = array<i32>} : memref<256xf32, #tpu.memory_space<vmem>>, vector<16xf32>,
    %select_n3A_1962 = arith.select %ge3A_1908, %get3A_1961, %broadcast_in_dim3A_1652 : vector<16xi1>, vector<16xf32>
    %swap3A_1963 = arith.constant 5 : i32
    %swap3A_1964 = arith.index_cast %swap3A_1963 : i32 to index
    %swap3A_1965 = arith.constant 64 : index
    %swap3A_1966 = tpu.vector_load %arg20[%swap3A_1964, %swap3A_1965] {strides = array<i32>} : memref<6x256xf32, #tpu.memory_space<vmem>>, vector<16xf32>,
    tpu.vector_store %arg20[%swap3A_1964, %swap3A_1965], %select_n3A_1962 {strides = array<i32>} : memref<6x256xf32, #tpu.memory_space<vmem>>, vector<16xf32>,
    %get3A_1967 = arith.constant 80 : index
    %get3A_1968 = tpu.vector_load %arg13[%get3A_1967] {strides = array<i32>} : memref<256xi32, #tpu.memory_space<vmem>>, vector<16xi32>,
    %ge3A_1969 = arith.constant 0 : i32
    %ge3A_1970 = vector.broadcast %ge3A_1969 : i32 to vector<16xi32>
    %ge3A_1971 = arith.cmpi sge, %get3A_1968, %ge3A_1970 : vector<16xi32>
    %get3A_1972 = arith.constant 80 : index
    %get3A_1973 = tpu.vector_load %arg15[%get3A_1972] {strides = array<i32>} : memref<256xf32, #tpu.memory_space<vmem>>, vector<16xf32>,
    %mul3A_1974 = arith.constant 6.400000e+01 : f32
    %mul3A_1975 = vector.broadcast %mul3A_1974 : f32 to vector<16xf32>
    %mul3A_1976 = arith.mulf %get3A_1973, %mul3A_1975 : vector<16xf32>
    %get3A_1977 = arith.constant 80 : index
    %get3A_1978 = tpu.vector_load %arg16[%get3A_1977] {strides = array<i32>} : memref<256xf32, #tpu.memory_space<vmem>>, vector<16xf32>,
    %mul3A_1979 = arith.constant 6.400000e+01 : f32
    %mul3A_1980 = vector.broadcast %mul3A_1979 : f32 to vector<16xf32>
    %mul3A_1981 = arith.mulf %get3A_1978, %mul3A_1980 : vector<16xf32>
    %convert_element_type3A_1982 = arith.fptosi %mul3A_1976 : vector<16xf32> to vector<16xi32>
    %convert_element_type3A_1983 = arith.sitofp %convert_element_type3A_1982 : vector<16xi32> to vector<16xf32>
    %sub3A_1984 = arith.subf %mul3A_1976, %convert_element_type3A_1983 : vector<16xf32>
    %convert_element_type3A_1985 = arith.fptosi %mul3A_1981 : vector<16xf32> to vector<16xi32>
    %convert_element_type3A_1986 = arith.sitofp %convert_element_type3A_1985 : vector<16xi32> to vector<16xf32>
    %sub3A_1987 = arith.subf %mul3A_1981, %convert_element_type3A_1986 : vector<16xf32>
    %select_n3A_1988 = arith.select %ge3A_1971, %broadcast_in_dim3A_1654, %broadcast_in_dim3A_1652 : vector<16xi1>, vector<16xf32>
    %swap3A_1989 = arith.constant 0 : i32
    %swap3A_1990 = arith.index_cast %swap3A_1989 : i32 to index
    %swap3A_1991 = arith.constant 80 : index
    %swap3A_1992 = tpu.vector_load %arg20[%swap3A_1990, %swap3A_1991] {strides = array<i32>} : memref<6x256xf32, #tpu.memory_space<vmem>>, vector<16xf32>,
    tpu.vector_store %arg20[%swap3A_1990, %swap3A_1991], %select_n3A_1988 {strides = array<i32>} : memref<6x256xf32, #tpu.memory_space<vmem>>, vector<16xf32>,
    %select_n3A_1993 = arith.select %ge3A_1971, %sub3A_1984, %broadcast_in_dim3A_1652 : vector<16xi1>, vector<16xf32>
    %swap3A_1994 = arith.constant 1 : i32
    %swap3A_1995 = arith.index_cast %swap3A_1994 : i32 to index
    %swap3A_1996 = arith.constant 80 : index
    %swap3A_1997 = tpu.vector_load %arg20[%swap3A_1995, %swap3A_1996] {strides = array<i32>} : memref<6x256xf32, #tpu.memory_space<vmem>>, vector<16xf32>,
    tpu.vector_store %arg20[%swap3A_1995, %swap3A_1996], %select_n3A_1993 {strides = array<i32>} : memref<6x256xf32, #tpu.memory_space<vmem>>, vector<16xf32>,
    %select_n3A_1998 = arith.select %ge3A_1971, %sub3A_1987, %broadcast_in_dim3A_1652 : vector<16xi1>, vector<16xf32>
    %swap3A_1999 = arith.constant 2 : i32
    %swap3A_2000 = arith.index_cast %swap3A_1999 : i32 to index
    %swap3A_2001 = arith.constant 80 : index
    %swap3A_2002 = tpu.vector_load %arg20[%swap3A_2000, %swap3A_2001] {strides = array<i32>} : memref<6x256xf32, #tpu.memory_space<vmem>>, vector<16xf32>,
    tpu.vector_store %arg20[%swap3A_2000, %swap3A_2001], %select_n3A_1998 {strides = array<i32>} : memref<6x256xf32, #tpu.memory_space<vmem>>, vector<16xf32>,
    %get3A_2003 = arith.constant 80 : index
    %get3A_2004 = tpu.vector_load %arg17[%get3A_2003] {strides = array<i32>} : memref<256xf32, #tpu.memory_space<vmem>>, vector<16xf32>,
    %mul3A_2005 = arith.constant 6.400000e+01 : f32
    %mul3A_2006 = vector.broadcast %mul3A_2005 : f32 to vector<16xf32>
    %mul3A_2007 = arith.mulf %get3A_2004, %mul3A_2006 : vector<16xf32>
    %select_n3A_2008 = arith.select %ge3A_1971, %mul3A_2007, %broadcast_in_dim3A_1652 : vector<16xi1>, vector<16xf32>
    %swap3A_2009 = arith.constant 3 : i32
    %swap3A_2010 = arith.index_cast %swap3A_2009 : i32 to index
    %swap3A_2011 = arith.constant 80 : index
    %swap3A_2012 = tpu.vector_load %arg20[%swap3A_2010, %swap3A_2011] {strides = array<i32>} : memref<6x256xf32, #tpu.memory_space<vmem>>, vector<16xf32>,
    tpu.vector_store %arg20[%swap3A_2010, %swap3A_2011], %select_n3A_2008 {strides = array<i32>} : memref<6x256xf32, #tpu.memory_space<vmem>>, vector<16xf32>,
    %get3A_2013 = arith.constant 80 : index
    %get3A_2014 = tpu.vector_load %arg18[%get3A_2013] {strides = array<i32>} : memref<256xf32, #tpu.memory_space<vmem>>, vector<16xf32>,
    %mul3A_2015 = arith.constant 6.400000e+01 : f32
    %mul3A_2016 = vector.broadcast %mul3A_2015 : f32 to vector<16xf32>
    %mul3A_2017 = arith.mulf %get3A_2014, %mul3A_2016 : vector<16xf32>
    %select_n3A_2018 = arith.select %ge3A_1971, %mul3A_2017, %broadcast_in_dim3A_1652 : vector<16xi1>, vector<16xf32>
    %swap3A_2019 = arith.constant 4 : i32
    %swap3A_2020 = arith.index_cast %swap3A_2019 : i32 to index
    %swap3A_2021 = arith.constant 80 : index
    %swap3A_2022 = tpu.vector_load %arg20[%swap3A_2020, %swap3A_2021] {strides = array<i32>} : memref<6x256xf32, #tpu.memory_space<vmem>>, vector<16xf32>,
    tpu.vector_store %arg20[%swap3A_2020, %swap3A_2021], %select_n3A_2018 {strides = array<i32>} : memref<6x256xf32, #tpu.memory_space<vmem>>, vector<16xf32>,
    %get3A_2023 = arith.constant 80 : index
    %get3A_2024 = tpu.vector_load %arg19[%get3A_2023] {strides = array<i32>} : memref<256xf32, #tpu.memory_space<vmem>>, vector<16xf32>,
    %select_n3A_2025 = arith.select %ge3A_1971, %get3A_2024, %broadcast_in_dim3A_1652 : vector<16xi1>, vector<16xf32>
    %swap3A_2026 = arith.constant 5 : i32
    %swap3A_2027 = arith.index_cast %swap3A_2026 : i32 to index
    %swap3A_2028 = arith.constant 80 : index
    %swap3A_2029 = tpu.vector_load %arg20[%swap3A_2027, %swap3A_2028] {strides = array<i32>} : memref<6x256xf32, #tpu.memory_space<vmem>>, vector<16xf32>,
    tpu.vector_store %arg20[%swap3A_2027, %swap3A_2028], %select_n3A_2025 {strides = array<i32>} : memref<6x256xf32, #tpu.memory_space<vmem>>, vector<16xf32>,
    %get3A_2030 = arith.constant 96 : index
    %get3A_2031 = tpu.vector_load %arg13[%get3A_2030] {strides = array<i32>} : memref<256xi32, #tpu.memory_space<vmem>>, vector<16xi32>,
    %ge3A_2032 = arith.constant 0 : i32
    %ge3A_2033 = vector.broadcast %ge3A_2032 : i32 to vector<16xi32>
    %ge3A_2034 = arith.cmpi sge, %get3A_2031, %ge3A_2033 : vector<16xi32>
    %get3A_2035 = arith.constant 96 : index
    %get3A_2036 = tpu.vector_load %arg15[%get3A_2035] {strides = array<i32>} : memref<256xf32, #tpu.memory_space<vmem>>, vector<16xf32>,
    %mul3A_2037 = arith.constant 6.400000e+01 : f32
    %mul3A_2038 = vector.broadcast %mul3A_2037 : f32 to vector<16xf32>
    %mul3A_2039 = arith.mulf %get3A_2036, %mul3A_2038 : vector<16xf32>
    %get3A_2040 = arith.constant 96 : index
    %get3A_2041 = tpu.vector_load %arg16[%get3A_2040] {strides = array<i32>} : memref<256xf32, #tpu.memory_space<vmem>>, vector<16xf32>,
    %mul3A_2042 = arith.constant 6.400000e+01 : f32
    %mul3A_2043 = vector.broadcast %mul3A_2042 : f32 to vector<16xf32>
    %mul3A_2044 = arith.mulf %get3A_2041, %mul3A_2043 : vector<16xf32>
    %convert_element_type3A_2045 = arith.fptosi %mul3A_2039 : vector<16xf32> to vector<16xi32>
    %convert_element_type3A_2046 = arith.sitofp %convert_element_type3A_2045 : vector<16xi32> to vector<16xf32>
    %sub3A_2047 = arith.subf %mul3A_2039, %convert_element_type3A_2046 : vector<16xf32>
    %convert_element_type3A_2048 = arith.fptosi %mul3A_2044 : vector<16xf32> to vector<16xi32>
    %convert_element_type3A_2049 = arith.sitofp %convert_element_type3A_2048 : vector<16xi32> to vector<16xf32>
    %sub3A_2050 = arith.subf %mul3A_2044, %convert_element_type3A_2049 : vector<16xf32>
    %select_n3A_2051 = arith.select %ge3A_2034, %broadcast_in_dim3A_1654, %broadcast_in_dim3A_1652 : vector<16xi1>, vector<16xf32>
    %swap3A_2052 = arith.constant 0 : i32
    %swap3A_2053 = arith.index_cast %swap3A_2052 : i32 to index
    %swap3A_2054 = arith.constant 96 : index
    %swap3A_2055 = tpu.vector_load %arg20[%swap3A_2053, %swap3A_2054] {strides = array<i32>} : memref<6x256xf32, #tpu.memory_space<vmem>>, vector<16xf32>,
    tpu.vector_store %arg20[%swap3A_2053, %swap3A_2054], %select_n3A_2051 {strides = array<i32>} : memref<6x256xf32, #tpu.memory_space<vmem>>, vector<16xf32>,
    %select_n3A_2056 = arith.select %ge3A_2034, %sub3A_2047, %broadcast_in_dim3A_1652 : vector<16xi1>, vector<16xf32>
    %swap3A_2057 = arith.constant 1 : i32
    %swap3A_2058 = arith.index_cast %swap3A_2057 : i32 to index
    %swap3A_2059 = arith.constant 96 : index
    %swap3A_2060 = tpu.vector_load %arg20[%swap3A_2058, %swap3A_2059] {strides = array<i32>} : memref<6x256xf32, #tpu.memory_space<vmem>>, vector<16xf32>,
    tpu.vector_store %arg20[%swap3A_2058, %swap3A_2059], %select_n3A_2056 {strides = array<i32>} : memref<6x256xf32, #tpu.memory_space<vmem>>, vector<16xf32>,
    %select_n3A_2061 = arith.select %ge3A_2034, %sub3A_2050, %broadcast_in_dim3A_1652 : vector<16xi1>, vector<16xf32>
    %swap3A_2062 = arith.constant 2 : i32
    %swap3A_2063 = arith.index_cast %swap3A_2062 : i32 to index
    %swap3A_2064 = arith.constant 96 : index
    %swap3A_2065 = tpu.vector_load %arg20[%swap3A_2063, %swap3A_2064] {strides = array<i32>} : memref<6x256xf32, #tpu.memory_space<vmem>>, vector<16xf32>,
    tpu.vector_store %arg20[%swap3A_2063, %swap3A_2064], %select_n3A_2061 {strides = array<i32>} : memref<6x256xf32, #tpu.memory_space<vmem>>, vector<16xf32>,
    %get3A_2066 = arith.constant 96 : index
    %get3A_2067 = tpu.vector_load %arg17[%get3A_2066] {strides = array<i32>} : memref<256xf32, #tpu.memory_space<vmem>>, vector<16xf32>,
    %mul3A_2068 = arith.constant 6.400000e+01 : f32
    %mul3A_2069 = vector.broadcast %mul3A_2068 : f32 to vector<16xf32>
    %mul3A_2070 = arith.mulf %get3A_2067, %mul3A_2069 : vector<16xf32>
    %select_n3A_2071 = arith.select %ge3A_2034, %mul3A_2070, %broadcast_in_dim3A_1652 : vector<16xi1>, vector<16xf32>
    %swap3A_2072 = arith.constant 3 : i32
    %swap3A_2073 = arith.index_cast %swap3A_2072 : i32 to index
    %swap3A_2074 = arith.constant 96 : index
    %swap3A_2075 = tpu.vector_load %arg20[%swap3A_2073, %swap3A_2074] {strides = array<i32>} : memref<6x256xf32, #tpu.memory_space<vmem>>, vector<16xf32>,
    tpu.vector_store %arg20[%swap3A_2073, %swap3A_2074], %select_n3A_2071 {strides = array<i32>} : memref<6x256xf32, #tpu.memory_space<vmem>>, vector<16xf32>,
    %get3A_2076 = arith.constant 96 : index
    %get3A_2077 = tpu.vector_load %arg18[%get3A_2076] {strides = array<i32>} : memref<256xf32, #tpu.memory_space<vmem>>, vector<16xf32>,
    %mul3A_2078 = arith.constant 6.400000e+01 : f32
    %mul3A_2079 = vector.broadcast %mul3A_2078 : f32 to vector<16xf32>
    %mul3A_2080 = arith.mulf %get3A_2077, %mul3A_2079 : vector<16xf32>
    %select_n3A_2081 = arith.select %ge3A_2034, %mul3A_2080, %broadcast_in_dim3A_1652 : vector<16xi1>, vector<16xf32>
    %swap3A_2082 = arith.constant 4 : i32
    %swap3A_2083 = arith.index_cast %swap3A_2082 : i32 to index
    %swap3A_2084 = arith.constant 96 : index
    %swap3A_2085 = tpu.vector_load %arg20[%swap3A_2083, %swap3A_2084] {strides = array<i32>} : memref<6x256xf32, #tpu.memory_space<vmem>>, vector<16xf32>,
    tpu.vector_store %arg20[%swap3A_2083, %swap3A_2084], %select_n3A_2081 {strides = array<i32>} : memref<6x256xf32, #tpu.memory_space<vmem>>, vector<16xf32>,
    %get3A_2086 = arith.constant 96 : index
    %get3A_2087 = tpu.vector_load %arg19[%get3A_2086] {strides = array<i32>} : memref<256xf32, #tpu.memory_space<vmem>>, vector<16xf32>,
    %select_n3A_2088 = arith.select %ge3A_2034, %get3A_2087, %broadcast_in_dim3A_1652 : vector<16xi1>, vector<16xf32>
    %swap3A_2089 = arith.constant 5 : i32
    %swap3A_2090 = arith.index_cast %swap3A_2089 : i32 to index
    %swap3A_2091 = arith.constant 96 : index
    %swap3A_2092 = tpu.vector_load %arg20[%swap3A_2090, %swap3A_2091] {strides = array<i32>} : memref<6x256xf32, #tpu.memory_space<vmem>>, vector<16xf32>,
    tpu.vector_store %arg20[%swap3A_2090, %swap3A_2091], %select_n3A_2088 {strides = array<i32>} : memref<6x256xf32, #tpu.memory_space<vmem>>, vector<16xf32>,
    %get3A_2093 = arith.constant 112 : index
    %get3A_2094 = tpu.vector_load %arg13[%get3A_2093] {strides = array<i32>} : memref<256xi32, #tpu.memory_space<vmem>>, vector<16xi32>,
    %ge3A_2095 = arith.constant 0 : i32
    %ge3A_2096 = vector.broadcast %ge3A_2095 : i32 to vector<16xi32>
    %ge3A_2097 = arith.cmpi sge, %get3A_2094, %ge3A_2096 : vector<16xi32>
    %get3A_2098 = arith.constant 112 : index
    %get3A_2099 = tpu.vector_load %arg15[%get3A_2098] {strides = array<i32>} : memref<256xf32, #tpu.memory_space<vmem>>, vector<16xf32>,
    %mul3A_2100 = arith.constant 6.400000e+01 : f32
    %mul3A_2101 = vector.broadcast %mul3A_2100 : f32 to vector<16xf32>
    %mul3A_2102 = arith.mulf %get3A_2099, %mul3A_2101 : vector<16xf32>
    %get3A_2103 = arith.constant 112 : index
    %get3A_2104 = tpu.vector_load %arg16[%get3A_2103] {strides = array<i32>} : memref<256xf32, #tpu.memory_space<vmem>>, vector<16xf32>,
    %mul3A_2105 = arith.constant 6.400000e+01 : f32
    %mul3A_2106 = vector.broadcast %mul3A_2105 : f32 to vector<16xf32>
    %mul3A_2107 = arith.mulf %get3A_2104, %mul3A_2106 : vector<16xf32>
    %convert_element_type3A_2108 = arith.fptosi %mul3A_2102 : vector<16xf32> to vector<16xi32>
    %convert_element_type3A_2109 = arith.sitofp %convert_element_type3A_2108 : vector<16xi32> to vector<16xf32>
    %sub3A_2110 = arith.subf %mul3A_2102, %convert_element_type3A_2109 : vector<16xf32>
    %convert_element_type3A_2111 = arith.fptosi %mul3A_2107 : vector<16xf32> to vector<16xi32>
    %convert_element_type3A_2112 = arith.sitofp %convert_element_type3A_2111 : vector<16xi32> to vector<16xf32>
    %sub3A_2113 = arith.subf %mul3A_2107, %convert_element_type3A_2112 : vector<16xf32>
    %select_n3A_2114 = arith.select %ge3A_2097, %broadcast_in_dim3A_1654, %broadcast_in_dim3A_1652 : vector<16xi1>, vector<16xf32>
    %swap3A_2115 = arith.constant 0 : i32
    %swap3A_2116 = arith.index_cast %swap3A_2115 : i32 to index
    %swap3A_2117 = arith.constant 112 : index
    %swap3A_2118 = tpu.vector_load %arg20[%swap3A_2116, %swap3A_2117] {strides = array<i32>} : memref<6x256xf32, #tpu.memory_space<vmem>>, vector<16xf32>,
    tpu.vector_store %arg20[%swap3A_2116, %swap3A_2117], %select_n3A_2114 {strides = array<i32>} : memref<6x256xf32, #tpu.memory_space<vmem>>, vector<16xf32>,
    %select_n3A_2119 = arith.select %ge3A_2097, %sub3A_2110, %broadcast_in_dim3A_1652 : vector<16xi1>, vector<16xf32>
    %swap3A_2120 = arith.constant 1 : i32
    %swap3A_2121 = arith.index_cast %swap3A_2120 : i32 to index
    %swap3A_2122 = arith.constant 112 : index
    %swap3A_2123 = tpu.vector_load %arg20[%swap3A_2121, %swap3A_2122] {strides = array<i32>} : memref<6x256xf32, #tpu.memory_space<vmem>>, vector<16xf32>,
    tpu.vector_store %arg20[%swap3A_2121, %swap3A_2122], %select_n3A_2119 {strides = array<i32>} : memref<6x256xf32, #tpu.memory_space<vmem>>, vector<16xf32>,
    %select_n3A_2124 = arith.select %ge3A_2097, %sub3A_2113, %broadcast_in_dim3A_1652 : vector<16xi1>, vector<16xf32>
    %swap3A_2125 = arith.constant 2 : i32
    %swap3A_2126 = arith.index_cast %swap3A_2125 : i32 to index
    %swap3A_2127 = arith.constant 112 : index
    %swap3A_2128 = tpu.vector_load %arg20[%swap3A_2126, %swap3A_2127] {strides = array<i32>} : memref<6x256xf32, #tpu.memory_space<vmem>>, vector<16xf32>,
    tpu.vector_store %arg20[%swap3A_2126, %swap3A_2127], %select_n3A_2124 {strides = array<i32>} : memref<6x256xf32, #tpu.memory_space<vmem>>, vector<16xf32>,
    %get3A_2129 = arith.constant 112 : index
    %get3A_2130 = tpu.vector_load %arg17[%get3A_2129] {strides = array<i32>} : memref<256xf32, #tpu.memory_space<vmem>>, vector<16xf32>,
    %mul3A_2131 = arith.constant 6.400000e+01 : f32
    %mul3A_2132 = vector.broadcast %mul3A_2131 : f32 to vector<16xf32>
    %mul3A_2133 = arith.mulf %get3A_2130, %mul3A_2132 : vector<16xf32>
    %select_n3A_2134 = arith.select %ge3A_2097, %mul3A_2133, %broadcast_in_dim3A_1652 : vector<16xi1>, vector<16xf32>
    %swap3A_2135 = arith.constant 3 : i32
    %swap3A_2136 = arith.index_cast %swap3A_2135 : i32 to index
    %swap3A_2137 = arith.constant 112 : index
    %swap3A_2138 = tpu.vector_load %arg20[%swap3A_2136, %swap3A_2137] {strides = array<i32>} : memref<6x256xf32, #tpu.memory_space<vmem>>, vector<16xf32>,
    tpu.vector_store %arg20[%swap3A_2136, %swap3A_2137], %select_n3A_2134 {strides = array<i32>} : memref<6x256xf32, #tpu.memory_space<vmem>>, vector<16xf32>,
    %get3A_2139 = arith.constant 112 : index
    %get3A_2140 = tpu.vector_load %arg18[%get3A_2139] {strides = array<i32>} : memref<256xf32, #tpu.memory_space<vmem>>, vector<16xf32>,
    %mul3A_2141 = arith.constant 6.400000e+01 : f32
    %mul3A_2142 = vector.broadcast %mul3A_2141 : f32 to vector<16xf32>
    %mul3A_2143 = arith.mulf %get3A_2140, %mul3A_2142 : vector<16xf32>
    %select_n3A_2144 = arith.select %ge3A_2097, %mul3A_2143, %broadcast_in_dim3A_1652 : vector<16xi1>, vector<16xf32>
    %swap3A_2145 = arith.constant 4 : i32
    %swap3A_2146 = arith.index_cast %swap3A_2145 : i32 to index
    %swap3A_2147 = arith.constant 112 : index
    %swap3A_2148 = tpu.vector_load %arg20[%swap3A_2146, %swap3A_2147] {strides = array<i32>} : memref<6x256xf32, #tpu.memory_space<vmem>>, vector<16xf32>,
    tpu.vector_store %arg20[%swap3A_2146, %swap3A_2147], %select_n3A_2144 {strides = array<i32>} : memref<6x256xf32, #tpu.memory_space<vmem>>, vector<16xf32>,
    %get3A_2149 = arith.constant 112 : index
    %get3A_2150 = tpu.vector_load %arg19[%get3A_2149] {strides = array<i32>} : memref<256xf32, #tpu.memory_space<vmem>>, vector<16xf32>,
    %select_n3A_2151 = arith.select %ge3A_2097, %get3A_2150, %broadcast_in_dim3A_1652 : vector<16xi1>, vector<16xf32>
    %swap3A_2152 = arith.constant 5 : i32
    %swap3A_2153 = arith.index_cast %swap3A_2152 : i32 to index
    %swap3A_2154 = arith.constant 112 : index
    %swap3A_2155 = tpu.vector_load %arg20[%swap3A_2153, %swap3A_2154] {strides = array<i32>} : memref<6x256xf32, #tpu.memory_space<vmem>>, vector<16xf32>,
    tpu.vector_store %arg20[%swap3A_2153, %swap3A_2154], %select_n3A_2151 {strides = array<i32>} : memref<6x256xf32, #tpu.memory_space<vmem>>, vector<16xf32>,
    %get3A_2156 = arith.constant 128 : index
    %get3A_2157 = tpu.vector_load %arg13[%get3A_2156] {strides = array<i32>} : memref<256xi32, #tpu.memory_space<vmem>>, vector<16xi32>,
    %ge3A_2158 = arith.constant 0 : i32
    %ge3A_2159 = vector.broadcast %ge3A_2158 : i32 to vector<16xi32>
    %ge3A_2160 = arith.cmpi sge, %get3A_2157, %ge3A_2159 : vector<16xi32>
    %get3A_2161 = arith.constant 128 : index
    %get3A_2162 = tpu.vector_load %arg15[%get3A_2161] {strides = array<i32>} : memref<256xf32, #tpu.memory_space<vmem>>, vector<16xf32>,
    %mul3A_2163 = arith.constant 6.400000e+01 : f32
    %mul3A_2164 = vector.broadcast %mul3A_2163 : f32 to vector<16xf32>
    %mul3A_2165 = arith.mulf %get3A_2162, %mul3A_2164 : vector<16xf32>
    %get3A_2166 = arith.constant 128 : index
    %get3A_2167 = tpu.vector_load %arg16[%get3A_2166] {strides = array<i32>} : memref<256xf32, #tpu.memory_space<vmem>>, vector<16xf32>,
    %mul3A_2168 = arith.constant 6.400000e+01 : f32
    %mul3A_2169 = vector.broadcast %mul3A_2168 : f32 to vector<16xf32>
    %mul3A_2170 = arith.mulf %get3A_2167, %mul3A_2169 : vector<16xf32>
    %convert_element_type3A_2171 = arith.fptosi %mul3A_2165 : vector<16xf32> to vector<16xi32>
    %convert_element_type3A_2172 = arith.sitofp %convert_element_type3A_2171 : vector<16xi32> to vector<16xf32>
    %sub3A_2173 = arith.subf %mul3A_2165, %convert_element_type3A_2172 : vector<16xf32>
    %convert_element_type3A_2174 = arith.fptosi %mul3A_2170 : vector<16xf32> to vector<16xi32>
    %convert_element_type3A_2175 = arith.sitofp %convert_element_type3A_2174 : vector<16xi32> to vector<16xf32>
    %sub3A_2176 = arith.subf %mul3A_2170, %convert_element_type3A_2175 : vector<16xf32>
    %select_n3A_2177 = arith.select %ge3A_2160, %broadcast_in_dim3A_1654, %broadcast_in_dim3A_1652 : vector<16xi1>, vector<16xf32>
    %swap3A_2178 = arith.constant 0 : i32
    %swap3A_2179 = arith.index_cast %swap3A_2178 : i32 to index
    %swap3A_2180 = arith.constant 128 : index
    %swap3A_2181 = tpu.vector_load %arg20[%swap3A_2179, %swap3A_2180] {strides = array<i32>} : memref<6x256xf32, #tpu.memory_space<vmem>>, vector<16xf32>,
    tpu.vector_store %arg20[%swap3A_2179, %swap3A_2180], %select_n3A_2177 {strides = array<i32>} : memref<6x256xf32, #tpu.memory_space<vmem>>, vector<16xf32>,
    %select_n3A_2182 = arith.select %ge3A_2160, %sub3A_2173, %broadcast_in_dim3A_1652 : vector<16xi1>, vector<16xf32>
    %swap3A_2183 = arith.constant 1 : i32
    %swap3A_2184 = arith.index_cast %swap3A_2183 : i32 to index
    %swap3A_2185 = arith.constant 128 : index
    %swap3A_2186 = tpu.vector_load %arg20[%swap3A_2184, %swap3A_2185] {strides = array<i32>} : memref<6x256xf32, #tpu.memory_space<vmem>>, vector<16xf32>,
    tpu.vector_store %arg20[%swap3A_2184, %swap3A_2185], %select_n3A_2182 {strides = array<i32>} : memref<6x256xf32, #tpu.memory_space<vmem>>, vector<16xf32>,
    %select_n3A_2187 = arith.select %ge3A_2160, %sub3A_2176, %broadcast_in_dim3A_1652 : vector<16xi1>, vector<16xf32>
    %swap3A_2188 = arith.constant 2 : i32
    %swap3A_2189 = arith.index_cast %swap3A_2188 : i32 to index
    %swap3A_2190 = arith.constant 128 : index
    %swap3A_2191 = tpu.vector_load %arg20[%swap3A_2189, %swap3A_2190] {strides = array<i32>} : memref<6x256xf32, #tpu.memory_space<vmem>>, vector<16xf32>,
    tpu.vector_store %arg20[%swap3A_2189, %swap3A_2190], %select_n3A_2187 {strides = array<i32>} : memref<6x256xf32, #tpu.memory_space<vmem>>, vector<16xf32>,
    %get3A_2192 = arith.constant 128 : index
    %get3A_2193 = tpu.vector_load %arg17[%get3A_2192] {strides = array<i32>} : memref<256xf32, #tpu.memory_space<vmem>>, vector<16xf32>,
    %mul3A_2194 = arith.constant 6.400000e+01 : f32
    %mul3A_2195 = vector.broadcast %mul3A_2194 : f32 to vector<16xf32>
    %mul3A_2196 = arith.mulf %get3A_2193, %mul3A_2195 : vector<16xf32>
    %select_n3A_2197 = arith.select %ge3A_2160, %mul3A_2196, %broadcast_in_dim3A_1652 : vector<16xi1>, vector<16xf32>
    %swap3A_2198 = arith.constant 3 : i32
    %swap3A_2199 = arith.index_cast %swap3A_2198 : i32 to index
    %swap3A_2200 = arith.constant 128 : index
    %swap3A_2201 = tpu.vector_load %arg20[%swap3A_2199, %swap3A_2200] {strides = array<i32>} : memref<6x256xf32, #tpu.memory_space<vmem>>, vector<16xf32>,
    tpu.vector_store %arg20[%swap3A_2199, %swap3A_2200], %select_n3A_2197 {strides = array<i32>} : memref<6x256xf32, #tpu.memory_space<vmem>>, vector<16xf32>,
    %get3A_2202 = arith.constant 128 : index
    %get3A_2203 = tpu.vector_load %arg18[%get3A_2202] {strides = array<i32>} : memref<256xf32, #tpu.memory_space<vmem>>, vector<16xf32>,
    %mul3A_2204 = arith.constant 6.400000e+01 : f32
    %mul3A_2205 = vector.broadcast %mul3A_2204 : f32 to vector<16xf32>
    %mul3A_2206 = arith.mulf %get3A_2203, %mul3A_2205 : vector<16xf32>
    %select_n3A_2207 = arith.select %ge3A_2160, %mul3A_2206, %broadcast_in_dim3A_1652 : vector<16xi1>, vector<16xf32>
    %swap3A_2208 = arith.constant 4 : i32
    %swap3A_2209 = arith.index_cast %swap3A_2208 : i32 to index
    %swap3A_2210 = arith.constant 128 : index
    %swap3A_2211 = tpu.vector_load %arg20[%swap3A_2209, %swap3A_2210] {strides = array<i32>} : memref<6x256xf32, #tpu.memory_space<vmem>>, vector<16xf32>,
    tpu.vector_store %arg20[%swap3A_2209, %swap3A_2210], %select_n3A_2207 {strides = array<i32>} : memref<6x256xf32, #tpu.memory_space<vmem>>, vector<16xf32>,
    %get3A_2212 = arith.constant 128 : index
    %get3A_2213 = tpu.vector_load %arg19[%get3A_2212] {strides = array<i32>} : memref<256xf32, #tpu.memory_space<vmem>>, vector<16xf32>,
    %select_n3A_2214 = arith.select %ge3A_2160, %get3A_2213, %broadcast_in_dim3A_1652 : vector<16xi1>, vector<16xf32>
    %swap3A_2215 = arith.constant 5 : i32
    %swap3A_2216 = arith.index_cast %swap3A_2215 : i32 to index
    %swap3A_2217 = arith.constant 128 : index
    %swap3A_2218 = tpu.vector_load %arg20[%swap3A_2216, %swap3A_2217] {strides = array<i32>} : memref<6x256xf32, #tpu.memory_space<vmem>>, vector<16xf32>,
    tpu.vector_store %arg20[%swap3A_2216, %swap3A_2217], %select_n3A_2214 {strides = array<i32>} : memref<6x256xf32, #tpu.memory_space<vmem>>, vector<16xf32>,
    %get3A_2219 = arith.constant 144 : index
    %get3A_2220 = tpu.vector_load %arg13[%get3A_2219] {strides = array<i32>} : memref<256xi32, #tpu.memory_space<vmem>>, vector<16xi32>,
    %ge3A_2221 = arith.constant 0 : i32
    %ge3A_2222 = vector.broadcast %ge3A_2221 : i32 to vector<16xi32>
    %ge3A_2223 = arith.cmpi sge, %get3A_2220, %ge3A_2222 : vector<16xi32>
    %get3A_2224 = arith.constant 144 : index
    %get3A_2225 = tpu.vector_load %arg15[%get3A_2224] {strides = array<i32>} : memref<256xf32, #tpu.memory_space<vmem>>, vector<16xf32>,
    %mul3A_2226 = arith.constant 6.400000e+01 : f32
    %mul3A_2227 = vector.broadcast %mul3A_2226 : f32 to vector<16xf32>
    %mul3A_2228 = arith.mulf %get3A_2225, %mul3A_2227 : vector<16xf32>
    %get3A_2229 = arith.constant 144 : index
    %get3A_2230 = tpu.vector_load %arg16[%get3A_2229] {strides = array<i32>} : memref<256xf32, #tpu.memory_space<vmem>>, vector<16xf32>,
    %mul3A_2231 = arith.constant 6.400000e+01 : f32
    %mul3A_2232 = vector.broadcast %mul3A_2231 : f32 to vector<16xf32>
    %mul3A_2233 = arith.mulf %get3A_2230, %mul3A_2232 : vector<16xf32>
    %convert_element_type3A_2234 = arith.fptosi %mul3A_2228 : vector<16xf32> to vector<16xi32>
    %convert_element_type3A_2235 = arith.sitofp %convert_element_type3A_2234 : vector<16xi32> to vector<16xf32>
    %sub3A_2236 = arith.subf %mul3A_2228, %convert_element_type3A_2235 : vector<16xf32>
    %convert_element_type3A_2237 = arith.fptosi %mul3A_2233 : vector<16xf32> to vector<16xi32>
    %convert_element_type3A_2238 = arith.sitofp %convert_element_type3A_2237 : vector<16xi32> to vector<16xf32>
    %sub3A_2239 = arith.subf %mul3A_2233, %convert_element_type3A_2238 : vector<16xf32>
    %select_n3A_2240 = arith.select %ge3A_2223, %broadcast_in_dim3A_1654, %broadcast_in_dim3A_1652 : vector<16xi1>, vector<16xf32>
    %swap3A_2241 = arith.constant 0 : i32
    %swap3A_2242 = arith.index_cast %swap3A_2241 : i32 to index
    %swap3A_2243 = arith.constant 144 : index
    %swap3A_2244 = tpu.vector_load %arg20[%swap3A_2242, %swap3A_2243] {strides = array<i32>} : memref<6x256xf32, #tpu.memory_space<vmem>>, vector<16xf32>,
    tpu.vector_store %arg20[%swap3A_2242, %swap3A_2243], %select_n3A_2240 {strides = array<i32>} : memref<6x256xf32, #tpu.memory_space<vmem>>, vector<16xf32>,
    %select_n3A_2245 = arith.select %ge3A_2223, %sub3A_2236, %broadcast_in_dim3A_1652 : vector<16xi1>, vector<16xf32>
    %swap3A_2246 = arith.constant 1 : i32
    %swap3A_2247 = arith.index_cast %swap3A_2246 : i32 to index
    %swap3A_2248 = arith.constant 144 : index
    %swap3A_2249 = tpu.vector_load %arg20[%swap3A_2247, %swap3A_2248] {strides = array<i32>} : memref<6x256xf32, #tpu.memory_space<vmem>>, vector<16xf32>,
    tpu.vector_store %arg20[%swap3A_2247, %swap3A_2248], %select_n3A_2245 {strides = array<i32>} : memref<6x256xf32, #tpu.memory_space<vmem>>, vector<16xf32>,
    %select_n3A_2250 = arith.select %ge3A_2223, %sub3A_2239, %broadcast_in_dim3A_1652 : vector<16xi1>, vector<16xf32>
    %swap3A_2251 = arith.constant 2 : i32
    %swap3A_2252 = arith.index_cast %swap3A_2251 : i32 to index
    %swap3A_2253 = arith.constant 144 : index
    %swap3A_2254 = tpu.vector_load %arg20[%swap3A_2252, %swap3A_2253] {strides = array<i32>} : memref<6x256xf32, #tpu.memory_space<vmem>>, vector<16xf32>,
    tpu.vector_store %arg20[%swap3A_2252, %swap3A_2253], %select_n3A_2250 {strides = array<i32>} : memref<6x256xf32, #tpu.memory_space<vmem>>, vector<16xf32>,
    %get3A_2255 = arith.constant 144 : index
    %get3A_2256 = tpu.vector_load %arg17[%get3A_2255] {strides = array<i32>} : memref<256xf32, #tpu.memory_space<vmem>>, vector<16xf32>,
    %mul3A_2257 = arith.constant 6.400000e+01 : f32
    %mul3A_2258 = vector.broadcast %mul3A_2257 : f32 to vector<16xf32>
    %mul3A_2259 = arith.mulf %get3A_2256, %mul3A_2258 : vector<16xf32>
    %select_n3A_2260 = arith.select %ge3A_2223, %mul3A_2259, %broadcast_in_dim3A_1652 : vector<16xi1>, vector<16xf32>
    %swap3A_2261 = arith.constant 3 : i32
    %swap3A_2262 = arith.index_cast %swap3A_2261 : i32 to index
    %swap3A_2263 = arith.constant 144 : index
    %swap3A_2264 = tpu.vector_load %arg20[%swap3A_2262, %swap3A_2263] {strides = array<i32>} : memref<6x256xf32, #tpu.memory_space<vmem>>, vector<16xf32>,
    tpu.vector_store %arg20[%swap3A_2262, %swap3A_2263], %select_n3A_2260 {strides = array<i32>} : memref<6x256xf32, #tpu.memory_space<vmem>>, vector<16xf32>,
    %get3A_2265 = arith.constant 144 : index
    %get3A_2266 = tpu.vector_load %arg18[%get3A_2265] {strides = array<i32>} : memref<256xf32, #tpu.memory_space<vmem>>, vector<16xf32>,
    %mul3A_2267 = arith.constant 6.400000e+01 : f32
    %mul3A_2268 = vector.broadcast %mul3A_2267 : f32 to vector<16xf32>
    %mul3A_2269 = arith.mulf %get3A_2266, %mul3A_2268 : vector<16xf32>
    %select_n3A_2270 = arith.select %ge3A_2223, %mul3A_2269, %broadcast_in_dim3A_1652 : vector<16xi1>, vector<16xf32>
    %swap3A_2271 = arith.constant 4 : i32
    %swap3A_2272 = arith.index_cast %swap3A_2271 : i32 to index
    %swap3A_2273 = arith.constant 144 : index
    %swap3A_2274 = tpu.vector_load %arg20[%swap3A_2272, %swap3A_2273] {strides = array<i32>} : memref<6x256xf32, #tpu.memory_space<vmem>>, vector<16xf32>,
    tpu.vector_store %arg20[%swap3A_2272, %swap3A_2273], %select_n3A_2270 {strides = array<i32>} : memref<6x256xf32, #tpu.memory_space<vmem>>, vector<16xf32>,
    %get3A_2275 = arith.constant 144 : index
    %get3A_2276 = tpu.vector_load %arg19[%get3A_2275] {strides = array<i32>} : memref<256xf32, #tpu.memory_space<vmem>>, vector<16xf32>,
    %select_n3A_2277 = arith.select %ge3A_2223, %get3A_2276, %broadcast_in_dim3A_1652 : vector<16xi1>, vector<16xf32>
    %swap3A_2278 = arith.constant 5 : i32
    %swap3A_2279 = arith.index_cast %swap3A_2278 : i32 to index
    %swap3A_2280 = arith.constant 144 : index
    %swap3A_2281 = tpu.vector_load %arg20[%swap3A_2279, %swap3A_2280] {strides = array<i32>} : memref<6x256xf32, #tpu.memory_space<vmem>>, vector<16xf32>,
    tpu.vector_store %arg20[%swap3A_2279, %swap3A_2280], %select_n3A_2277 {strides = array<i32>} : memref<6x256xf32, #tpu.memory_space<vmem>>, vector<16xf32>,
    %get3A_2282 = arith.constant 160 : index
    %get3A_2283 = tpu.vector_load %arg13[%get3A_2282] {strides = array<i32>} : memref<256xi32, #tpu.memory_space<vmem>>, vector<16xi32>,
    %ge3A_2284 = arith.constant 0 : i32
    %ge3A_2285 = vector.broadcast %ge3A_2284 : i32 to vector<16xi32>
    %ge3A_2286 = arith.cmpi sge, %get3A_2283, %ge3A_2285 : vector<16xi32>
    %get3A_2287 = arith.constant 160 : index
    %get3A_2288 = tpu.vector_load %arg15[%get3A_2287] {strides = array<i32>} : memref<256xf32, #tpu.memory_space<vmem>>, vector<16xf32>,
    %mul3A_2289 = arith.constant 6.400000e+01 : f32
    %mul3A_2290 = vector.broadcast %mul3A_2289 : f32 to vector<16xf32>
    %mul3A_2291 = arith.mulf %get3A_2288, %mul3A_2290 : vector<16xf32>
    %get3A_2292 = arith.constant 160 : index
    %get3A_2293 = tpu.vector_load %arg16[%get3A_2292] {strides = array<i32>} : memref<256xf32, #tpu.memory_space<vmem>>, vector<16xf32>,
    %mul3A_2294 = arith.constant 6.400000e+01 : f32
    %mul3A_2295 = vector.broadcast %mul3A_2294 : f32 to vector<16xf32>
    %mul3A_2296 = arith.mulf %get3A_2293, %mul3A_2295 : vector<16xf32>
    %convert_element_type3A_2297 = arith.fptosi %mul3A_2291 : vector<16xf32> to vector<16xi32>
    %convert_element_type3A_2298 = arith.sitofp %convert_element_type3A_2297 : vector<16xi32> to vector<16xf32>
    %sub3A_2299 = arith.subf %mul3A_2291, %convert_element_type3A_2298 : vector<16xf32>
    %convert_element_type3A_2300 = arith.fptosi %mul3A_2296 : vector<16xf32> to vector<16xi32>
    %convert_element_type3A_2301 = arith.sitofp %convert_element_type3A_2300 : vector<16xi32> to vector<16xf32>
    %sub3A_2302 = arith.subf %mul3A_2296, %convert_element_type3A_2301 : vector<16xf32>
    %select_n3A_2303 = arith.select %ge3A_2286, %broadcast_in_dim3A_1654, %broadcast_in_dim3A_1652 : vector<16xi1>, vector<16xf32>
    %swap3A_2304 = arith.constant 0 : i32
    %swap3A_2305 = arith.index_cast %swap3A_2304 : i32 to index
    %swap3A_2306 = arith.constant 160 : index
    %swap3A_2307 = tpu.vector_load %arg20[%swap3A_2305, %swap3A_2306] {strides = array<i32>} : memref<6x256xf32, #tpu.memory_space<vmem>>, vector<16xf32>,
    tpu.vector_store %arg20[%swap3A_2305, %swap3A_2306], %select_n3A_2303 {strides = array<i32>} : memref<6x256xf32, #tpu.memory_space<vmem>>, vector<16xf32>,
    %select_n3A_2308 = arith.select %ge3A_2286, %sub3A_2299, %broadcast_in_dim3A_1652 : vector<16xi1>, vector<16xf32>
    %swap3A_2309 = arith.constant 1 : i32
    %swap3A_2310 = arith.index_cast %swap3A_2309 : i32 to index
    %swap3A_2311 = arith.constant 160 : index
    %swap3A_2312 = tpu.vector_load %arg20[%swap3A_2310, %swap3A_2311] {strides = array<i32>} : memref<6x256xf32, #tpu.memory_space<vmem>>, vector<16xf32>,
    tpu.vector_store %arg20[%swap3A_2310, %swap3A_2311], %select_n3A_2308 {strides = array<i32>} : memref<6x256xf32, #tpu.memory_space<vmem>>, vector<16xf32>,
    %select_n3A_2313 = arith.select %ge3A_2286, %sub3A_2302, %broadcast_in_dim3A_1652 : vector<16xi1>, vector<16xf32>
    %swap3A_2314 = arith.constant 2 : i32
    %swap3A_2315 = arith.index_cast %swap3A_2314 : i32 to index
    %swap3A_2316 = arith.constant 160 : index
    %swap3A_2317 = tpu.vector_load %arg20[%swap3A_2315, %swap3A_2316] {strides = array<i32>} : memref<6x256xf32, #tpu.memory_space<vmem>>, vector<16xf32>,
    tpu.vector_store %arg20[%swap3A_2315, %swap3A_2316], %select_n3A_2313 {strides = array<i32>} : memref<6x256xf32, #tpu.memory_space<vmem>>, vector<16xf32>,
    %get3A_2318 = arith.constant 160 : index
    %get3A_2319 = tpu.vector_load %arg17[%get3A_2318] {strides = array<i32>} : memref<256xf32, #tpu.memory_space<vmem>>, vector<16xf32>,
    %mul3A_2320 = arith.constant 6.400000e+01 : f32
    %mul3A_2321 = vector.broadcast %mul3A_2320 : f32 to vector<16xf32>
    %mul3A_2322 = arith.mulf %get3A_2319, %mul3A_2321 : vector<16xf32>
    %select_n3A_2323 = arith.select %ge3A_2286, %mul3A_2322, %broadcast_in_dim3A_1652 : vector<16xi1>, vector<16xf32>
    %swap3A_2324 = arith.constant 3 : i32
    %swap3A_2325 = arith.index_cast %swap3A_2324 : i32 to index
    %swap3A_2326 = arith.constant 160 : index
    %swap3A_2327 = tpu.vector_load %arg20[%swap3A_2325, %swap3A_2326] {strides = array<i32>} : memref<6x256xf32, #tpu.memory_space<vmem>>, vector<16xf32>,
    tpu.vector_store %arg20[%swap3A_2325, %swap3A_2326], %select_n3A_2323 {strides = array<i32>} : memref<6x256xf32, #tpu.memory_space<vmem>>, vector<16xf32>,
    %get3A_2328 = arith.constant 160 : index
    %get3A_2329 = tpu.vector_load %arg18[%get3A_2328] {strides = array<i32>} : memref<256xf32, #tpu.memory_space<vmem>>, vector<16xf32>,
    %mul3A_2330 = arith.constant 6.400000e+01 : f32
    %mul3A_2331 = vector.broadcast %mul3A_2330 : f32 to vector<16xf32>
    %mul3A_2332 = arith.mulf %get3A_2329, %mul3A_2331 : vector<16xf32>
    %select_n3A_2333 = arith.select %ge3A_2286, %mul3A_2332, %broadcast_in_dim3A_1652 : vector<16xi1>, vector<16xf32>
    %swap3A_2334 = arith.constant 4 : i32
    %swap3A_2335 = arith.index_cast %swap3A_2334 : i32 to index
    %swap3A_2336 = arith.constant 160 : index
    %swap3A_2337 = tpu.vector_load %arg20[%swap3A_2335, %swap3A_2336] {strides = array<i32>} : memref<6x256xf32, #tpu.memory_space<vmem>>, vector<16xf32>,
    tpu.vector_store %arg20[%swap3A_2335, %swap3A_2336], %select_n3A_2333 {strides = array<i32>} : memref<6x256xf32, #tpu.memory_space<vmem>>, vector<16xf32>,
    %get3A_2338 = arith.constant 160 : index
    %get3A_2339 = tpu.vector_load %arg19[%get3A_2338] {strides = array<i32>} : memref<256xf32, #tpu.memory_space<vmem>>, vector<16xf32>,
    %select_n3A_2340 = arith.select %ge3A_2286, %get3A_2339, %broadcast_in_dim3A_1652 : vector<16xi1>, vector<16xf32>
    %swap3A_2341 = arith.constant 5 : i32
    %swap3A_2342 = arith.index_cast %swap3A_2341 : i32 to index
    %swap3A_2343 = arith.constant 160 : index
    %swap3A_2344 = tpu.vector_load %arg20[%swap3A_2342, %swap3A_2343] {strides = array<i32>} : memref<6x256xf32, #tpu.memory_space<vmem>>, vector<16xf32>,
    tpu.vector_store %arg20[%swap3A_2342, %swap3A_2343], %select_n3A_2340 {strides = array<i32>} : memref<6x256xf32, #tpu.memory_space<vmem>>, vector<16xf32>,
    %get3A_2345 = arith.constant 176 : index
    %get3A_2346 = tpu.vector_load %arg13[%get3A_2345] {strides = array<i32>} : memref<256xi32, #tpu.memory_space<vmem>>, vector<16xi32>,
    %ge3A_2347 = arith.constant 0 : i32
    %ge3A_2348 = vector.broadcast %ge3A_2347 : i32 to vector<16xi32>
    %ge3A_2349 = arith.cmpi sge, %get3A_2346, %ge3A_2348 : vector<16xi32>
    %get3A_2350 = arith.constant 176 : index
    %get3A_2351 = tpu.vector_load %arg15[%get3A_2350] {strides = array<i32>} : memref<256xf32, #tpu.memory_space<vmem>>, vector<16xf32>,
    %mul3A_2352 = arith.constant 6.400000e+01 : f32
    %mul3A_2353 = vector.broadcast %mul3A_2352 : f32 to vector<16xf32>
    %mul3A_2354 = arith.mulf %get3A_2351, %mul3A_2353 : vector<16xf32>
    %get3A_2355 = arith.constant 176 : index
    %get3A_2356 = tpu.vector_load %arg16[%get3A_2355] {strides = array<i32>} : memref<256xf32, #tpu.memory_space<vmem>>, vector<16xf32>,
    %mul3A_2357 = arith.constant 6.400000e+01 : f32
    %mul3A_2358 = vector.broadcast %mul3A_2357 : f32 to vector<16xf32>
    %mul3A_2359 = arith.mulf %get3A_2356, %mul3A_2358 : vector<16xf32>
    %convert_element_type3A_2360 = arith.fptosi %mul3A_2354 : vector<16xf32> to vector<16xi32>
    %convert_element_type3A_2361 = arith.sitofp %convert_element_type3A_2360 : vector<16xi32> to vector<16xf32>
    %sub3A_2362 = arith.subf %mul3A_2354, %convert_element_type3A_2361 : vector<16xf32>
    %convert_element_type3A_2363 = arith.fptosi %mul3A_2359 : vector<16xf32> to vector<16xi32>
    %convert_element_type3A_2364 = arith.sitofp %convert_element_type3A_2363 : vector<16xi32> to vector<16xf32>
    %sub3A_2365 = arith.subf %mul3A_2359, %convert_element_type3A_2364 : vector<16xf32>
    %select_n3A_2366 = arith.select %ge3A_2349, %broadcast_in_dim3A_1654, %broadcast_in_dim3A_1652 : vector<16xi1>, vector<16xf32>
    %swap3A_2367 = arith.constant 0 : i32
    %swap3A_2368 = arith.index_cast %swap3A_2367 : i32 to index
    %swap3A_2369 = arith.constant 176 : index
    %swap3A_2370 = tpu.vector_load %arg20[%swap3A_2368, %swap3A_2369] {strides = array<i32>} : memref<6x256xf32, #tpu.memory_space<vmem>>, vector<16xf32>,
    tpu.vector_store %arg20[%swap3A_2368, %swap3A_2369], %select_n3A_2366 {strides = array<i32>} : memref<6x256xf32, #tpu.memory_space<vmem>>, vector<16xf32>,
    %select_n3A_2371 = arith.select %ge3A_2349, %sub3A_2362, %broadcast_in_dim3A_1652 : vector<16xi1>, vector<16xf32>
    %swap3A_2372 = arith.constant 1 : i32
    %swap3A_2373 = arith.index_cast %swap3A_2372 : i32 to index
    %swap3A_2374 = arith.constant 176 : index
    %swap3A_2375 = tpu.vector_load %arg20[%swap3A_2373, %swap3A_2374] {strides = array<i32>} : memref<6x256xf32, #tpu.memory_space<vmem>>, vector<16xf32>,
    tpu.vector_store %arg20[%swap3A_2373, %swap3A_2374], %select_n3A_2371 {strides = array<i32>} : memref<6x256xf32, #tpu.memory_space<vmem>>, vector<16xf32>,
    %select_n3A_2376 = arith.select %ge3A_2349, %sub3A_2365, %broadcast_in_dim3A_1652 : vector<16xi1>, vector<16xf32>
    %swap3A_2377 = arith.constant 2 : i32
    %swap3A_2378 = arith.index_cast %swap3A_2377 : i32 to index
    %swap3A_2379 = arith.constant 176 : index
    %swap3A_2380 = tpu.vector_load %arg20[%swap3A_2378, %swap3A_2379] {strides = array<i32>} : memref<6x256xf32, #tpu.memory_space<vmem>>, vector<16xf32>,
    tpu.vector_store %arg20[%swap3A_2378, %swap3A_2379], %select_n3A_2376 {strides = array<i32>} : memref<6x256xf32, #tpu.memory_space<vmem>>, vector<16xf32>,
    %get3A_2381 = arith.constant 176 : index
    %get3A_2382 = tpu.vector_load %arg17[%get3A_2381] {strides = array<i32>} : memref<256xf32, #tpu.memory_space<vmem>>, vector<16xf32>,
    %mul3A_2383 = arith.constant 6.400000e+01 : f32
    %mul3A_2384 = vector.broadcast %mul3A_2383 : f32 to vector<16xf32>
    %mul3A_2385 = arith.mulf %get3A_2382, %mul3A_2384 : vector<16xf32>
    %select_n3A_2386 = arith.select %ge3A_2349, %mul3A_2385, %broadcast_in_dim3A_1652 : vector<16xi1>, vector<16xf32>
    %swap3A_2387 = arith.constant 3 : i32
    %swap3A_2388 = arith.index_cast %swap3A_2387 : i32 to index
    %swap3A_2389 = arith.constant 176 : index
    %swap3A_2390 = tpu.vector_load %arg20[%swap3A_2388, %swap3A_2389] {strides = array<i32>} : memref<6x256xf32, #tpu.memory_space<vmem>>, vector<16xf32>,
    tpu.vector_store %arg20[%swap3A_2388, %swap3A_2389], %select_n3A_2386 {strides = array<i32>} : memref<6x256xf32, #tpu.memory_space<vmem>>, vector<16xf32>,
    %get3A_2391 = arith.constant 176 : index
    %get3A_2392 = tpu.vector_load %arg18[%get3A_2391] {strides = array<i32>} : memref<256xf32, #tpu.memory_space<vmem>>, vector<16xf32>,
    %mul3A_2393 = arith.constant 6.400000e+01 : f32
    %mul3A_2394 = vector.broadcast %mul3A_2393 : f32 to vector<16xf32>
    %mul3A_2395 = arith.mulf %get3A_2392, %mul3A_2394 : vector<16xf32>
    %select_n3A_2396 = arith.select %ge3A_2349, %mul3A_2395, %broadcast_in_dim3A_1652 : vector<16xi1>, vector<16xf32>
    %swap3A_2397 = arith.constant 4 : i32
    %swap3A_2398 = arith.index_cast %swap3A_2397 : i32 to index
    %swap3A_2399 = arith.constant 176 : index
    %swap3A_2400 = tpu.vector_load %arg20[%swap3A_2398, %swap3A_2399] {strides = array<i32>} : memref<6x256xf32, #tpu.memory_space<vmem>>, vector<16xf32>,
    tpu.vector_store %arg20[%swap3A_2398, %swap3A_2399], %select_n3A_2396 {strides = array<i32>} : memref<6x256xf32, #tpu.memory_space<vmem>>, vector<16xf32>,
    %get3A_2401 = arith.constant 176 : index
    %get3A_2402 = tpu.vector_load %arg19[%get3A_2401] {strides = array<i32>} : memref<256xf32, #tpu.memory_space<vmem>>, vector<16xf32>,
    %select_n3A_2403 = arith.select %ge3A_2349, %get3A_2402, %broadcast_in_dim3A_1652 : vector<16xi1>, vector<16xf32>
    %swap3A_2404 = arith.constant 5 : i32
    %swap3A_2405 = arith.index_cast %swap3A_2404 : i32 to index
    %swap3A_2406 = arith.constant 176 : index
    %swap3A_2407 = tpu.vector_load %arg20[%swap3A_2405, %swap3A_2406] {strides = array<i32>} : memref<6x256xf32, #tpu.memory_space<vmem>>, vector<16xf32>,
    tpu.vector_store %arg20[%swap3A_2405, %swap3A_2406], %select_n3A_2403 {strides = array<i32>} : memref<6x256xf32, #tpu.memory_space<vmem>>, vector<16xf32>,
    %get3A_2408 = arith.constant 192 : index
    %get3A_2409 = tpu.vector_load %arg13[%get3A_2408] {strides = array<i32>} : memref<256xi32, #tpu.memory_space<vmem>>, vector<16xi32>,
    %ge3A_2410 = arith.constant 0 : i32
    %ge3A_2411 = vector.broadcast %ge3A_2410 : i32 to vector<16xi32>
    %ge3A_2412 = arith.cmpi sge, %get3A_2409, %ge3A_2411 : vector<16xi32>
    %get3A_2413 = arith.constant 192 : index
    %get3A_2414 = tpu.vector_load %arg15[%get3A_2413] {strides = array<i32>} : memref<256xf32, #tpu.memory_space<vmem>>, vector<16xf32>,
    %mul3A_2415 = arith.constant 6.400000e+01 : f32
    %mul3A_2416 = vector.broadcast %mul3A_2415 : f32 to vector<16xf32>
    %mul3A_2417 = arith.mulf %get3A_2414, %mul3A_2416 : vector<16xf32>
    %get3A_2418 = arith.constant 192 : index
    %get3A_2419 = tpu.vector_load %arg16[%get3A_2418] {strides = array<i32>} : memref<256xf32, #tpu.memory_space<vmem>>, vector<16xf32>,
    %mul3A_2420 = arith.constant 6.400000e+01 : f32
    %mul3A_2421 = vector.broadcast %mul3A_2420 : f32 to vector<16xf32>
    %mul3A_2422 = arith.mulf %get3A_2419, %mul3A_2421 : vector<16xf32>
    %convert_element_type3A_2423 = arith.fptosi %mul3A_2417 : vector<16xf32> to vector<16xi32>
    %convert_element_type3A_2424 = arith.sitofp %convert_element_type3A_2423 : vector<16xi32> to vector<16xf32>
    %sub3A_2425 = arith.subf %mul3A_2417, %convert_element_type3A_2424 : vector<16xf32>
    %convert_element_type3A_2426 = arith.fptosi %mul3A_2422 : vector<16xf32> to vector<16xi32>
    %convert_element_type3A_2427 = arith.sitofp %convert_element_type3A_2426 : vector<16xi32> to vector<16xf32>
    %sub3A_2428 = arith.subf %mul3A_2422, %convert_element_type3A_2427 : vector<16xf32>
    %select_n3A_2429 = arith.select %ge3A_2412, %broadcast_in_dim3A_1654, %broadcast_in_dim3A_1652 : vector<16xi1>, vector<16xf32>
    %swap3A_2430 = arith.constant 0 : i32
    %swap3A_2431 = arith.index_cast %swap3A_2430 : i32 to index
    %swap3A_2432 = arith.constant 192 : index
    %swap3A_2433 = tpu.vector_load %arg20[%swap3A_2431, %swap3A_2432] {strides = array<i32>} : memref<6x256xf32, #tpu.memory_space<vmem>>, vector<16xf32>,
    tpu.vector_store %arg20[%swap3A_2431, %swap3A_2432], %select_n3A_2429 {strides = array<i32>} : memref<6x256xf32, #tpu.memory_space<vmem>>, vector<16xf32>,
    %select_n3A_2434 = arith.select %ge3A_2412, %sub3A_2425, %broadcast_in_dim3A_1652 : vector<16xi1>, vector<16xf32>
    %swap3A_2435 = arith.constant 1 : i32
    %swap3A_2436 = arith.index_cast %swap3A_2435 : i32 to index
    %swap3A_2437 = arith.constant 192 : index
    %swap3A_2438 = tpu.vector_load %arg20[%swap3A_2436, %swap3A_2437] {strides = array<i32>} : memref<6x256xf32, #tpu.memory_space<vmem>>, vector<16xf32>,
    tpu.vector_store %arg20[%swap3A_2436, %swap3A_2437], %select_n3A_2434 {strides = array<i32>} : memref<6x256xf32, #tpu.memory_space<vmem>>, vector<16xf32>,
    %select_n3A_2439 = arith.select %ge3A_2412, %sub3A_2428, %broadcast_in_dim3A_1652 : vector<16xi1>, vector<16xf32>
    %swap3A_2440 = arith.constant 2 : i32
    %swap3A_2441 = arith.index_cast %swap3A_2440 : i32 to index
    %swap3A_2442 = arith.constant 192 : index
    %swap3A_2443 = tpu.vector_load %arg20[%swap3A_2441, %swap3A_2442] {strides = array<i32>} : memref<6x256xf32, #tpu.memory_space<vmem>>, vector<16xf32>,
    tpu.vector_store %arg20[%swap3A_2441, %swap3A_2442], %select_n3A_2439 {strides = array<i32>} : memref<6x256xf32, #tpu.memory_space<vmem>>, vector<16xf32>,
    %get3A_2444 = arith.constant 192 : index
    %get3A_2445 = tpu.vector_load %arg17[%get3A_2444] {strides = array<i32>} : memref<256xf32, #tpu.memory_space<vmem>>, vector<16xf32>,
    %mul3A_2446 = arith.constant 6.400000e+01 : f32
    %mul3A_2447 = vector.broadcast %mul3A_2446 : f32 to vector<16xf32>
    %mul3A_2448 = arith.mulf %get3A_2445, %mul3A_2447 : vector<16xf32>
    %select_n3A_2449 = arith.select %ge3A_2412, %mul3A_2448, %broadcast_in_dim3A_1652 : vector<16xi1>, vector<16xf32>
    %swap3A_2450 = arith.constant 3 : i32
    %swap3A_2451 = arith.index_cast %swap3A_2450 : i32 to index
    %swap3A_2452 = arith.constant 192 : index
    %swap3A_2453 = tpu.vector_load %arg20[%swap3A_2451, %swap3A_2452] {strides = array<i32>} : memref<6x256xf32, #tpu.memory_space<vmem>>, vector<16xf32>,
    tpu.vector_store %arg20[%swap3A_2451, %swap3A_2452], %select_n3A_2449 {strides = array<i32>} : memref<6x256xf32, #tpu.memory_space<vmem>>, vector<16xf32>,
    %get3A_2454 = arith.constant 192 : index
    %get3A_2455 = tpu.vector_load %arg18[%get3A_2454] {strides = array<i32>} : memref<256xf32, #tpu.memory_space<vmem>>, vector<16xf32>,
    %mul3A_2456 = arith.constant 6.400000e+01 : f32
    %mul3A_2457 = vector.broadcast %mul3A_2456 : f32 to vector<16xf32>
    %mul3A_2458 = arith.mulf %get3A_2455, %mul3A_2457 : vector<16xf32>
    %select_n3A_2459 = arith.select %ge3A_2412, %mul3A_2458, %broadcast_in_dim3A_1652 : vector<16xi1>, vector<16xf32>
    %swap3A_2460 = arith.constant 4 : i32
    %swap3A_2461 = arith.index_cast %swap3A_2460 : i32 to index
    %swap3A_2462 = arith.constant 192 : index
    %swap3A_2463 = tpu.vector_load %arg20[%swap3A_2461, %swap3A_2462] {strides = array<i32>} : memref<6x256xf32, #tpu.memory_space<vmem>>, vector<16xf32>,
    tpu.vector_store %arg20[%swap3A_2461, %swap3A_2462], %select_n3A_2459 {strides = array<i32>} : memref<6x256xf32, #tpu.memory_space<vmem>>, vector<16xf32>,
    %get3A_2464 = arith.constant 192 : index
    %get3A_2465 = tpu.vector_load %arg19[%get3A_2464] {strides = array<i32>} : memref<256xf32, #tpu.memory_space<vmem>>, vector<16xf32>,
    %select_n3A_2466 = arith.select %ge3A_2412, %get3A_2465, %broadcast_in_dim3A_1652 : vector<16xi1>, vector<16xf32>
    %swap3A_2467 = arith.constant 5 : i32
    %swap3A_2468 = arith.index_cast %swap3A_2467 : i32 to index
    %swap3A_2469 = arith.constant 192 : index
    %swap3A_2470 = tpu.vector_load %arg20[%swap3A_2468, %swap3A_2469] {strides = array<i32>} : memref<6x256xf32, #tpu.memory_space<vmem>>, vector<16xf32>,
    tpu.vector_store %arg20[%swap3A_2468, %swap3A_2469], %select_n3A_2466 {strides = array<i32>} : memref<6x256xf32, #tpu.memory_space<vmem>>, vector<16xf32>,
    %get3A_2471 = arith.constant 208 : index
    %get3A_2472 = tpu.vector_load %arg13[%get3A_2471] {strides = array<i32>} : memref<256xi32, #tpu.memory_space<vmem>>, vector<16xi32>,
    %ge3A_2473 = arith.constant 0 : i32
    %ge3A_2474 = vector.broadcast %ge3A_2473 : i32 to vector<16xi32>
    %ge3A_2475 = arith.cmpi sge, %get3A_2472, %ge3A_2474 : vector<16xi32>
    %get3A_2476 = arith.constant 208 : index
    %get3A_2477 = tpu.vector_load %arg15[%get3A_2476] {strides = array<i32>} : memref<256xf32, #tpu.memory_space<vmem>>, vector<16xf32>,
    %mul3A_2478 = arith.constant 6.400000e+01 : f32
    %mul3A_2479 = vector.broadcast %mul3A_2478 : f32 to vector<16xf32>
    %mul3A_2480 = arith.mulf %get3A_2477, %mul3A_2479 : vector<16xf32>
    %get3A_2481 = arith.constant 208 : index
    %get3A_2482 = tpu.vector_load %arg16[%get3A_2481] {strides = array<i32>} : memref<256xf32, #tpu.memory_space<vmem>>, vector<16xf32>,
    %mul3A_2483 = arith.constant 6.400000e+01 : f32
    %mul3A_2484 = vector.broadcast %mul3A_2483 : f32 to vector<16xf32>
    %mul3A_2485 = arith.mulf %get3A_2482, %mul3A_2484 : vector<16xf32>
    %convert_element_type3A_2486 = arith.fptosi %mul3A_2480 : vector<16xf32> to vector<16xi32>
    %convert_element_type3A_2487 = arith.sitofp %convert_element_type3A_2486 : vector<16xi32> to vector<16xf32>
    %sub3A_2488 = arith.subf %mul3A_2480, %convert_element_type3A_2487 : vector<16xf32>
    %convert_element_type3A_2489 = arith.fptosi %mul3A_2485 : vector<16xf32> to vector<16xi32>
    %convert_element_type3A_2490 = arith.sitofp %convert_element_type3A_2489 : vector<16xi32> to vector<16xf32>
    %sub3A_2491 = arith.subf %mul3A_2485, %convert_element_type3A_2490 : vector<16xf32>
    %select_n3A_2492 = arith.select %ge3A_2475, %broadcast_in_dim3A_1654, %broadcast_in_dim3A_1652 : vector<16xi1>, vector<16xf32>
    %swap3A_2493 = arith.constant 0 : i32
    %swap3A_2494 = arith.index_cast %swap3A_2493 : i32 to index
    %swap3A_2495 = arith.constant 208 : index
    %swap3A_2496 = tpu.vector_load %arg20[%swap3A_2494, %swap3A_2495] {strides = array<i32>} : memref<6x256xf32, #tpu.memory_space<vmem>>, vector<16xf32>,
    tpu.vector_store %arg20[%swap3A_2494, %swap3A_2495], %select_n3A_2492 {strides = array<i32>} : memref<6x256xf32, #tpu.memory_space<vmem>>, vector<16xf32>,
    %select_n3A_2497 = arith.select %ge3A_2475, %sub3A_2488, %broadcast_in_dim3A_1652 : vector<16xi1>, vector<16xf32>
    %swap3A_2498 = arith.constant 1 : i32
    %swap3A_2499 = arith.index_cast %swap3A_2498 : i32 to index
    %swap3A_2500 = arith.constant 208 : index
    %swap3A_2501 = tpu.vector_load %arg20[%swap3A_2499, %swap3A_2500] {strides = array<i32>} : memref<6x256xf32, #tpu.memory_space<vmem>>, vector<16xf32>,
    tpu.vector_store %arg20[%swap3A_2499, %swap3A_2500], %select_n3A_2497 {strides = array<i32>} : memref<6x256xf32, #tpu.memory_space<vmem>>, vector<16xf32>,
    %select_n3A_2502 = arith.select %ge3A_2475, %sub3A_2491, %broadcast_in_dim3A_1652 : vector<16xi1>, vector<16xf32>
    %swap3A_2503 = arith.constant 2 : i32
    %swap3A_2504 = arith.index_cast %swap3A_2503 : i32 to index
    %swap3A_2505 = arith.constant 208 : index
    %swap3A_2506 = tpu.vector_load %arg20[%swap3A_2504, %swap3A_2505] {strides = array<i32>} : memref<6x256xf32, #tpu.memory_space<vmem>>, vector<16xf32>,
    tpu.vector_store %arg20[%swap3A_2504, %swap3A_2505], %select_n3A_2502 {strides = array<i32>} : memref<6x256xf32, #tpu.memory_space<vmem>>, vector<16xf32>,
    %get3A_2507 = arith.constant 208 : index
    %get3A_2508 = tpu.vector_load %arg17[%get3A_2507] {strides = array<i32>} : memref<256xf32, #tpu.memory_space<vmem>>, vector<16xf32>,
    %mul3A_2509 = arith.constant 6.400000e+01 : f32
    %mul3A_2510 = vector.broadcast %mul3A_2509 : f32 to vector<16xf32>
    %mul3A_2511 = arith.mulf %get3A_2508, %mul3A_2510 : vector<16xf32>
    %select_n3A_2512 = arith.select %ge3A_2475, %mul3A_2511, %broadcast_in_dim3A_1652 : vector<16xi1>, vector<16xf32>
    %swap3A_2513 = arith.constant 3 : i32
    %swap3A_2514 = arith.index_cast %swap3A_2513 : i32 to index
    %swap3A_2515 = arith.constant 208 : index
    %swap3A_2516 = tpu.vector_load %arg20[%swap3A_2514, %swap3A_2515] {strides = array<i32>} : memref<6x256xf32, #tpu.memory_space<vmem>>, vector<16xf32>,
    tpu.vector_store %arg20[%swap3A_2514, %swap3A_2515], %select_n3A_2512 {strides = array<i32>} : memref<6x256xf32, #tpu.memory_space<vmem>>, vector<16xf32>,
    %get3A_2517 = arith.constant 208 : index
    %get3A_2518 = tpu.vector_load %arg18[%get3A_2517] {strides = array<i32>} : memref<256xf32, #tpu.memory_space<vmem>>, vector<16xf32>,
    %mul3A_2519 = arith.constant 6.400000e+01 : f32
    %mul3A_2520 = vector.broadcast %mul3A_2519 : f32 to vector<16xf32>
    %mul3A_2521 = arith.mulf %get3A_2518, %mul3A_2520 : vector<16xf32>
    %select_n3A_2522 = arith.select %ge3A_2475, %mul3A_2521, %broadcast_in_dim3A_1652 : vector<16xi1>, vector<16xf32>
    %swap3A_2523 = arith.constant 4 : i32
    %swap3A_2524 = arith.index_cast %swap3A_2523 : i32 to index
    %swap3A_2525 = arith.constant 208 : index
    %swap3A_2526 = tpu.vector_load %arg20[%swap3A_2524, %swap3A_2525] {strides = array<i32>} : memref<6x256xf32, #tpu.memory_space<vmem>>, vector<16xf32>,
    tpu.vector_store %arg20[%swap3A_2524, %swap3A_2525], %select_n3A_2522 {strides = array<i32>} : memref<6x256xf32, #tpu.memory_space<vmem>>, vector<16xf32>,
    %get3A_2527 = arith.constant 208 : index
    %get3A_2528 = tpu.vector_load %arg19[%get3A_2527] {strides = array<i32>} : memref<256xf32, #tpu.memory_space<vmem>>, vector<16xf32>,
    %select_n3A_2529 = arith.select %ge3A_2475, %get3A_2528, %broadcast_in_dim3A_1652 : vector<16xi1>, vector<16xf32>
    %swap3A_2530 = arith.constant 5 : i32
    %swap3A_2531 = arith.index_cast %swap3A_2530 : i32 to index
    %swap3A_2532 = arith.constant 208 : index
    %swap3A_2533 = tpu.vector_load %arg20[%swap3A_2531, %swap3A_2532] {strides = array<i32>} : memref<6x256xf32, #tpu.memory_space<vmem>>, vector<16xf32>,
    tpu.vector_store %arg20[%swap3A_2531, %swap3A_2532], %select_n3A_2529 {strides = array<i32>} : memref<6x256xf32, #tpu.memory_space<vmem>>, vector<16xf32>,
    %get3A_2534 = arith.constant 224 : index
    %get3A_2535 = tpu.vector_load %arg13[%get3A_2534] {strides = array<i32>} : memref<256xi32, #tpu.memory_space<vmem>>, vector<16xi32>,
    %ge3A_2536 = arith.constant 0 : i32
    %ge3A_2537 = vector.broadcast %ge3A_2536 : i32 to vector<16xi32>
    %ge3A_2538 = arith.cmpi sge, %get3A_2535, %ge3A_2537 : vector<16xi32>
    %get3A_2539 = arith.constant 224 : index
    %get3A_2540 = tpu.vector_load %arg15[%get3A_2539] {strides = array<i32>} : memref<256xf32, #tpu.memory_space<vmem>>, vector<16xf32>,
    %mul3A_2541 = arith.constant 6.400000e+01 : f32
    %mul3A_2542 = vector.broadcast %mul3A_2541 : f32 to vector<16xf32>
    %mul3A_2543 = arith.mulf %get3A_2540, %mul3A_2542 : vector<16xf32>
    %get3A_2544 = arith.constant 224 : index
    %get3A_2545 = tpu.vector_load %arg16[%get3A_2544] {strides = array<i32>} : memref<256xf32, #tpu.memory_space<vmem>>, vector<16xf32>,
    %mul3A_2546 = arith.constant 6.400000e+01 : f32
    %mul3A_2547 = vector.broadcast %mul3A_2546 : f32 to vector<16xf32>
    %mul3A_2548 = arith.mulf %get3A_2545, %mul3A_2547 : vector<16xf32>
    %convert_element_type3A_2549 = arith.fptosi %mul3A_2543 : vector<16xf32> to vector<16xi32>
    %convert_element_type3A_2550 = arith.sitofp %convert_element_type3A_2549 : vector<16xi32> to vector<16xf32>
    %sub3A_2551 = arith.subf %mul3A_2543, %convert_element_type3A_2550 : vector<16xf32>
    %convert_element_type3A_2552 = arith.fptosi %mul3A_2548 : vector<16xf32> to vector<16xi32>
    %convert_element_type3A_2553 = arith.sitofp %convert_element_type3A_2552 : vector<16xi32> to vector<16xf32>
    %sub3A_2554 = arith.subf %mul3A_2548, %convert_element_type3A_2553 : vector<16xf32>
    %select_n3A_2555 = arith.select %ge3A_2538, %broadcast_in_dim3A_1654, %broadcast_in_dim3A_1652 : vector<16xi1>, vector<16xf32>
    %swap3A_2556 = arith.constant 0 : i32
    %swap3A_2557 = arith.index_cast %swap3A_2556 : i32 to index
    %swap3A_2558 = arith.constant 224 : index
    %swap3A_2559 = tpu.vector_load %arg20[%swap3A_2557, %swap3A_2558] {strides = array<i32>} : memref<6x256xf32, #tpu.memory_space<vmem>>, vector<16xf32>,
    tpu.vector_store %arg20[%swap3A_2557, %swap3A_2558], %select_n3A_2555 {strides = array<i32>} : memref<6x256xf32, #tpu.memory_space<vmem>>, vector<16xf32>,
    %select_n3A_2560 = arith.select %ge3A_2538, %sub3A_2551, %broadcast_in_dim3A_1652 : vector<16xi1>, vector<16xf32>
    %swap3A_2561 = arith.constant 1 : i32
    %swap3A_2562 = arith.index_cast %swap3A_2561 : i32 to index
    %swap3A_2563 = arith.constant 224 : index
    %swap3A_2564 = tpu.vector_load %arg20[%swap3A_2562, %swap3A_2563] {strides = array<i32>} : memref<6x256xf32, #tpu.memory_space<vmem>>, vector<16xf32>,
    tpu.vector_store %arg20[%swap3A_2562, %swap3A_2563], %select_n3A_2560 {strides = array<i32>} : memref<6x256xf32, #tpu.memory_space<vmem>>, vector<16xf32>,
    %select_n3A_2565 = arith.select %ge3A_2538, %sub3A_2554, %broadcast_in_dim3A_1652 : vector<16xi1>, vector<16xf32>
    %swap3A_2566 = arith.constant 2 : i32
    %swap3A_2567 = arith.index_cast %swap3A_2566 : i32 to index
    %swap3A_2568 = arith.constant 224 : index
    %swap3A_2569 = tpu.vector_load %arg20[%swap3A_2567, %swap3A_2568] {strides = array<i32>} : memref<6x256xf32, #tpu.memory_space<vmem>>, vector<16xf32>,
    tpu.vector_store %arg20[%swap3A_2567, %swap3A_2568], %select_n3A_2565 {strides = array<i32>} : memref<6x256xf32, #tpu.memory_space<vmem>>, vector<16xf32>,
    %get3A_2570 = arith.constant 224 : index
    %get3A_2571 = tpu.vector_load %arg17[%get3A_2570] {strides = array<i32>} : memref<256xf32, #tpu.memory_space<vmem>>, vector<16xf32>,
    %mul3A_2572 = arith.constant 6.400000e+01 : f32
    %mul3A_2573 = vector.broadcast %mul3A_2572 : f32 to vector<16xf32>
    %mul3A_2574 = arith.mulf %get3A_2571, %mul3A_2573 : vector<16xf32>
    %select_n3A_2575 = arith.select %ge3A_2538, %mul3A_2574, %broadcast_in_dim3A_1652 : vector<16xi1>, vector<16xf32>
    %swap3A_2576 = arith.constant 3 : i32
    %swap3A_2577 = arith.index_cast %swap3A_2576 : i32 to index
    %swap3A_2578 = arith.constant 224 : index
    %swap3A_2579 = tpu.vector_load %arg20[%swap3A_2577, %swap3A_2578] {strides = array<i32>} : memref<6x256xf32, #tpu.memory_space<vmem>>, vector<16xf32>,
    tpu.vector_store %arg20[%swap3A_2577, %swap3A_2578], %select_n3A_2575 {strides = array<i32>} : memref<6x256xf32, #tpu.memory_space<vmem>>, vector<16xf32>,
    %get3A_2580 = arith.constant 224 : index
    %get3A_2581 = tpu.vector_load %arg18[%get3A_2580] {strides = array<i32>} : memref<256xf32, #tpu.memory_space<vmem>>, vector<16xf32>,
    %mul3A_2582 = arith.constant 6.400000e+01 : f32
    %mul3A_2583 = vector.broadcast %mul3A_2582 : f32 to vector<16xf32>
    %mul3A_2584 = arith.mulf %get3A_2581, %mul3A_2583 : vector<16xf32>
    %select_n3A_2585 = arith.select %ge3A_2538, %mul3A_2584, %broadcast_in_dim3A_1652 : vector<16xi1>, vector<16xf32>
    %swap3A_2586 = arith.constant 4 : i32
    %swap3A_2587 = arith.index_cast %swap3A_2586 : i32 to index
    %swap3A_2588 = arith.constant 224 : index
    %swap3A_2589 = tpu.vector_load %arg20[%swap3A_2587, %swap3A_2588] {strides = array<i32>} : memref<6x256xf32, #tpu.memory_space<vmem>>, vector<16xf32>,
    tpu.vector_store %arg20[%swap3A_2587, %swap3A_2588], %select_n3A_2585 {strides = array<i32>} : memref<6x256xf32, #tpu.memory_space<vmem>>, vector<16xf32>,
    %get3A_2590 = arith.constant 224 : index
    %get3A_2591 = tpu.vector_load %arg19[%get3A_2590] {strides = array<i32>} : memref<256xf32, #tpu.memory_space<vmem>>, vector<16xf32>,
    %select_n3A_2592 = arith.select %ge3A_2538, %get3A_2591, %broadcast_in_dim3A_1652 : vector<16xi1>, vector<16xf32>
    %swap3A_2593 = arith.constant 5 : i32
    %swap3A_2594 = arith.index_cast %swap3A_2593 : i32 to index
    %swap3A_2595 = arith.constant 224 : index
    %swap3A_2596 = tpu.vector_load %arg20[%swap3A_2594, %swap3A_2595] {strides = array<i32>} : memref<6x256xf32, #tpu.memory_space<vmem>>, vector<16xf32>,
    tpu.vector_store %arg20[%swap3A_2594, %swap3A_2595], %select_n3A_2592 {strides = array<i32>} : memref<6x256xf32, #tpu.memory_space<vmem>>, vector<16xf32>,
    %get3A_2597 = arith.constant 240 : index
    %get3A_2598 = tpu.vector_load %arg13[%get3A_2597] {strides = array<i32>} : memref<256xi32, #tpu.memory_space<vmem>>, vector<16xi32>,
    %ge3A_2599 = arith.constant 0 : i32
    %ge3A_2600 = vector.broadcast %ge3A_2599 : i32 to vector<16xi32>
    %ge3A_2601 = arith.cmpi sge, %get3A_2598, %ge3A_2600 : vector<16xi32>
    %get3A_2602 = arith.constant 240 : index
    %get3A_2603 = tpu.vector_load %arg15[%get3A_2602] {strides = array<i32>} : memref<256xf32, #tpu.memory_space<vmem>>, vector<16xf32>,
    %mul3A_2604 = arith.constant 6.400000e+01 : f32
    %mul3A_2605 = vector.broadcast %mul3A_2604 : f32 to vector<16xf32>
    %mul3A_2606 = arith.mulf %get3A_2603, %mul3A_2605 : vector<16xf32>
    %get3A_2607 = arith.constant 240 : index
    %get3A_2608 = tpu.vector_load %arg16[%get3A_2607] {strides = array<i32>} : memref<256xf32, #tpu.memory_space<vmem>>, vector<16xf32>,
    %mul3A_2609 = arith.constant 6.400000e+01 : f32
    %mul3A_2610 = vector.broadcast %mul3A_2609 : f32 to vector<16xf32>
    %mul3A_2611 = arith.mulf %get3A_2608, %mul3A_2610 : vector<16xf32>
    %convert_element_type3A_2612 = arith.fptosi %mul3A_2606 : vector<16xf32> to vector<16xi32>
    %convert_element_type3A_2613 = arith.sitofp %convert_element_type3A_2612 : vector<16xi32> to vector<16xf32>
    %sub3A_2614 = arith.subf %mul3A_2606, %convert_element_type3A_2613 : vector<16xf32>
    %convert_element_type3A_2615 = arith.fptosi %mul3A_2611 : vector<16xf32> to vector<16xi32>
    %convert_element_type3A_2616 = arith.sitofp %convert_element_type3A_2615 : vector<16xi32> to vector<16xf32>
    %sub3A_2617 = arith.subf %mul3A_2611, %convert_element_type3A_2616 : vector<16xf32>
    %select_n3A_2618 = arith.select %ge3A_2601, %broadcast_in_dim3A_1654, %broadcast_in_dim3A_1652 : vector<16xi1>, vector<16xf32>
    %swap3A_2619 = arith.constant 0 : i32
    %swap3A_2620 = arith.index_cast %swap3A_2619 : i32 to index
    %swap3A_2621 = arith.constant 240 : index
    %swap3A_2622 = tpu.vector_load %arg20[%swap3A_2620, %swap3A_2621] {strides = array<i32>} : memref<6x256xf32, #tpu.memory_space<vmem>>, vector<16xf32>,
    tpu.vector_store %arg20[%swap3A_2620, %swap3A_2621], %select_n3A_2618 {strides = array<i32>} : memref<6x256xf32, #tpu.memory_space<vmem>>, vector<16xf32>,
    %select_n3A_2623 = arith.select %ge3A_2601, %sub3A_2614, %broadcast_in_dim3A_1652 : vector<16xi1>, vector<16xf32>
    %swap3A_2624 = arith.constant 1 : i32
    %swap3A_2625 = arith.index_cast %swap3A_2624 : i32 to index
    %swap3A_2626 = arith.constant 240 : index
    %swap3A_2627 = tpu.vector_load %arg20[%swap3A_2625, %swap3A_2626] {strides = array<i32>} : memref<6x256xf32, #tpu.memory_space<vmem>>, vector<16xf32>,
    tpu.vector_store %arg20[%swap3A_2625, %swap3A_2626], %select_n3A_2623 {strides = array<i32>} : memref<6x256xf32, #tpu.memory_space<vmem>>, vector<16xf32>,
    %select_n3A_2628 = arith.select %ge3A_2601, %sub3A_2617, %broadcast_in_dim3A_1652 : vector<16xi1>, vector<16xf32>
    %swap3A_2629 = arith.constant 2 : i32
    %swap3A_2630 = arith.index_cast %swap3A_2629 : i32 to index
    %swap3A_2631 = arith.constant 240 : index
    %swap3A_2632 = tpu.vector_load %arg20[%swap3A_2630, %swap3A_2631] {strides = array<i32>} : memref<6x256xf32, #tpu.memory_space<vmem>>, vector<16xf32>,
    tpu.vector_store %arg20[%swap3A_2630, %swap3A_2631], %select_n3A_2628 {strides = array<i32>} : memref<6x256xf32, #tpu.memory_space<vmem>>, vector<16xf32>,
    %get3A_2633 = arith.constant 240 : index
    %get3A_2634 = tpu.vector_load %arg17[%get3A_2633] {strides = array<i32>} : memref<256xf32, #tpu.memory_space<vmem>>, vector<16xf32>,
    %mul3A_2635 = arith.constant 6.400000e+01 : f32
    %mul3A_2636 = vector.broadcast %mul3A_2635 : f32 to vector<16xf32>
    %mul3A_2637 = arith.mulf %get3A_2634, %mul3A_2636 : vector<16xf32>
    %select_n3A_2638 = arith.select %ge3A_2601, %mul3A_2637, %broadcast_in_dim3A_1652 : vector<16xi1>, vector<16xf32>
    %swap3A_2639 = arith.constant 3 : i32
    %swap3A_2640 = arith.index_cast %swap3A_2639 : i32 to index
    %swap3A_2641 = arith.constant 240 : index
    %swap3A_2642 = tpu.vector_load %arg20[%swap3A_2640, %swap3A_2641] {strides = array<i32>} : memref<6x256xf32, #tpu.memory_space<vmem>>, vector<16xf32>,
    tpu.vector_store %arg20[%swap3A_2640, %swap3A_2641], %select_n3A_2638 {strides = array<i32>} : memref<6x256xf32, #tpu.memory_space<vmem>>, vector<16xf32>,
    %get3A_2643 = arith.constant 240 : index
    %get3A_2644 = tpu.vector_load %arg18[%get3A_2643] {strides = array<i32>} : memref<256xf32, #tpu.memory_space<vmem>>, vector<16xf32>,
    %mul3A_2645 = arith.constant 6.400000e+01 : f32
    %mul3A_2646 = vector.broadcast %mul3A_2645 : f32 to vector<16xf32>
    %mul3A_2647 = arith.mulf %get3A_2644, %mul3A_2646 : vector<16xf32>
    %select_n3A_2648 = arith.select %ge3A_2601, %mul3A_2647, %broadcast_in_dim3A_1652 : vector<16xi1>, vector<16xf32>
    %swap3A_2649 = arith.constant 4 : i32
    %swap3A_2650 = arith.index_cast %swap3A_2649 : i32 to index
    %swap3A_2651 = arith.constant 240 : index
    %swap3A_2652 = tpu.vector_load %arg20[%swap3A_2650, %swap3A_2651] {strides = array<i32>} : memref<6x256xf32, #tpu.memory_space<vmem>>, vector<16xf32>,
    tpu.vector_store %arg20[%swap3A_2650, %swap3A_2651], %select_n3A_2648 {strides = array<i32>} : memref<6x256xf32, #tpu.memory_space<vmem>>, vector<16xf32>,
    %get3A_2653 = arith.constant 240 : index
    %get3A_2654 = tpu.vector_load %arg19[%get3A_2653] {strides = array<i32>} : memref<256xf32, #tpu.memory_space<vmem>>, vector<16xf32>,
    %select_n3A_2655 = arith.select %ge3A_2601, %get3A_2654, %broadcast_in_dim3A_1652 : vector<16xi1>, vector<16xf32>
    %swap3A_2656 = arith.constant 5 : i32
    %swap3A_2657 = arith.index_cast %swap3A_2656 : i32 to index
    %swap3A_2658 = arith.constant 240 : index
    %swap3A_2659 = tpu.vector_load %arg20[%swap3A_2657, %swap3A_2658] {strides = array<i32>} : memref<6x256xf32, #tpu.memory_space<vmem>>, vector<16xf32>,
    tpu.vector_store %arg20[%swap3A_2657, %swap3A_2658], %select_n3A_2655 {strides = array<i32>} : memref<6x256xf32, #tpu.memory_space<vmem>>, vector<16xf32>,
    %run_scoped3A_2660 = arith.constant 0 : i32
    %run_scoped3A_2661 = arith.constant 0 : i32
    "tpu.region"() ({
      %run_scoped3A_2672 = tpu.sem_alloc : memref<!tpu.dma_semaphore, #tpu.memory_space<semaphore_mem>>
      %dma_start3A_2673 = arith.constant 0 : i32
      %dma_start3A_2674 = tpu.memref_slice %arg20[%run_scoped3A_2660, %dma_start3A_2673] : memref<6x256xf32, #tpu.memory_space<vmem>> -> memref<1x256xf32, #tpu.memory_space<vmem>>
      %dma_start3A_2675 = tpu.memref_squeeze %dma_start3A_2674 : memref<1x256xf32, #tpu.memory_space<vmem>> -> memref<256xf32, #tpu.memory_space<vmem>>
      %dma_start3A_2676 = tpu.memref_slice %arg7[%run_scoped3A_2661, %mul3A_22] : memref<6x4096xf32, #tpu.memory_space<hbm>> -> memref<1x256xf32, #tpu.memory_space<hbm>>
      %dma_start3A_2677 = tpu.memref_squeeze %dma_start3A_2676 : memref<1x256xf32, #tpu.memory_space<hbm>> -> memref<256xf32, #tpu.memory_space<hbm>>
      %dma_start3A_2678 = tpu.memref_slice %arg7[%run_scoped3A_2661, %mul3A_22] : memref<6x4096xf32, #tpu.memory_space<hbm>> -> memref<1x256xf32, #tpu.memory_space<hbm>>
      %dma_start3A_2679 = tpu.memref_squeeze %dma_start3A_2678 : memref<1x256xf32, #tpu.memory_space<hbm>> -> memref<256xf32, #tpu.memory_space<hbm>>
      %dma_start3A_2680 = arith.constant 0 : i32
      %dma_start3A_2681 = tpu.memref_slice %arg20[%run_scoped3A_2660, %dma_start3A_2680] : memref<6x256xf32, #tpu.memory_space<vmem>> -> memref<1x256xf32, #tpu.memory_space<vmem>>
      %dma_start3A_2682 = tpu.memref_squeeze %dma_start3A_2681 : memref<1x256xf32, #tpu.memory_space<vmem>> -> memref<256xf32, #tpu.memory_space<vmem>>
      tpu.enqueue_dma source(%dma_start3A_2682 : memref<256xf32, #tpu.memory_space<vmem>>) target(%dma_start3A_2679 : memref<256xf32, #tpu.memory_space<hbm>>) target_semaphore(%run_scoped3A_2672 : memref<!tpu.dma_semaphore, #tpu.memory_space<semaphore_mem>>)
      %dma_wait3A_2683 = arith.constant 0 : i32
      %dma_wait3A_2684 = tpu.memref_slice %arg20[%run_scoped3A_2660, %dma_wait3A_2683] : memref<6x256xf32, #tpu.memory_space<vmem>> -> memref<1x256xf32, #tpu.memory_space<vmem>>
      %dma_wait3A_2685 = tpu.memref_squeeze %dma_wait3A_2684 : memref<1x256xf32, #tpu.memory_space<vmem>> -> memref<256xf32, #tpu.memory_space<vmem>>
      %dma_wait3A_2686 = tpu.memref_slice %arg7[%run_scoped3A_2661, %mul3A_22] : memref<6x4096xf32, #tpu.memory_space<hbm>> -> memref<1x256xf32, #tpu.memory_space<hbm>>
      %dma_wait3A_2687 = tpu.memref_squeeze %dma_wait3A_2686 : memref<1x256xf32, #tpu.memory_space<hbm>> -> memref<256xf32, #tpu.memory_space<hbm>>
      %dma_wait3A_2688 = tpu.memref_slice %arg7[%run_scoped3A_2661, %mul3A_22] : memref<6x4096xf32, #tpu.memory_space<hbm>> -> memref<1x256xf32, #tpu.memory_space<hbm>>
      %dma_wait3A_2689 = tpu.memref_squeeze %dma_wait3A_2688 : memref<1x256xf32, #tpu.memory_space<hbm>> -> memref<256xf32, #tpu.memory_space<hbm>>
      %dma_wait3A_2690 = arith.constant 0 : i32
      %dma_wait3A_2691 = tpu.memref_slice %arg20[%run_scoped3A_2660, %dma_wait3A_2690] : memref<6x256xf32, #tpu.memory_space<vmem>> -> memref<1x256xf32, #tpu.memory_space<vmem>>
      %dma_wait3A_2692 = tpu.memref_squeeze %dma_wait3A_2691 : memref<1x256xf32, #tpu.memory_space<vmem>> -> memref<256xf32, #tpu.memory_space<vmem>>
      tpu.wait_dma2 semaphore(%run_scoped3A_2672 : memref<!tpu.dma_semaphore, #tpu.memory_space<semaphore_mem>>) src(%dma_wait3A_2692 : memref<256xf32, #tpu.memory_space<vmem>>) dst(%dma_wait3A_2689 : memref<256xf32, #tpu.memory_space<hbm>>)
      tpu.yield
    }) : () -> ()
    %run_scoped3A_2662 = arith.constant 1 : i32
    %run_scoped3A_2663 = arith.constant 1 : i32
    "tpu.region"() ({
      %run_scoped3A_2672 = tpu.sem_alloc : memref<!tpu.dma_semaphore, #tpu.memory_space<semaphore_mem>>
      %dma_start3A_2673 = arith.constant 0 : i32
      %dma_start3A_2674 = tpu.memref_slice %arg20[%run_scoped3A_2662, %dma_start3A_2673] : memref<6x256xf32, #tpu.memory_space<vmem>> -> memref<1x256xf32, #tpu.memory_space<vmem>>
      %dma_start3A_2675 = tpu.memref_squeeze %dma_start3A_2674 : memref<1x256xf32, #tpu.memory_space<vmem>> -> memref<256xf32, #tpu.memory_space<vmem>>
      %dma_start3A_2676 = tpu.memref_slice %arg7[%run_scoped3A_2663, %mul3A_22] : memref<6x4096xf32, #tpu.memory_space<hbm>> -> memref<1x256xf32, #tpu.memory_space<hbm>>
      %dma_start3A_2677 = tpu.memref_squeeze %dma_start3A_2676 : memref<1x256xf32, #tpu.memory_space<hbm>> -> memref<256xf32, #tpu.memory_space<hbm>>
      %dma_start3A_2678 = tpu.memref_slice %arg7[%run_scoped3A_2663, %mul3A_22] : memref<6x4096xf32, #tpu.memory_space<hbm>> -> memref<1x256xf32, #tpu.memory_space<hbm>>
      %dma_start3A_2679 = tpu.memref_squeeze %dma_start3A_2678 : memref<1x256xf32, #tpu.memory_space<hbm>> -> memref<256xf32, #tpu.memory_space<hbm>>
      %dma_start3A_2680 = arith.constant 0 : i32
      %dma_start3A_2681 = tpu.memref_slice %arg20[%run_scoped3A_2662, %dma_start3A_2680] : memref<6x256xf32, #tpu.memory_space<vmem>> -> memref<1x256xf32, #tpu.memory_space<vmem>>
      %dma_start3A_2682 = tpu.memref_squeeze %dma_start3A_2681 : memref<1x256xf32, #tpu.memory_space<vmem>> -> memref<256xf32, #tpu.memory_space<vmem>>
      tpu.enqueue_dma source(%dma_start3A_2682 : memref<256xf32, #tpu.memory_space<vmem>>) target(%dma_start3A_2679 : memref<256xf32, #tpu.memory_space<hbm>>) target_semaphore(%run_scoped3A_2672 : memref<!tpu.dma_semaphore, #tpu.memory_space<semaphore_mem>>)
      %dma_wait3A_2683 = arith.constant 0 : i32
      %dma_wait3A_2684 = tpu.memref_slice %arg20[%run_scoped3A_2662, %dma_wait3A_2683] : memref<6x256xf32, #tpu.memory_space<vmem>> -> memref<1x256xf32, #tpu.memory_space<vmem>>
      %dma_wait3A_2685 = tpu.memref_squeeze %dma_wait3A_2684 : memref<1x256xf32, #tpu.memory_space<vmem>> -> memref<256xf32, #tpu.memory_space<vmem>>
      %dma_wait3A_2686 = tpu.memref_slice %arg7[%run_scoped3A_2663, %mul3A_22] : memref<6x4096xf32, #tpu.memory_space<hbm>> -> memref<1x256xf32, #tpu.memory_space<hbm>>
      %dma_wait3A_2687 = tpu.memref_squeeze %dma_wait3A_2686 : memref<1x256xf32, #tpu.memory_space<hbm>> -> memref<256xf32, #tpu.memory_space<hbm>>
      %dma_wait3A_2688 = tpu.memref_slice %arg7[%run_scoped3A_2663, %mul3A_22] : memref<6x4096xf32, #tpu.memory_space<hbm>> -> memref<1x256xf32, #tpu.memory_space<hbm>>
      %dma_wait3A_2689 = tpu.memref_squeeze %dma_wait3A_2688 : memref<1x256xf32, #tpu.memory_space<hbm>> -> memref<256xf32, #tpu.memory_space<hbm>>
      %dma_wait3A_2690 = arith.constant 0 : i32
      %dma_wait3A_2691 = tpu.memref_slice %arg20[%run_scoped3A_2662, %dma_wait3A_2690] : memref<6x256xf32, #tpu.memory_space<vmem>> -> memref<1x256xf32, #tpu.memory_space<vmem>>
      %dma_wait3A_2692 = tpu.memref_squeeze %dma_wait3A_2691 : memref<1x256xf32, #tpu.memory_space<vmem>> -> memref<256xf32, #tpu.memory_space<vmem>>
      tpu.wait_dma2 semaphore(%run_scoped3A_2672 : memref<!tpu.dma_semaphore, #tpu.memory_space<semaphore_mem>>) src(%dma_wait3A_2692 : memref<256xf32, #tpu.memory_space<vmem>>) dst(%dma_wait3A_2689 : memref<256xf32, #tpu.memory_space<hbm>>)
      tpu.yield
    }) : () -> ()
    %run_scoped3A_2664 = arith.constant 2 : i32
    %run_scoped3A_2665 = arith.constant 2 : i32
    "tpu.region"() ({
      %run_scoped3A_2672 = tpu.sem_alloc : memref<!tpu.dma_semaphore, #tpu.memory_space<semaphore_mem>>
      %dma_start3A_2673 = arith.constant 0 : i32
      %dma_start3A_2674 = tpu.memref_slice %arg20[%run_scoped3A_2664, %dma_start3A_2673] : memref<6x256xf32, #tpu.memory_space<vmem>> -> memref<1x256xf32, #tpu.memory_space<vmem>>
      %dma_start3A_2675 = tpu.memref_squeeze %dma_start3A_2674 : memref<1x256xf32, #tpu.memory_space<vmem>> -> memref<256xf32, #tpu.memory_space<vmem>>
      %dma_start3A_2676 = tpu.memref_slice %arg7[%run_scoped3A_2665, %mul3A_22] : memref<6x4096xf32, #tpu.memory_space<hbm>> -> memref<1x256xf32, #tpu.memory_space<hbm>>
      %dma_start3A_2677 = tpu.memref_squeeze %dma_start3A_2676 : memref<1x256xf32, #tpu.memory_space<hbm>> -> memref<256xf32, #tpu.memory_space<hbm>>
      %dma_start3A_2678 = tpu.memref_slice %arg7[%run_scoped3A_2665, %mul3A_22] : memref<6x4096xf32, #tpu.memory_space<hbm>> -> memref<1x256xf32, #tpu.memory_space<hbm>>
      %dma_start3A_2679 = tpu.memref_squeeze %dma_start3A_2678 : memref<1x256xf32, #tpu.memory_space<hbm>> -> memref<256xf32, #tpu.memory_space<hbm>>
      %dma_start3A_2680 = arith.constant 0 : i32
      %dma_start3A_2681 = tpu.memref_slice %arg20[%run_scoped3A_2664, %dma_start3A_2680] : memref<6x256xf32, #tpu.memory_space<vmem>> -> memref<1x256xf32, #tpu.memory_space<vmem>>
      %dma_start3A_2682 = tpu.memref_squeeze %dma_start3A_2681 : memref<1x256xf32, #tpu.memory_space<vmem>> -> memref<256xf32, #tpu.memory_space<vmem>>
      tpu.enqueue_dma source(%dma_start3A_2682 : memref<256xf32, #tpu.memory_space<vmem>>) target(%dma_start3A_2679 : memref<256xf32, #tpu.memory_space<hbm>>) target_semaphore(%run_scoped3A_2672 : memref<!tpu.dma_semaphore, #tpu.memory_space<semaphore_mem>>)
      %dma_wait3A_2683 = arith.constant 0 : i32
      %dma_wait3A_2684 = tpu.memref_slice %arg20[%run_scoped3A_2664, %dma_wait3A_2683] : memref<6x256xf32, #tpu.memory_space<vmem>> -> memref<1x256xf32, #tpu.memory_space<vmem>>
      %dma_wait3A_2685 = tpu.memref_squeeze %dma_wait3A_2684 : memref<1x256xf32, #tpu.memory_space<vmem>> -> memref<256xf32, #tpu.memory_space<vmem>>
      %dma_wait3A_2686 = tpu.memref_slice %arg7[%run_scoped3A_2665, %mul3A_22] : memref<6x4096xf32, #tpu.memory_space<hbm>> -> memref<1x256xf32, #tpu.memory_space<hbm>>
      %dma_wait3A_2687 = tpu.memref_squeeze %dma_wait3A_2686 : memref<1x256xf32, #tpu.memory_space<hbm>> -> memref<256xf32, #tpu.memory_space<hbm>>
      %dma_wait3A_2688 = tpu.memref_slice %arg7[%run_scoped3A_2665, %mul3A_22] : memref<6x4096xf32, #tpu.memory_space<hbm>> -> memref<1x256xf32, #tpu.memory_space<hbm>>
      %dma_wait3A_2689 = tpu.memref_squeeze %dma_wait3A_2688 : memref<1x256xf32, #tpu.memory_space<hbm>> -> memref<256xf32, #tpu.memory_space<hbm>>
      %dma_wait3A_2690 = arith.constant 0 : i32
      %dma_wait3A_2691 = tpu.memref_slice %arg20[%run_scoped3A_2664, %dma_wait3A_2690] : memref<6x256xf32, #tpu.memory_space<vmem>> -> memref<1x256xf32, #tpu.memory_space<vmem>>
      %dma_wait3A_2692 = tpu.memref_squeeze %dma_wait3A_2691 : memref<1x256xf32, #tpu.memory_space<vmem>> -> memref<256xf32, #tpu.memory_space<vmem>>
      tpu.wait_dma2 semaphore(%run_scoped3A_2672 : memref<!tpu.dma_semaphore, #tpu.memory_space<semaphore_mem>>) src(%dma_wait3A_2692 : memref<256xf32, #tpu.memory_space<vmem>>) dst(%dma_wait3A_2689 : memref<256xf32, #tpu.memory_space<hbm>>)
      tpu.yield
    }) : () -> ()
    %run_scoped3A_2666 = arith.constant 3 : i32
    %run_scoped3A_2667 = arith.constant 3 : i32
    "tpu.region"() ({
      %run_scoped3A_2672 = tpu.sem_alloc : memref<!tpu.dma_semaphore, #tpu.memory_space<semaphore_mem>>
      %dma_start3A_2673 = arith.constant 0 : i32
      %dma_start3A_2674 = tpu.memref_slice %arg20[%run_scoped3A_2666, %dma_start3A_2673] : memref<6x256xf32, #tpu.memory_space<vmem>> -> memref<1x256xf32, #tpu.memory_space<vmem>>
      %dma_start3A_2675 = tpu.memref_squeeze %dma_start3A_2674 : memref<1x256xf32, #tpu.memory_space<vmem>> -> memref<256xf32, #tpu.memory_space<vmem>>
      %dma_start3A_2676 = tpu.memref_slice %arg7[%run_scoped3A_2667, %mul3A_22] : memref<6x4096xf32, #tpu.memory_space<hbm>> -> memref<1x256xf32, #tpu.memory_space<hbm>>
      %dma_start3A_2677 = tpu.memref_squeeze %dma_start3A_2676 : memref<1x256xf32, #tpu.memory_space<hbm>> -> memref<256xf32, #tpu.memory_space<hbm>>
      %dma_start3A_2678 = tpu.memref_slice %arg7[%run_scoped3A_2667, %mul3A_22] : memref<6x4096xf32, #tpu.memory_space<hbm>> -> memref<1x256xf32, #tpu.memory_space<hbm>>
      %dma_start3A_2679 = tpu.memref_squeeze %dma_start3A_2678 : memref<1x256xf32, #tpu.memory_space<hbm>> -> memref<256xf32, #tpu.memory_space<hbm>>
      %dma_start3A_2680 = arith.constant 0 : i32
      %dma_start3A_2681 = tpu.memref_slice %arg20[%run_scoped3A_2666, %dma_start3A_2680] : memref<6x256xf32, #tpu.memory_space<vmem>> -> memref<1x256xf32, #tpu.memory_space<vmem>>
      %dma_start3A_2682 = tpu.memref_squeeze %dma_start3A_2681 : memref<1x256xf32, #tpu.memory_space<vmem>> -> memref<256xf32, #tpu.memory_space<vmem>>
      tpu.enqueue_dma source(%dma_start3A_2682 : memref<256xf32, #tpu.memory_space<vmem>>) target(%dma_start3A_2679 : memref<256xf32, #tpu.memory_space<hbm>>) target_semaphore(%run_scoped3A_2672 : memref<!tpu.dma_semaphore, #tpu.memory_space<semaphore_mem>>)
      %dma_wait3A_2683 = arith.constant 0 : i32
      %dma_wait3A_2684 = tpu.memref_slice %arg20[%run_scoped3A_2666, %dma_wait3A_2683] : memref<6x256xf32, #tpu.memory_space<vmem>> -> memref<1x256xf32, #tpu.memory_space<vmem>>
      %dma_wait3A_2685 = tpu.memref_squeeze %dma_wait3A_2684 : memref<1x256xf32, #tpu.memory_space<vmem>> -> memref<256xf32, #tpu.memory_space<vmem>>
      %dma_wait3A_2686 = tpu.memref_slice %arg7[%run_scoped3A_2667, %mul3A_22] : memref<6x4096xf32, #tpu.memory_space<hbm>> -> memref<1x256xf32, #tpu.memory_space<hbm>>
      %dma_wait3A_2687 = tpu.memref_squeeze %dma_wait3A_2686 : memref<1x256xf32, #tpu.memory_space<hbm>> -> memref<256xf32, #tpu.memory_space<hbm>>
      %dma_wait3A_2688 = tpu.memref_slice %arg7[%run_scoped3A_2667, %mul3A_22] : memref<6x4096xf32, #tpu.memory_space<hbm>> -> memref<1x256xf32, #tpu.memory_space<hbm>>
      %dma_wait3A_2689 = tpu.memref_squeeze %dma_wait3A_2688 : memref<1x256xf32, #tpu.memory_space<hbm>> -> memref<256xf32, #tpu.memory_space<hbm>>
      %dma_wait3A_2690 = arith.constant 0 : i32
      %dma_wait3A_2691 = tpu.memref_slice %arg20[%run_scoped3A_2666, %dma_wait3A_2690] : memref<6x256xf32, #tpu.memory_space<vmem>> -> memref<1x256xf32, #tpu.memory_space<vmem>>
      %dma_wait3A_2692 = tpu.memref_squeeze %dma_wait3A_2691 : memref<1x256xf32, #tpu.memory_space<vmem>> -> memref<256xf32, #tpu.memory_space<vmem>>
      tpu.wait_dma2 semaphore(%run_scoped3A_2672 : memref<!tpu.dma_semaphore, #tpu.memory_space<semaphore_mem>>) src(%dma_wait3A_2692 : memref<256xf32, #tpu.memory_space<vmem>>) dst(%dma_wait3A_2689 : memref<256xf32, #tpu.memory_space<hbm>>)
      tpu.yield
    }) : () -> ()
    %run_scoped3A_2668 = arith.constant 4 : i32
    %run_scoped3A_2669 = arith.constant 4 : i32
    "tpu.region"() ({
      %run_scoped3A_2672 = tpu.sem_alloc : memref<!tpu.dma_semaphore, #tpu.memory_space<semaphore_mem>>
      %dma_start3A_2673 = arith.constant 0 : i32
      %dma_start3A_2674 = tpu.memref_slice %arg20[%run_scoped3A_2668, %dma_start3A_2673] : memref<6x256xf32, #tpu.memory_space<vmem>> -> memref<1x256xf32, #tpu.memory_space<vmem>>
      %dma_start3A_2675 = tpu.memref_squeeze %dma_start3A_2674 : memref<1x256xf32, #tpu.memory_space<vmem>> -> memref<256xf32, #tpu.memory_space<vmem>>
      %dma_start3A_2676 = tpu.memref_slice %arg7[%run_scoped3A_2669, %mul3A_22] : memref<6x4096xf32, #tpu.memory_space<hbm>> -> memref<1x256xf32, #tpu.memory_space<hbm>>
      %dma_start3A_2677 = tpu.memref_squeeze %dma_start3A_2676 : memref<1x256xf32, #tpu.memory_space<hbm>> -> memref<256xf32, #tpu.memory_space<hbm>>
      %dma_start3A_2678 = tpu.memref_slice %arg7[%run_scoped3A_2669, %mul3A_22] : memref<6x4096xf32, #tpu.memory_space<hbm>> -> memref<1x256xf32, #tpu.memory_space<hbm>>
      %dma_start3A_2679 = tpu.memref_squeeze %dma_start3A_2678 : memref<1x256xf32, #tpu.memory_space<hbm>> -> memref<256xf32, #tpu.memory_space<hbm>>
      %dma_start3A_2680 = arith.constant 0 : i32
      %dma_start3A_2681 = tpu.memref_slice %arg20[%run_scoped3A_2668, %dma_start3A_2680] : memref<6x256xf32, #tpu.memory_space<vmem>> -> memref<1x256xf32, #tpu.memory_space<vmem>>
      %dma_start3A_2682 = tpu.memref_squeeze %dma_start3A_2681 : memref<1x256xf32, #tpu.memory_space<vmem>> -> memref<256xf32, #tpu.memory_space<vmem>>
      tpu.enqueue_dma source(%dma_start3A_2682 : memref<256xf32, #tpu.memory_space<vmem>>) target(%dma_start3A_2679 : memref<256xf32, #tpu.memory_space<hbm>>) target_semaphore(%run_scoped3A_2672 : memref<!tpu.dma_semaphore, #tpu.memory_space<semaphore_mem>>)
      %dma_wait3A_2683 = arith.constant 0 : i32
      %dma_wait3A_2684 = tpu.memref_slice %arg20[%run_scoped3A_2668, %dma_wait3A_2683] : memref<6x256xf32, #tpu.memory_space<vmem>> -> memref<1x256xf32, #tpu.memory_space<vmem>>
      %dma_wait3A_2685 = tpu.memref_squeeze %dma_wait3A_2684 : memref<1x256xf32, #tpu.memory_space<vmem>> -> memref<256xf32, #tpu.memory_space<vmem>>
      %dma_wait3A_2686 = tpu.memref_slice %arg7[%run_scoped3A_2669, %mul3A_22] : memref<6x4096xf32, #tpu.memory_space<hbm>> -> memref<1x256xf32, #tpu.memory_space<hbm>>
      %dma_wait3A_2687 = tpu.memref_squeeze %dma_wait3A_2686 : memref<1x256xf32, #tpu.memory_space<hbm>> -> memref<256xf32, #tpu.memory_space<hbm>>
      %dma_wait3A_2688 = tpu.memref_slice %arg7[%run_scoped3A_2669, %mul3A_22] : memref<6x4096xf32, #tpu.memory_space<hbm>> -> memref<1x256xf32, #tpu.memory_space<hbm>>
      %dma_wait3A_2689 = tpu.memref_squeeze %dma_wait3A_2688 : memref<1x256xf32, #tpu.memory_space<hbm>> -> memref<256xf32, #tpu.memory_space<hbm>>
      %dma_wait3A_2690 = arith.constant 0 : i32
      %dma_wait3A_2691 = tpu.memref_slice %arg20[%run_scoped3A_2668, %dma_wait3A_2690] : memref<6x256xf32, #tpu.memory_space<vmem>> -> memref<1x256xf32, #tpu.memory_space<vmem>>
      %dma_wait3A_2692 = tpu.memref_squeeze %dma_wait3A_2691 : memref<1x256xf32, #tpu.memory_space<vmem>> -> memref<256xf32, #tpu.memory_space<vmem>>
      tpu.wait_dma2 semaphore(%run_scoped3A_2672 : memref<!tpu.dma_semaphore, #tpu.memory_space<semaphore_mem>>) src(%dma_wait3A_2692 : memref<256xf32, #tpu.memory_space<vmem>>) dst(%dma_wait3A_2689 : memref<256xf32, #tpu.memory_space<hbm>>)
      tpu.yield
    }) : () -> ()
    %run_scoped3A_2670 = arith.constant 5 : i32
    %run_scoped3A_2671 = arith.constant 5 : i32
    "tpu.region"() ({
      %run_scoped3A_2672 = tpu.sem_alloc : memref<!tpu.dma_semaphore, #tpu.memory_space<semaphore_mem>>
      %dma_start3A_2673 = arith.constant 0 : i32
      %dma_start3A_2674 = tpu.memref_slice %arg20[%run_scoped3A_2670, %dma_start3A_2673] : memref<6x256xf32, #tpu.memory_space<vmem>> -> memref<1x256xf32, #tpu.memory_space<vmem>>
      %dma_start3A_2675 = tpu.memref_squeeze %dma_start3A_2674 : memref<1x256xf32, #tpu.memory_space<vmem>> -> memref<256xf32, #tpu.memory_space<vmem>>
      %dma_start3A_2676 = tpu.memref_slice %arg7[%run_scoped3A_2671, %mul3A_22] : memref<6x4096xf32, #tpu.memory_space<hbm>> -> memref<1x256xf32, #tpu.memory_space<hbm>>
      %dma_start3A_2677 = tpu.memref_squeeze %dma_start3A_2676 : memref<1x256xf32, #tpu.memory_space<hbm>> -> memref<256xf32, #tpu.memory_space<hbm>>
      %dma_start3A_2678 = tpu.memref_slice %arg7[%run_scoped3A_2671, %mul3A_22] : memref<6x4096xf32, #tpu.memory_space<hbm>> -> memref<1x256xf32, #tpu.memory_space<hbm>>
      %dma_start3A_2679 = tpu.memref_squeeze %dma_start3A_2678 : memref<1x256xf32, #tpu.memory_space<hbm>> -> memref<256xf32, #tpu.memory_space<hbm>>
      %dma_start3A_2680 = arith.constant 0 : i32
      %dma_start3A_2681 = tpu.memref_slice %arg20[%run_scoped3A_2670, %dma_start3A_2680] : memref<6x256xf32, #tpu.memory_space<vmem>> -> memref<1x256xf32, #tpu.memory_space<vmem>>
      %dma_start3A_2682 = tpu.memref_squeeze %dma_start3A_2681 : memref<1x256xf32, #tpu.memory_space<vmem>> -> memref<256xf32, #tpu.memory_space<vmem>>
      tpu.enqueue_dma source(%dma_start3A_2682 : memref<256xf32, #tpu.memory_space<vmem>>) target(%dma_start3A_2679 : memref<256xf32, #tpu.memory_space<hbm>>) target_semaphore(%run_scoped3A_2672 : memref<!tpu.dma_semaphore, #tpu.memory_space<semaphore_mem>>)
      %dma_wait3A_2683 = arith.constant 0 : i32
      %dma_wait3A_2684 = tpu.memref_slice %arg20[%run_scoped3A_2670, %dma_wait3A_2683] : memref<6x256xf32, #tpu.memory_space<vmem>> -> memref<1x256xf32, #tpu.memory_space<vmem>>
      %dma_wait3A_2685 = tpu.memref_squeeze %dma_wait3A_2684 : memref<1x256xf32, #tpu.memory_space<vmem>> -> memref<256xf32, #tpu.memory_space<vmem>>
      %dma_wait3A_2686 = tpu.memref_slice %arg7[%run_scoped3A_2671, %mul3A_22] : memref<6x4096xf32, #tpu.memory_space<hbm>> -> memref<1x256xf32, #tpu.memory_space<hbm>>
      %dma_wait3A_2687 = tpu.memref_squeeze %dma_wait3A_2686 : memref<1x256xf32, #tpu.memory_space<hbm>> -> memref<256xf32, #tpu.memory_space<hbm>>
      %dma_wait3A_2688 = tpu.memref_slice %arg7[%run_scoped3A_2671, %mul3A_22] : memref<6x4096xf32, #tpu.memory_space<hbm>> -> memref<1x256xf32, #tpu.memory_space<hbm>>
      %dma_wait3A_2689 = tpu.memref_squeeze %dma_wait3A_2688 : memref<1x256xf32, #tpu.memory_space<hbm>> -> memref<256xf32, #tpu.memory_space<hbm>>
      %dma_wait3A_2690 = arith.constant 0 : i32
      %dma_wait3A_2691 = tpu.memref_slice %arg20[%run_scoped3A_2670, %dma_wait3A_2690] : memref<6x256xf32, #tpu.memory_space<vmem>> -> memref<1x256xf32, #tpu.memory_space<vmem>>
      %dma_wait3A_2692 = tpu.memref_squeeze %dma_wait3A_2691 : memref<1x256xf32, #tpu.memory_space<vmem>> -> memref<256xf32, #tpu.memory_space<vmem>>
      tpu.wait_dma2 semaphore(%run_scoped3A_2672 : memref<!tpu.dma_semaphore, #tpu.memory_space<semaphore_mem>>) src(%dma_wait3A_2692 : memref<256xf32, #tpu.memory_space<vmem>>) dst(%dma_wait3A_2689 : memref<256xf32, #tpu.memory_space<hbm>>)
      tpu.yield
    }) : () -> ()
    return
  }
}

</mosaic_0001>

<sc_bundles>
// kernel: kernel.3.cloned.1.call-start
scs
__scs_entry_jumppad:
0x0: {  	(pc) =	sbr.rel $0x88, $3  }
0x1: {  	(tag) =	ssettag $0x0;
	lr =	simm.s32 $0x1  }
0x2: {  	[smem:$0x3F9F] =	sst lr;
	_ =	strace $0xD0000000  }
0x3: {  	_ = 	snop  }
0x4: {  	_ = 	snop  }
0x5: {  	_ = 	snop  }
0x6: {  	_ = 	snop  }
0x7: {  	_ = 	snop  }
__scs_overlays_trampoline_lowered:
0x8: {  	[smem:$0x3FAE] =	sst s0  }
0x9: {  	[smem:$0x3FAF] =	sst s1  }
0xa: {  	[smem:$0x3FB0] =	sst s2  }
0xb: {  	[smem:$0x3FB1] =	sst s3  }
0xc: {  	[smem:$0x3FB2] =	sst s4  }
0xd: {  	[smem:$0x3FB3] =	sst s5  }
0xe: {  	[smem:$0x3FB4] =	sst s6  }
0xf: {  	[smem:$0x3FB5] =	sst s7  }
0x10: {  	[smem:$0x3FB6] =	sst s8  }
0x11: {  	[smem:$0x3FB7] =	sst s9;
	s0 =	simm.s32 @!p0 $0x0  }
0x12: {  	s1 =	sld [smem:$0x3F9D];
	s0 =	simm.s32 @p0 $0x1  }
0x13: {  	[smem:$0x3FB8] =	sst s0;
	s0 =	simm.s32 @!p1 $0x0  }
0x14: {  	s2 =	sld [smem:$0x3F9C];
	s0 =	simm.s32 @p1 $0x1  }
0x15: {  	[smem:$0x3FB9] =	sst s0;
	s0 =	simm.s32 @!p2 $0x0  }
0x16: {  	s3 =	sld [smem:$0x3FDB];
	s0 =	simm.s32 @p2 $0x1  }
0x17: {  	s4 =	simm.s32 $0x1BF5;
	[smem:$0x3FBB] =	sst s0  }
0x18: {  	s0 =	sld [smem:$0x3F9E];
	_ =	swait.ge [sflag:s4], $0x0  }
0x19: {  	s7 =	sld [smem:$0x3F9F]  }
0x1a: {  	s8 =	sadd.s32 $0xFFFFE003, lr  }
0x1b: {  	s9 =	sadd.s32 $0xFFFFFEF7, lr;
	s5 =	simm.s32 $0xFFFFFFFF;
	p2 =	slt.u32 s8, $0xFFFFF086  }
0x1c: {  	p1 =	slt.u32 s9, $0xF7A;
	s5 =	simm.s32 @!p2 $0x0  }
0x1d: {  	s5 =	simm.s32 @p1 $0x1;
	p0 =	seq.s32 s7, s2  }
0x1e: {  	s7 =	smul.u32 @!p0 $0xF7A, s2;
	p2 =	seq.s32 @!p0 s5, $0x0  }
0x1f: {  	s9 =	smul.u32 $0xF7A, s1;
	s8 =	simm.s32 @!p0 $0x1BF5;
	p2 =	por !p2, p0  }
0x20: {  	[sflag:s8] =	ssyncset.s32 @!p0 $0xFFFFF086;
	s6 =	sadd.s32 @!p0 s3, s7;
	s7 =	simm.s32 @!p0 $0x108  }
0x21: {  	s3 =	sadd.s32 s3, s9;
	s6 =	sadd.s32 @!p0 $0x88, s6;
	s7 =	simm.s32 @p2 $0x1082  }
0x22: {  	[simem:s7], [sflag:s8] =	dma.local @!p0 [hbm:s6], $0xF7A  }
0x23: {  	s9 =	sor.u32 $0xD0000000, s2;
	s6 =	simm.s32 $0x108;
	_ =	swait.ge @!p0 [sflag:s8], $0x0  }
0x24: {  	s3 =	sadd.s32 $0x88, s3;
	s6 =	simm.s32 @!p1 $0x1082;
	[sflag:s4] =	ssyncset.s32 $0xFFFFF086  }
0x25: {  	[simem:s6], [sflag:s4] =	dma.local [hbm:s3], $0xF7A  }
0x26: {  	[smem:$0x3F9F] =	sst s1;
	(tag) =	ssettag s2;
	_ =	strace s9  }
0x27: {  	s1 =	sld [smem:$0x3FAF]  }
0x28: {  	s2 =	sld [smem:$0x3FB0]  }
0x29: {  	s4 =	sld [smem:$0x3FB2]  }
0x2a: {  	p0 =	seq.s32 s5, $0x0;
	s5 =	sld [smem:$0x3FB3]  }
0x2b: {  	s6 =	sld [smem:$0x3FB4]  }
0x2c: {  	s7 =	sld [smem:$0x3FB5]  }
0x2d: {  	s3 =	simm.s32 $0x108;
	s8 =	sld [smem:$0x3FB6]  }
0x2e: {  	s3 =	simm.s32 @!p0 $0x1082;
	s9 =	sld [smem:$0x3FB7]  }
0x2f: {  	lr =	sadd.s32 s0, s3;
	s0 =	sld [smem:$0x3FAE]  }
0x30: {  	s3 =	sld [smem:$0x3FB1]  }
0x31: {  	[smem:$0x3FBA] =	sst s10  }
0x32: {  	s10 =	sld [smem:$0x3FB8];
	_ =	sdelay $0x3  }
0x33: {  	p0 =	seq.s32 s10, $0x1;
	s10 =	sld [smem:$0x3FBA];
	_ =	sdelay $0x3  }
0x34: {  	[smem:$0x3FBA] =	sst s10  }
0x35: {  	s10 =	sld [smem:$0x3FB9];
	_ =	sdelay $0x3  }
0x36: {  	p1 =	seq.s32 s10, $0x1;
	s10 =	sld [smem:$0x3FBA];
	_ =	sdelay $0x3  }
0x37: {  	[smem:$0x3FBA] =	sst s10  }
0x38: {  	s10 =	sld [smem:$0x3FBB]  }
0x39: {  	_ = 	snop;
	(pc) =	sbr.ind lr, $3  }
0x3a: {  	_ = 	snop  }
0x3b: {  	_ = 	snop  }
0x3c: {  	p2 =	seq.s32 s10, $0x1;
	s10 =	sld [smem:$0x3FBA]  }
0x3d: {  	_ =	shalt  }
0x3e: {  	_ =	shalt  }
0x3f: {  	_ =	shalt  }
0x40: {  	_ =	shalt  }
0x41: {  	_ =	shalt  }
0x42: {  	_ =	shalt  }
0x43: {  	_ =	shalt  }
0x44: {  	_ =	shalt  }
0x45: {  	_ =	shalt  }
0x46: {  	_ =	shalt  }
0x47: {  	_ =	shalt  }
0x48: {  	_ =	shalt  }
0x49: {  	_ =	shalt  }
0x4a: {  	_ =	shalt  }
0x4b: {  	_ =	shalt  }
0x4c: {  	_ =	shalt  }
0x4d: {  	_ =	shalt  }
0x4e: {  	_ =	shalt  }
0x4f: {  	_ =	shalt  }
0x50: {  	_ =	shalt  }
0x51: {  	_ =	shalt  }
0x52: {  	_ =	shalt  }
0x53: {  	_ =	shalt  }
0x54: {  	_ =	shalt  }
0x55: {  	_ =	shalt  }
0x56: {  	_ =	shalt  }
0x57: {  	_ =	shalt  }
0x58: {  	_ =	shalt  }
0x59: {  	_ =	shalt  }
0x5a: {  	_ =	shalt  }
0x5b: {  	_ =	shalt  }
0x5c: {  	_ =	shalt  }
0x5d: {  	_ =	shalt  }
0x5e: {  	_ =	shalt  }
0x5f: {  	_ =	shalt  }
0x60: {  	_ =	shalt  }
0x61: {  	_ =	shalt  }
0x62: {  	_ =	shalt  }
0x63: {  	_ =	shalt  }
0x64: {  	_ =	shalt  }
0x65: {  	_ =	shalt  }
0x66: {  	_ =	shalt  }
0x67: {  	_ =	shalt  }
0x68: {  	_ =	shalt  }
0x69: {  	_ =	shalt  }
0x6a: {  	_ =	shalt  }
0x6b: {  	_ =	shalt  }
0x6c: {  	_ =	shalt  }
0x6d: {  	_ =	shalt  }
0x6e: {  	_ =	shalt  }
0x6f: {  	_ =	shalt  }
0x70: {  	_ =	shalt  }
0x71: {  	_ =	shalt  }
0x72: {  	_ =	shalt  }
0x73: {  	_ =	shalt  }
0x74: {  	_ =	shalt  }
0x75: {  	_ =	shalt  }
0x76: {  	_ =	shalt  }
0x77: {  	_ =	shalt  }
0x78: {  	_ =	shalt  }
0x79: {  	_ =	shalt  }
0x7a: {  	_ =	shalt  }
0x7b: {  	_ =	shalt  }
0x7c: {  	_ =	shalt  }
0x7d: {  	_ =	shalt  }
0x7e: {  	_ =	shalt  }
0x7f: {  	_ =	shalt  }
0x80: {  	_ =	shalt  }
0x81: {  	_ =	shalt  }
0x82: {  	_ =	shalt  }
0x83: {  	_ =	shalt  }
0x84: {  	_ =	shalt  }
0x85: {  	_ =	shalt  }
0x86: {  	_ =	shalt  }
0x87: {  	_ =	shalt  }
.Lfunc_end0:
.L_simem_size_0:
called_computation_lowered:
.L_overlay_start_0:
0x88: {  	s0 =	sld [smem:$0x3FD9]  }
0x89: {  	s1 =	sld [smem:$0x3FFE];
	_ =	sdelay $0x3  }
0x8a: {  	s0 =	sadd.s32 s1, s0  }
0x8b: {  	[smem:$0x3FC6] =	sst s0  }
0x8c: {  	_ = 	snop  }
0x8d: {  	s0 =	sld [smem:$0x3FD0];
	_ =	sdelay $0x2  }
0x8e: {  	s13 =	simm.s32 $0xA;
	s2 =	simm.s32 $0x10  }
0x8f: {  	[smem:s2], [sflag:s13] =	dma.local [hbm:s0], $0x1  }
0x90: {  	_ =	swait.eq [sflag:s13], $0x1  }
0x91: {  	[sflag:s13] =	ssyncset.done $0x0  }
0x92: {  	s14 =	sld [smem:$0x10];
	[sflag:s13] =	ssyncadd.s32 $0xFFFFFFFF  }
0x93: {  	s15 =	sld [smem:$0x11];
	(tm) =	ssettm $0x1  }
0x94: {  	s16 =	sld [smem:$0x3FFB];
	_ =	sdelay $0x3  }
0x95: {  	_ =	strace s16  }
0x96: {  	s2 =	sld [smem:$0x3FFC];
	_ =	sdelay $0x3  }
0x97: {  	_ =	strace s2  }
0x98: {  	s2 =	sld [smem:$0x3FFD];
	_ =	sdelay $0x3  }
0x99: {  	_ =	strace s2  }
0x9a: {  	_ =	strace $0x8FFFFFFF  }
0x9b: {  	s17 =	sld [smem:$0x3FDB];
	_ =	sdelay $0x1  }
0x9c: {  	s3 =	simm.s32 $_scs_section_size  }
0x9d: {  	s4 =	simm.s32 $_size__tile_overlayer_lowered;
	s5 =	simm.s32 $_tile_overlayer_lowered  }
0x9e: {  	s20 =	simm.s32 $0x1BFF;
	s19 =	sshll.u32 s5, $0x1;
	s2 =	sadd.s32 s3, s17  }
0x9f: {  	s6 =	simm.s32 $0x0;
	s18 =	sshll.u32 s4, $0x1;
	s4 =	sadd.s32 s19, s2  }
0xa0: {  	[timem:s6], [sflag:s20] =	dma.local [hbm:s4], s18  }
0xa1: {  	_ =	swait.ge [sflag:s20], s18  }
0xa2: {  	s3 =	ssub.s32 $0x0, s18;
	[sflag:s20] =	ssyncset.done $0x0  }
0xa3: {  	[sflag:s20] =	ssyncadd.s32 s3;
	_ =	sdelay $0x1  }
0xa4: {  	s21 =	simm.s32 $0x1B8B  }
0xa5: {  	_ =	swait.ge [sflag:s21], $0x1  }
0xa6: {  	[sflag:s21] =	ssyncset.done $0x0  }
0xa7: {  	s23 =	simm.s32 $0x1B8E;
	s22 =	sld [smem:$0x3FFE];
	[sflag:s21] =	ssyncadd.s32 $0xFFFFFFFF  }
0xa8: {  	s24 =	simm.s32 $execute0_lowered;
	[smem:$0x3FD2] =	sst s23  }
0xa9: {  	s4 =	sshll.u32 s24, $0x1;
	_ =	strace $0x80000046;
	[dreg:$0x1] =	wrdreg $0xFFFFFFFF  }
0xaa: {  	s25 =	simm.s32 $_size_execute0_lowered;
	s2 =	sadd.s32 s2, s4;
	[dreg:$0x0] =	wrdreg $0x0  }
0xab: {  	s4 =	sshll.u32 s25, $0x1;
	[dreg:$0x2] =	wrdreg s2  }
0xac: {  	[dreg:$0x3] =	wrdreg s4  }
0xad: {  	[dreg:$0x4] =	wrdreg $0xC0  }
0xae: {  	_ =	task [dreg:s6], $0x5FFFF  }
0xaf: {  	[dreg:$0x1] =	wrdreg $0xFFFFFFFF  }
0xb0: {  	[dreg:$0x0] =	wrdreg $0x60  }
0xb1: {  	[dreg:$0x2] =	wrdreg s22  }
0xb2: {  	[dreg:$0x3] =	wrdreg s15  }
0xb3: {  	[dreg:$0x4] =	wrdreg s14  }
0xb4: {  	[dreg:$0x5] =	wrdreg $0x1A000  }
0xb5: {  	[dreg:$0x6] =	wrdreg $0x9  }
0xb6: {  	_ =	task.clear_ibuf [dreg:s6], $0x7FFFF;
	_ =	strace $0x90000046  }
0xb7: {  	s26 =	simm.s32 $0x9;
	_ =	strace $0x80000048  }
0xb8: {  	_ =	swait.ge [sflag:s26], $0x1  }
0xb9: {  	[sflag:s26] =	ssyncadd.s32 $0xFFFFFFFF  }
0xba: {  	_ =	strace $0x90000048  }
0xbb: {  	_ =	sfence  }
0xbc: {  	s28 =	sld [smem:$0x0];
	_ =	sdelay $0x1  }
0xbd: {  	s29 =	srdreg.scid  }
0xbe: {  	s30 =	sshll.u32 s29, $0xD;
	s31 =	sshrl.u32 s29, $0x2  }
0xbf: {  	s1 =	sand.u32 $0x1, s29;
	s2 =	sand.u32 $0x4000, s30;
	s0 =	sadd.s32 s31, s28  }
0xc0: {  	s1 =	sor.u32 s2, s1;
	s0 =	sshll.u32 s0, $0x11  }
0xc1: {  	s0 =	sor.u32 s0, s1  }
0xc2: {  	s0 =	sadd.s32 $0x8F2B, s0  }
0xc3: {  	[sflag:s0] =	ssyncadd.remote.s32 $0x1  }
0xc4: {  	_ =	sfence.sel $0xFFFF  }
0xc5: {  	[dreg:$0x0] =	wrdreg $0xFFFFFFFF;
	(pc) =	sbr.abs _section_cstart, $3  }
0xc6: {  	[dreg:$0x1] =	wrdreg $0xFFFFFFFF  }
0xc7: {  	_ =	task.clear_ibuf [dreg:s6], $0x2FFFF;
	_ =	strace $0x9FFFFFFF  }
0xc8: {  	(tm) =	ssettm $0x7FFFFFFF  }
0xc9: {  	_ =	shalt  }
tec
execute0_lowered:
.L_overlay_start_1:
0x0: {  	(tag) =	ssettag $0x1  }
0x1: {  	s10 =	rddreg [dreg:$0x0]  }
0x2: {  	s9 =	rddreg [dreg:$0x1];
	s0 =	stileid.u32  }
0x3: {  	s2 =	rddreg [dreg:$0x2];
	s3 =	smul.u32 $0x4E8, s0  }
0x4: {  	s15 =	rddreg [dreg:$0x3];
	s4 =	simm.s32 $0x0  }
0x5: {  	[smem:$0x7FF] =	sst s4;
	s13 =	sadd.s32 $0x1E00, s10;
	s5 =	sshrl.u32 s3, $0x3  }
0x6: {  	s1 =	rddreg [dreg:$0x4];
	_ =	strace $0x80000047;
	s6 =	sadd.s32 s13, s5  }
0x7: {  	[tilespmem:s4], [sflag:$0x1] =	stream.linear.gather [hbm4b:s6+s4], $0x4F0, $0x38;
	[tilespmem:$0x4900] =	vst v63  }
0x8: {  	s31 =	simm.s32 $0x500;
	s12 =	sadd.s32 $0xA00, s10;
	s5 =	sadd.s32 s10, s5  }
0x9: {  	[tilespmem:s31], [sflag:$0x1] =	stream.linear.gather [hbm4b:s5+s4], $0x4F0, $0x38;
	[tilespmem:$0x4900] =	vst v63  }
0xa: {  	v0 =	vimm.s32 $0xFFFFFFFF;
	s11 =	sadd.s32 $0x1400, s10;
	s4 =	simm.s32 $0x40;
	s5 =	simm.s32 $0x0  }
.LBB2_1:
0xb: {  	p0 =	sne.s32 s4, $0x3FC0;
	[tilespmem:s5+$0xA00] =	vst v0;
	s5 =	smov.u32 s4;
	s4 =	sadd.s32 $0x40, s4  }
.Ltmp0:
0xc: {  	(pc) =	sbr.rel @p0 .LBB2_1-.Ltmp0, $2  }
0xd: {  	_ =	sdelay $0x2  }
0xe: {  	s5 =	sshra.s32 s5, $0x2  }
0xf: {  	[tilespmem:s5+$0xA00] =	vst v0;
	s4 =	simm.s32 $0x1  }
0x10: {  	_ =	swait.ge [sflag:s4], $0x4F0  }
0x11: {  	[sflag:s4] =	ssyncset.done $0x0  }
0x12: {  	v0 =	vimm.s32 $0xFFEDCBA9;
	v1 =	vimm.s32 $0x87654321;
	[sflag:s4] =	ssyncadd.s32 $0xFFFFFB10  }
0x13: {  	v0 =	vunpack.c.l.s4.s8 v0;
	v1 =	vunpack.c.l.s4.s8 v1;
	_ =	swait.ge [sflag:s4], $0x4F0  }
0x14: {  	s31 =	ssub.s32 $0x4E20, s3;
	v2 =	vlaneseq.u32;
	[sflag:s4] =	ssyncset.done $0x0  }
0x15: {  	s5 =	smin.u32 s31, $0x4E8;
	v3 =	vmul.u32 $0x11, v2;
	v7 =	vunpack.c.0.s8.s32 v0;
	v8 =	vunpack.c.0.s8.s32 v1;
	[sflag:s4] =	ssyncadd.s32 $0xFFFFFB10;
	s4 =	simm.s32 $0x0  }
0x16: {  	vm0 =	vcmask $0x3F3C;
	v4 =	vor.u32 $0x80000000, v2;
	v1 =	vmov s5;
	s5 =	simm.s32 $0x500;
	v6 =	vld [tilespmem:s4+$0x0]  }
0x17: {  	s6 =	simm.s32 $0x10;
	s7 =	simm.s32 $0x0;
	v0 =	vmov s3;
	v5 =	vor.u32 $0x80010000, v3;
	s3 =	simm.s32 $0xA00;
	v3 =	vcombine.low v8, v7;
	v7 =	vld [tilespmem:s5+$0x0]  }
.LBB2_3:
0x18: {  	p0 =	sne.s32 s6, $0x4E0;
	_ =	sdelay $0x3  }
0x19: {  	v6 =	vmul.f32 $6.400000000e+01, v6;
	v7 =	vmul.f32 $6.400000000e+01, v7;
	_ =	sdelay $0x1  }
0x1a: {  	v6 =	vtrunc.f32 v6;
	v7 =	vtrunc.f32 v7  }
0x1b: {  	v6 =	vcvt.f32.s32 v6;
	v7 =	vcvt.f32.s32 v7;
	_ =	sdelay $0x1  }
0x1c: {  	v6 =	vshll.u32 v6, $0x4;
	v7 =	vshll.u32 v7, $0xA  }
0x1d: {  	v8 =	vor.u32 s4, v2;
	s4 =	smov.u32 s6;
	v6 =	vadd.s32 v6, v7  }
0x1e: {  	vm1 =	vlt.u32 v8, v1;
	v6 =	vxor.u32 v4, v6  }
0x1f: {  	v6 =	vsel vm1, v6, v5  }
0x20: {  	(xrf1) =	vsort.ascd.msk.u32 $0xffff, v6, v8;
	_ =	sdelay $0xd  }
0x21: {  	v6, v7, _ =	vpop (xrf1)  }
0x22: {  	v6 =	vshra.s32 v6, $0x4  }
0x23: {  	v6 =	vxor.u32 $0xF8000000, v6  }
0x24: {  	v8 =	vperm.xlane v6, v3;
	_ =	sdelay $0x1  }
0x25: {  	vm1 =	vne.s32 v6, v8  }
0x26: {  	vm2 =	vlt.s32 v7, v1;
	vm1 =	vmor vm1, vm0  }
0x27: {  	vm1 =	vmand vm2, vm1;
	vm2 =	vlt.s32 v6, $0xFFF  }
0x28: {  	v6 =	vnsel vm2, $0xFFF, v6;
	_ =	sdelay $0x2  }
.Ltmp1:
0x29: {  	(pc) =	sbr.rel @p0 .LBB2_3-.Ltmp1, $4  }
0x2a: {  	v7 =	vadd.s32 v0, v7  }
0x2b: {  	s7 =	sadd.s32 $0x10, s7;
	[tilespmem:v6+s3+$0x0] =	vst.idx.msk vm1, v7  }
0x2c: {  	s5 =	sadd.s32 $0x10, s5;
	v6 =	vld [tilespmem:s7+$0x0]  }
0x2d: {  	s6 =	sadd.s32 $0x10, s6;
	v7 =	vld [tilespmem:s5+$0x0]  }
0x2e: {  	_ =	sdelay $0x3  }
0x2f: {  	v6 =	vmul.f32 $6.400000000e+01, v6;
	v7 =	vmul.f32 $6.400000000e+01, v7;
	_ =	sdelay $0x1  }
0x30: {  	v6 =	vtrunc.f32 v6;
	v7 =	vtrunc.f32 v7  }
0x31: {  	v6 =	vcvt.f32.s32 v6;
	v7 =	vcvt.f32.s32 v7;
	_ =	sdelay $0x1  }
0x32: {  	v6 =	vshll.u32 v6, $0x4;
	v7 =	vshll.u32 v7, $0xA  }
0x33: {  	v2 =	vor.u32 s4, v2;
	v6 =	vadd.s32 v6, v7  }
0x34: {  	vm1 =	vlt.u32 v2, v1;
	v4 =	vxor.u32 v4, v6  }
0x35: {  	v4 =	vsel vm1, v4, v5  }
0x36: {  	(xrf1) =	vsort.ascd.msk.u32 $0xffff, v4, v2;
	_ =	sdelay $0xd  }
0x37: {  	v2, v4, _ =	vpop (xrf1)  }
0x38: {  	v2 =	vshra.s32 v2, $0x4  }
0x39: {  	v2 =	vxor.u32 $0xF8000000, v2  }
0x3a: {  	v3 =	vperm.xlane v2, v3;
	_ =	sdelay $0x1  }
0x3b: {  	vm15 =	vne.s32 v2, v3  }
0x3c: {  	vm4 =	vlt.s32 v4, v1;
	vm0 =	vmor vm15, vm0  }
0x3d: {  	vm5 =	vlt.s32 v2, $0xFFF;
	vm0 =	vmand vm4, vm0  }
0x3e: {  	v48 =	vnsel vm5, $0xFFF, v2;
	_ =	sdelay $0x1  }
0x3f: {  	s17 =	sshll.u32 s0, $0xC  }
0x40: {  	s5 =	sshll.u32 s0, $0x7;
	s14 =	simm.s32 $0x80;
	s4 =	sand.u32 $0x8000, s17  }
0x41: {  	s18 =	simm.s32 $0x400;
	s5 =	sand.u32 $0x380, s5;
	s4 =	sadd.s32 s4, s15;
	v0 =	vadd.s32 v0, v4  }
0x42: {  	s19 =	simm.s32 $0xA00;
	s4 =	sadd.s32 s5, s4;
	[tilespmem:v48+s3+$0x0] =	vst.idx.msk vm0, v0;
	s3 =	simm.s32 $0x2  }
0x43: {  	[spmem:s4] =	stream.strided.scatter [tilespmem:s19], [sflag:$0x2], $0x1000, s18, s14, $0x38;
	[tilespmem:$0x4900] =	vst v63  }
0x44: {  	_ =	swait.ge [sflag:s3], $0x1000  }
0x45: {  	[sflag:s3] =	ssyncset.done $0x0  }
0x46: {  	s8 =	sshll.u32 s0, $0xB;
	[sflag:s3] =	ssyncadd.s32 $0xFFFFF000  }
0x47: {  	s20 =	simm.s32 $0x2A00;
	s16 =	sadd.s32 s8, s15;
	[bflag:$0x0] =	sbarrier.arrive $0xFFFF  }
0x48: {  	[tilespmem:s20], [sflag:$0x2] =	stream.linear.gather [spmem:s16], $0x80, $0x38;
	[tilespmem:$0x4900] =	vst v63  }
0x49: {  	s22 =	simm.s32 $0x2E00;
	s21 =	sadd.s32 $0x400, s16  }
0x4a: {  	[tilespmem:s22], [sflag:$0x2] =	stream.linear.gather [spmem:s21], $0x80, $0x38;
	[tilespmem:$0x4900] =	vst v63  }
0x4b: {  	_ =	swait.ge [sflag:s3], $0x100  }
0x4c: {  	s4 =	sor.u32 $0x80, s8;
	[sflag:s3] =	ssyncset.done $0x0  }
0x4d: {  	s6 =	simm.s32 $0x2A80;
	s23 =	sadd.s32 s4, s15;
	[sflag:s3] =	ssyncadd.s32 $0xFFFFFF00  }
0x4e: {  	[tilespmem:s6], [sflag:$0x2] =	stream.linear.gather [spmem:s23], $0x80, $0x38;
	[tilespmem:$0x4900] =	vst v63  }
0x4f: {  	s24 =	simm.s32 $0x2E80;
	s5 =	sadd.s32 $0x400, s23  }
0x50: {  	[tilespmem:s24], [sflag:$0x2] =	stream.linear.gather [spmem:s5], $0x80, $0x38;
	[tilespmem:$0x4900] =	vst v63  }
0x51: {  	_ =	swait.ge [sflag:s3], $0x100  }
0x52: {  	s5 =	sor.u32 $0x100, s8;
	[sflag:s3] =	ssyncset.done $0x0  }
0x53: {  	s7 =	simm.s32 $0x2B00;
	s25 =	sadd.s32 s5, s15;
	[sflag:s3] =	ssyncadd.s32 $0xFFFFFF00  }
0x54: {  	[tilespmem:s7], [sflag:$0x2] =	stream.linear.gather [spmem:s25], $0x80, $0x38;
	[tilespmem:$0x4900] =	vst v63  }
0x55: {  	s26 =	simm.s32 $0x2F00;
	s6 =	sadd.s32 $0x400, s25  }
0x56: {  	[tilespmem:s26], [sflag:$0x2] =	stream.linear.gather [spmem:s6], $0x80, $0x38;
	[tilespmem:$0x4900] =	vst v63  }
0x57: {  	_ =	swait.ge [sflag:s3], $0x100  }
0x58: {  	s6 =	sor.u32 $0x180, s8;
	[sflag:s3] =	ssyncset.done $0x0  }
0x59: {  	s17 =	simm.s32 $0x2B80;
	s28 =	sadd.s32 s6, s15;
	[sflag:s3] =	ssyncadd.s32 $0xFFFFFF00  }
0x5a: {  	[tilespmem:s17], [sflag:$0x2] =	stream.linear.gather [spmem:s28], $0x80, $0x38;
	[tilespmem:$0x4900] =	vst v63  }
0x5b: {  	s29 =	simm.s32 $0x2F80;
	s7 =	sadd.s32 $0x400, s28  }
0x5c: {  	[tilespmem:s29], [sflag:$0x2] =	stream.linear.gather [spmem:s7], $0x80, $0x38;
	[tilespmem:$0x4900] =	vst v63  }
0x5d: {  	_ =	swait.ge [sflag:s3], $0x100  }
0x5e: {  	s7 =	sor.u32 $0x200, s8;
	[sflag:s3] =	ssyncset.done $0x0  }
0x5f: {  	s18 =	simm.s32 $0x2C00;
	s30 =	sadd.s32 s7, s15;
	[sflag:s3] =	ssyncadd.s32 $0xFFFFFF00  }
0x60: {  	[tilespmem:s18], [sflag:$0x2] =	stream.linear.gather [spmem:s30], $0x80, $0x38;
	[tilespmem:$0x4900] =	vst v63  }
0x61: {  	s31 =	simm.s32 $0x3000;
	s17 =	sadd.s32 $0x400, s30  }
0x62: {  	[tilespmem:s31], [sflag:$0x2] =	stream.linear.gather [spmem:s17], $0x80, $0x38;
	[tilespmem:$0x4900] =	vst v63  }
0x63: {  	_ =	swait.ge [sflag:s3], $0x100  }
0x64: {  	s8 =	sor.u32 $0x280, s8;
	[sflag:s3] =	ssyncset.done $0x0  }
0x65: {  	s19 =	simm.s32 $0x2C80;
	s18 =	sadd.s32 s8, s15;
	[sflag:s3] =	ssyncadd.s32 $0xFFFFFF00  }
0x66: {  	[tilespmem:s19], [sflag:$0x2] =	stream.linear.gather [spmem:s18], $0x80, $0x38;
	[tilespmem:$0x4900] =	vst v63  }
0x67: {  	s20 =	simm.s32 $0x3080;
	s15 =	sadd.s32 $0x400, s18  }
0x68: {  	[tilespmem:s20], [sflag:$0x2] =	stream.linear.gather [spmem:s15], $0x80, $0x38;
	[tilespmem:$0x4900] =	vst v63  }
0x69: {  	_ =	swait.ge [sflag:s3], $0x100  }
0x6a: {  	[sflag:s3] =	ssyncset.done $0x0  }
0x6b: {  	s21 =	sadd.s32 $0x300, s16;
	s22 =	simm.s32 $0x2D00;
	[sflag:s3] =	ssyncadd.s32 $0xFFFFFF00  }
0x6c: {  	[tilespmem:s22], [sflag:$0x2] =	stream.linear.gather [spmem:s21], $0x80, $0x38;
	[tilespmem:$0x4900] =	vst v63  }
0x6d: {  	s23 =	sadd.s32 $0x700, s16;
	s24 =	simm.s32 $0x3100  }
0x6e: {  	[tilespmem:s24], [sflag:$0x2] =	stream.linear.gather [spmem:s23], $0x80, $0x38;
	[tilespmem:$0x4900] =	vst v63  }
0x6f: {  	_ =	swait.ge [sflag:s3], $0x100  }
0x70: {  	[sflag:s3] =	ssyncset.done $0x0  }
0x71: {  	s25 =	sadd.s32 $0x380, s16;
	s26 =	simm.s32 $0x2D80;
	[sflag:s3] =	ssyncadd.s32 $0xFFFFFF00  }
0x72: {  	[tilespmem:s26], [sflag:$0x2] =	stream.linear.gather [spmem:s25], $0x80, $0x38;
	[tilespmem:$0x4900] =	vst v63  }
0x73: {  	s28 =	sadd.s32 $0x780, s16;
	s29 =	simm.s32 $0x3180  }
0x74: {  	[tilespmem:s29], [sflag:$0x2] =	stream.linear.gather [spmem:s28], $0x80, $0x38;
	[tilespmem:$0x4900] =	vst v63  }
0x75: {  	_ =	swait.ge [sflag:s3], $0x100  }
0x76: {  	[sflag:s3] =	ssyncset.done $0x0  }
0x77: {  	s30 =	sadd.s32 $0x8000, s16;
	s31 =	simm.s32 $0x3200;
	[sflag:s3] =	ssyncadd.s32 $0xFFFFFF00  }
0x78: {  	[tilespmem:s31], [sflag:$0x2] =	stream.linear.gather [spmem:s30], $0x80, $0x38;
	[tilespmem:$0x4900] =	vst v63  }
0x79: {  	s17 =	sadd.s32 $0x8400, s16;
	s18 =	simm.s32 $0x3600  }
0x7a: {  	[tilespmem:s18], [sflag:$0x2] =	stream.linear.gather [spmem:s17], $0x80, $0x38;
	[tilespmem:$0x4900] =	vst v63  }
0x7b: {  	_ =	swait.ge [sflag:s3], $0x100  }
0x7c: {  	[sflag:s3] =	ssyncset.done $0x0  }
0x7d: {  	s19 =	sadd.s32 $0x8080, s16;
	s20 =	simm.s32 $0x3280;
	[sflag:s3] =	ssyncadd.s32 $0xFFFFFF00  }
0x7e: {  	[tilespmem:s20], [sflag:$0x2] =	stream.linear.gather [spmem:s19], $0x80, $0x38;
	[tilespmem:$0x4900] =	vst v63  }
0x7f: {  	s21 =	sadd.s32 $0x8480, s16;
	s22 =	simm.s32 $0x3680  }
0x80: {  	[tilespmem:s22], [sflag:$0x2] =	stream.linear.gather [spmem:s21], $0x80, $0x38;
	[tilespmem:$0x4900] =	vst v63  }
0x81: {  	_ =	swait.ge [sflag:s3], $0x100  }
0x82: {  	[sflag:s3] =	ssyncset.done $0x0  }
0x83: {  	s23 =	sadd.s32 $0x8100, s16;
	s24 =	simm.s32 $0x3300;
	[sflag:s3] =	ssyncadd.s32 $0xFFFFFF00  }
0x84: {  	[tilespmem:s24], [sflag:$0x2] =	stream.linear.gather [spmem:s23], $0x80, $0x38;
	[tilespmem:$0x4900] =	vst v63  }
0x85: {  	s25 =	sadd.s32 $0x8500, s16;
	s26 =	simm.s32 $0x3700  }
0x86: {  	[tilespmem:s26], [sflag:$0x2] =	stream.linear.gather [spmem:s25], $0x80, $0x38;
	[tilespmem:$0x4900] =	vst v63  }
0x87: {  	_ =	swait.ge [sflag:s3], $0x100  }
0x88: {  	[sflag:s3] =	ssyncset.done $0x0  }
0x89: {  	s28 =	sadd.s32 $0x8180, s16;
	s29 =	simm.s32 $0x3380;
	[sflag:s3] =	ssyncadd.s32 $0xFFFFFF00  }
0x8a: {  	[tilespmem:s29], [sflag:$0x2] =	stream.linear.gather [spmem:s28], $0x80, $0x38;
	[tilespmem:$0x4900] =	vst v63  }
0x8b: {  	s30 =	sadd.s32 $0x8580, s16;
	s31 =	simm.s32 $0x3780  }
0x8c: {  	[tilespmem:s31], [sflag:$0x2] =	stream.linear.gather [spmem:s30], $0x80, $0x38;
	[tilespmem:$0x4900] =	vst v63  }
0x8d: {  	_ =	swait.ge [sflag:s3], $0x100  }
0x8e: {  	[sflag:s3] =	ssyncset.done $0x0  }
0x8f: {  	s17 =	sadd.s32 $0x8200, s16;
	s18 =	simm.s32 $0x3400;
	[sflag:s3] =	ssyncadd.s32 $0xFFFFFF00  }
0x90: {  	[tilespmem:s18], [sflag:$0x2] =	stream.linear.gather [spmem:s17], $0x80, $0x38;
	[tilespmem:$0x4900] =	vst v63  }
0x91: {  	s19 =	sadd.s32 $0x8600, s16;
	s20 =	simm.s32 $0x3800  }
0x92: {  	[tilespmem:s20], [sflag:$0x2] =	stream.linear.gather [spmem:s19], $0x80, $0x38;
	[tilespmem:$0x4900] =	vst v63  }
0x93: {  	_ =	swait.ge [sflag:s3], $0x100  }
0x94: {  	[sflag:s3] =	ssyncset.done $0x0  }
0x95: {  	s21 =	sadd.s32 $0x8280, s16;
	s22 =	simm.s32 $0x3480;
	[sflag:s3] =	ssyncadd.s32 $0xFFFFFF00  }
0x96: {  	[tilespmem:s22], [sflag:$0x2] =	stream.linear.gather [spmem:s21], $0x80, $0x38;
	[tilespmem:$0x4900] =	vst v63  }
0x97: {  	s23 =	sadd.s32 $0x8680, s16;
	s24 =	simm.s32 $0x3880  }
0x98: {  	[tilespmem:s24], [sflag:$0x2] =	stream.linear.gather [spmem:s23], $0x80, $0x38;
	[tilespmem:$0x4900] =	vst v63  }
0x99: {  	_ =	swait.ge [sflag:s3], $0x100  }
0x9a: {  	[sflag:s3] =	ssyncset.done $0x0  }
0x9b: {  	s25 =	sadd.s32 $0x8300, s16;
	s26 =	simm.s32 $0x3500;
	[sflag:s3] =	ssyncadd.s32 $0xFFFFFF00  }
0x9c: {  	[tilespmem:s26], [sflag:$0x2] =	stream.linear.gather [spmem:s25], $0x80, $0x38;
	[tilespmem:$0x4900] =	vst v63  }
0x9d: {  	s28 =	sadd.s32 $0x8700, s16;
	s29 =	simm.s32 $0x3900  }
0x9e: {  	[tilespmem:s29], [sflag:$0x2] =	stream.linear.gather [spmem:s28], $0x80, $0x38;
	[tilespmem:$0x4900] =	vst v63  }
0x9f: {  	_ =	swait.ge [sflag:s3], $0x100  }
0xa0: {  	[sflag:s3] =	ssyncset.done $0x0  }
0xa1: {  	s30 =	sadd.s32 $0x8380, s16;
	s31 =	simm.s32 $0x3580;
	[sflag:s3] =	ssyncadd.s32 $0xFFFFFF00  }
0xa2: {  	[tilespmem:s31], [sflag:$0x2] =	stream.linear.gather [spmem:s30], $0x80, $0x38;
	[tilespmem:$0x4900] =	vst v63  }
0xa3: {  	s17 =	sadd.s32 $0x8780, s16;
	s18 =	simm.s32 $0x3980  }
0xa4: {  	[tilespmem:s18], [sflag:$0x2] =	stream.linear.gather [spmem:s17], $0x80, $0x38;
	[tilespmem:$0x4900] =	vst v63  }
0xa5: {  	_ =	swait.ge [sflag:s3], $0x100  }
0xa6: {  	[sflag:s3] =	ssyncset.done $0x0  }
0xa7: {  	[sflag:s3] =	ssyncadd.s32 $0xFFFFFF00  }
0xa8: {  	v49 =	vld [tilespmem:$0x2A00]  }
0xa9: {  	v50 =	vld [tilespmem:$0x2A80]  }
0xaa: {  	v51 =	vld [tilespmem:$0x2B00]  }
0xab: {  	v52 =	vld [tilespmem:$0x2B80]  }
0xac: {  	v53 =	vld [tilespmem:$0x2C00]  }
0xad: {  	v54 =	vld [tilespmem:$0x2C80]  }
0xae: {  	v55 =	vld [tilespmem:$0x2D00]  }
0xaf: {  	v56 =	vld [tilespmem:$0x2D80]  }
0xb0: {  	v8 =	vld [tilespmem:$0x3200]  }
0xb1: {  	v9 =	vld [tilespmem:$0x3280]  }
0xb2: {  	v10 =	vld [tilespmem:$0x3300]  }
0xb3: {  	v11 =	vld [tilespmem:$0x3380]  }
0xb4: {  	v12 =	vld [tilespmem:$0x3400]  }
0xb5: {  	v13 =	vld [tilespmem:$0x3480]  }
0xb6: {  	v14 =	vld [tilespmem:$0x3500]  }
0xb7: {  	v15 =	vld [tilespmem:$0x3580]  }
0xb8: {  	v16 =	vld [tilespmem:$0x2A10]  }
0xb9: {  	v17 =	vld [tilespmem:$0x2A90]  }
0xba: {  	v18 =	vld [tilespmem:$0x2A20]  }
0xbb: {  	v19 =	vld [tilespmem:$0x2AA0]  }
0xbc: {  	v20 =	vld [tilespmem:$0x2B10]  }
0xbd: {  	v21 =	vld [tilespmem:$0x2B20]  }
0xbe: {  	v22 =	vld [tilespmem:$0x2B90]  }
0xbf: {  	v57 =	vld [tilespmem:$0x2BA0]  }
0xc0: {  	v58 =	vld [tilespmem:$0x2C10]  }
0xc1: {  	v60 =	vld [tilespmem:$0x2C20]  }
0xc2: {  	v61 =	vld [tilespmem:$0x2C90]  }
0xc3: {  	v62 =	vld [tilespmem:$0x2CA0]  }
0xc4: {  	v63 =	vld [tilespmem:$0x2D10]  }
0xc5: {  	v24 =	vld [tilespmem:$0x2D20]  }
0xc6: {  	v26 =	vld [tilespmem:$0x2D90]  }
0xc7: {  	v27 =	vld [tilespmem:$0x2DA0]  }
0xc8: {  	v28 =	vld [tilespmem:$0x3210]  }
0xc9: {  	v29 =	vld [tilespmem:$0x3220]  }
0xca: {  	v30 =	vld [tilespmem:$0x3290]  }
0xcb: {  	v31 =	vld [tilespmem:$0x32A0]  }
0xcc: {  	v32 =	vld [tilespmem:$0x3310]  }
0xcd: {  	v33 =	vld [tilespmem:$0x3320]  }
0xce: {  	v34 =	vld [tilespmem:$0x3390]  }
0xcf: {  	v35 =	vld [tilespmem:$0x33A0]  }
0xd0: {  	v36 =	vld [tilespmem:$0x3410]  }
0xd1: {  	v37 =	vld [tilespmem:$0x3420]  }
0xd2: {  	v38 =	vld [tilespmem:$0x3490]  }
0xd3: {  	v39 =	vld [tilespmem:$0x34A0]  }
0xd4: {  	v40 =	vld [tilespmem:$0x3510]  }
0xd5: {  	v41 =	vld [tilespmem:$0x3520]  }
0xd6: {  	v42 =	vld [tilespmem:$0x3590]  }
0xd7: {  	v43 =	vld [tilespmem:$0x35A0]  }
0xd8: {  	v6 =	vld [tilespmem:$0x2AB0];
	vm6 =	vgt.s32 v49, v50  }
0xd9: {  	v7 =	vld [tilespmem:$0x2B30];
	v0 =	vsel vm6, v49, v50  }
0xda: {  	v23 =	vld [tilespmem:$0x33B0];
	vm7 =	vgt.s32 v16, v17;
	vm8 =	vgt.s32 v0, v51  }
0xdb: {  	v47 =	vld [tilespmem:$0x3440];
	vm9 =	vgt.s32 v18, v19;
	v16 =	vsel vm7, v16, v17;
	v0 =	vsel vm8, v0, v51  }
0xdc: {  	v48 =	vld [tilespmem:$0x34C0];
	v59 =	vsel vm9, v18, v19;
	vm10 =	vgt.s32 v16, v20;
	vm11 =	vgt.s32 v0, v52  }
0xdd: {  	v3 =	vld [tilespmem:$0x2AD0];
	vm12 =	vgt.s32 v59, v21;
	v16 =	vsel vm10, v16, v20;
	v0 =	vsel vm11, v0, v52  }
0xde: {  	v19 =	vld [tilespmem:$0x3330];
	v2 =	vsel vm12, v59, v21;
	vm13 =	vgt.s32 v16, v22;
	vm14 =	vgt.s32 v0, v53  }
0xdf: {  	v49 =	vld [tilespmem:$0x34B0];
	vm15 =	vgt.s32 v2, v57;
	v16 =	vsel vm13, v16, v22;
	v0 =	vsel vm14, v0, v53  }
0xe0: {  	v18 =	vld [tilespmem:$0x2AC0];
	v1 =	vsel vm15, v2, v57;
	vm4 =	vgt.s32 v16, v58;
	vm5 =	vgt.s32 v0, v54  }
0xe1: {  	v50 =	vld [tilespmem:$0x3540];
	vm6 =	vgt.s32 v1, v60;
	v25 =	vsel vm4, v16, v58;
	v0 =	vsel vm5, v0, v54  }
0xe2: {  	v21 =	vld [tilespmem:$0x35B0];
	v1 =	vsel vm6, v1, v60;
	vm7 =	vgt.s32 v25, v61;
	vm8 =	vgt.s32 v0, v55  }
0xe3: {  	v51 =	vld [tilespmem:$0x35C0];
	vm9 =	vgt.s32 v1, v62;
	v4 =	vsel vm7, v25, v61;
	v0 =	vsel vm8, v0, v55  }
0xe4: {  	v22 =	vld [tilespmem:$0x2A40];
	v1 =	vsel vm9, v1, v62;
	vm10 =	vgt.s32 v4, v63;
	vm11 =	vgt.s32 v0, v56  }
0xe5: {  	v16 =	vld [tilespmem:$0x32B0];
	vm12 =	vgt.s32 v1, v24;
	v4 =	vsel vm10, v4, v63;
	v0 =	vsel vm11, v0, v56  }
0xe6: {  	v60 =	vld [tilespmem:$0x2DC0];
	v1 =	vsel vm12, v1, v24;
	vm13 =	vgt.s32 v4, v26;
	vm14 =	vgt.s32 v0, v8  }
0xe7: {  	v58 =	vld [tilespmem:$0x3240];
	vm15 =	vgt.s32 v1, v27;
	v4 =	vsel vm13, v4, v26;
	v0 =	vsel vm14, v0, v8  }
0xe8: {  	v25 =	vld [tilespmem:$0x2B40];
	v1 =	vsel vm15, v1, v27;
	vm4 =	vgt.s32 v4, v28;
	vm5 =	vgt.s32 v0, v9  }
0xe9: {  	v54 =	vld [tilespmem:$0x2D40];
	vm6 =	vgt.s32 v1, v29;
	v4 =	vsel vm4, v4, v28;
	v0 =	vsel vm5, v0, v9  }
0xea: {  	v63 =	vld [tilespmem:$0x3530];
	v1 =	vsel vm6, v1, v29;
	vm7 =	vgt.s32 v4, v30;
	vm8 =	vgt.s32 v0, v10  }
0xeb: {  	v26 =	vld [tilespmem:$0x3430];
	vm9 =	vgt.s32 v1, v31;
	v4 =	vsel vm7, v4, v30;
	v0 =	vsel vm8, v0, v10  }
0xec: {  	v8 =	vld [tilespmem:$0x2BB0];
	v1 =	vsel vm9, v1, v31;
	vm10 =	vgt.s32 v4, v32;
	vm11 =	vgt.s32 v0, v11  }
0xed: {  	v29 =	vld [tilespmem:$0x2BC0];
	vm12 =	vgt.s32 v1, v33;
	v4 =	vsel vm10, v4, v32;
	v0 =	vsel vm11, v0, v11  }
0xee: {  	v9 =	vld [tilespmem:$0x2C30];
	v1 =	vsel vm12, v1, v33;
	vm13 =	vgt.s32 v4, v34;
	vm14 =	vgt.s32 v0, v12  }
0xef: {  	v10 =	vld [tilespmem:$0x2CB0];
	vm15 =	vgt.s32 v1, v35;
	v4 =	vsel vm13, v4, v34;
	v0 =	vsel vm14, v0, v12  }
0xf0: {  	v32 =	vld [tilespmem:$0x2C40];
	v1 =	vsel vm15, v1, v35;
	vm4 =	vgt.s32 v4, v36;
	vm5 =	vgt.s32 v0, v13  }
0xf1: {  	v33 =	vld [tilespmem:$0x2CC0];
	vm6 =	vgt.s32 v1, v37;
	v4 =	vsel vm4, v4, v36;
	v0 =	vsel vm5, v0, v13  }
0xf2: {  	[tilespmem:$0x1FEC0] =	vst v47;
	v11 =	vld [tilespmem:$0x2D30];
	v1 =	vsel vm6, v1, v37;
	vm7 =	vgt.s32 v4, v38;
	vm8 =	vgt.s32 v0, v14  }
0xf3: {  	[tilespmem:$0x1FED0] =	vst v48;
	v35 =	vld [tilespmem:$0x33C0];
	vm9 =	vgt.s32 v1, v39;
	v4 =	vsel vm7, v4, v38;
	v0 =	vsel vm8, v0, v14  }
0xf4: {  	[tilespmem:$0x1FEE0] =	vst v50;
	v36 =	vld [tilespmem:$0x3340];
	v5 =	vsel vm9, v1, v39;
	vm10 =	vgt.s32 v4, v40;
	vm11 =	vgt.s32 v0, v15  }
0xf5: {  	[tilespmem:$0x1FF00] =	vst v51;
	v13 =	vld [tilespmem:$0x2DB0];
	vm12 =	vgt.s32 v5, v41;
	v4 =	vsel vm10, v4, v40;
	v44 =	vsel vm11, v0, v15  }
0xf6: {  	v45 =	vsel vm12, v5, v41;
	v5 =	vld [tilespmem:$0x2A30];
	vm13 =	vgt.s32 v4, v42;
	[tilespmem:$0x1FFF0] =	vst v44  }
0xf7: {  	vm14 =	vgt.s32 v45, v43;
	v46 =	vsel vm13, v4, v42;
	v15 =	vld [tilespmem:$0x3230];
	[tilespmem:$0x3A00] =	vst v44  }
0xf8: {  	v0 =	vsel vm14, v45, v43;
	v42 =	vld [tilespmem:$0x32C0];
	[tilespmem:$0x3A10] =	vst v46  }
0xf9: {  	v4 =	vld [tilespmem:$0x2A50];
	[tilespmem:$0x3A20] =	vst v0  }
0xfa: {  	v14 =	vld [tilespmem:$0x2B50]  }
0xfb: {  	v20 =	vld [tilespmem:$0x2BD0]  }
0xfc: {  	v27 =	vld [tilespmem:$0x2C50]  }
0xfd: {  	v30 =	vld [tilespmem:$0x2CD0]  }
0xfe: {  	v61 =	vld [tilespmem:$0x2D50]  }
0xff: {  	v56 =	vld [tilespmem:$0x2DD0]  }
0x100: {  	v53 =	vld [tilespmem:$0x3250]  }
0x101: {  	v48 =	vld [tilespmem:$0x32D0]  }
0x102: {  	v43 =	vld [tilespmem:$0x3350]  }
0x103: {  	v39 =	vld [tilespmem:$0x33D0]  }
0x104: {  	v34 =	vld [tilespmem:$0x3450]  }
0x105: {  	v37 =	vld [tilespmem:$0x34D0]  }
0x106: {  	v52 =	vld [tilespmem:$0x3550]  }
0x107: {  	v55 =	vld [tilespmem:$0x35D0]  }
0x108: {  	v1 =	vld [tilespmem:$0x2A60]  }
0x109: {  	v0 =	vld [tilespmem:$0x2AE0]  }
0x10a: {  	v2 =	vld [tilespmem:$0x2B60]  }
0x10b: {  	v12 =	vld [tilespmem:$0x2BE0]  }
0x10c: {  	v17 =	vld [tilespmem:$0x2C60]  }
0x10d: {  	v24 =	vld [tilespmem:$0x2CE0]  }
0x10e: {  	v28 =	vld [tilespmem:$0x2D60]  }
0x10f: {  	v31 =	vld [tilespmem:$0x2DE0]  }
0x110: {  	v46 =	vld [tilespmem:$0x3260]  }
0x111: {  	v62 =	vld [tilespmem:$0x32E0]  }
0x112: {  	v51 =	vld [tilespmem:$0x3360]  }
0x113: {  	v47 =	vld [tilespmem:$0x33E0]  }
0x114: {  	v44 =	vld [tilespmem:$0x34E0]  }
0x115: {  	v40 =	vld [tilespmem:$0x3560]  }
0x116: {  	v38 =	vld [tilespmem:$0x35E0]  }
0x117: {  	v57 =	vld [tilespmem:$0x2A70]  }
0x118: {  	v59 =	vld [tilespmem:$0x2BF0]  }
0x119: {  	v41 =	vld [tilespmem:$0x2C70]  }
0x11a: {  	v45 =	vld [tilespmem:$0x2D70];
	vm15 =	vgt.s32 v5, v6  }
0x11b: {  	v50 =	vld [tilespmem:$0x3270];
	v5 =	vsel vm15, v5, v6  }
0x11c: {  	v6 =	vld [tilespmem:$0x2B70];
	vm0 =	vgt.s32 v5, v7  }
0x11d: {  	v5 =	vsel vm0, v5, v7;
	v7 =	vld [tilespmem:$0x3180]  }
0x11e: {  	[tilespmem:$0x1FEF0] =	vst v52;
	v52 =	vld [tilespmem:$0x3460]  }
0x11f: {  	[tilespmem:$0x1FF20] =	vst v38;
	v38 =	vld [tilespmem:$0x2AF0]  }
0x120: {  	[tilespmem:$0x1FF10] =	vst v55;
	v55 =	vld [tilespmem:$0x3370]  }
0x121: {  	[tilespmem:$0x1FF30] =	vst v57;
	v57 =	vld [tilespmem:$0x33F0]  }
0x122: {  	[tilespmem:$0x1FF40] =	vst v59;
	v59 =	vld [tilespmem:$0x3470]  }
0x123: {  	[tilespmem:$0x1FF70] =	vst v50;
	v50 =	vld [tilespmem:$0x2F80]  }
0x124: {  	[tilespmem:$0x1FF60] =	vst v45;
	v45 =	vld [tilespmem:$0x3000]  }
0x125: {  	vm5 =	vgt.s32 v4, v3;
	vm0 =	vgt.s32 v5, v8;
	[tilespmem:$0x1FF50] =	vst v41;
	v41 =	vld [tilespmem:$0x3080]  }
0x126: {  	v3 =	vsel vm5, v4, v3;
	vm7 =	vgt.s32 v1, v0;
	v5 =	vsel vm0, v5, v8;
	v8 =	vld [tilespmem:$0x2CF0]  }
0x127: {  	vm8 =	vgt.s32 v3, v14;
	v0 =	vsel vm7, v1, v0;
	v1 =	vld [tilespmem:$0x3980];
	vm0 =	vgt.s32 v5, v9  }
0x128: {  	v3 =	vsel vm8, v3, v14;
	v14 =	vld [tilespmem:$0x2E10];
	v5 =	vsel vm0, v5, v9  }
0x129: {  	v9 =	vld [tilespmem:$0x2DF0];
	vm0 =	vgt.s32 v5, v10  }
0x12a: {  	vm1 =	vgt.s32 v0, v2;
	v5 =	vsel vm0, v5, v10;
	v10 =	vld [tilespmem:$0x32F0]  }
0x12b: {  	v0 =	vsel vm1, v0, v2;
	[tilespmem:$0x1FF90] =	vst v57;
	v57 =	vld [tilespmem:$0x2E00];
	vm0 =	vgt.s32 v5, v11  }
0x12c: {  	vm1 =	vgt.s32 v0, v12;
	[tilespmem:$0x1FFA0] =	vst v59;
	v59 =	vld [tilespmem:$0x2E80];
	v5 =	vsel vm0, v5, v11  }
0x12d: {  	[tilespmem:$0x1FF80] =	vst v55;
	v55 =	vld [tilespmem:$0x2F00];
	v0 =	vsel vm1, v0, v12;
	vm0 =	vgt.s32 v5, v13  }
0x12e: {  	v12 =	vld [tilespmem:$0x2F90];
	vm1 =	vgt.s32 v0, v17;
	v5 =	vsel vm0, v5, v13  }
0x12f: {  	v11 =	vld [tilespmem:$0x34F0];
	v0 =	vsel vm1, v0, v17;
	vm0 =	vgt.s32 v5, v15  }
0x130: {  	vm4 =	vgt.s32 v22, v18;
	vm1 =	vgt.s32 v0, v24;
	v13 =	vld [tilespmem:$0x3570];
	v5 =	vsel vm0, v5, v15  }
0x131: {  	v18 =	vsel vm4, v22, v18;
	v22 =	vsel vm1, v0, v24;
	v0 =	vld [tilespmem:$0x3190];
	vm0 =	vgt.s32 v5, v16  }
0x132: {  	v15 =	vld [tilespmem:$0x35F0];
	v5 =	vsel vm0, v5, v16  }
0x133: {  	v24 =	vld [tilespmem:$0x1FEC0];
	vm0 =	vgt.s32 v5, v19  }
0x134: {  	[tilespmem:$0x1FFB0] =	vst v11;
	v11 =	vld [tilespmem:$0x3600];
	v5 =	vsel vm0, v5, v19  }
0x135: {  	v16 =	vld [tilespmem:$0x3800];
	vm0 =	vgt.s32 v5, v23  }
0x136: {  	v19 =	vld [tilespmem:$0x3780];
	v23 =	vsel vm0, v5, v23  }
0x137: {  	[tilespmem:$0x1FFD0] =	vst v15;
	v15 =	vld [tilespmem:$0x3880];
	vm0 =	vgt.s32 v23, v26  }
0x138: {  	v5 =	vld [tilespmem:$0x3100];
	v26 =	vsel vm0, v23, v26  }
0x139: {  	v23 =	vld [tilespmem:$0x3700];
	vm0 =	vgt.s32 v26, v49  }
0x13a: {  	vm6 =	vgt.s32 v18, v25;
	[tilespmem:$0x1FFC0] =	vst v13;
	v13 =	vsel vm0, v26, v49;
	v26 =	vld [tilespmem:$0x3680]  }
0x13b: {  	v49 =	vsel vm6, v18, v25;
	v18 =	vld [tilespmem:$0x2E90];
	vm0 =	vgt.s32 v13, v63  }
0x13c: {  	v25 =	vld [tilespmem:$0x3010];
	vm9 =	vgt.s32 v49, v29;
	v13 =	vsel vm0, v13, v63  }
0x13d: {  	vm10 =	vgt.s32 v3, v20;
	v4 =	vsel vm9, v49, v29;
	v49 =	vld [tilespmem:$0x3110];
	vm0 =	vgt.s32 v13, v21  }
0x13e: {  	v63 =	vsel vm10, v3, v20;
	vm11 =	vgt.s32 v4, v32;
	v13 =	vsel vm0, v13, v21;
	v21 =	vld [tilespmem:$0x2F10]  }
0x13f: {  	vm12 =	vgt.s32 v63, v27;
	v20 =	vsel vm11, v4, v32;
	v32 =	vld [tilespmem:$0x3090]  }
0x140: {  	v2 =	vsel vm12, v63, v27;
	v63 =	vld [tilespmem:$0x3610]  }
0x141: {  	vm1 =	vgt.s32 v22, v28;
	v27 =	vld [tilespmem:$0x1FED0]  }
0x142: {  	v4 =	vsel vm1, v22, v28;
	v28 =	vld [tilespmem:$0x1FEE0]  }
0x143: {  	v22 =	vld [tilespmem:$0x38A0]  }
0x144: {  	[tilespmem:$0x1FFE0] =	vst v13;
	v13 =	vld [tilespmem:$0x3900];
	vm14 =	vgt.s32 v2, v30  }
0x145: {  	vm1 =	vgt.s32 v4, v31;
	v2 =	vsel vm14, v2, v30;
	v30 =	vld [tilespmem:$0x1FEF0]  }
0x146: {  	vm13 =	vgt.s32 v20, v33;
	v4 =	vsel vm1, v4, v31;
	v31 =	vld [tilespmem:$0x1FF00]  }
0x147: {  	v3 =	vsel vm13, v20, v33;
	v33 =	vld [tilespmem:$0x1FF40]  }
0x148: {  	v20 =	vld [tilespmem:$0x3920];
	vm4 =	vgt.s32 v2, v61  }
0x149: {  	vm15 =	vgt.s32 v3, v54;
	vm1 =	vgt.s32 v4, v46;
	v2 =	vsel vm4, v2, v61;
	v61 =	vld [tilespmem:$0x3690]  }
0x14a: {  	v3 =	vsel vm15, v3, v54;
	v4 =	vsel vm1, v4, v46;
	v46 =	vld [tilespmem:$0x3990]  }
0x14b: {  	v54 =	vld [tilespmem:$0x2EA0];
	vm5 =	vgt.s32 v3, v60  }
0x14c: {  	vm6 =	vgt.s32 v2, v56;
	v3 =	vsel vm5, v3, v60;
	v60 =	vld [tilespmem:$0x3710]  }
0x14d: {  	vm1 =	vgt.s32 v4, v62;
	v2 =	vsel vm6, v2, v56;
	v56 =	vld [tilespmem:$0x3810]  }
0x14e: {  	v4 =	vsel vm1, v4, v62;
	v62 =	vld [tilespmem:$0x2E20];
	vm7 =	vgt.s32 v3, v58  }
0x14f: {  	vm8 =	vgt.s32 v2, v53;
	v3 =	vsel vm7, v3, v58;
	v58 =	vld [tilespmem:$0x3790]  }
0x150: {  	vm1 =	vgt.s32 v4, v51;
	v2 =	vsel vm8, v2, v53;
	v53 =	vld [tilespmem:$0x3890]  }
0x151: {  	v4 =	vsel vm1, v4, v51;
	v51 =	vld [tilespmem:$0x2F20];
	vm10 =	vgt.s32 v2, v48  }
0x152: {  	vm1 =	vgt.s32 v4, v47;
	v2 =	vsel vm10, v2, v48;
	v48 =	vld [tilespmem:$0x3910]  }
0x153: {  	vm9 =	vgt.s32 v3, v42;
	v4 =	vsel vm1, v4, v47;
	v47 =	vld [tilespmem:$0x2FA0]  }
0x154: {  	v3 =	vsel vm9, v3, v42;
	v42 =	vld [tilespmem:$0x30A0];
	vm12 =	vgt.s32 v2, v43  }
0x155: {  	vm11 =	vgt.s32 v3, v36;
	vm1 =	vgt.s32 v4, v52;
	v2 =	vsel vm12, v2, v43;
	v43 =	vld [tilespmem:$0x3020]  }
0x156: {  	v3 =	vsel vm11, v3, v36;
	v4 =	vsel vm1, v4, v52;
	v36 =	vld [tilespmem:$0x31A0];
	vm14 =	vgt.s32 v2, v39  }
0x157: {  	vm1 =	vgt.s32 v4, v44;
	v2 =	vsel vm14, v2, v39;
	v39 =	vld [tilespmem:$0x3120]  }
0x158: {  	v29 =	vsel vm1, v4, v44;
	v44 =	vld [tilespmem:$0x1FF30];
	vm4 =	vgt.s32 v2, v34  }
0x159: {  	vm13 =	vgt.s32 v3, v35;
	vm1 =	vgt.s32 v29, v40;
	v2 =	vsel vm4, v2, v34;
	v34 =	vld [tilespmem:$0x3620]  }
0x15a: {  	v3 =	vsel vm13, v3, v35;
	v17 =	vsel vm1, v29, v40;
	v40 =	vld [tilespmem:$0x1FF20]  }
0x15b: {  	vm15 =	vgt.s32 v3, v24;
	v29 =	vld [tilespmem:$0x3720]  }
0x15c: {  	vm14 =	vgt.s32 v14, v18;
	v3 =	vsel vm15, v3, v24;
	v24 =	vld [tilespmem:$0x3820];
	vm6 =	vgt.s32 v2, v37  }
0x15d: {  	v14 =	vsel vm14, v14, v18;
	vm5 =	vgt.s32 v3, v27;
	v2 =	vsel vm6, v2, v37;
	v37 =	vld [tilespmem:$0x1FF10]  }
0x15e: {  	v3 =	vsel vm5, v3, v27;
	v27 =	vld [tilespmem:$0x37A0];
	vm5 =	vgt.s32 v14, v21  }
0x15f: {  	vm7 =	vgt.s32 v3, v28;
	v14 =	vsel vm5, v14, v21;
	v21 =	vld [tilespmem:$0x36B0]  }
0x160: {  	vm12 =	vgt.s32 v44, v38;
	v3 =	vsel vm7, v3, v28;
	v28 =	vld [tilespmem:$0x2E30]  }
0x161: {  	vm13 =	vgt.s32 v57, v59;
	vm8 =	vgt.s32 v2, v30;
	v52 =	vsel vm12, v44, v38;
	v44 =	vld [tilespmem:$0x1FF60]  }
0x162: {  	v2 =	vsel vm8, v2, v30;
	v30 =	vsel vm13, v57, v59;
	v57 =	vld [tilespmem:$0x1FF90]  }
0x163: {  	vm8 =	vgt.s32 v14, v12;
	v59 =	vld [tilespmem:$0x1FFA0]  }
0x164: {  	vm9 =	vgt.s32 v3, v31;
	v12 =	vsel vm8, v14, v12;
	v14 =	vld [tilespmem:$0x3830]  }
0x165: {  	vm15 =	vgt.s32 v30, v55;
	v4 =	vsel vm9, v3, v31;
	v31 =	vld [tilespmem:$0x36A0]  }
0x166: {  	v35 =	vsel vm15, v30, v55;
	v30 =	vld [tilespmem:$0x2EB0]  }
0x167: {  	vm11 =	vgt.s32 v17, v40;
	vm1 =	vgt.s32 v52, v6;
	v55 =	vld [tilespmem:$0x1FF80];
	vm10 =	vgt.s32 v2, v37  }
0x168: {  	v6 =	vsel vm1, v52, v6;
	v3 =	vsel vm10, v2, v37;
	v2 =	vsel vm11, v17, v40;
	v17 =	vld [tilespmem:$0x39A0]  }
0x169: {  	vm4 =	vgt.s32 v6, v33;
	v37 =	vld [tilespmem:$0x1FF50]  }
0x16a: {  	vm6 =	vgt.s32 v35, v50;
	v6 =	vsel vm4, v6, v33;
	v33 =	vld [tilespmem:$0x2F30]  }
0x16b: {  	v18 =	vsel vm6, v35, v50;
	v35 =	vld [tilespmem:$0x3030]  }
0x16c: {  	vm11 =	vgt.s32 v12, v25;
	v50 =	vld [tilespmem:$0x1FF70];
	vm9 =	vgt.s32 v18, v45  }
0x16d: {  	v40 =	vsel vm11, v12, v25;
	v25 =	vld [tilespmem:$0x2FB0];
	v38 =	vsel vm9, v18, v45  }
0x16e: {  	v12 =	vld [tilespmem:$0x38B0];
	vm12 =	vgt.s32 v38, v41  }
0x16f: {  	v18 =	vld [tilespmem:$0x37B0];
	v45 =	vsel vm12, v38, v41  }
0x170: {  	v38 =	vld [tilespmem:$0x31B0];
	vm7 =	vgt.s32 v6, v37;
	vm15 =	vgt.s32 v45, v5  }
0x171: {  	v41 =	vld [tilespmem:$0x30F0];
	v6 =	vsel vm7, v6, v37;
	v5 =	vsel vm15, v45, v5  }
0x172: {  	vm14 =	vgt.s32 v40, v32;
	v37 =	vld [tilespmem:$0x3130];
	vm10 =	vgt.s32 v6, v8;
	vm6 =	vgt.s32 v5, v7  }
0x173: {  	v45 =	vld [tilespmem:$0x1FFC0];
	v6 =	vsel vm10, v6, v8;
	v8 =	vsel vm14, v40, v32;
	v5 =	vsel vm6, v5, v7  }
0x174: {  	v32 =	vld [tilespmem:$0x30B0];
	vm13 =	vgt.s32 v6, v44;
	vm5 =	vgt.s32 v8, v49;
	vm9 =	vgt.s32 v5, v11  }
0x175: {  	v40 =	vld [tilespmem:$0x3630];
	v6 =	vsel vm13, v6, v44;
	v8 =	vsel vm5, v8, v49;
	v5 =	vsel vm9, v5, v11  }
0x176: {  	v49 =	vld [tilespmem:$0x3040];
	vm4 =	vgt.s32 v6, v9;
	vm8 =	vgt.s32 v8, v0;
	vm12 =	vgt.s32 v5, v26  }
0x177: {  	v44 =	vld [tilespmem:$0x31E0];
	v6 =	vsel vm4, v6, v9;
	v52 =	vsel vm8, v8, v0;
	v5 =	vsel vm12, v5, v26  }
0x178: {  	v0 =	vld [tilespmem:$0x3730];
	vm7 =	vgt.s32 v6, v50;
	vm11 =	vgt.s32 v52, v63;
	vm15 =	vgt.s32 v5, v23  }
0x179: {  	v9 =	vld [tilespmem:$0x39B0];
	v6 =	vsel vm7, v6, v50;
	v7 =	vsel vm11, v52, v63;
	v5 =	vsel vm15, v5, v23  }
0x17a: {  	v8 =	vld [tilespmem:$0x2E40];
	vm10 =	vgt.s32 v6, v10;
	vm14 =	vgt.s32 v7, v61;
	vm6 =	vgt.s32 v5, v19  }
0x17b: {  	v63 =	vld [tilespmem:$0x2F40];
	v6 =	vsel vm10, v6, v10;
	v7 =	vsel vm14, v7, v61;
	v5 =	vsel vm6, v5, v19  }
0x17c: {  	v52 =	vld [tilespmem:$0x30C0];
	vm13 =	vgt.s32 v6, v55;
	vm5 =	vgt.s32 v7, v60;
	vm9 =	vgt.s32 v5, v16  }
0x17d: {  	v10 =	vld [tilespmem:$0x3930];
	v6 =	vsel vm13, v6, v55;
	v7 =	vsel vm5, v7, v60;
	v5 =	vsel vm9, v5, v16  }
0x17e: {  	v61 =	vld [tilespmem:$0x1FFB0];
	vm9 =	vgt.s32 v28, v30;
	vm4 =	vgt.s32 v6, v57;
	vm8 =	vgt.s32 v7, v58  }
0x17f: {  	v19 =	vld [tilespmem:$0x2FC0];
	vm12 =	vgt.s32 v5, v15;
	v28 =	vsel vm9, v28, v30;
	v6 =	vsel vm4, v6, v57  }
0x180: {  	v60 =	vld [tilespmem:$0x2EC0];
	v7 =	vsel vm8, v7, v58;
	v5 =	vsel vm12, v5, v15;
	vm8 =	vgt.s32 v62, v54  }
0x181: {  	v55 =	vld [tilespmem:$0x3140];
	vm7 =	vgt.s32 v6, v59;
	vm11 =	vgt.s32 v7, v56;
	vm15 =	vgt.s32 v5, v13  }
0x182: {  	v30 =	vld [tilespmem:$0x3740];
	v58 =	vsel vm8, v62, v54;
	v6 =	vsel vm7, v6, v59;
	v7 =	vsel vm11, v7, v56  }
0x183: {  	v57 =	vld [tilespmem:$0x3640];
	v5 =	vsel vm15, v5, v13;
	vm1 =	vgt.s32 v58, v51;
	vm14 =	vgt.s32 v7, v53  }
0x184: {  	vm11 =	vgt.s32 v28, v33;
	vm10 =	vgt.s32 v6, v61;
	v50 =	vsel vm14, v7, v53;
	v53 =	vld [tilespmem:$0x1FFD0]  }
0x185: {  	v62 =	vld [tilespmem:$0x3840];
	vm6 =	vgt.s32 v5, v1;
	v6 =	vsel vm10, v6, v61;
	vm10 =	vgt.s32 v8, v60  }
0x186: {  	v54 =	vld [tilespmem:$0x3650];
	v61 =	vsel vm11, v28, v33;
	vm13 =	vgt.s32 v6, v45;
	vm5 =	vgt.s32 v50, v48  }
0x187: {  	v56 =	vld [tilespmem:$0x31C0];
	v8 =	vsel vm10, v8, v60;
	vm14 =	vgt.s32 v61, v25;
	v6 =	vsel vm13, v6, v45  }
0x188: {  	v59 =	vld [tilespmem:$0x36C0];
	v23 =	vsel vm5, v50, v48;
	vm13 =	vgt.s32 v8, v63;
	v11 =	vsel vm14, v61, v25  }
0x189: {  	v28 =	vld [tilespmem:$0x2F70];
	vm7 =	vgt.s32 v23, v46;
	vm5 =	vgt.s32 v11, v35;
	vm4 =	vgt.s32 v6, v53  }
0x18a: {  	v33 =	vld [tilespmem:$0x2FF0];
	v8 =	vsel vm13, v8, v63;
	v11 =	vsel vm5, v11, v35;
	v7 =	vsel vm4, v6, v53  }
0x18b: {  	v60 =	vld [tilespmem:$0x37C0];
	v6 =	vsel vm6, v5, v1;
	v5 =	vsel vm7, v23, v46;
	v23 =	vsel vm1, v58, v51  }
0x18c: {  	v25 =	vld [tilespmem:$0x3940];
	vm8 =	vgt.s32 v11, v32;
	vm4 =	vgt.s32 v8, v19;
	vm12 =	vgt.s32 v23, v47  }
0x18d: {  	v48 =	vld [tilespmem:$0x2FD0];
	v11 =	vsel vm8, v11, v32;
	v8 =	vsel vm4, v8, v19;
	v23 =	vsel vm12, v23, v47  }
0x18e: {  	v50 =	vld [tilespmem:$0x30D0];
	vm11 =	vgt.s32 v11, v37;
	vm7 =	vgt.s32 v8, v49;
	vm15 =	vgt.s32 v23, v43  }
0x18f: {  	v61 =	vld [tilespmem:$0x2EE0];
	v11 =	vsel vm11, v11, v37;
	v8 =	vsel vm7, v8, v49;
	v23 =	vsel vm15, v23, v43  }
0x190: {  	v45 =	vld [tilespmem:$0x31F0];
	vm14 =	vgt.s32 v11, v38;
	vm10 =	vgt.s32 v8, v52;
	vm6 =	vgt.s32 v23, v42  }
0x191: {  	v63 =	vld [tilespmem:$0x38C0];
	v11 =	vsel vm14, v11, v38;
	v8 =	vsel vm10, v8, v52;
	v23 =	vsel vm6, v23, v42  }
0x192: {  	v46 =	vld [tilespmem:$0x2ED0];
	vm5 =	vgt.s32 v11, v40;
	vm13 =	vgt.s32 v8, v55;
	vm9 =	vgt.s32 v23, v39  }
0x193: {  	v51 =	vld [tilespmem:$0x3150];
	v11 =	vsel vm5, v11, v40;
	v8 =	vsel vm13, v8, v55;
	v23 =	vsel vm9, v23, v39  }
0x194: {  	v53 =	vld [tilespmem:$0x31D0];
	vm8 =	vgt.s32 v11, v21;
	vm4 =	vgt.s32 v8, v56;
	vm12 =	vgt.s32 v23, v36  }
0x195: {  	v19 =	vld [tilespmem:$0x39C0];
	v8 =	vsel vm4, v8, v56;
	v56 =	vsel vm8, v11, v21;
	v23 =	vsel vm12, v23, v36  }
0x196: {  	v47 =	vld [tilespmem:$0x2F50];
	vm7 =	vgt.s32 v8, v57;
	vm11 =	vgt.s32 v56, v0;
	vm15 =	vgt.s32 v23, v34  }
0x197: {  	v49 =	vld [tilespmem:$0x3050];
	v1 =	vsel vm7, v8, v57;
	v8 =	vsel vm11, v56, v0;
	v52 =	vsel vm15, v23, v34  }
0x198: {  	v43 =	vld [tilespmem:$0x2E50];
	vm10 =	vgt.s32 v1, v59;
	vm14 =	vgt.s32 v8, v18;
	vm6 =	vgt.s32 v52, v31  }
0x199: {  	v38 =	vld [tilespmem:$0x3060];
	v1 =	vsel vm10, v1, v59;
	v18 =	vsel vm14, v8, v18;
	v13 =	vsel vm6, v52, v31  }
0x19a: {  	v40 =	vld [tilespmem:$0x30E0];
	vm13 =	vgt.s32 v1, v30;
	vm5 =	vgt.s32 v18, v14;
	vm9 =	vgt.s32 v13, v29  }
0x19b: {  	v42 =	vld [tilespmem:$0x3160];
	v1 =	vsel vm13, v1, v30;
	v14 =	vsel vm5, v18, v14;
	v58 =	vsel vm9, v13, v29  }
0x19c: {  	v55 =	vld [tilespmem:$0x36D0];
	vm4 =	vgt.s32 v1, v60;
	vm8 =	vgt.s32 v14, v12;
	vm12 =	vgt.s32 v58, v27  }
0x19d: {  	v39 =	vld [tilespmem:$0x3070];
	v1 =	vsel vm4, v1, v60;
	v12 =	vsel vm8, v14, v12;
	vm4 =	vgt.s32 v43, v46  }
0x19e: {  	v11 =	vld [tilespmem:$0x3950];
	v27 =	vsel vm12, v58, v27;
	vm7 =	vgt.s32 v1, v62;
	vm11 =	vgt.s32 v12, v10  }
0x19f: {  	v60 =	vld [tilespmem:$0x2E60];
	v15 =	vsel vm4, v43, v46;
	vm15 =	vgt.s32 v27, v24;
	v1 =	vsel vm7, v1, v62  }
0x1a0: {  	v57 =	vld [tilespmem:$0x3750];
	v10 =	vsel vm11, v12, v10;
	vm1 =	vgt.s32 v15, v47;
	v24 =	vsel vm15, v27, v24  }
0x1a1: {  	v62 =	vld [tilespmem:$0x2E70];
	vm10 =	vgt.s32 v1, v63;
	vm14 =	vgt.s32 v10, v9;
	v15 =	vsel vm1, v15, v47  }
0x1a2: {  	v27 =	vld [tilespmem:$0x2F60];
	vm6 =	vgt.s32 v24, v22;
	v1 =	vsel vm10, v1, v63;
	v9 =	vsel vm14, v10, v9  }
0x1a3: {  	v63 =	vld [tilespmem:$0x2EF0];
	vm8 =	vgt.s32 v15, v48;
	v22 =	vsel vm6, v24, v22;
	vm13 =	vgt.s32 v1, v25  }
0x1a4: {  	v0 =	vld [tilespmem:$0x3850];
	vm5 =	vgt.s32 v60, v61;
	v15 =	vsel vm8, v15, v48;
	vm9 =	vgt.s32 v22, v20  }
0x1a5: {  	v30 =	vld [tilespmem:$0x2FE0];
	v1 =	vsel vm13, v1, v25;
	v18 =	vsel vm5, v60, v61;
	vm11 =	vgt.s32 v15, v49  }
0x1a6: {  	[tilespmem:$0x3A90] =	vst v5;
	v56 =	vld [tilespmem:$0x1FFE0];
	v20 =	vsel vm9, v22, v20;
	vm15 =	vgt.s32 v1, v19;
	v15 =	vsel vm11, v15, v49  }
0x1a7: {  	v34 =	vld [tilespmem:$0x3A90];
	vm12 =	vgt.s32 v20, v17;
	v1 =	vsel vm15, v1, v19;
	vm7 =	vgt.s32 v18, v27  }
0x1a8: {  	v59 =	vld [tilespmem:$0x37D0];
	vm14 =	vgt.s32 v15, v50;
	v17 =	vsel vm12, v20, v17;
	vm6 =	vgt.s32 v62, v63  }
0x1a9: {  	v8 =	vld [tilespmem:$0x39D0];
	v12 =	vsel vm7, v18, v27;
	v15 =	vsel vm14, v15, v50;
	v14 =	vsel vm6, v62, v63  }
0x1aa: {  	v52 =	vld [tilespmem:$0x37E0];
	vm10 =	vgt.s32 v12, v30;
	vm5 =	vgt.s32 v15, v51;
	vm9 =	vgt.s32 v14, v28  }
0x1ab: {  	v13 =	vld [tilespmem:$0x38D0];
	[tilespmem:$0x3A30] =	vst v56;
	v10 =	vsel vm10, v12, v30;
	v15 =	vsel vm5, v15, v51;
	v14 =	vsel vm9, v14, v28  }
0x1ac: {  	v21 =	vld [tilespmem:$0x3A30];
	vm13 =	vgt.s32 v10, v38;
	vm8 =	vgt.s32 v15, v53;
	vm12 =	vgt.s32 v14, v33  }
0x1ad: {  	v43 =	vld [tilespmem:$0x3170];
	v10 =	vsel vm13, v10, v38;
	v15 =	vsel vm8, v15, v53;
	v14 =	vsel vm12, v14, v33  }
0x1ae: {  	v46 =	vld [tilespmem:$0x3660];
	vm4 =	vgt.s32 v10, v40;
	vm11 =	vgt.s32 v15, v54;
	vm15 =	vgt.s32 v14, v39  }
0x1af: {  	v47 =	vld [tilespmem:$0x3670];
	v10 =	vsel vm4, v10, v40;
	v15 =	vsel vm11, v15, v54;
	v14 =	vsel vm15, v14, v39  }
0x1b0: {  	v48 =	vld [tilespmem:$0x36E0];
	vm7 =	vgt.s32 v10, v42;
	vm14 =	vgt.s32 v15, v55;
	vm6 =	vgt.s32 v14, v41  }
0x1b1: {  	v25 =	vld [tilespmem:$0x1FFF0];
	v10 =	vsel vm7, v10, v42;
	v15 =	vsel vm14, v15, v55;
	v14 =	vsel vm6, v14, v41  }
0x1b2: {  	v49 =	vld [tilespmem:$0x36F0];
	vm10 =	vgt.s32 v10, v44;
	vm5 =	vgt.s32 v15, v57;
	vm9 =	vgt.s32 v14, v43  }
0x1b3: {  	v50 =	vld [tilespmem:$0x3760];
	v10 =	vsel vm10, v10, v44;
	v15 =	vsel vm5, v15, v57;
	v14 =	vsel vm9, v14, v43  }
0x1b4: {  	v18 =	vld [tilespmem:$0x3A10];
	vm13 =	vgt.s32 v10, v46;
	vm1 =	vgt.s32 v15, v59;
	vm12 =	vgt.s32 v14, v45  }
0x1b5: {  	[tilespmem:$0x3A60] =	vst v2;
	v51 =	vld [tilespmem:$0x3770];
	v10 =	vsel vm13, v10, v46;
	v58 =	vsel vm1, v15, v59;
	v14 =	vsel vm12, v14, v45  }
0x1b6: {  	v28 =	vld [tilespmem:$0x3A60];
	vm4 =	vgt.s32 v10, v48;
	vm1 =	vgt.s32 v58, v0;
	vm15 =	vgt.s32 v14, v47  }
0x1b7: {  	v54 =	vld [tilespmem:$0x3860];
	v10 =	vsel vm4, v10, v48;
	v0 =	vsel vm1, v58, v0;
	v14 =	vsel vm15, v14, v47  }
0x1b8: {  	[tilespmem:$0x3A40] =	vst v4;
	v19 =	vld [tilespmem:$0x3A20];
	vm7 =	vgt.s32 v10, v50;
	vm1 =	vgt.s32 v0, v13;
	vm6 =	vgt.s32 v14, v49  }
0x1b9: {  	[tilespmem:$0x3AC0] =	vst v1;
	v53 =	vld [tilespmem:$0x37F0];
	v10 =	vsel vm7, v10, v50;
	v0 =	vsel vm1, v0, v13;
	v14 =	vsel vm6, v14, v49  }
0x1ba: {  	[tilespmem:$0x3A50] =	vst v3;
	v40 =	vld [tilespmem:$0x3AC0];
	vm9 =	vgt.s32 v10, v52;
	vm14 =	vgt.s32 v0, v11;
	vm8 =	vgt.s32 v14, v51  }
0x1bb: {  	[tilespmem:$0x3A70] =	vst v7;
	v55 =	vld [tilespmem:$0x3870];
	v60 =	vsel vm9, v10, v52;
	v0 =	vsel vm14, v0, v11;
	vm9 =	vgt.s32 v18, $0x0  }
0x1bc: {  	[tilespmem:$0x3A80] =	vst v6;
	v57 =	vld [tilespmem:$0x38E0];
	vm14 =	vgt.s32 v28, $0x0;
	v14 =	vsel vm8, v14, v51;
	vm11 =	vgt.s32 v60, v54  }
0x1bd: {  	v26 =	vld [tilespmem:$0x3A50];
	[tilespmem:$0x3AB0] =	vst v9;
	vm5 =	vgt.s32 v0, v8;
	vm8 =	vgt.s32 v25, $0x0;
	v29 =	vnsel vm9, $0x0, v18  }
0x1be: {  	[tilespmem:$0x3AA0] =	vst v17;
	v59 =	vld [tilespmem:$0x38F0];
	v39 =	vnsel vm14, $0x0, v28;
	vm10 =	vgt.s32 v14, v53;
	v3 =	vsel vm11, v60, v54  }
0x1bf: {  	v61 =	vld [tilespmem:$0x3960];
	v0 =	vsel vm5, v0, v8;
	v27 =	vnsel vm8, $0x0, v25;
	[tilespmem:$0x3B10] =	vst v29;
	vm11 =	vgt.s32 v21, $0x0  }
0x1c0: {  	v63 =	vld [tilespmem:$0x3970];
	[tilespmem:$0x3B60] =	vst v39;
	vm5 =	vgt.s32 v34, $0x0;
	vm8 =	vgt.s32 v40, $0x0;
	v62 =	vsel vm10, v14, v53  }
0x1c1: {  	v14 =	vld [tilespmem:$0x39E0];
	vm13 =	vgt.s32 v3, v57;
	[tilespmem:$0x3AD0] =	vst v0;
	vm10 =	vgt.s32 v19, $0x0;
	vm12 =	vgt.s32 v62, v55  }
0x1c2: {  	v16 =	vld [tilespmem:$0x39F0];
	[tilespmem:$0x3B00] =	vst v27;
	v33 =	vnsel vm11, $0x0, v21;
	v45 =	vnsel vm5, $0x0, v34;
	v2 =	vsel vm12, v62, v55  }
0x1c3: {  	v23 =	vld [tilespmem:$0x3A40];
	v49 =	vnsel vm8, $0x0, v40;
	v3 =	vsel vm13, v3, v57;
	[tilespmem:$0x3B30] =	vst v33;
	vm15 =	vgt.s32 v2, v59  }
0x1c4: {  	v32 =	vld [tilespmem:$0x3A80];
	v31 =	vnsel vm10, $0x0, v19;
	[tilespmem:$0x3B90] =	vst v45;
	vm4 =	vgt.s32 v3, v61;
	v2 =	vsel vm15, v2, v59  }
0x1c5: {  	v30 =	vld [tilespmem:$0x3A70];
	vm13 =	vgt.s32 v26, $0x0;
	[tilespmem:$0x3BC0] =	vst v49;
	v3 =	vsel vm4, v3, v61;
	vm6 =	vgt.s32 v2, v63  }
0x1c6: {  	v36 =	vld [tilespmem:$0x3AA0];
	[tilespmem:$0x3B20] =	vst v31;
	v37 =	vnsel vm13, $0x0, v26;
	vm7 =	vgt.s32 v3, v14;
	v20 =	vsel vm6, v2, v63  }
0x1c7: {  	v38 =	vld [tilespmem:$0x3AB0];
	[tilespmem:$0x3B50] =	vst v37;
	v22 =	vsel vm7, v3, v14;
	vm0 =	vgt.s32 v20, v16  }
0x1c8: {  	v42 =	vld [tilespmem:$0x3AD0];
	vm12 =	vgt.s32 v23, $0x0;
	[tilespmem:$0x3AE0] =	vst v22;
	v24 =	vsel vm0, v20, v16  }
0x1c9: {  	v35 =	vnsel vm12, $0x0, v23;
	vm4 =	vgt.s32 v32, $0x0;
	v44 =	vld [tilespmem:$0x3AE0];
	[tilespmem:$0x3AF0] =	vst v24  }
0x1ca: {  	[tilespmem:$0x3B40] =	vst v35;
	vm15 =	vgt.s32 v30, $0x0;
	v43 =	vnsel vm4, $0x0, v32;
	v46 =	vld [tilespmem:$0x3AF0]  }
0x1cb: {  	v41 =	vnsel vm15, $0x0, v30;
	[tilespmem:$0x3B80] =	vst v43;
	vm6 =	vgt.s32 v36, $0x0  }
0x1cc: {  	[tilespmem:$0x3B70] =	vst v41;
	vm7 =	vgt.s32 v38, $0x0;
	v47 =	vnsel vm6, $0x0, v36  }
0x1cd: {  	vm9 =	vgt.s32 v42, $0x0;
	v48 =	vnsel vm7, $0x0, v38;
	[tilespmem:$0x3BA0] =	vst v47  }
0x1ce: {  	v50 =	vnsel vm9, $0x0, v42;
	[tilespmem:$0x3BB0] =	vst v48;
	vm10 =	vgt.s32 v44, $0x0  }
0x1cf: {  	[tilespmem:$0x3BD0] =	vst v50;
	v51 =	vnsel vm10, $0x0, v44;
	vm11 =	vgt.s32 v46, $0x0  }
0x1d0: {  	[tilespmem:$0x3BE0] =	vst v51;
	v52 =	vnsel vm11, $0x0, v46  }
0x1d1: {  	s19 =	simm.s32 $0x3B00;
	s20 =	simm.s32 $0x3C00;
	s21 =	simm.s32 $0x1;
	[tilespmem:$0x3BF0] =	vst v52  }
0x1d2: {  	[tilespmem:s20], [sflag:$0x1] =	stream.indirect.gather [hbm4b:s13+s14], $0x1, s19, s14, $0xb8;
	[tilespmem:$0x4900] =	vst v63  }
0x1d3: {  	_ =	swait.ge [sflag:s21], $0x80  }
0x1d4: {  	[sflag:s21] =	ssyncset.done $0x0  }
0x1d5: {  	s22 =	simm.s32 $0x3D00;
	[sflag:s21] =	ssyncadd.s32 $0xFFFFFF80  }
0x1d6: {  	[tilespmem:s22], [sflag:$0x1] =	stream.indirect.gather [hbm4b:s10+s14], $0x1, s19, s14, $0xb8;
	[tilespmem:$0x4900] =	vst v63  }
0x1d7: {  	_ =	swait.ge [sflag:s21], $0x80  }
0x1d8: {  	[sflag:s21] =	ssyncset.done $0x0  }
0x1d9: {  	s23 =	simm.s32 $0x3E00;
	[sflag:s21] =	ssyncadd.s32 $0xFFFFFF80  }
0x1da: {  	[tilespmem:s23], [sflag:$0x1] =	stream.indirect.gather [hbm4b:s12+s14], $0x1, s19, s14, $0xb8;
	[tilespmem:$0x4900] =	vst v63  }
0x1db: {  	_ =	swait.ge [sflag:s21], $0x80  }
0x1dc: {  	[sflag:s21] =	ssyncset.done $0x0  }
0x1dd: {  	s24 =	simm.s32 $0x3F00;
	[sflag:s21] =	ssyncadd.s32 $0xFFFFFF80  }
0x1de: {  	[tilespmem:s24], [sflag:$0x1] =	stream.indirect.gather [hbm4b:s11+s14], $0x1, s19, s14, $0xb8;
	[tilespmem:$0x4900] =	vst v63  }
0x1df: {  	_ =	swait.ge [sflag:s21], $0x80  }
0x1e0: {  	[sflag:s21] =	ssyncset.done $0x0  }
0x1e1: {  	s25 =	simm.s32 $0x4000;
	[sflag:s21] =	ssyncadd.s32 $0xFFFFFF80  }
0x1e2: {  	[tilespmem:s25], [sflag:$0x1] =	stream.indirect.gather [hbm4b:s9+s14], $0x1, s19, s14, $0xb8;
	[tilespmem:$0x4900] =	vst v63  }
0x1e3: {  	_ =	swait.ge [sflag:s21], $0x80  }
0x1e4: {  	[sflag:s21] =	ssyncset.done $0x0  }
0x1e5: {  	s26 =	simm.s32 $0x3B80;
	s28 =	simm.s32 $0x3C80;
	[sflag:s21] =	ssyncadd.s32 $0xFFFFFF80  }
0x1e6: {  	[tilespmem:s28], [sflag:$0x1] =	stream.indirect.gather [hbm4b:s13+s14], $0x1, s26, s14, $0xb8;
	[tilespmem:$0x4900] =	vst v63  }
0x1e7: {  	_ =	swait.ge [sflag:s21], $0x80  }
0x1e8: {  	[sflag:s21] =	ssyncset.done $0x0  }
0x1e9: {  	s29 =	simm.s32 $0x3D80;
	[sflag:s21] =	ssyncadd.s32 $0xFFFFFF80  }
0x1ea: {  	[tilespmem:s29], [sflag:$0x1] =	stream.indirect.gather [hbm4b:s10+s14], $0x1, s26, s14, $0xb8;
	[tilespmem:$0x4900] =	vst v63  }
0x1eb: {  	_ =	swait.ge [sflag:s21], $0x80  }
0x1ec: {  	[sflag:s21] =	ssyncset.done $0x0  }
0x1ed: {  	s30 =	simm.s32 $0x3E80;
	[sflag:s21] =	ssyncadd.s32 $0xFFFFFF80  }
0x1ee: {  	[tilespmem:s30], [sflag:$0x1] =	stream.indirect.gather [hbm4b:s12+s14], $0x1, s26, s14, $0xb8;
	[tilespmem:$0x4900] =	vst v63  }
0x1ef: {  	_ =	swait.ge [sflag:s21], $0x80  }
0x1f0: {  	[sflag:s21] =	ssyncset.done $0x0  }
0x1f1: {  	s31 =	simm.s32 $0x3F80;
	[sflag:s21] =	ssyncadd.s32 $0xFFFFFF80  }
0x1f2: {  	[tilespmem:s31], [sflag:$0x1] =	stream.indirect.gather [hbm4b:s11+s14], $0x1, s26, s14, $0xb8;
	[tilespmem:$0x4900] =	vst v63  }
0x1f3: {  	_ =	swait.ge [sflag:s21], $0x80  }
0x1f4: {  	[sflag:s21] =	ssyncset.done $0x0  }
0x1f5: {  	s11 =	simm.s32 $0x4080;
	[sflag:s21] =	ssyncadd.s32 $0xFFFFFF80  }
0x1f6: {  	[tilespmem:s11], [sflag:$0x1] =	stream.indirect.gather [hbm4b:s9+s14], $0x1, s26, s14, $0xb8;
	[tilespmem:$0x4900] =	vst v63  }
0x1f7: {  	_ =	swait.ge [sflag:s21], $0x80  }
0x1f8: {  	[sflag:s21] =	ssyncset.done $0x0  }
0x1f9: {  	[sflag:s21] =	ssyncadd.s32 $0xFFFFFF80  }
0x1fa: {  	v53 =	vld [tilespmem:$0x3C00]  }
0x1fb: {  	v54 =	vld [tilespmem:$0x3D00]  }
0x1fc: {  	v55 =	vld [tilespmem:$0x3A00]  }
0x1fd: {  	v56 =	vld [tilespmem:$0x3C10]  }
0x1fe: {  	v59 =	vld [tilespmem:$0x3D10]  }
0x1ff: {  	v60 =	vld [tilespmem:$0x3E00]  }
0x200: {  	v61 =	vld [tilespmem:$0x3F00]  }
0x201: {  	v21 =	vld [tilespmem:$0x3E10]  }
0x202: {  	v23 =	vld [tilespmem:$0x3C20]  }
0x203: {  	v26 =	vld [tilespmem:$0x3D20]  }
0x204: {  	v27 =	vld [tilespmem:$0x3F10]  }
0x205: {  	v32 =	vld [tilespmem:$0x3E20]  }
0x206: {  	v34 =	vld [tilespmem:$0x3C30]  }
0x207: {  	v38 =	vld [tilespmem:$0x3D30];
	v0 =	vmul.f32 $6.400000000e+01, v53;
	v1 =	vmul.f32 $6.400000000e+01, v54  }
0x208: {  	v42 =	vld [tilespmem:$0x3F20];
	v3 =	vmul.f32 $6.400000000e+01, v56;
	v20 =	vmul.f32 $6.400000000e+01, v59  }
0x209: {  	v63 =	vld [tilespmem:$0x3A10];
	v7 =	vmul.f32 $6.400000000e+01, v60;
	v8 =	vmul.f32 $6.400000000e+01, v61  }
0x20a: {  	v29 =	vld [tilespmem:$0x3A20];
	v31 =	vmul.f32 $6.400000000e+01, v23;
	v6 =	vmul.f32 $6.400000000e+01, v21  }
0x20b: {  	v47 =	vld [tilespmem:$0x3A30];
	v33 =	vmul.f32 $6.400000000e+01, v26;
	v36 =	vmul.f32 $6.400000000e+01, v27  }
0x20c: {  	v62 =	vld [tilespmem:$0x4000];
	v12 =	vmul.f32 $6.400000000e+01, v34;
	v48 =	vmul.f32 $6.400000000e+01, v32  }
0x20d: {  	v28 =	vld [tilespmem:$0x4010];
	vm12 =	vgt.s32 v55, $0xFFFFFFFF;
	v49 =	vmul.f32 $6.400000000e+01, v38;
	v52 =	vmul.f32 $6.400000000e+01, v42  }
0x20e: {  	v46 =	vld [tilespmem:$0x4020];
	vm13 =	vgt.s32 v63, $0xFFFFFFFF;
	v57 =	vtrunc.f32 v0;
	v58 =	vtrunc.f32 v1  }
0x20f: {  	vm14 =	vgt.s32 v29, $0xFFFFFFFF;
	v22 =	vtrunc.f32 v3;
	v25 =	vtrunc.f32 v20  }
0x210: {  	vm15 =	vgt.s32 v47, $0xFFFFFFFF;
	v37 =	vtrunc.f32 v31;
	v41 =	vtrunc.f32 v33  }
0x211: {  	v9 =	vnsel vm12, $0x0, v62;
	v53 =	vtrunc.f32 v12;
	v56 =	vtrunc.f32 v49  }
0x212: {  	v45 =	vnsel vm13, $0x0, v28;
	[tilespmem:$0x4380] =	vst v9;
	v4 =	vcvt.f32.s32 v57;
	v5 =	vcvt.f32.s32 v58  }
0x213: {  	v61 =	vld [tilespmem:$0x4030];
	v62 =	vnsel vm14, $0x0, v46;
	[tilespmem:$0x4390] =	vst v45;
	v10 =	vcvt.f32.s32 v22;
	v13 =	vcvt.f32.s32 v25  }
0x214: {  	v7 =	vnsel vm12, $0x0, v7;
	[tilespmem:$0x43A0] =	vst v62;
	v40 =	vcvt.f32.s32 v37;
	v43 =	vcvt.f32.s32 v41  }
0x215: {  	v54 =	vld [tilespmem:$0x3D40];
	v8 =	vnsel vm12, $0x0, v8;
	[tilespmem:$0x4280] =	vst v7;
	v11 =	vcvt.f32.s32 v53;
	v58 =	vcvt.f32.s32 v56  }
0x216: {  	v63 =	vld [tilespmem:$0x3A40];
	v6 =	vnsel vm13, $0x0, v6;
	[tilespmem:$0x4300] =	vst v8;
	v4 =	vcvt.s32.f32 v4;
	v5 =	vcvt.s32.f32 v5  }
0x217: {  	v26 =	vld [tilespmem:$0x3C50];
	v44 =	vnsel vm13, $0x0, v36;
	[tilespmem:$0x4290] =	vst v6;
	v10 =	vcvt.s32.f32 v10;
	v13 =	vcvt.s32.f32 v13  }
0x218: {  	v34 =	vld [tilespmem:$0x3A50];
	[tilespmem:$0x4310] =	vst v44;
	v7 =	vcvt.s32.f32 v43;
	v60 =	vcvt.s32.f32 v11;
	v11 =	vnsel vm15, $0x0, v61  }
0x219: {  	v28 =	vld [tilespmem:$0x3D50];
	[tilespmem:$0x43B0] =	vst v11;
	v4 =	vsub.f32 v0, v4;
	v30 =	vsub.f32 v3, v10;
	v3 =	vnsel vm14, $0x0, v48  }
0x21a: {  	v50 =	vld [tilespmem:$0x3C40];
	v0 =	vimm.f32 $0.0e+00;
	v51 =	vsub.f32 v33, v7;
	v7 =	vnsel vm14, $0x0, v52;
	[tilespmem:$0x42A0] =	vst v3  }
0x21b: {  	v32 =	vld [tilespmem:$0x4040];
	v2 =	vcvt.s32.f32 v40;
	v6 =	vcvt.s32.f32 v58;
	v24 =	vsel vm12, $0x3F800000, v0;
	[tilespmem:$0x4320] =	vst v7  }
0x21c: {  	v21 =	vmul.f32 $6.400000000e+01, v54;
	vm4 =	vgt.s32 v63, $0xFFFFFFFF;
	v35 =	vsel vm13, $0x3F800000, v0;
	[tilespmem:$0x4100] =	vst v24  }
0x21d: {  	v59 =	vld [tilespmem:$0x3F30];
	v36 =	vmul.f32 $6.400000000e+01, v26;
	vm5 =	vgt.s32 v34, $0xFFFFFFFF;
	v55 =	vsel vm14, $0x3F800000, v0;
	[tilespmem:$0x4110] =	vst v35  }
0x21e: {  	v37 =	vld [tilespmem:$0x3E50];
	v40 =	vmul.f32 $6.400000000e+01, v28;
	v1 =	vsub.f32 v1, v5;
	v27 =	vsel vm15, $0x3F800000, v0;
	[tilespmem:$0x4120] =	vst v55  }
0x21f: {  	v41 =	vld [tilespmem:$0x3C60];
	v5 =	vsub.f32 v20, v13;
	v2 =	vsub.f32 v31, v2;
	v42 =	vsel vm4, $0x3F800000, v0;
	[tilespmem:$0x4130] =	vst v27  }
0x220: {  	v57 =	vld [tilespmem:$0x3E30];
	v10 =	vmul.f32 $6.400000000e+01, v50;
	v20 =	vsub.f32 v12, v60;
	v7 =	vnsel vm4, $0x0, v32;
	[tilespmem:$0x4140] =	vst v42  }
0x221: {  	v45 =	vld [tilespmem:$0x3D60];
	v23 =	vsub.f32 v49, v6;
	v15 =	vtrunc.f32 v21;
	v62 =	vsel vm5, $0x3F800000, v0;
	[tilespmem:$0x43C0] =	vst v7  }
0x222: {  	v22 =	vld [tilespmem:$0x3E40];
	v44 =	vtrunc.f32 v36;
	v15 =	vcvt.f32.s32 v15;
	v4 =	vnsel vm12, $0x0, v4;
	[tilespmem:$0x4150] =	vst v62  }
0x223: {  	v54 =	vld [tilespmem:$0x3A60];
	v46 =	vcvt.f32.s32 v44;
	v47 =	vtrunc.f32 v40;
	v1 =	vnsel vm12, $0x0, v1;
	[tilespmem:$0x4180] =	vst v4  }
0x224: {  	v61 =	vld [tilespmem:$0x3D70];
	v12 =	vmul.f32 $6.400000000e+01, v41;
	v56 =	vmul.f32 $6.400000000e+01, v37;
	v39 =	vnsel vm13, $0x0, v30;
	[tilespmem:$0x4200] =	vst v1  }
0x225: {  	v26 =	vld [tilespmem:$0x3A70];
	v5 =	vnsel vm13, $0x0, v5;
	v2 =	vnsel vm14, $0x0, v2;
	v24 =	vmul.f32 $6.400000000e+01, v57;
	[tilespmem:$0x4190] =	vst v39  }
0x226: {  	v17 =	vld [tilespmem:$0x3AE0];
	v25 =	vtrunc.f32 v10;
	v29 =	vnsel vm15, $0x0, v20;
	v30 =	vmul.f32 $6.400000000e+01, v59;
	[tilespmem:$0x4210] =	vst v5  }
0x227: {  	v50 =	vcvt.f32.s32 v47;
	v57 =	vmul.f32 $6.400000000e+01, v45;
	v1 =	vnsel vm14, $0x0, v51;
	[tilespmem:$0x41A0] =	vst v2  }
0x228: {  	v31 =	vld [tilespmem:$0x3F40];
	v6 =	vcvt.f32.s32 v25;
	v2 =	vnsel vm15, $0x0, v23;
	v33 =	vcvt.s32.f32 v15;
	[tilespmem:$0x41B0] =	vst v29  }
0x229: {  	v52 =	vld [tilespmem:$0x4050];
	v39 =	vmul.f32 $6.400000000e+01, v22;
	v60 =	vtrunc.f32 v12;
	vm6 =	vgt.s32 v54, $0xFFFFFFFF;
	[tilespmem:$0x4220] =	vst v1  }
0x22a: {  	v48 =	vld [tilespmem:$0x3F50];
	v28 =	vmul.f32 $6.400000000e+01, v61;
	vm7 =	vgt.s32 v26, $0xFFFFFFFF;
	v4 =	vnsel vm15, $0x0, v24;
	[tilespmem:$0x4230] =	vst v2  }
0x22b: {  	v58 =	vld [tilespmem:$0x3C70];
	vm14 =	vgt.s32 v17, $0xFFFFFFFF;
	v5 =	vnsel vm15, $0x0, v30;
	v53 =	vcvt.s32.f32 v50;
	[tilespmem:$0x42B0] =	vst v4  }
0x22c: {  	v37 =	vld [tilespmem:$0x3F70];
	v9 =	vcvt.f32.s32 v60;
	v63 =	vtrunc.f32 v57;
	v34 =	vsel vm6, $0x3F800000, v0;
	[tilespmem:$0x4330] =	vst v5  }
0x22d: {  	v20 =	vld [tilespmem:$0x3E60];
	v6 =	vcvt.s32.f32 v6;
	v38 =	vsub.f32 v21, v33;
	v49 =	vnsel vm4, $0x0, v39;
	[tilespmem:$0x4160] =	vst v34  }
0x22e: {  	v22 =	vld [tilespmem:$0x3F60];
	v43 =	vmul.f32 $6.400000000e+01, v31;
	v4 =	vcvt.s32.f32 v46;
	v25 =	vnsel vm5, $0x0, v52;
	[tilespmem:$0x42C0] =	vst v49  }
0x22f: {  	v29 =	vld [tilespmem:$0x3E70];
	v59 =	vmul.f32 $6.400000000e+01, v48;
	v21 =	vcvt.f32.s32 v63;
	[tilespmem:$0x43D0] =	vst v25;
	v3 =	vnsel vm4, $0x0, v38  }
0x230: {  	v54 =	vld [tilespmem:$0x3D90];
	v14 =	vtrunc.f32 v28;
	v2 =	vsub.f32 v40, v53;
	v51 =	vnsel vm4, $0x0, v43;
	[tilespmem:$0x4240] =	vst v3  }
0x231: {  	v61 =	vld [tilespmem:$0x4080];
	v23 =	vcvt.s32.f32 v9;
	v55 =	vsub.f32 v36, v4;
	v4 =	vnsel vm5, $0x0, v56;
	[tilespmem:$0x4340] =	vst v51  }
0x232: {  	v24 =	vld [tilespmem:$0x4060];
	v14 =	vcvt.f32.s32 v14;
	v52 =	vmul.f32 $6.400000000e+01, v37;
	v2 =	vnsel vm5, $0x0, v2;
	[tilespmem:$0x42D0] =	vst v4  }
0x233: {  	v50 =	vld [tilespmem:$0x3C90];
	v35 =	vsub.f32 v10, v6;
	v11 =	vcvt.s32.f32 v21;
	v3 =	vnsel vm5, $0x0, v59;
	[tilespmem:$0x4250] =	vst v2  }
0x234: {  	v33 =	vld [tilespmem:$0x3C80];
	v10 =	vmul.f32 $6.400000000e+01, v58;
	v31 =	vmul.f32 $6.400000000e+01, v20;
	v51 =	vsel vm7, $0x3F800000, v0;
	[tilespmem:$0x4350] =	vst v3  }
0x235: {  	v46 =	vld [tilespmem:$0x3E80];
	v27 =	vsub.f32 v12, v23;
	v36 =	vmul.f32 $6.400000000e+01, v22;
	v60 =	vnsel vm7, $0x0, v52;
	[tilespmem:$0x4170] =	vst v51  }
0x236: {  	v63 =	vld [tilespmem:$0x3A90];
	v42 =	vcvt.s32.f32 v14;
	v48 =	vmul.f32 $6.400000000e+01, v29;
	v1 =	vnsel vm4, $0x0, v35;
	[tilespmem:$0x4370] =	vst v60  }
0x237: {  	v40 =	vld [tilespmem:$0x4070];
	v20 =	vmul.f32 $6.400000000e+01, v54;
	v30 =	vsub.f32 v57, v11;
	v38 =	vnsel vm6, $0x0, v31;
	[tilespmem:$0x41C0] =	vst v1  }
0x238: {  	v43 =	vld [tilespmem:$0x3A80];
	v32 =	vtrunc.f32 v10;
	v41 =	vnsel vm6, $0x0, v24;
	v9 =	vmul.f32 $6.400000000e+01, v50;
	[tilespmem:$0x42E0] =	vst v38  }
0x239: {  	v21 =	vld [tilespmem:$0x3CA0];
	v1 =	vnsel vm5, $0x0, v55;
	v11 =	vcvt.f32.s32 v32;
	v3 =	vnsel vm6, $0x0, v36;
	[tilespmem:$0x43E0] =	vst v41  }
0x23a: {  	v29 =	vld [tilespmem:$0x3F90];
	v45 =	vmul.f32 $6.400000000e+01, v33;
	v47 =	vsub.f32 v28, v42;
	v58 =	vnsel vm7, $0x0, v48;
	[tilespmem:$0x41D0] =	vst v1  }
0x23b: {  	v35 =	vld [tilespmem:$0x3D80];
	v19 =	vmul.f32 $6.400000000e+01, v46;
	v26 =	vtrunc.f32 v20;
	vm9 =	vgt.s32 v63, $0xFFFFFFFF;
	[tilespmem:$0x4360] =	vst v3  }
0x23c: {  	v57 =	vld [tilespmem:$0x3F80];
	v1 =	vnsel vm6, $0x0, v27;
	v2 =	vnsel vm6, $0x0, v30;
	[tilespmem:$0x42F0] =	vst v58;
	v23 =	vtrunc.f32 v9  }
0x23d: {  	v24 =	vld [tilespmem:$0x3DA0];
	v28 =	vcvt.f32.s32 v26;
	v41 =	vsel vm9, $0x3F800000, v0;
	v39 =	vcvt.s32.f32 v11;
	[tilespmem:$0x41E0] =	vst v1  }
0x23e: {  	v51 =	vld [tilespmem:$0x3AB0];
	[tilespmem:$0x4260] =	vst v2;
	v53 =	vtrunc.f32 v45;
	v2 =	vnsel vm7, $0x0, v47;
	v11 =	vnsel vm7, $0x0, v40  }
0x23f: {  	v54 =	vld [tilespmem:$0x3EB0];
	vm8 =	vgt.s32 v43, $0xFFFFFFFF;
	v8 =	vcvt.f32.s32 v23;
	[tilespmem:$0x4510] =	vst v41;
	v55 =	vcvt.f32.s32 v53  }
0x240: {  	v33 =	vld [tilespmem:$0x3AA0];
	v25 =	vsel vm8, $0x3F800000, v0;
	[tilespmem:$0x43F0] =	vst v11;
	v11 =	vcvt.s32.f32 v28;
	v43 =	vmul.f32 $6.400000000e+01, v29  }
0x241: {  	v27 =	vld [tilespmem:$0x3E90];
	[tilespmem:$0x4270] =	vst v2;
	v32 =	vnsel vm8, $0x0, v61;
	v49 =	vmul.f32 $6.400000000e+01, v35;
	v22 =	vmul.f32 $6.400000000e+01, v57  }
0x242: {  	v36 =	vld [tilespmem:$0x3EA0];
	v44 =	vsub.f32 v10, v39;
	[tilespmem:$0x4500] =	vst v25;
	v30 =	vcvt.s32.f32 v8;
	v10 =	vmul.f32 $6.400000000e+01, v21  }
0x243: {  	v31 =	vld [tilespmem:$0x4090];
	v35 =	vmul.f32 $6.400000000e+01, v24;
	[tilespmem:$0x4780] =	vst v32;
	vm11 =	vgt.s32 v51, $0xFFFFFFFF;
	v48 =	vnsel vm9, $0x0, v43  }
0x244: {  	v42 =	vld [tilespmem:$0x3DB0];
	v3 =	vcvt.s32.f32 v55;
	v37 =	vsub.f32 v20, v11;
	v1 =	vnsel vm7, $0x0, v44;
	[tilespmem:$0x4710] =	vst v48  }
0x245: {  	v58 =	vld [tilespmem:$0x3CC0];
	vm10 =	vgt.s32 v33, $0xFFFFFFFF;
	v56 =	vtrunc.f32 v49;
	v4 =	vnsel vm8, $0x0, v22;
	[tilespmem:$0x41F0] =	vst v1  }
0x246: {  	v26 =	vld [tilespmem:$0x3AC0];
	v38 =	vmul.f32 $6.400000000e+01, v27;
	v18 =	vsub.f32 v45, v3;
	v3 =	vnsel vm8, $0x0, v19;
	[tilespmem:$0x4700] =	vst v4  }
0x247: {  	v40 =	vld [tilespmem:$0x3CB0];
	v59 =	vcvt.f32.s32 v56;
	v56 =	vmul.f32 $6.400000000e+01, v36;
	v36 =	vsel vm11, $0x3F800000, v0;
	[tilespmem:$0x4680] =	vst v3  }
0x248: {  	v47 =	vld [tilespmem:$0x40A0];
	v34 =	vsub.f32 v9, v30;
	v30 =	vmul.f32 $6.400000000e+01, v54;
	v3 =	vnsel vm9, $0x0, v37;
	[tilespmem:$0x4530] =	vst v36  }
0x249: {  	v24 =	vld [tilespmem:$0x40B0];
	v57 =	vmul.f32 $6.400000000e+01, v42;
	v39 =	vtrunc.f32 v10;
	v45 =	vnsel vm9, $0x0, v38;
	[tilespmem:$0x4610] =	vst v3  }
0x24a: {  	v32 =	vld [tilespmem:$0x3CD0];
	v13 =	vtrunc.f32 v35;
	v9 =	vcvt.f32.s32 v39;
	v39 =	vnsel vm11, $0x0, v30;
	[tilespmem:$0x4690] =	vst v45  }
0x24b: {  	v20 =	vld [tilespmem:$0x3FB0];
	v28 =	vmul.f32 $6.400000000e+01, v58;
	vm12 =	vgt.s32 v26, $0xFFFFFFFF;
	v2 =	vnsel vm8, $0x0, v18;
	[tilespmem:$0x46B0] =	vst v39  }
0x24c: {  	v43 =	vld [tilespmem:$0x3AD0];
	v13 =	vcvt.f32.s32 v13;
	v62 =	vcvt.s32.f32 v59;
	v59 =	vsel vm10, $0x3F800000, v0;
	[tilespmem:$0x4580] =	vst v2  }
0x24d: {  	v16 =	vld [tilespmem:$0x40D0];
	v53 =	vmul.f32 $6.400000000e+01, v40;
	v19 =	vtrunc.f32 v57;
	v22 =	vnsel vm10, $0x0, v56;
	[tilespmem:$0x4520] =	vst v59  }
0x24e: {  	v44 =	vld [tilespmem:$0x3FA0];
	v23 =	vcvt.f32.s32 v19;
	v46 =	vcvt.s32.f32 v9;
	v9 =	vnsel vm10, $0x0, v47;
	[tilespmem:$0x46A0] =	vst v22  }
0x24f: {  	v54 =	vld [tilespmem:$0x3ED0];
	v50 =	vcvt.s32.f32 v13;
	v61 =	vtrunc.f32 v53;
	v42 =	vnsel vm11, $0x0, v24;
	[tilespmem:$0x47A0] =	vst v9  }
0x250: {  	v29 =	vld [tilespmem:$0x3EC0];
	v45 =	vmul.f32 $6.400000000e+01, v32;
	v39 =	vsel vm14, $0x3F800000, v0;
	v33 =	vmul.f32 $6.400000000e+01, v20;
	[tilespmem:$0x47B0] =	vst v42  }
0x251: {  	v37 =	vld [tilespmem:$0x3FC0];
	vm13 =	vgt.s32 v43, $0xFFFFFFFF;
	[tilespmem:$0x4560] =	vst v39;
	v1 =	vsub.f32 v49, v62;
	v49 =	vnsel vm9, $0x0, v31  }
0x252: {  	v18 =	vcvt.f32.s32 v61;
	v27 =	vcvt.s32.f32 v23;
	v36 =	vnsel vm13, $0x0, v16;
	[tilespmem:$0x4790] =	vst v49  }
0x253: {  	v47 =	vld [tilespmem:$0x3CE0];
	v52 =	vsub.f32 v10, v46;
	v55 =	vsub.f32 v35, v50;
	v2 =	vnsel vm11, $0x0, v33;
	[tilespmem:$0x47D0] =	vst v36  }
0x254: {  	v20 =	vld [tilespmem:$0x3CF0];
	v60 =	vmul.f32 $6.400000000e+01, v44;
	v19 =	vmul.f32 $6.400000000e+01, v54;
	v1 =	vnsel vm8, $0x0, v1;
	[tilespmem:$0x4730] =	vst v2  }
0x255: {  	v62 =	vld [tilespmem:$0x3DC0];
	v3 =	vcvt.s32.f32 v18;
	v49 =	vmul.f32 $6.400000000e+01, v29;
	v63 =	vnsel vm10, $0x0, v52;
	[tilespmem:$0x4600] =	vst v1  }
0x256: {  	v35 =	vld [tilespmem:$0x3DD0];
	v21 =	vnsel vm10, $0x0, v55;
	v25 =	vnsel vm10, $0x0, v60;
	v50 =	vmul.f32 $6.400000000e+01, v37;
	[tilespmem:$0x45A0] =	vst v63  }
0x257: {  	v52 =	vsel vm12, $0x3F800000, v0;
	v30 =	vnsel vm13, $0x0, v19;
	v1 =	vnsel vm9, $0x0, v34;
	[tilespmem:$0x4620] =	vst v21  }
0x258: {  	v3 =	vsub.f32 v53, v3;
	[tilespmem:$0x4720] =	vst v25;
	v34 =	vtrunc.f32 v28;
	v53 =	vtrunc.f32 v45  }
0x259: {  	v41 =	vld [tilespmem:$0x40C0];
	[tilespmem:$0x4540] =	vst v52;
	v59 =	vnsel vm12, $0x0, v49;
	v10 =	vmul.f32 $6.400000000e+01, v47;
	v7 =	vcvt.f32.s32 v34  }
0x25a: {  	v21 =	vsel vm13, $0x3F800000, v0;
	[tilespmem:$0x46D0] =	vst v30;
	v56 =	vcvt.f32.s32 v53;
	v6 =	vmul.f32 $6.400000000e+01, v20  }
0x25b: {  	v37 =	vld [tilespmem:$0x40E0];
	[tilespmem:$0x4590] =	vst v1;
	v1 =	vsub.f32 v57, v27;
	v31 =	vmul.f32 $6.400000000e+01, v62;
	v46 =	vmul.f32 $6.400000000e+01, v35  }
0x25c: {  	[tilespmem:$0x46C0] =	vst v59;
	v3 =	vnsel vm11, $0x0, v3;
	v22 =	vtrunc.f32 v10;
	v40 =	vcvt.s32.f32 v7  }
0x25d: {  	v60 =	vnsel vm12, $0x0, v50;
	v50 =	vld [tilespmem:$0x3FF0];
	[tilespmem:$0x45B0] =	vst v3;
	v3 =	vcvt.s32.f32 v56;
	v26 =	vcvt.f32.s32 v22  }
0x25e: {  	[tilespmem:$0x4550] =	vst v21;
	v62 =	vnsel vm12, $0x0, v41;
	v41 =	vld [tilespmem:$0x3AF0];
	v42 =	vtrunc.f32 v6;
	v14 =	vtrunc.f32 v31  }
0x25f: {  	[tilespmem:$0x4740] =	vst v60;
	v1 =	vnsel vm11, $0x0, v1;
	v13 =	vtrunc.f32 v46;
	v43 =	vcvt.f32.s32 v42  }
0x260: {  	v24 =	vld [tilespmem:$0x3DF0];
	[tilespmem:$0x47C0] =	vst v62;
	v53 =	vnsel vm14, $0x0, v37;
	v38 =	vcvt.f32.s32 v14;
	v44 =	vsub.f32 v28, v40  }
0x261: {  	v51 =	vld [tilespmem:$0x3DE0];
	[tilespmem:$0x4630] =	vst v1;
	v57 =	vcvt.f32.s32 v13;
	v3 =	vsub.f32 v45, v3;
	v32 =	vcvt.s32.f32 v26  }
0x262: {  	v56 =	vld [tilespmem:$0x40F0];
	[tilespmem:$0x47E0] =	vst v53;
	v5 =	vcvt.s32.f32 v43;
	v60 =	vmul.f32 $6.400000000e+01, v50;
	v55 =	vnsel vm12, $0x0, v44  }
0x263: {  	v9 =	vcvt.s32.f32 v38;
	v25 =	vnsel vm13, $0x0, v3;
	vm15 =	vgt.s32 v41, $0xFFFFFFFF;
	[tilespmem:$0x45C0] =	vst v55  }
0x264: {  	v61 =	vld [tilespmem:$0x3FD0];
	v63 =	vcvt.s32.f32 v57;
	v1 =	vsub.f32 v10, v32;
	[tilespmem:$0x45D0] =	vst v25;
	v0 =	vsel vm15, $0x3F800000, v0  }
0x265: {  	v34 =	vld [tilespmem:$0x3FE0];
	v38 =	vmul.f32 $6.400000000e+01, v24;
	v54 =	vsub.f32 v6, v5;
	v62 =	vnsel vm15, $0x0, v60;
	[tilespmem:$0x4570] =	vst v0  }
0x266: {  	v28 =	vld [tilespmem:$0x3EE0];
	v48 =	vsub.f32 v31, v9;
	v9 =	vmul.f32 $6.400000000e+01, v51;
	v1 =	vnsel vm14, $0x0, v1;
	[tilespmem:$0x4770] =	vst v62  }
0x267: {  	v18 =	vsub.f32 v46, v63;
	v44 =	vtrunc.f32 v38;
	v63 =	vnsel vm15, $0x0, v56;
	[tilespmem:$0x45E0] =	vst v1  }
0x268: {  	v47 =	vcvt.f32.s32 v44;
	v57 =	vnsel vm15, $0x0, v54;
	[tilespmem:$0x47F0] =	vst v63;
	v23 =	vtrunc.f32 v9  }
0x269: {  	v31 =	vmul.f32 $6.400000000e+01, v61;
	v58 =	vnsel vm12, $0x0, v48;
	v48 =	vld [tilespmem:$0x3EF0];
	[tilespmem:$0x45F0] =	vst v57;
	v27 =	vcvt.f32.s32 v23  }
0x26a: {  	v46 =	vmul.f32 $6.400000000e+01, v34;
	v29 =	vnsel vm13, $0x0, v18;
	[tilespmem:$0x4640] =	vst v58;
	v52 =	vcvt.s32.f32 v47  }
0x26b: {  	v40 =	vmul.f32 $6.400000000e+01, v28;
	v35 =	vnsel vm13, $0x0, v31;
	[tilespmem:$0x4650] =	vst v29;
	v33 =	vcvt.s32.f32 v27  }
0x26c: {  	v51 =	vnsel vm14, $0x0, v46;
	[tilespmem:$0x4750] =	vst v35;
	v55 =	vsub.f32 v38, v52  }
0x26d: {  	v49 =	vnsel vm14, $0x0, v40;
	[tilespmem:$0x4760] =	vst v51;
	v2 =	vsub.f32 v9, v33  }
0x26e: {  	[tilespmem:$0x46E0] =	vst v49;
	v58 =	vmul.f32 $6.400000000e+01, v48;
	v59 =	vnsel vm15, $0x0, v55  }
0x26f: {  	[tilespmem:$0x4670] =	vst v59;
	v45 =	vnsel vm14, $0x0, v2  }
0x270: {  	s12 =	sshll.u32 s0, $0x8;
	v61 =	vnsel vm15, $0x0, v58;
	[tilespmem:$0x4660] =	vst v45  }
0x271: {  	s13 =	simm.s32 $0x0;
	s9 =	sadd.s32 s2, s12;
	s14 =	simm.s32 $0x4100;
	[tilespmem:$0x46F0] =	vst v61  }
0x272: {  	[hbm4b:s9+s13] =	stream.linear.scatter [tilespmem:s14], [sflag:$0x2], $0x80, $0x38;
	[tilespmem:$0x4900] =	vst v63  }
0x273: {  	s15 =	simm.s32 $0x4500;
	s9 =	sadd.s32 $0x80, s9  }
0x274: {  	[hbm4b:s9+s13] =	stream.linear.scatter [tilespmem:s15], [sflag:$0x2], $0x80, $0x38;
	[tilespmem:$0x4900] =	vst v63  }
0x275: {  	_ =	swait.ge [sflag:s3], $0x100  }
0x276: {  	s4 =	sshrl.u32 s4, $0x3;
	[sflag:s3] =	ssyncset.done $0x0  }
0x277: {  	s4 =	sadd.s32 s2, s4;
	s16 =	simm.s32 $0x4180;
	[sflag:s3] =	ssyncadd.s32 $0xFFFFFF00  }
0x278: {  	[hbm4b:s4+s13] =	stream.linear.scatter [tilespmem:s16], [sflag:$0x2], $0x80, $0x38;
	[tilespmem:$0x4900] =	vst v63  }
0x279: {  	s17 =	simm.s32 $0x4580;
	s4 =	sadd.s32 $0x80, s4  }
0x27a: {  	[hbm4b:s4+s13] =	stream.linear.scatter [tilespmem:s17], [sflag:$0x2], $0x80, $0x38;
	[tilespmem:$0x4900] =	vst v63  }
0x27b: {  	_ =	swait.ge [sflag:s3], $0x100  }
0x27c: {  	s18 =	sshrl.u32 s5, $0x3;
	[sflag:s3] =	ssyncset.done $0x0  }
0x27d: {  	s19 =	simm.s32 $0x4200;
	s4 =	sadd.s32 s2, s18;
	[sflag:s3] =	ssyncadd.s32 $0xFFFFFF00  }
0x27e: {  	[hbm4b:s4+s13] =	stream.linear.scatter [tilespmem:s19], [sflag:$0x2], $0x80, $0x38;
	[tilespmem:$0x4900] =	vst v63  }
0x27f: {  	s20 =	simm.s32 $0x4600;
	s4 =	sadd.s32 $0x80, s4  }
0x280: {  	[hbm4b:s4+s13] =	stream.linear.scatter [tilespmem:s20], [sflag:$0x2], $0x80, $0x38;
	[tilespmem:$0x4900] =	vst v63  }
0x281: {  	_ =	swait.ge [sflag:s3], $0x100  }
0x282: {  	s21 =	sshrl.u32 s6, $0x3;
	[sflag:s3] =	ssyncset.done $0x0  }
0x283: {  	s22 =	simm.s32 $0x4280;
	s4 =	sadd.s32 s2, s21;
	[sflag:s3] =	ssyncadd.s32 $0xFFFFFF00  }
0x284: {  	[hbm4b:s4+s13] =	stream.linear.scatter [tilespmem:s22], [sflag:$0x2], $0x80, $0x38;
	[tilespmem:$0x4900] =	vst v63  }
0x285: {  	s23 =	simm.s32 $0x4680;
	s4 =	sadd.s32 $0x80, s4  }
0x286: {  	[hbm4b:s4+s13] =	stream.linear.scatter [tilespmem:s23], [sflag:$0x2], $0x80, $0x38;
	[tilespmem:$0x4900] =	vst v63  }
0x287: {  	_ =	swait.ge [sflag:s3], $0x100  }
0x288: {  	s24 =	sshrl.u32 s7, $0x3;
	[sflag:s3] =	ssyncset.done $0x0  }
0x289: {  	s25 =	simm.s32 $0x4300;
	s4 =	sadd.s32 s2, s24;
	[sflag:s3] =	ssyncadd.s32 $0xFFFFFF00  }
0x28a: {  	[hbm4b:s4+s13] =	stream.linear.scatter [tilespmem:s25], [sflag:$0x2], $0x80, $0x38;
	[tilespmem:$0x4900] =	vst v63  }
0x28b: {  	s26 =	simm.s32 $0x4700;
	s4 =	sadd.s32 $0x80, s4  }
0x28c: {  	[hbm4b:s4+s13] =	stream.linear.scatter [tilespmem:s26], [sflag:$0x2], $0x80, $0x38;
	[tilespmem:$0x4900] =	vst v63  }
0x28d: {  	_ =	swait.ge [sflag:s3], $0x100  }
0x28e: {  	s28 =	sshrl.u32 s8, $0x3;
	[sflag:s3] =	ssyncset.done $0x0  }
0x28f: {  	s29 =	sadd.s32 s2, s28;
	s30 =	simm.s32 $0x4380;
	[sflag:s3] =	ssyncadd.s32 $0xFFFFFF00  }
0x290: {  	[hbm4b:s29+s13] =	stream.linear.scatter [tilespmem:s30], [sflag:$0x2], $0x80, $0x38;
	[tilespmem:$0x4900] =	vst v63  }
0x291: {  	s31 =	simm.s32 $0x4780;
	s2 =	sadd.s32 $0x80, s29  }
0x292: {  	[hbm4b:s2+s13] =	stream.linear.scatter [tilespmem:s31], [sflag:$0x2], $0x80, $0x38;
	[tilespmem:$0x4900] =	vst v63  }
0x293: {  	_ =	swait.ge [sflag:s3], $0x100  }
0x294: {  	[sflag:s3] =	ssyncset.done $0x0  }
0x295: {  	[sflag:s3] =	ssyncadd.s32 $0xFFFFFF00  }
0x296: {  	_ =	sfence.sel $0x180000  }
0x297: {  	[bflag:$0x0] =	sbarrier.arrive $0xFFFF  }
0x298: {  	p0 =	sne.s32 s0, $0x0;
	_ =	strace $0x90000047  }
0x299: {  	s0 =	sadd.s32 @!p0 $0x100000, s1;
	[bflag:$0x2] =	sbarrier.arrive $0xFFFF  }
0x29a: {  	[sflag:s0] =	ssyncadd.tile.s32 @!p0 $0x1;
	_ =	shalt  }
.Lfunc_end2:
_tile_overlayer_lowered:
.L_overlay_start_2:
0x29b: {  	(tag) =	ssettag $0x2  }
0x29c: {  	s0 =	rddreg [dreg:$0x0];
	s2 =	stileid.u32  }
0x29d: {  	s1 =	rddreg [dreg:$0x1];
	p0 =	sne.s32 s2, $0x0  }
0x29e: {  	s3 =	rddreg [dreg:$0x2];
	[bflag:$0x3] =	sbarrier.arrive $0xFFFF;
	s2 =	simm.s32 @!p0 $0x1C02  }
0x29f: {  	[timem:s3], [sflag:s2] =	dma.local @!p0 [hbm:s0], s1  }
0x2a0: {  	s0 =	simm.s32 @!p0 $0x2  }
0x2a1: {  	_ =	swait.ge @!p0 [sflag:s0], s1  }
0x2a2: {  	s1 =	ssub.s32 @!p0 $0x0, s1;
	[sflag:s0] =	ssyncset.done @!p0 $0x0  }
0x2a3: {  	[sflag:s0] =	ssyncadd.s32 @!p0 s1  }
0x2a4: {  	[bflag:$0x3] =	sbarrier.arrive $0xFFFF  }
0x2a5: {  	_ =	shalt  }

</sc_bundles>
